<compile_context>
chip_gen: v7x
topology: tpu7x:2x2x1
jax: 0.10.2.dev20260603
libtpu: 0.0.44.dev20260713+nightly
codegen_flags: <defaults>
</compile_context>

<pallas_src>
import functools

import jax
import jax.numpy as jnp
from jax import lax
from jax.experimental import pallas as pl
from jax.experimental.pallas import tpu as pltpu
from jax.experimental.pallas import tpu_sc as plsc

N = 10000
E = 320000
D = 128

NC, NS, L = 2, 16, 16
NW = NC * NS
EPT = E // NW
CHA = 128
NCHA = 84
EPTP = CHA * NCHA
NP = 10240
NPT = NP // NS

_mesh = plsc.VectorSubcoreMesh(core_axis_name="c", subcore_axis_name="s")
_sc_params = pltpu.CompilerParams(needs_layout_passes=False)


@functools.partial(
    pl.kernel,
    out_type=jax.ShapeDtypeStruct((NC * NP,), jnp.float32),
    mesh=_mesh,
    scratch_types=[
        pltpu.VMEM((EPTP,), jnp.float32),
        [pltpu.VMEM((CHA,), jnp.int32) for _ in range(4)],
        pltpu.VMEM((NPT,), jnp.float32),
        pltpu.VMEM_SHARED((NP,), jnp.float32),
        [pltpu.SemaphoreType.DMA for _ in range(4)],
        [pltpu.SemaphoreType.DMA for _ in range(2)],
    ],
    compiler_params=_sc_params,
)
def _deg_kernel(colf, wf, degp, wv, coli, zb, dacc, isem, ssem):
    cid = lax.axis_index("c")
    sid = lax.axis_index("s")
    wid = cid * NS + sid
    ebase = wid * EPTP
    pltpu.sync_copy(wf.at[pl.ds(ebase, EPTP)], wv)
    z16 = jnp.zeros((L,), jnp.float32)
    for i in range(NPT // L):
        zb[pl.ds(i * L, L)] = z16
    pltpu.sync_copy(zb, dacc.at[pl.ds(sid * NPT, NPT)])
    plsc.subcore_barrier()

    def fire_stage(t, s):
        pltpu.async_copy(colf.at[pl.ds(ebase + t * CHA, CHA)], coli[s],
                         isem[s])

    def wait_stage(t, s):
        pltpu.make_async_copy(colf.at[pl.ds(ebase + t * CHA, CHA)], coli[s],
                              isem[s]).wait()

    fire_stage(0, 0)
    fire_stage(1, 1)

    def quad(tt, carry):
        for b in range(4):
            t = tt * 4 + b
            s = b % 4
            r = b % 2

            @pl.when(t >= 2)
            def _():
                pltpu.make_async_copy(wv.at[pl.ds((t - 2) * CHA, CHA)],
                                      dacc.at[coli[(s + 2) % 4]],
                                      ssem[r]).wait()

            @pl.when(t + 2 < NCHA)
            def _():
                fire_stage(t + 2, (s + 2) % 4)

            wait_stage(t, s)
            pltpu.async_copy(wv.at[pl.ds(t * CHA, CHA)], dacc.at[coli[s]],
                             ssem[r], add=True)
        return carry

    lax.fori_loop(0, NCHA // 4, quad, 0)
    for t in (NCHA - 2, NCHA - 1):
        pltpu.make_async_copy(wv.at[pl.ds(t * CHA, CHA)],
                              dacc.at[coli[t % 4]], ssem[t % 2]).wait()
    plsc.subcore_barrier()
    pltpu.sync_copy(dacc.at[pl.ds(sid * NPT, NPT)],
                    degp.at[pl.ds(cid * NP + sid * NPT, NPT)])


def _scale_body(x_ref, w_ref, d0_ref, d1_ref, y_ref, s_ref):
    deg = d0_ref[...] + d1_ref[...] + 1.0
    s = jnp.where(deg > 0, lax.rsqrt(jnp.maximum(deg, 1e-12)), 0.0)
    xw = lax.dot_general(x_ref[...], w_ref[...], (((1,), (1,)), ((), ())),
                         preferred_element_type=jnp.float32)
    y_ref[...] = xw * s
    s_ref[...] = s


_RB = 1000

_scale_call = pl.pallas_call(
    _scale_body,
    grid=(N // _RB,),
    in_specs=[
        pl.BlockSpec((_RB, D), lambda i: (i, 0)),
        pl.BlockSpec((D, D), lambda i: (0, 0)),
        pl.BlockSpec((_RB, 1), lambda i: (i, 0)),
        pl.BlockSpec((_RB, 1), lambda i: (i, 0)),
    ],
    out_specs=[
        pl.BlockSpec((_RB, D), lambda i: (i, 0)),
        pl.BlockSpec((_RB, 1), lambda i: (i, 0)),
    ],
    out_shape=[
        jax.ShapeDtypeStruct((N, D), jnp.float32),
        jax.ShapeDtypeStruct((N, 1), jnp.float32),
    ],
)


NRB = 3
NCR = 4
NAT = 624


@functools.partial(
    pl.kernel,
    out_type=jax.ShapeDtypeStruct((NC, N, D), jnp.float32),
    mesh=_mesh,
    scratch_types=[
        [pltpu.VMEM((CHA,), jnp.int32) for _ in range(NRB)],
        [pltpu.VMEM((CHA,), jnp.int32) for _ in range(NCR)],
        [pltpu.VMEM((CHA,), jnp.float32) for _ in range(NRB)],
        [pltpu.VMEM((CHA, D), jnp.float32) for _ in range(NRB)],
        pltpu.VMEM_SHARED((N, D), jnp.float32),
        [pltpu.SemaphoreType.DMA for _ in range(NRB)],
        [pltpu.SemaphoreType.DMA for _ in range(NCR)],
        [pltpu.SemaphoreType.DMA for _ in range(NRB)],
        [pltpu.SemaphoreType.DMA for _ in range(2)],
    ],
    compiler_params=_sc_params,
)
def _agg_kernel(y_hbm, rowf, colf, wf, p_out,
                rowi, coli, wi, rows, acc, rsem, csem, gsem, ssem):
    cid = lax.axis_index("c")
    sid = lax.axis_index("s")
    wid = cid * NS + sid
    ebase = wid * EPTP

    z16 = jnp.zeros((L,), jnp.float32)

    def zrow(r, carry):
        for k in range(D // L):
            rows[0][r, pl.ds(k * L, L)] = z16
        return carry

    lax.fori_loop(0, CHA, zrow, 0)
    abase = sid * NAT
    for q in range(NAT // CHA):
        pltpu.sync_copy(rows[0], acc.at[pl.ds(abase + q * CHA, CHA), :])
    rem = NAT - (NAT // CHA) * CHA
    pltpu.sync_copy(rows[0].at[pl.ds(0, rem), :],
                    acc.at[pl.ds(abase + NAT - rem, rem), :])

    @pl.when(sid == NS - 1)
    def _():
        pltpu.sync_copy(rows[0].at[pl.ds(0, N - NS * NAT), :],
                        acc.at[pl.ds(NS * NAT, N - NS * NAT), :])

    plsc.subcore_barrier()

    def fire_stage(t, s, c):
        pltpu.async_copy(rowf.at[pl.ds(ebase + t * CHA, CHA)], rowi[s],
                         rsem[s])
        pltpu.async_copy(wf.at[pl.ds(ebase + t * CHA, CHA)], wi[s], rsem[s])
        pltpu.async_copy(colf.at[pl.ds(ebase + t * CHA, CHA)], coli[c],
                         csem[c])

    def wait_rw_stage(t, s):
        pltpu.make_async_copy(rowf.at[pl.ds(ebase + t * CHA, CHA)], rowi[s],
                              rsem[s]).wait()
        pltpu.make_async_copy(wf.at[pl.ds(ebase + t * CHA, CHA)], wi[s],
                              rsem[s]).wait()

    def wait_col_stage(t, c):
        pltpu.make_async_copy(colf.at[pl.ds(ebase + t * CHA, CHA)], coli[c],
                              csem[c]).wait()

    def fire_gather(r):
        pltpu.async_copy(y_hbm.at[rowi[r]], rows[r], gsem[r])

    def wait_gather(r):
        pltpu.make_async_copy(y_hbm.at[rowi[r]], rows[r], gsem[r]).wait()

    def mul_chunk(s, rb):
        def mul_edge(j, carry):
            j16 = jnp.zeros((L,), jnp.int32) + j
            w16 = plsc.load_gather(wi[s], [j16])
            for k in range(D // L):
                rb[j, pl.ds(k * L, L)] = rb[j, pl.ds(k * L, L)] * w16
            return carry
        lax.fori_loop(0, CHA, mul_edge, 0)

    fire_stage(0, 0, 0)
    fire_stage(1, 1, 1)
    fire_stage(2, 2, 2)
    wait_rw_stage(0, 0)
    fire_gather(0)
    wait_rw_stage(1, 1)
    fire_gather(1)

    def twelve(tt, carry):
        for b in range(12):
            t = tt * 12 + b
            s = b % NRB
            c = b % NCR
            rp = (s + NRB - 1) % NRB
            cp = (c + NCR - 1) % NCR

            @pl.when(t >= 1)
            def _():
                pltpu.make_async_copy(rows[rp], acc.at[coli[cp]],
                                      ssem[(b + 1) % 2]).wait()

            wait_gather(s)
            mul_chunk(s, rows[s])
            wait_col_stage(t, c)
            pltpu.async_copy(rows[s], acc.at[coli[c]], ssem[b % 2], add=True)

            @pl.when(t + NRB < NCHA)
            def _():
                fire_stage(t + NRB, s, cp)

            @pl.when(t + 2 < NCHA)
            def _():
                wait_rw_stage(t + 2, (s + 2) % NRB)
                fire_gather((s + 2) % NRB)
        return carry

    lax.fori_loop(0, NCHA // 12, twelve, 0)
    pltpu.make_async_copy(rows[(NCHA - 1) % NRB],
                          acc.at[coli[(NCHA - 1) % NCR]],
                          ssem[(NCHA - 1) % 2]).wait()
    plsc.subcore_barrier()
    pltpu.sync_copy(acc.at[pl.ds(abase, NAT), :],
                    p_out.at[cid, pl.ds(abase, NAT), :])

    @pl.when(sid == NS - 1)
    def _():
        pltpu.sync_copy(acc.at[pl.ds(NS * NAT, N - NS * NAT), :],
                        p_out.at[cid, pl.ds(NS * NAT, N - NS * NAT), :])


def _epi_body(p0_ref, p1_ref, y_ref, s_ref, b_ref, g_ref, bt_ref, mu_ref,
              vr_ref, o_ref):
    z = p0_ref[0] + p1_ref[0] + y_ref[...]
    t = s_ref[...] * z
    sc = g_ref[...] * lax.rsqrt(vr_ref[...] + 1e-5)
    o_ref[...] = jnp.maximum((t + b_ref[...] - mu_ref[...]) * sc + bt_ref[...],
                             0.0)


_epi_call = pl.pallas_call(
    _epi_body,
    grid=(N // _RB,),
    in_specs=[
        pl.BlockSpec((1, _RB, D), lambda i: (0, i, 0)),
        pl.BlockSpec((1, _RB, D), lambda i: (1, i, 0)),
        pl.BlockSpec((_RB, D), lambda i: (i, 0)),
        pl.BlockSpec((_RB, 1), lambda i: (i, 0)),
        pl.BlockSpec((1, D), lambda i: (0, 0)),
        pl.BlockSpec((1, D), lambda i: (0, 0)),
        pl.BlockSpec((1, D), lambda i: (0, 0)),
        pl.BlockSpec((1, D), lambda i: (0, 0)),
        pl.BlockSpec((1, D), lambda i: (0, 0)),
    ],
    out_specs=pl.BlockSpec((_RB, D), lambda i: (i, 0)),
    out_shape=jax.ShapeDtypeStruct((N, D), jnp.float32),
)


def kernel(x, edge_index, edge_attr, W, b, gamma, beta, running_mean,
           running_var):
    row = edge_index[0].astype(jnp.int32)
    col = edge_index[1].astype(jnp.int32)
    w = edge_attr.astype(jnp.float32)
    pad = ((0, 0), (0, EPTP - EPT))
    rowf = jnp.pad(row.reshape(NW, EPT), pad).reshape(-1)
    colf = jnp.pad(col.reshape(NW, EPT), pad).reshape(-1)
    wf = jnp.pad(w.reshape(NW, EPT), pad).reshape(-1)

    degp = _deg_kernel(colf, wf)
    d0 = degp[:N].reshape(N, 1)
    d1 = degp[NP:NP + N].reshape(N, 1)
    y, s = _scale_call(x, W, d0, d1)
    p = _agg_kernel(y, rowf, colf, wf)
    return _epi_call(p, p, y, s, b.reshape(1, D), gamma.reshape(1, D),
                     beta.reshape(1, D), running_mean.reshape(1, D),
                     running_var.reshape(1, D))

# --- scband reference (transcript-rebuilt; emitter-appended) ---
"""Pipeline reference for scband-sgcnlayer-51848845197727 (READ-ONLY COPY).

The authoritative reference and input builder live on the scoring server;
editing this copy changes nothing except your own understanding.
"""

import jax, jax.numpy as jnp
import numpy as np

N_NODES = 10000
N_EDGES = 320000
D_IN = 128
D_OUT = 128


def setup_inputs(seed: int = 0) -> dict:
    key = jax.random.key(seed)
    k1 = jax.random.fold_in(key, 1)
    k2 = jax.random.fold_in(key, 2)
    k3 = jax.random.fold_in(key, 3)
    k4 = jax.random.fold_in(key, 4)
    k5 = jax.random.fold_in(key, 5)
    x = jax.random.normal(k1, (N_NODES, D_IN), dtype=jnp.float32)
    edge_index = jax.random.randint(k2, (2, N_EDGES), 0, N_NODES, dtype=jnp.int64)
    edge_attr = jax.random.uniform(k3, (N_EDGES,), dtype=jnp.float32)
    # GCNConv linear weight (out_ch, in_ch), glorot-ish init, and bias
    W = jax.random.normal(k4, (D_OUT, D_IN), dtype=jnp.float32) * (1.0 / np.sqrt(D_IN))
    b = jax.random.normal(k5, (D_OUT,), dtype=jnp.float32) * 0.01
    # BatchNorm1d params/buffers (eval mode: running stats)
    gamma = jnp.ones((D_OUT,), dtype=jnp.float32)
    beta = jnp.zeros((D_OUT,), dtype=jnp.float32)
    running_mean = jnp.zeros((D_OUT,), dtype=jnp.float32)
    running_var = jnp.ones((D_OUT,), dtype=jnp.float32)
    return {"x": x, "edge_index": edge_index, "edge_attr": edge_attr, "W": W, "b": b,
            "gamma": gamma, "beta": beta, "running_mean": running_mean, "running_var": running_var}


def reference(x, edge_index, edge_attr, W, b, gamma, beta, running_mean, running_var):
    N = x.shape[0]
    row = edge_index[0]
    col = edge_index[1]
    # add self loops (fill_value = 1.0)
    loop = jnp.arange(N, dtype=edge_index.dtype)
    row_f = jnp.concatenate([row, loop])
    col_f = jnp.concatenate([col, loop])
    w = jnp.concatenate([edge_attr, jnp.ones((N,), dtype=x.dtype)])
    # symmetric normalization: deg computed by scatter-add of edge weights at dst (col)
    deg = jnp.zeros((N,), dtype=x.dtype).at[col_f].add(w)
    deg_inv_sqrt = jnp.where(deg > 0, jax.lax.rsqrt(jnp.maximum(deg, 1e-12)), 0.0)
    norm = deg_inv_sqrt[row_f] * w * deg_inv_sqrt[col_f]
    # linear transform (GCNConv Linear, no bias inside)
    xw = x @ W.T
    # gather messages from source nodes, scale, scatter-add to dst nodes
    msg = xw[row_f] * norm[:, None]
    out = jnp.zeros((N, xw.shape[1]), dtype=x.dtype).at[col_f].add(msg)
    out = out + b
    # BatchNorm1d (eval mode: running stats), eps=1e-5
    out = (out - running_mean) * jax.lax.rsqrt(running_var + 1e-5) * gamma + beta
    # ReLU; dropout is identity in eval mode
    out = jax.nn.relu(out)
    return out

if __name__ == "__main__":
    import jax
    _d = setup_inputs()
    print(jax.jit(kernel)(*tuple(_d.values())))

</pallas_src>

<mosaic_0001>
#map = affine_map<(d0, d1) -> (0)>
module attributes {stable_mosaic.version = 14 : i64} {
  func.func @_deg_kernel(%arg0: i32, %arg1: i32, %arg2: memref<344064xi32, #tpu.memory_space<hbm>>, %arg3: memref<344064xf32, #tpu.memory_space<hbm>>, %arg4: memref<20480xf32, #tpu.memory_space<hbm>>, %arg5: memref<10752xf32, #tpu.memory_space<vmem>>, %arg6: memref<128xi32, #tpu.memory_space<vmem>>, %arg7: memref<128xi32, #tpu.memory_space<vmem>>, %arg8: memref<128xi32, #tpu.memory_space<vmem>>, %arg9: memref<128xi32, #tpu.memory_space<vmem>>, %arg10: memref<640xf32, #tpu.memory_space<vmem>>, %arg11: memref<10240xf32, #tpu.memory_space<vmem_shared>>, %arg12: memref<!tpu.dma_semaphore, #tpu.memory_space<semaphore_mem>>, %arg13: memref<!tpu.dma_semaphore, #tpu.memory_space<semaphore_mem>>, %arg14: memref<!tpu.dma_semaphore, #tpu.memory_space<semaphore_mem>>, %arg15: memref<!tpu.dma_semaphore, #tpu.memory_space<semaphore_mem>>, %arg16: memref<!tpu.dma_semaphore, #tpu.memory_space<semaphore_mem>>, %arg17: memref<!tpu.dma_semaphore, #tpu.memory_space<semaphore_mem>>) attributes {dimension_semantics = [#tpu.dimension_semantics<core_parallel>, #tpu.dimension_semantics<subcore_parallel>], iteration_bounds = array<i64: 2, 16>, scalar_prefetch = 0 : i64, scratch_operands = 13 : i64, tpu.core_type = #tpu.core_type<sc_vector_subcore>, window_params = [{transform_indices = #map}, {transform_indices = #map}, {transform_indices = #map}]} {
    %mul3A = arith.constant 16 : i32
    %mul3A_0 = arith.muli %arg0, %mul3A : i32
    %add3A = arith.addi %mul3A_0, %arg1 : i32
    %mul3A_1 = arith.constant 10752 : i32
    %mul3A_2 = arith.muli %add3A, %mul3A_1 : i32
    "tpu.region"() ({
      %run_scoped3A = tpu.sem_alloc : memref<!tpu.dma_semaphore, #tpu.memory_space<semaphore_mem>>
      %dma_start3A_112 = tpu.memref_slice %arg3[%mul3A_2] : memref<344064xf32, #tpu.memory_space<hbm>> -> memref<10752xf32, #tpu.memory_space<hbm>>
      %dma_start3A_113 = tpu.memref_slice %arg3[%mul3A_2] : memref<344064xf32, #tpu.memory_space<hbm>> -> memref<10752xf32, #tpu.memory_space<hbm>>
      tpu.enqueue_dma source(%dma_start3A_113 : memref<10752xf32, #tpu.memory_space<hbm>>) target(%arg5 : memref<10752xf32, #tpu.memory_space<vmem>>) target_semaphore(%run_scoped3A : memref<!tpu.dma_semaphore, #tpu.memory_space<semaphore_mem>>)
      %dma_wait3A_114 = tpu.memref_slice %arg3[%mul3A_2] : memref<344064xf32, #tpu.memory_space<hbm>> -> memref<10752xf32, #tpu.memory_space<hbm>>
      %dma_wait3A_115 = tpu.memref_slice %arg3[%mul3A_2] : memref<344064xf32, #tpu.memory_space<hbm>> -> memref<10752xf32, #tpu.memory_space<hbm>>
      tpu.wait_dma2 semaphore(%run_scoped3A : memref<!tpu.dma_semaphore, #tpu.memory_space<semaphore_mem>>) src(%dma_wait3A_115 : memref<10752xf32, #tpu.memory_space<hbm>>) dst(%arg5 : memref<10752xf32, #tpu.memory_space<vmem>>)
      tpu.yield
    }) : () -> ()
    %broadcast_in_dim3A = arith.constant 0.000000e+00 : f32
    %broadcast_in_dim3A_3 = vector.broadcast %broadcast_in_dim3A : f32 to vector<16xf32>
    %swap3A = arith.constant 0 : index
    %swap3A_4 = tpu.vector_load %arg10[%swap3A] {strides = array<i32>} : memref<640xf32, #tpu.memory_space<vmem>>, vector<16xf32>,
    tpu.vector_store %arg10[%swap3A], %broadcast_in_dim3A_3 {strides = array<i32>} : memref<640xf32, #tpu.memory_space<vmem>>, vector<16xf32>,
    %swap3A_5 = arith.constant 16 : index
    %swap3A_6 = tpu.vector_load %arg10[%swap3A_5] {strides = array<i32>} : memref<640xf32, #tpu.memory_space<vmem>>, vector<16xf32>,
    tpu.vector_store %arg10[%swap3A_5], %broadcast_in_dim3A_3 {strides = array<i32>} : memref<640xf32, #tpu.memory_space<vmem>>, vector<16xf32>,
    %swap3A_7 = arith.constant 32 : index
    %swap3A_8 = tpu.vector_load %arg10[%swap3A_7] {strides = array<i32>} : memref<640xf32, #tpu.memory_space<vmem>>, vector<16xf32>,
    tpu.vector_store %arg10[%swap3A_7], %broadcast_in_dim3A_3 {strides = array<i32>} : memref<640xf32, #tpu.memory_space<vmem>>, vector<16xf32>,
    %swap3A_9 = arith.constant 48 : index
    %swap3A_10 = tpu.vector_load %arg10[%swap3A_9] {strides = array<i32>} : memref<640xf32, #tpu.memory_space<vmem>>, vector<16xf32>,
    tpu.vector_store %arg10[%swap3A_9], %broadcast_in_dim3A_3 {strides = array<i32>} : memref<640xf32, #tpu.memory_space<vmem>>, vector<16xf32>,
    %swap3A_11 = arith.constant 64 : index
    %swap3A_12 = tpu.vector_load %arg10[%swap3A_11] {strides = array<i32>} : memref<640xf32, #tpu.memory_space<vmem>>, vector<16xf32>,
    tpu.vector_store %arg10[%swap3A_11], %broadcast_in_dim3A_3 {strides = array<i32>} : memref<640xf32, #tpu.memory_space<vmem>>, vector<16xf32>,
    %swap3A_13 = arith.constant 80 : index
    %swap3A_14 = tpu.vector_load %arg10[%swap3A_13] {strides = array<i32>} : memref<640xf32, #tpu.memory_space<vmem>>, vector<16xf32>,
    tpu.vector_store %arg10[%swap3A_13], %broadcast_in_dim3A_3 {strides = array<i32>} : memref<640xf32, #tpu.memory_space<vmem>>, vector<16xf32>,
    %swap3A_15 = arith.constant 96 : index
    %swap3A_16 = tpu.vector_load %arg10[%swap3A_15] {strides = array<i32>} : memref<640xf32, #tpu.memory_space<vmem>>, vector<16xf32>,
    tpu.vector_store %arg10[%swap3A_15], %broadcast_in_dim3A_3 {strides = array<i32>} : memref<640xf32, #tpu.memory_space<vmem>>, vector<16xf32>,
    %swap3A_17 = arith.constant 112 : index
    %swap3A_18 = tpu.vector_load %arg10[%swap3A_17] {strides = array<i32>} : memref<640xf32, #tpu.memory_space<vmem>>, vector<16xf32>,
    tpu.vector_store %arg10[%swap3A_17], %broadcast_in_dim3A_3 {strides = array<i32>} : memref<640xf32, #tpu.memory_space<vmem>>, vector<16xf32>,
    %swap3A_19 = arith.constant 128 : index
    %swap3A_20 = tpu.vector_load %arg10[%swap3A_19] {strides = array<i32>} : memref<640xf32, #tpu.memory_space<vmem>>, vector<16xf32>,
    tpu.vector_store %arg10[%swap3A_19], %broadcast_in_dim3A_3 {strides = array<i32>} : memref<640xf32, #tpu.memory_space<vmem>>, vector<16xf32>,
    %swap3A_21 = arith.constant 144 : index
    %swap3A_22 = tpu.vector_load %arg10[%swap3A_21] {strides = array<i32>} : memref<640xf32, #tpu.memory_space<vmem>>, vector<16xf32>,
    tpu.vector_store %arg10[%swap3A_21], %broadcast_in_dim3A_3 {strides = array<i32>} : memref<640xf32, #tpu.memory_space<vmem>>, vector<16xf32>,
    %swap3A_23 = arith.constant 160 : index
    %swap3A_24 = tpu.vector_load %arg10[%swap3A_23] {strides = array<i32>} : memref<640xf32, #tpu.memory_space<vmem>>, vector<16xf32>,
    tpu.vector_store %arg10[%swap3A_23], %broadcast_in_dim3A_3 {strides = array<i32>} : memref<640xf32, #tpu.memory_space<vmem>>, vector<16xf32>,
    %swap3A_25 = arith.constant 176 : index
    %swap3A_26 = tpu.vector_load %arg10[%swap3A_25] {strides = array<i32>} : memref<640xf32, #tpu.memory_space<vmem>>, vector<16xf32>,
    tpu.vector_store %arg10[%swap3A_25], %broadcast_in_dim3A_3 {strides = array<i32>} : memref<640xf32, #tpu.memory_space<vmem>>, vector<16xf32>,
    %swap3A_27 = arith.constant 192 : index
    %swap3A_28 = tpu.vector_load %arg10[%swap3A_27] {strides = array<i32>} : memref<640xf32, #tpu.memory_space<vmem>>, vector<16xf32>,
    tpu.vector_store %arg10[%swap3A_27], %broadcast_in_dim3A_3 {strides = array<i32>} : memref<640xf32, #tpu.memory_space<vmem>>, vector<16xf32>,
    %swap3A_29 = arith.constant 208 : index
    %swap3A_30 = tpu.vector_load %arg10[%swap3A_29] {strides = array<i32>} : memref<640xf32, #tpu.memory_space<vmem>>, vector<16xf32>,
    tpu.vector_store %arg10[%swap3A_29], %broadcast_in_dim3A_3 {strides = array<i32>} : memref<640xf32, #tpu.memory_space<vmem>>, vector<16xf32>,
    %swap3A_31 = arith.constant 224 : index
    %swap3A_32 = tpu.vector_load %arg10[%swap3A_31] {strides = array<i32>} : memref<640xf32, #tpu.memory_space<vmem>>, vector<16xf32>,
    tpu.vector_store %arg10[%swap3A_31], %broadcast_in_dim3A_3 {strides = array<i32>} : memref<640xf32, #tpu.memory_space<vmem>>, vector<16xf32>,
    %swap3A_33 = arith.constant 240 : index
    %swap3A_34 = tpu.vector_load %arg10[%swap3A_33] {strides = array<i32>} : memref<640xf32, #tpu.memory_space<vmem>>, vector<16xf32>,
    tpu.vector_store %arg10[%swap3A_33], %broadcast_in_dim3A_3 {strides = array<i32>} : memref<640xf32, #tpu.memory_space<vmem>>, vector<16xf32>,
    %swap3A_35 = arith.constant 256 : index
    %swap3A_36 = tpu.vector_load %arg10[%swap3A_35] {strides = array<i32>} : memref<640xf32, #tpu.memory_space<vmem>>, vector<16xf32>,
    tpu.vector_store %arg10[%swap3A_35], %broadcast_in_dim3A_3 {strides = array<i32>} : memref<640xf32, #tpu.memory_space<vmem>>, vector<16xf32>,
    %swap3A_37 = arith.constant 272 : index
    %swap3A_38 = tpu.vector_load %arg10[%swap3A_37] {strides = array<i32>} : memref<640xf32, #tpu.memory_space<vmem>>, vector<16xf32>,
    tpu.vector_store %arg10[%swap3A_37], %broadcast_in_dim3A_3 {strides = array<i32>} : memref<640xf32, #tpu.memory_space<vmem>>, vector<16xf32>,
    %swap3A_39 = arith.constant 288 : index
    %swap3A_40 = tpu.vector_load %arg10[%swap3A_39] {strides = array<i32>} : memref<640xf32, #tpu.memory_space<vmem>>, vector<16xf32>,
    tpu.vector_store %arg10[%swap3A_39], %broadcast_in_dim3A_3 {strides = array<i32>} : memref<640xf32, #tpu.memory_space<vmem>>, vector<16xf32>,
    %swap3A_41 = arith.constant 304 : index
    %swap3A_42 = tpu.vector_load %arg10[%swap3A_41] {strides = array<i32>} : memref<640xf32, #tpu.memory_space<vmem>>, vector<16xf32>,
    tpu.vector_store %arg10[%swap3A_41], %broadcast_in_dim3A_3 {strides = array<i32>} : memref<640xf32, #tpu.memory_space<vmem>>, vector<16xf32>,
    %swap3A_43 = arith.constant 320 : index
    %swap3A_44 = tpu.vector_load %arg10[%swap3A_43] {strides = array<i32>} : memref<640xf32, #tpu.memory_space<vmem>>, vector<16xf32>,
    tpu.vector_store %arg10[%swap3A_43], %broadcast_in_dim3A_3 {strides = array<i32>} : memref<640xf32, #tpu.memory_space<vmem>>, vector<16xf32>,
    %swap3A_45 = arith.constant 336 : index
    %swap3A_46 = tpu.vector_load %arg10[%swap3A_45] {strides = array<i32>} : memref<640xf32, #tpu.memory_space<vmem>>, vector<16xf32>,
    tpu.vector_store %arg10[%swap3A_45], %broadcast_in_dim3A_3 {strides = array<i32>} : memref<640xf32, #tpu.memory_space<vmem>>, vector<16xf32>,
    %swap3A_47 = arith.constant 352 : index
    %swap3A_48 = tpu.vector_load %arg10[%swap3A_47] {strides = array<i32>} : memref<640xf32, #tpu.memory_space<vmem>>, vector<16xf32>,
    tpu.vector_store %arg10[%swap3A_47], %broadcast_in_dim3A_3 {strides = array<i32>} : memref<640xf32, #tpu.memory_space<vmem>>, vector<16xf32>,
    %swap3A_49 = arith.constant 368 : index
    %swap3A_50 = tpu.vector_load %arg10[%swap3A_49] {strides = array<i32>} : memref<640xf32, #tpu.memory_space<vmem>>, vector<16xf32>,
    tpu.vector_store %arg10[%swap3A_49], %broadcast_in_dim3A_3 {strides = array<i32>} : memref<640xf32, #tpu.memory_space<vmem>>, vector<16xf32>,
    %swap3A_51 = arith.constant 384 : index
    %swap3A_52 = tpu.vector_load %arg10[%swap3A_51] {strides = array<i32>} : memref<640xf32, #tpu.memory_space<vmem>>, vector<16xf32>,
    tpu.vector_store %arg10[%swap3A_51], %broadcast_in_dim3A_3 {strides = array<i32>} : memref<640xf32, #tpu.memory_space<vmem>>, vector<16xf32>,
    %swap3A_53 = arith.constant 400 : index
    %swap3A_54 = tpu.vector_load %arg10[%swap3A_53] {strides = array<i32>} : memref<640xf32, #tpu.memory_space<vmem>>, vector<16xf32>,
    tpu.vector_store %arg10[%swap3A_53], %broadcast_in_dim3A_3 {strides = array<i32>} : memref<640xf32, #tpu.memory_space<vmem>>, vector<16xf32>,
    %swap3A_55 = arith.constant 416 : index
    %swap3A_56 = tpu.vector_load %arg10[%swap3A_55] {strides = array<i32>} : memref<640xf32, #tpu.memory_space<vmem>>, vector<16xf32>,
    tpu.vector_store %arg10[%swap3A_55], %broadcast_in_dim3A_3 {strides = array<i32>} : memref<640xf32, #tpu.memory_space<vmem>>, vector<16xf32>,
    %swap3A_57 = arith.constant 432 : index
    %swap3A_58 = tpu.vector_load %arg10[%swap3A_57] {strides = array<i32>} : memref<640xf32, #tpu.memory_space<vmem>>, vector<16xf32>,
    tpu.vector_store %arg10[%swap3A_57], %broadcast_in_dim3A_3 {strides = array<i32>} : memref<640xf32, #tpu.memory_space<vmem>>, vector<16xf32>,
    %swap3A_59 = arith.constant 448 : index
    %swap3A_60 = tpu.vector_load %arg10[%swap3A_59] {strides = array<i32>} : memref<640xf32, #tpu.memory_space<vmem>>, vector<16xf32>,
    tpu.vector_store %arg10[%swap3A_59], %broadcast_in_dim3A_3 {strides = array<i32>} : memref<640xf32, #tpu.memory_space<vmem>>, vector<16xf32>,
    %swap3A_61 = arith.constant 464 : index
    %swap3A_62 = tpu.vector_load %arg10[%swap3A_61] {strides = array<i32>} : memref<640xf32, #tpu.memory_space<vmem>>, vector<16xf32>,
    tpu.vector_store %arg10[%swap3A_61], %broadcast_in_dim3A_3 {strides = array<i32>} : memref<640xf32, #tpu.memory_space<vmem>>, vector<16xf32>,
    %swap3A_63 = arith.constant 480 : index
    %swap3A_64 = tpu.vector_load %arg10[%swap3A_63] {strides = array<i32>} : memref<640xf32, #tpu.memory_space<vmem>>, vector<16xf32>,
    tpu.vector_store %arg10[%swap3A_63], %broadcast_in_dim3A_3 {strides = array<i32>} : memref<640xf32, #tpu.memory_space<vmem>>, vector<16xf32>,
    %swap3A_65 = arith.constant 496 : index
    %swap3A_66 = tpu.vector_load %arg10[%swap3A_65] {strides = array<i32>} : memref<640xf32, #tpu.memory_space<vmem>>, vector<16xf32>,
    tpu.vector_store %arg10[%swap3A_65], %broadcast_in_dim3A_3 {strides = array<i32>} : memref<640xf32, #tpu.memory_space<vmem>>, vector<16xf32>,
    %swap3A_67 = arith.constant 512 : index
    %swap3A_68 = tpu.vector_load %arg10[%swap3A_67] {strides = array<i32>} : memref<640xf32, #tpu.memory_space<vmem>>, vector<16xf32>,
    tpu.vector_store %arg10[%swap3A_67], %broadcast_in_dim3A_3 {strides = array<i32>} : memref<640xf32, #tpu.memory_space<vmem>>, vector<16xf32>,
    %swap3A_69 = arith.constant 528 : index
    %swap3A_70 = tpu.vector_load %arg10[%swap3A_69] {strides = array<i32>} : memref<640xf32, #tpu.memory_space<vmem>>, vector<16xf32>,
    tpu.vector_store %arg10[%swap3A_69], %broadcast_in_dim3A_3 {strides = array<i32>} : memref<640xf32, #tpu.memory_space<vmem>>, vector<16xf32>,
    %swap3A_71 = arith.constant 544 : index
    %swap3A_72 = tpu.vector_load %arg10[%swap3A_71] {strides = array<i32>} : memref<640xf32, #tpu.memory_space<vmem>>, vector<16xf32>,
    tpu.vector_store %arg10[%swap3A_71], %broadcast_in_dim3A_3 {strides = array<i32>} : memref<640xf32, #tpu.memory_space<vmem>>, vector<16xf32>,
    %swap3A_73 = arith.constant 560 : index
    %swap3A_74 = tpu.vector_load %arg10[%swap3A_73] {strides = array<i32>} : memref<640xf32, #tpu.memory_space<vmem>>, vector<16xf32>,
    tpu.vector_store %arg10[%swap3A_73], %broadcast_in_dim3A_3 {strides = array<i32>} : memref<640xf32, #tpu.memory_space<vmem>>, vector<16xf32>,
    %swap3A_75 = arith.constant 576 : index
    %swap3A_76 = tpu.vector_load %arg10[%swap3A_75] {strides = array<i32>} : memref<640xf32, #tpu.memory_space<vmem>>, vector<16xf32>,
    tpu.vector_store %arg10[%swap3A_75], %broadcast_in_dim3A_3 {strides = array<i32>} : memref<640xf32, #tpu.memory_space<vmem>>, vector<16xf32>,
    %swap3A_77 = arith.constant 592 : index
    %swap3A_78 = tpu.vector_load %arg10[%swap3A_77] {strides = array<i32>} : memref<640xf32, #tpu.memory_space<vmem>>, vector<16xf32>,
    tpu.vector_store %arg10[%swap3A_77], %broadcast_in_dim3A_3 {strides = array<i32>} : memref<640xf32, #tpu.memory_space<vmem>>, vector<16xf32>,
    %swap3A_79 = arith.constant 608 : index
    %swap3A_80 = tpu.vector_load %arg10[%swap3A_79] {strides = array<i32>} : memref<640xf32, #tpu.memory_space<vmem>>, vector<16xf32>,
    tpu.vector_store %arg10[%swap3A_79], %broadcast_in_dim3A_3 {strides = array<i32>} : memref<640xf32, #tpu.memory_space<vmem>>, vector<16xf32>,
    %swap3A_81 = arith.constant 624 : index
    %swap3A_82 = tpu.vector_load %arg10[%swap3A_81] {strides = array<i32>} : memref<640xf32, #tpu.memory_space<vmem>>, vector<16xf32>,
    tpu.vector_store %arg10[%swap3A_81], %broadcast_in_dim3A_3 {strides = array<i32>} : memref<640xf32, #tpu.memory_space<vmem>>, vector<16xf32>,
    %mul3A_83 = arith.constant 640 : i32
    %mul3A_84 = arith.muli %arg1, %mul3A_83 : i32
    "tpu.region"() ({
      %run_scoped3A = tpu.sem_alloc : memref<!tpu.dma_semaphore, #tpu.memory_space<semaphore_mem>>
      %dma_start3A_112 = tpu.memref_slice %arg11[%mul3A_84] : memref<10240xf32, #tpu.memory_space<vmem_shared>> -> memref<640xf32, #tpu.memory_space<vmem_shared>>
      %dma_start3A_113 = tpu.memref_slice %arg11[%mul3A_84] : memref<10240xf32, #tpu.memory_space<vmem_shared>> -> memref<640xf32, #tpu.memory_space<vmem_shared>>
      tpu.enqueue_dma source(%arg10 : memref<640xf32, #tpu.memory_space<vmem>>) target(%dma_start3A_113 : memref<640xf32, #tpu.memory_space<vmem_shared>>) target_semaphore(%run_scoped3A : memref<!tpu.dma_semaphore, #tpu.memory_space<semaphore_mem>>)
      %dma_wait3A_114 = tpu.memref_slice %arg11[%mul3A_84] : memref<10240xf32, #tpu.memory_space<vmem_shared>> -> memref<640xf32, #tpu.memory_space<vmem_shared>>
      %dma_wait3A_115 = tpu.memref_slice %arg11[%mul3A_84] : memref<10240xf32, #tpu.memory_space<vmem_shared>> -> memref<640xf32, #tpu.memory_space<vmem_shared>>
      tpu.wait_dma2 semaphore(%run_scoped3A : memref<!tpu.dma_semaphore, #tpu.memory_space<semaphore_mem>>) src(%arg10 : memref<640xf32, #tpu.memory_space<vmem>>) dst(%dma_wait3A_115 : memref<640xf32, #tpu.memory_space<vmem_shared>>)
      tpu.yield
    }) : () -> ()
    %barrier3A = arith.constant 0 : index
    tpu.barrier barrier_id(%barrier3A)
    %add3A_85 = arith.constant 0 : i32
    %add3A_86 = arith.addi %mul3A_2, %add3A_85 : i32
    %dma_start3A = tpu.memref_slice %arg2[%add3A_86] : memref<344064xi32, #tpu.memory_space<hbm>> -> memref<128xi32, #tpu.memory_space<hbm>>
    %dma_start3A_87 = tpu.memref_slice %arg2[%add3A_86] : memref<344064xi32, #tpu.memory_space<hbm>> -> memref<128xi32, #tpu.memory_space<hbm>>
    tpu.enqueue_dma source(%dma_start3A_87 : memref<128xi32, #tpu.memory_space<hbm>>) target(%arg6 : memref<128xi32, #tpu.memory_space<vmem>>) target_semaphore(%arg12 : memref<!tpu.dma_semaphore, #tpu.memory_space<semaphore_mem>>)
    %add3A_88 = arith.constant 128 : i32
    %add3A_89 = arith.addi %mul3A_2, %add3A_88 : i32
    %dma_start3A_90 = tpu.memref_slice %arg2[%add3A_89] : memref<344064xi32, #tpu.memory_space<hbm>> -> memref<128xi32, #tpu.memory_space<hbm>>
    %dma_start3A_91 = tpu.memref_slice %arg2[%add3A_89] : memref<344064xi32, #tpu.memory_space<hbm>> -> memref<128xi32, #tpu.memory_space<hbm>>
    tpu.enqueue_dma source(%dma_start3A_91 : memref<128xi32, #tpu.memory_space<hbm>>) target(%arg7 : memref<128xi32, #tpu.memory_space<vmem>>) target_semaphore(%arg13 : memref<!tpu.dma_semaphore, #tpu.memory_space<semaphore_mem>>)
    %scan3A = arith.constant 0 : i32
    %scan3A_92 = arith.constant 0 : i32
    %scan3A_93 = arith.constant 21 : i32
    %scan3A_94 = arith.addi %scan3A_92, %scan3A_93 : i32
    %scan3A_95 = arith.constant 1 : i32
    scf.for %scan3A_112 = %scan3A_92 to %scan3A_94 step %scan3A_95  : i32 {
      %mul3A_113 = arith.constant 4 : i32
      %mul3A_114 = arith.muli %scan3A_112, %mul3A_113 : i32
      %add3A_115 = arith.constant 0 : i32
      %add3A_116 = arith.addi %mul3A_114, %add3A_115 : i32
      %ge3A = arith.constant 2 : i32
      %ge3A_117 = arith.cmpi sge, %add3A_116, %ge3A : i32
      %convert_element_type3A = arith.extui %ge3A_117 : i1 to i32
      %cond3A = arith.constant 0 : i32
      %cond3A_118 = arith.cmpi ne, %convert_element_type3A, %cond3A : i32
      scf.if %cond3A_118 {
        %sub3A = arith.constant 2 : i32
        %sub3A_213 = arith.subi %add3A_116, %sub3A : i32
        %mul3A_214 = arith.constant 128 : i32
        %mul3A_215 = arith.muli %sub3A_213, %mul3A_214 : i32
        %dma_wait3A_216 = tpu.memref_slice %arg5[%mul3A_215] : memref<10752xf32, #tpu.memory_space<vmem>> -> memref<128xf32, #tpu.memory_space<vmem>>
        %dma_wait3A_217 = arith.constant 0 : i32
        %dma_wait3A_218 = tpu.memref_slice %arg11[%dma_wait3A_217] : memref<10240xf32, #tpu.memory_space<vmem_shared>> -> memref<10240xf32, #tpu.memory_space<vmem_shared>>
        tpu.wait_indirect_dma semaphore(%arg16 : memref<!tpu.dma_semaphore, #tpu.memory_space<semaphore_mem>>) src(%dma_wait3A_216 : memref<128xf32, #tpu.memory_space<vmem>>) dst(%dma_wait3A_218 : memref<10240xf32, #tpu.memory_space<vmem_shared>>)
      } else {
      }
      %add3A_119 = arith.constant 2 : i32
      %add3A_120 = arith.addi %add3A_116, %add3A_119 : i32
      %lt3A = arith.constant 84 : i32
      %lt3A_121 = arith.cmpi slt, %add3A_120, %lt3A : i32
      %convert_element_type3A_122 = arith.extui %lt3A_121 : i1 to i32
      %cond3A_123 = arith.constant 0 : i32
      %cond3A_124 = arith.cmpi ne, %convert_element_type3A_122, %cond3A_123 : i32
      scf.if %cond3A_124 {
        %add3A_213 = arith.constant 2 : i32
        %add3A_214 = arith.addi %add3A_116, %add3A_213 : i32
        %mul3A_215 = arith.constant 128 : i32
        %mul3A_216 = arith.muli %add3A_214, %mul3A_215 : i32
        %add3A_217 = arith.addi %mul3A_2, %mul3A_216 : i32
        %dma_start3A_218 = tpu.memref_slice %arg2[%add3A_217] : memref<344064xi32, #tpu.memory_space<hbm>> -> memref<128xi32, #tpu.memory_space<hbm>>
        %dma_start3A_219 = tpu.memref_slice %arg2[%add3A_217] : memref<344064xi32, #tpu.memory_space<hbm>> -> memref<128xi32, #tpu.memory_space<hbm>>
        tpu.enqueue_dma source(%dma_start3A_219 : memref<128xi32, #tpu.memory_space<hbm>>) target(%arg8 : memref<128xi32, #tpu.memory_space<vmem>>) target_semaphore(%arg14 : memref<!tpu.dma_semaphore, #tpu.memory_space<semaphore_mem>>)
      } else {
      }
      %mul3A_125 = arith.constant 128 : i32
      %mul3A_126 = arith.muli %add3A_116, %mul3A_125 : i32
      %add3A_127 = arith.addi %mul3A_2, %mul3A_126 : i32
      %dma_wait3A_128 = tpu.memref_slice %arg2[%add3A_127] : memref<344064xi32, #tpu.memory_space<hbm>> -> memref<128xi32, #tpu.memory_space<hbm>>
      %dma_wait3A_129 = tpu.memref_slice %arg2[%add3A_127] : memref<344064xi32, #tpu.memory_space<hbm>> -> memref<128xi32, #tpu.memory_space<hbm>>
      tpu.wait_dma2 semaphore(%arg12 : memref<!tpu.dma_semaphore, #tpu.memory_space<semaphore_mem>>) src(%dma_wait3A_129 : memref<128xi32, #tpu.memory_space<hbm>>) dst(%arg6 : memref<128xi32, #tpu.memory_space<vmem>>)
      %mul3A_130 = arith.constant 128 : i32
      %mul3A_131 = arith.muli %add3A_116, %mul3A_130 : i32
      %dma_start3A_132 = tpu.memref_slice %arg5[%mul3A_131] : memref<10752xf32, #tpu.memory_space<vmem>> -> memref<128xf32, #tpu.memory_space<vmem>>
      %dma_start3A_133 = arith.constant 0 : i32
      %dma_start3A_134 = tpu.memref_slice %arg11[%dma_start3A_133] : memref<10240xf32, #tpu.memory_space<vmem_shared>> -> memref<10240xf32, #tpu.memory_space<vmem_shared>>
      tpu.enqueue_indirect_dma source(%dma_start3A_132 : memref<128xf32, #tpu.memory_space<vmem>>) target(%dma_start3A_134 : memref<10240xf32, #tpu.memory_space<vmem_shared>>) offsets(%arg6 : memref<128xi32, #tpu.memory_space<vmem>>) semaphore(%arg16 : memref<!tpu.dma_semaphore, #tpu.memory_space<semaphore_mem>>) {add = true}
      %mul3A_135 = arith.constant 4 : i32
      %mul3A_136 = arith.muli %scan3A_112, %mul3A_135 : i32
      %add3A_137 = arith.constant 1 : i32
      %add3A_138 = arith.addi %mul3A_136, %add3A_137 : i32
      %ge3A_139 = arith.constant 2 : i32
      %ge3A_140 = arith.cmpi sge, %add3A_138, %ge3A_139 : i32
      %convert_element_type3A_141 = arith.extui %ge3A_140 : i1 to i32
      %cond3A_142 = arith.constant 0 : i32
      %cond3A_143 = arith.cmpi ne, %convert_element_type3A_141, %cond3A_142 : i32
      scf.if %cond3A_143 {
        %sub3A = arith.constant 2 : i32
        %sub3A_213 = arith.subi %add3A_138, %sub3A : i32
        %mul3A_214 = arith.constant 128 : i32
        %mul3A_215 = arith.muli %sub3A_213, %mul3A_214 : i32
        %dma_wait3A_216 = tpu.memref_slice %arg5[%mul3A_215] : memref<10752xf32, #tpu.memory_space<vmem>> -> memref<128xf32, #tpu.memory_space<vmem>>
        %dma_wait3A_217 = arith.constant 0 : i32
        %dma_wait3A_218 = tpu.memref_slice %arg11[%dma_wait3A_217] : memref<10240xf32, #tpu.memory_space<vmem_shared>> -> memref<10240xf32, #tpu.memory_space<vmem_shared>>
        tpu.wait_indirect_dma semaphore(%arg17 : memref<!tpu.dma_semaphore, #tpu.memory_space<semaphore_mem>>) src(%dma_wait3A_216 : memref<128xf32, #tpu.memory_space<vmem>>) dst(%dma_wait3A_218 : memref<10240xf32, #tpu.memory_space<vmem_shared>>)
      } else {
      }
      %add3A_144 = arith.constant 2 : i32
      %add3A_145 = arith.addi %add3A_138, %add3A_144 : i32
      %lt3A_146 = arith.constant 84 : i32
      %lt3A_147 = arith.cmpi slt, %add3A_145, %lt3A_146 : i32
      %convert_element_type3A_148 = arith.extui %lt3A_147 : i1 to i32
      %cond3A_149 = arith.constant 0 : i32
      %cond3A_150 = arith.cmpi ne, %convert_element_type3A_148, %cond3A_149 : i32
      scf.if %cond3A_150 {
        %add3A_213 = arith.constant 2 : i32
        %add3A_214 = arith.addi %add3A_138, %add3A_213 : i32
        %mul3A_215 = arith.constant 128 : i32
        %mul3A_216 = arith.muli %add3A_214, %mul3A_215 : i32
        %add3A_217 = arith.addi %mul3A_2, %mul3A_216 : i32
        %dma_start3A_218 = tpu.memref_slice %arg2[%add3A_217] : memref<344064xi32, #tpu.memory_space<hbm>> -> memref<128xi32, #tpu.memory_space<hbm>>
        %dma_start3A_219 = tpu.memref_slice %arg2[%add3A_217] : memref<344064xi32, #tpu.memory_space<hbm>> -> memref<128xi32, #tpu.memory_space<hbm>>
        tpu.enqueue_dma source(%dma_start3A_219 : memref<128xi32, #tpu.memory_space<hbm>>) target(%arg9 : memref<128xi32, #tpu.memory_space<vmem>>) target_semaphore(%arg15 : memref<!tpu.dma_semaphore, #tpu.memory_space<semaphore_mem>>)
      } else {
      }
      %mul3A_151 = arith.constant 128 : i32
      %mul3A_152 = arith.muli %add3A_138, %mul3A_151 : i32
      %add3A_153 = arith.addi %mul3A_2, %mul3A_152 : i32
      %dma_wait3A_154 = tpu.memref_slice %arg2[%add3A_153] : memref<344064xi32, #tpu.memory_space<hbm>> -> memref<128xi32, #tpu.memory_space<hbm>>
      %dma_wait3A_155 = tpu.memref_slice %arg2[%add3A_153] : memref<344064xi32, #tpu.memory_space<hbm>> -> memref<128xi32, #tpu.memory_space<hbm>>
      tpu.wait_dma2 semaphore(%arg13 : memref<!tpu.dma_semaphore, #tpu.memory_space<semaphore_mem>>) src(%dma_wait3A_155 : memref<128xi32, #tpu.memory_space<hbm>>) dst(%arg7 : memref<128xi32, #tpu.memory_space<vmem>>)
      %mul3A_156 = arith.constant 128 : i32
      %mul3A_157 = arith.muli %add3A_138, %mul3A_156 : i32
      %dma_start3A_158 = tpu.memref_slice %arg5[%mul3A_157] : memref<10752xf32, #tpu.memory_space<vmem>> -> memref<128xf32, #tpu.memory_space<vmem>>
      %dma_start3A_159 = arith.constant 0 : i32
      %dma_start3A_160 = tpu.memref_slice %arg11[%dma_start3A_159] : memref<10240xf32, #tpu.memory_space<vmem_shared>> -> memref<10240xf32, #tpu.memory_space<vmem_shared>>
      tpu.enqueue_indirect_dma source(%dma_start3A_158 : memref<128xf32, #tpu.memory_space<vmem>>) target(%dma_start3A_160 : memref<10240xf32, #tpu.memory_space<vmem_shared>>) offsets(%arg7 : memref<128xi32, #tpu.memory_space<vmem>>) semaphore(%arg17 : memref<!tpu.dma_semaphore, #tpu.memory_space<semaphore_mem>>) {add = true}
      %mul3A_161 = arith.constant 4 : i32
      %mul3A_162 = arith.muli %scan3A_112, %mul3A_161 : i32
      %add3A_163 = arith.constant 2 : i32
      %add3A_164 = arith.addi %mul3A_162, %add3A_163 : i32
      %ge3A_165 = arith.constant 2 : i32
      %ge3A_166 = arith.cmpi sge, %add3A_164, %ge3A_165 : i32
      %convert_element_type3A_167 = arith.extui %ge3A_166 : i1 to i32
      %cond3A_168 = arith.constant 0 : i32
      %cond3A_169 = arith.cmpi ne, %convert_element_type3A_167, %cond3A_168 : i32
      scf.if %cond3A_169 {
        %sub3A = arith.constant 2 : i32
        %sub3A_213 = arith.subi %add3A_164, %sub3A : i32
        %mul3A_214 = arith.constant 128 : i32
        %mul3A_215 = arith.muli %sub3A_213, %mul3A_214 : i32
        %dma_wait3A_216 = tpu.memref_slice %arg5[%mul3A_215] : memref<10752xf32, #tpu.memory_space<vmem>> -> memref<128xf32, #tpu.memory_space<vmem>>
        %dma_wait3A_217 = arith.constant 0 : i32
        %dma_wait3A_218 = tpu.memref_slice %arg11[%dma_wait3A_217] : memref<10240xf32, #tpu.memory_space<vmem_shared>> -> memref<10240xf32, #tpu.memory_space<vmem_shared>>
        tpu.wait_indirect_dma semaphore(%arg16 : memref<!tpu.dma_semaphore, #tpu.memory_space<semaphore_mem>>) src(%dma_wait3A_216 : memref<128xf32, #tpu.memory_space<vmem>>) dst(%dma_wait3A_218 : memref<10240xf32, #tpu.memory_space<vmem_shared>>)
      } else {
      }
      %add3A_170 = arith.constant 2 : i32
      %add3A_171 = arith.addi %add3A_164, %add3A_170 : i32
      %lt3A_172 = arith.constant 84 : i32
      %lt3A_173 = arith.cmpi slt, %add3A_171, %lt3A_172 : i32
      %convert_element_type3A_174 = arith.extui %lt3A_173 : i1 to i32
      %cond3A_175 = arith.constant 0 : i32
      %cond3A_176 = arith.cmpi ne, %convert_element_type3A_174, %cond3A_175 : i32
      scf.if %cond3A_176 {
        %add3A_213 = arith.constant 2 : i32
        %add3A_214 = arith.addi %add3A_164, %add3A_213 : i32
        %mul3A_215 = arith.constant 128 : i32
        %mul3A_216 = arith.muli %add3A_214, %mul3A_215 : i32
        %add3A_217 = arith.addi %mul3A_2, %mul3A_216 : i32
        %dma_start3A_218 = tpu.memref_slice %arg2[%add3A_217] : memref<344064xi32, #tpu.memory_space<hbm>> -> memref<128xi32, #tpu.memory_space<hbm>>
        %dma_start3A_219 = tpu.memref_slice %arg2[%add3A_217] : memref<344064xi32, #tpu.memory_space<hbm>> -> memref<128xi32, #tpu.memory_space<hbm>>
        tpu.enqueue_dma source(%dma_start3A_219 : memref<128xi32, #tpu.memory_space<hbm>>) target(%arg6 : memref<128xi32, #tpu.memory_space<vmem>>) target_semaphore(%arg12 : memref<!tpu.dma_semaphore, #tpu.memory_space<semaphore_mem>>)
      } else {
      }
      %mul3A_177 = arith.constant 128 : i32
      %mul3A_178 = arith.muli %add3A_164, %mul3A_177 : i32
      %add3A_179 = arith.addi %mul3A_2, %mul3A_178 : i32
      %dma_wait3A_180 = tpu.memref_slice %arg2[%add3A_179] : memref<344064xi32, #tpu.memory_space<hbm>> -> memref<128xi32, #tpu.memory_space<hbm>>
      %dma_wait3A_181 = tpu.memref_slice %arg2[%add3A_179] : memref<344064xi32, #tpu.memory_space<hbm>> -> memref<128xi32, #tpu.memory_space<hbm>>
      tpu.wait_dma2 semaphore(%arg14 : memref<!tpu.dma_semaphore, #tpu.memory_space<semaphore_mem>>) src(%dma_wait3A_181 : memref<128xi32, #tpu.memory_space<hbm>>) dst(%arg8 : memref<128xi32, #tpu.memory_space<vmem>>)
      %mul3A_182 = arith.constant 128 : i32
      %mul3A_183 = arith.muli %add3A_164, %mul3A_182 : i32
      %dma_start3A_184 = tpu.memref_slice %arg5[%mul3A_183] : memref<10752xf32, #tpu.memory_space<vmem>> -> memref<128xf32, #tpu.memory_space<vmem>>
      %dma_start3A_185 = arith.constant 0 : i32
      %dma_start3A_186 = tpu.memref_slice %arg11[%dma_start3A_185] : memref<10240xf32, #tpu.memory_space<vmem_shared>> -> memref<10240xf32, #tpu.memory_space<vmem_shared>>
      tpu.enqueue_indirect_dma source(%dma_start3A_184 : memref<128xf32, #tpu.memory_space<vmem>>) target(%dma_start3A_186 : memref<10240xf32, #tpu.memory_space<vmem_shared>>) offsets(%arg8 : memref<128xi32, #tpu.memory_space<vmem>>) semaphore(%arg16 : memref<!tpu.dma_semaphore, #tpu.memory_space<semaphore_mem>>) {add = true}
      %mul3A_187 = arith.constant 4 : i32
      %mul3A_188 = arith.muli %scan3A_112, %mul3A_187 : i32
      %add3A_189 = arith.constant 3 : i32
      %add3A_190 = arith.addi %mul3A_188, %add3A_189 : i32
      %ge3A_191 = arith.constant 2 : i32
      %ge3A_192 = arith.cmpi sge, %add3A_190, %ge3A_191 : i32
      %convert_element_type3A_193 = arith.extui %ge3A_192 : i1 to i32
      %cond3A_194 = arith.constant 0 : i32
      %cond3A_195 = arith.cmpi ne, %convert_element_type3A_193, %cond3A_194 : i32
      scf.if %cond3A_195 {
        %sub3A = arith.constant 2 : i32
        %sub3A_213 = arith.subi %add3A_190, %sub3A : i32
        %mul3A_214 = arith.constant 128 : i32
        %mul3A_215 = arith.muli %sub3A_213, %mul3A_214 : i32
        %dma_wait3A_216 = tpu.memref_slice %arg5[%mul3A_215] : memref<10752xf32, #tpu.memory_space<vmem>> -> memref<128xf32, #tpu.memory_space<vmem>>
        %dma_wait3A_217 = arith.constant 0 : i32
        %dma_wait3A_218 = tpu.memref_slice %arg11[%dma_wait3A_217] : memref<10240xf32, #tpu.memory_space<vmem_shared>> -> memref<10240xf32, #tpu.memory_space<vmem_shared>>
        tpu.wait_indirect_dma semaphore(%arg17 : memref<!tpu.dma_semaphore, #tpu.memory_space<semaphore_mem>>) src(%dma_wait3A_216 : memref<128xf32, #tpu.memory_space<vmem>>) dst(%dma_wait3A_218 : memref<10240xf32, #tpu.memory_space<vmem_shared>>)
      } else {
      }
      %add3A_196 = arith.constant 2 : i32
      %add3A_197 = arith.addi %add3A_190, %add3A_196 : i32
      %lt3A_198 = arith.constant 84 : i32
      %lt3A_199 = arith.cmpi slt, %add3A_197, %lt3A_198 : i32
      %convert_element_type3A_200 = arith.extui %lt3A_199 : i1 to i32
      %cond3A_201 = arith.constant 0 : i32
      %cond3A_202 = arith.cmpi ne, %convert_element_type3A_200, %cond3A_201 : i32
      scf.if %cond3A_202 {
        %add3A_213 = arith.constant 2 : i32
        %add3A_214 = arith.addi %add3A_190, %add3A_213 : i32
        %mul3A_215 = arith.constant 128 : i32
        %mul3A_216 = arith.muli %add3A_214, %mul3A_215 : i32
        %add3A_217 = arith.addi %mul3A_2, %mul3A_216 : i32
        %dma_start3A_218 = tpu.memref_slice %arg2[%add3A_217] : memref<344064xi32, #tpu.memory_space<hbm>> -> memref<128xi32, #tpu.memory_space<hbm>>
        %dma_start3A_219 = tpu.memref_slice %arg2[%add3A_217] : memref<344064xi32, #tpu.memory_space<hbm>> -> memref<128xi32, #tpu.memory_space<hbm>>
        tpu.enqueue_dma source(%dma_start3A_219 : memref<128xi32, #tpu.memory_space<hbm>>) target(%arg7 : memref<128xi32, #tpu.memory_space<vmem>>) target_semaphore(%arg13 : memref<!tpu.dma_semaphore, #tpu.memory_space<semaphore_mem>>)
      } else {
      }
      %mul3A_203 = arith.constant 128 : i32
      %mul3A_204 = arith.muli %add3A_190, %mul3A_203 : i32
      %add3A_205 = arith.addi %mul3A_2, %mul3A_204 : i32
      %dma_wait3A_206 = tpu.memref_slice %arg2[%add3A_205] : memref<344064xi32, #tpu.memory_space<hbm>> -> memref<128xi32, #tpu.memory_space<hbm>>
      %dma_wait3A_207 = tpu.memref_slice %arg2[%add3A_205] : memref<344064xi32, #tpu.memory_space<hbm>> -> memref<128xi32, #tpu.memory_space<hbm>>
      tpu.wait_dma2 semaphore(%arg15 : memref<!tpu.dma_semaphore, #tpu.memory_space<semaphore_mem>>) src(%dma_wait3A_207 : memref<128xi32, #tpu.memory_space<hbm>>) dst(%arg9 : memref<128xi32, #tpu.memory_space<vmem>>)
      %mul3A_208 = arith.constant 128 : i32
      %mul3A_209 = arith.muli %add3A_190, %mul3A_208 : i32
      %dma_start3A_210 = tpu.memref_slice %arg5[%mul3A_209] : memref<10752xf32, #tpu.memory_space<vmem>> -> memref<128xf32, #tpu.memory_space<vmem>>
      %dma_start3A_211 = arith.constant 0 : i32
      %dma_start3A_212 = tpu.memref_slice %arg11[%dma_start3A_211] : memref<10240xf32, #tpu.memory_space<vmem_shared>> -> memref<10240xf32, #tpu.memory_space<vmem_shared>>
      tpu.enqueue_indirect_dma source(%dma_start3A_210 : memref<128xf32, #tpu.memory_space<vmem>>) target(%dma_start3A_212 : memref<10240xf32, #tpu.memory_space<vmem_shared>>) offsets(%arg9 : memref<128xi32, #tpu.memory_space<vmem>>) semaphore(%arg17 : memref<!tpu.dma_semaphore, #tpu.memory_space<semaphore_mem>>) {add = true}
    }
    %scan3A_96 = arith.constant 21 : i32
    %dma_wait3A = arith.constant 10496 : i32
    %dma_wait3A_97 = tpu.memref_slice %arg5[%dma_wait3A] : memref<10752xf32, #tpu.memory_space<vmem>> -> memref<128xf32, #tpu.memory_space<vmem>>
    %dma_wait3A_98 = arith.constant 0 : i32
    %dma_wait3A_99 = tpu.memref_slice %arg11[%dma_wait3A_98] : memref<10240xf32, #tpu.memory_space<vmem_shared>> -> memref<10240xf32, #tpu.memory_space<vmem_shared>>
    tpu.wait_indirect_dma semaphore(%arg16 : memref<!tpu.dma_semaphore, #tpu.memory_space<semaphore_mem>>) src(%dma_wait3A_97 : memref<128xf32, #tpu.memory_space<vmem>>) dst(%dma_wait3A_99 : memref<10240xf32, #tpu.memory_space<vmem_shared>>)
    %dma_wait3A_100 = arith.constant 10624 : i32
    %dma_wait3A_101 = tpu.memref_slice %arg5[%dma_wait3A_100] : memref<10752xf32, #tpu.memory_space<vmem>> -> memref<128xf32, #tpu.memory_space<vmem>>
    %dma_wait3A_102 = arith.constant 0 : i32
    %dma_wait3A_103 = tpu.memref_slice %arg11[%dma_wait3A_102] : memref<10240xf32, #tpu.memory_space<vmem_shared>> -> memref<10240xf32, #tpu.memory_space<vmem_shared>>
    tpu.wait_indirect_dma semaphore(%arg17 : memref<!tpu.dma_semaphore, #tpu.memory_space<semaphore_mem>>) src(%dma_wait3A_101 : memref<128xf32, #tpu.memory_space<vmem>>) dst(%dma_wait3A_103 : memref<10240xf32, #tpu.memory_space<vmem_shared>>)
    %barrier3A_104 = arith.constant 0 : index
    tpu.barrier barrier_id(%barrier3A_104)
    %mul3A_105 = arith.constant 640 : i32
    %mul3A_106 = arith.muli %arg1, %mul3A_105 : i32
    %mul3A_107 = arith.constant 10240 : i32
    %mul3A_108 = arith.muli %arg0, %mul3A_107 : i32
    %mul3A_109 = arith.constant 640 : i32
    %mul3A_110 = arith.muli %arg1, %mul3A_109 : i32
    %add3A_111 = arith.addi %mul3A_108, %mul3A_110 : i32
    "tpu.region"() ({
      %run_scoped3A = tpu.sem_alloc : memref<!tpu.dma_semaphore, #tpu.memory_space<semaphore_mem>>
      %dma_start3A_112 = tpu.memref_slice %arg4[%add3A_111] : memref<20480xf32, #tpu.memory_space<hbm>> -> memref<640xf32, #tpu.memory_space<hbm>>
      %dma_start3A_113 = tpu.memref_slice %arg11[%mul3A_106] : memref<10240xf32, #tpu.memory_space<vmem_shared>> -> memref<640xf32, #tpu.memory_space<vmem_shared>>
      tpu.enqueue_dma source(%dma_start3A_113 : memref<640xf32, #tpu.memory_space<vmem_shared>>) target(%dma_start3A_112 : memref<640xf32, #tpu.memory_space<hbm>>) target_semaphore(%run_scoped3A : memref<!tpu.dma_semaphore, #tpu.memory_space<semaphore_mem>>)
      %dma_wait3A_114 = tpu.memref_slice %arg4[%add3A_111] : memref<20480xf32, #tpu.memory_space<hbm>> -> memref<640xf32, #tpu.memory_space<hbm>>
      %dma_wait3A_115 = tpu.memref_slice %arg11[%mul3A_106] : memref<10240xf32, #tpu.memory_space<vmem_shared>> -> memref<640xf32, #tpu.memory_space<vmem_shared>>
      tpu.wait_dma2 semaphore(%run_scoped3A : memref<!tpu.dma_semaphore, #tpu.memory_space<semaphore_mem>>) src(%dma_wait3A_115 : memref<640xf32, #tpu.memory_space<vmem_shared>>) dst(%dma_wait3A_114 : memref<640xf32, #tpu.memory_space<hbm>>)
      tpu.yield
    }) : () -> ()
    return
  }
}

#map = affine_map<(d0, d1) -> (0, 0)>
#map1 = affine_map<(d0, d1) -> (0)>
#map2 = affine_map<(d0, d1) -> (0, 0, 0)>
module attributes {stable_mosaic.version = 14 : i64} {
  func.func @_agg_kernel(%arg0: i32, %arg1: i32, %arg2: memref<10000x128xf32, #tpu.memory_space<hbm>>, %arg3: memref<344064xi32, #tpu.memory_space<hbm>>, %arg4: memref<344064xi32, #tpu.memory_space<hbm>>, %arg5: memref<344064xf32, #tpu.memory_space<hbm>>, %arg6: memref<2x10000x128xf32, #tpu.memory_space<hbm>>, %arg7: memref<128xi32, #tpu.memory_space<vmem>>, %arg8: memref<128xi32, #tpu.memory_space<vmem>>, %arg9: memref<128xi32, #tpu.memory_space<vmem>>, %arg10: memref<128xi32, #tpu.memory_space<vmem>>, %arg11: memref<128xi32, #tpu.memory_space<vmem>>, %arg12: memref<128xi32, #tpu.memory_space<vmem>>, %arg13: memref<128xi32, #tpu.memory_space<vmem>>, %arg14: memref<128xf32, #tpu.memory_space<vmem>>, %arg15: memref<128xf32, #tpu.memory_space<vmem>>, %arg16: memref<128xf32, #tpu.memory_space<vmem>>, %arg17: memref<128x128xf32, #tpu.memory_space<vmem>>, %arg18: memref<128x128xf32, #tpu.memory_space<vmem>>, %arg19: memref<128x128xf32, #tpu.memory_space<vmem>>, %arg20: memref<10000x128xf32, #tpu.memory_space<vmem_shared>>, %arg21: memref<!tpu.dma_semaphore, #tpu.memory_space<semaphore_mem>>, %arg22: memref<!tpu.dma_semaphore, #tpu.memory_space<semaphore_mem>>, %arg23: memref<!tpu.dma_semaphore, #tpu.memory_space<semaphore_mem>>, %arg24: memref<!tpu.dma_semaphore, #tpu.memory_space<semaphore_mem>>, %arg25: memref<!tpu.dma_semaphore, #tpu.memory_space<semaphore_mem>>, %arg26: memref<!tpu.dma_semaphore, #tpu.memory_space<semaphore_mem>>, %arg27: memref<!tpu.dma_semaphore, #tpu.memory_space<semaphore_mem>>, %arg28: memref<!tpu.dma_semaphore, #tpu.memory_space<semaphore_mem>>, %arg29: memref<!tpu.dma_semaphore, #tpu.memory_space<semaphore_mem>>, %arg30: memref<!tpu.dma_semaphore, #tpu.memory_space<semaphore_mem>>, %arg31: memref<!tpu.dma_semaphore, #tpu.memory_space<semaphore_mem>>, %arg32: memref<!tpu.dma_semaphore, #tpu.memory_space<semaphore_mem>>) attributes {dimension_semantics = [#tpu.dimension_semantics<core_parallel>, #tpu.dimension_semantics<subcore_parallel>], iteration_bounds = array<i64: 2, 16>, scalar_prefetch = 0 : i64, scratch_operands = 26 : i64, tpu.core_type = #tpu.core_type<sc_vector_subcore>, window_params = [{transform_indices = #map}, {transform_indices = #map1}, {transform_indices = #map1}, {transform_indices = #map1}, {transform_indices = #map2}]} {
    %mul3A = arith.constant 16 : i32
    %mul3A_0 = arith.muli %arg0, %mul3A : i32
    %add3A = arith.addi %mul3A_0, %arg1 : i32
    %mul3A_1 = arith.constant 10752 : i32
    %mul3A_2 = arith.muli %add3A, %mul3A_1 : i32
    %broadcast_in_dim3A = arith.constant 0.000000e+00 : f32
    %broadcast_in_dim3A_3 = vector.broadcast %broadcast_in_dim3A : f32 to vector<16xf32>
    %scan3A = arith.constant 0 : i32
    %scan3A_4 = arith.constant 0 : i32
    %scan3A_5 = arith.constant 128 : i32
    %scan3A_6 = arith.addi %scan3A_4, %scan3A_5 : i32
    %scan3A_7 = arith.constant 1 : i32
    scf.for %scan3A_95 = %scan3A_4 to %scan3A_6 step %scan3A_7  : i32 {
      %swap3A = arith.index_cast %scan3A_95 : i32 to index
      %swap3A_96 = arith.constant 0 : index
      %swap3A_97 = tpu.vector_load %arg17[%swap3A, %swap3A_96] {strides = array<i32>} : memref<128x128xf32, #tpu.memory_space<vmem>>, vector<16xf32>,
      tpu.vector_store %arg17[%swap3A, %swap3A_96], %broadcast_in_dim3A_3 {strides = array<i32>} : memref<128x128xf32, #tpu.memory_space<vmem>>, vector<16xf32>,
      %swap3A_98 = arith.index_cast %scan3A_95 : i32 to index
      %swap3A_99 = arith.constant 16 : index
      %swap3A_100 = tpu.vector_load %arg17[%swap3A_98, %swap3A_99] {strides = array<i32>} : memref<128x128xf32, #tpu.memory_space<vmem>>, vector<16xf32>,
      tpu.vector_store %arg17[%swap3A_98, %swap3A_99], %broadcast_in_dim3A_3 {strides = array<i32>} : memref<128x128xf32, #tpu.memory_space<vmem>>, vector<16xf32>,
      %swap3A_101 = arith.index_cast %scan3A_95 : i32 to index
      %swap3A_102 = arith.constant 32 : index
      %swap3A_103 = tpu.vector_load %arg17[%swap3A_101, %swap3A_102] {strides = array<i32>} : memref<128x128xf32, #tpu.memory_space<vmem>>, vector<16xf32>,
      tpu.vector_store %arg17[%swap3A_101, %swap3A_102], %broadcast_in_dim3A_3 {strides = array<i32>} : memref<128x128xf32, #tpu.memory_space<vmem>>, vector<16xf32>,
      %swap3A_104 = arith.index_cast %scan3A_95 : i32 to index
      %swap3A_105 = arith.constant 48 : index
      %swap3A_106 = tpu.vector_load %arg17[%swap3A_104, %swap3A_105] {strides = array<i32>} : memref<128x128xf32, #tpu.memory_space<vmem>>, vector<16xf32>,
      tpu.vector_store %arg17[%swap3A_104, %swap3A_105], %broadcast_in_dim3A_3 {strides = array<i32>} : memref<128x128xf32, #tpu.memory_space<vmem>>, vector<16xf32>,
      %swap3A_107 = arith.index_cast %scan3A_95 : i32 to index
      %swap3A_108 = arith.constant 64 : index
      %swap3A_109 = tpu.vector_load %arg17[%swap3A_107, %swap3A_108] {strides = array<i32>} : memref<128x128xf32, #tpu.memory_space<vmem>>, vector<16xf32>,
      tpu.vector_store %arg17[%swap3A_107, %swap3A_108], %broadcast_in_dim3A_3 {strides = array<i32>} : memref<128x128xf32, #tpu.memory_space<vmem>>, vector<16xf32>,
      %swap3A_110 = arith.index_cast %scan3A_95 : i32 to index
      %swap3A_111 = arith.constant 80 : index
      %swap3A_112 = tpu.vector_load %arg17[%swap3A_110, %swap3A_111] {strides = array<i32>} : memref<128x128xf32, #tpu.memory_space<vmem>>, vector<16xf32>,
      tpu.vector_store %arg17[%swap3A_110, %swap3A_111], %broadcast_in_dim3A_3 {strides = array<i32>} : memref<128x128xf32, #tpu.memory_space<vmem>>, vector<16xf32>,
      %swap3A_113 = arith.index_cast %scan3A_95 : i32 to index
      %swap3A_114 = arith.constant 96 : index
      %swap3A_115 = tpu.vector_load %arg17[%swap3A_113, %swap3A_114] {strides = array<i32>} : memref<128x128xf32, #tpu.memory_space<vmem>>, vector<16xf32>,
      tpu.vector_store %arg17[%swap3A_113, %swap3A_114], %broadcast_in_dim3A_3 {strides = array<i32>} : memref<128x128xf32, #tpu.memory_space<vmem>>, vector<16xf32>,
      %swap3A_116 = arith.index_cast %scan3A_95 : i32 to index
      %swap3A_117 = arith.constant 112 : index
      %swap3A_118 = tpu.vector_load %arg17[%swap3A_116, %swap3A_117] {strides = array<i32>} : memref<128x128xf32, #tpu.memory_space<vmem>>, vector<16xf32>,
      tpu.vector_store %arg17[%swap3A_116, %swap3A_117], %broadcast_in_dim3A_3 {strides = array<i32>} : memref<128x128xf32, #tpu.memory_space<vmem>>, vector<16xf32>,
    }
    %scan3A_8 = arith.constant 128 : i32
    %mul3A_9 = arith.constant 624 : i32
    %mul3A_10 = arith.muli %arg1, %mul3A_9 : i32
    %add3A_11 = arith.constant 0 : i32
    %add3A_12 = arith.addi %mul3A_10, %add3A_11 : i32
    "tpu.region"() ({
      %run_scoped3A = tpu.sem_alloc : memref<!tpu.dma_semaphore, #tpu.memory_space<semaphore_mem>>
      %dma_start3A_95 = arith.constant 0 : i32
      %dma_start3A_96 = tpu.memref_slice %arg20[%add3A_12, %dma_start3A_95] : memref<10000x128xf32, #tpu.memory_space<vmem_shared>> -> memref<128x128xf32, #tpu.memory_space<vmem_shared>>
      %dma_start3A_97 = arith.constant 0 : i32
      %dma_start3A_98 = tpu.memref_slice %arg20[%add3A_12, %dma_start3A_97] : memref<10000x128xf32, #tpu.memory_space<vmem_shared>> -> memref<128x128xf32, #tpu.memory_space<vmem_shared>>
      tpu.enqueue_dma source(%arg17 : memref<128x128xf32, #tpu.memory_space<vmem>>) target(%dma_start3A_98 : memref<128x128xf32, #tpu.memory_space<vmem_shared>>) target_semaphore(%run_scoped3A : memref<!tpu.dma_semaphore, #tpu.memory_space<semaphore_mem>>)
      %dma_wait3A_99 = arith.constant 0 : i32
      %dma_wait3A_100 = tpu.memref_slice %arg20[%add3A_12, %dma_wait3A_99] : memref<10000x128xf32, #tpu.memory_space<vmem_shared>> -> memref<128x128xf32, #tpu.memory_space<vmem_shared>>
      %dma_wait3A_101 = arith.constant 0 : i32
      %dma_wait3A_102 = tpu.memref_slice %arg20[%add3A_12, %dma_wait3A_101] : memref<10000x128xf32, #tpu.memory_space<vmem_shared>> -> memref<128x128xf32, #tpu.memory_space<vmem_shared>>
      tpu.wait_dma2 semaphore(%run_scoped3A : memref<!tpu.dma_semaphore, #tpu.memory_space<semaphore_mem>>) src(%arg17 : memref<128x128xf32, #tpu.memory_space<vmem>>) dst(%dma_wait3A_102 : memref<128x128xf32, #tpu.memory_space<vmem_shared>>)
      tpu.yield
    }) : () -> ()
    %add3A_13 = arith.constant 128 : i32
    %add3A_14 = arith.addi %mul3A_10, %add3A_13 : i32
    "tpu.region"() ({
      %run_scoped3A = tpu.sem_alloc : memref<!tpu.dma_semaphore, #tpu.memory_space<semaphore_mem>>
      %dma_start3A_95 = arith.constant 0 : i32
      %dma_start3A_96 = tpu.memref_slice %arg20[%add3A_14, %dma_start3A_95] : memref<10000x128xf32, #tpu.memory_space<vmem_shared>> -> memref<128x128xf32, #tpu.memory_space<vmem_shared>>
      %dma_start3A_97 = arith.constant 0 : i32
      %dma_start3A_98 = tpu.memref_slice %arg20[%add3A_14, %dma_start3A_97] : memref<10000x128xf32, #tpu.memory_space<vmem_shared>> -> memref<128x128xf32, #tpu.memory_space<vmem_shared>>
      tpu.enqueue_dma source(%arg17 : memref<128x128xf32, #tpu.memory_space<vmem>>) target(%dma_start3A_98 : memref<128x128xf32, #tpu.memory_space<vmem_shared>>) target_semaphore(%run_scoped3A : memref<!tpu.dma_semaphore, #tpu.memory_space<semaphore_mem>>)
      %dma_wait3A_99 = arith.constant 0 : i32
      %dma_wait3A_100 = tpu.memref_slice %arg20[%add3A_14, %dma_wait3A_99] : memref<10000x128xf32, #tpu.memory_space<vmem_shared>> -> memref<128x128xf32, #tpu.memory_space<vmem_shared>>
      %dma_wait3A_101 = arith.constant 0 : i32
      %dma_wait3A_102 = tpu.memref_slice %arg20[%add3A_14, %dma_wait3A_101] : memref<10000x128xf32, #tpu.memory_space<vmem_shared>> -> memref<128x128xf32, #tpu.memory_space<vmem_shared>>
      tpu.wait_dma2 semaphore(%run_scoped3A : memref<!tpu.dma_semaphore, #tpu.memory_space<semaphore_mem>>) src(%arg17 : memref<128x128xf32, #tpu.memory_space<vmem>>) dst(%dma_wait3A_102 : memref<128x128xf32, #tpu.memory_space<vmem_shared>>)
      tpu.yield
    }) : () -> ()
    %add3A_15 = arith.constant 256 : i32
    %add3A_16 = arith.addi %mul3A_10, %add3A_15 : i32
    "tpu.region"() ({
      %run_scoped3A = tpu.sem_alloc : memref<!tpu.dma_semaphore, #tpu.memory_space<semaphore_mem>>
      %dma_start3A_95 = arith.constant 0 : i32
      %dma_start3A_96 = tpu.memref_slice %arg20[%add3A_16, %dma_start3A_95] : memref<10000x128xf32, #tpu.memory_space<vmem_shared>> -> memref<128x128xf32, #tpu.memory_space<vmem_shared>>
      %dma_start3A_97 = arith.constant 0 : i32
      %dma_start3A_98 = tpu.memref_slice %arg20[%add3A_16, %dma_start3A_97] : memref<10000x128xf32, #tpu.memory_space<vmem_shared>> -> memref<128x128xf32, #tpu.memory_space<vmem_shared>>
      tpu.enqueue_dma source(%arg17 : memref<128x128xf32, #tpu.memory_space<vmem>>) target(%dma_start3A_98 : memref<128x128xf32, #tpu.memory_space<vmem_shared>>) target_semaphore(%run_scoped3A : memref<!tpu.dma_semaphore, #tpu.memory_space<semaphore_mem>>)
      %dma_wait3A_99 = arith.constant 0 : i32
      %dma_wait3A_100 = tpu.memref_slice %arg20[%add3A_16, %dma_wait3A_99] : memref<10000x128xf32, #tpu.memory_space<vmem_shared>> -> memref<128x128xf32, #tpu.memory_space<vmem_shared>>
      %dma_wait3A_101 = arith.constant 0 : i32
      %dma_wait3A_102 = tpu.memref_slice %arg20[%add3A_16, %dma_wait3A_101] : memref<10000x128xf32, #tpu.memory_space<vmem_shared>> -> memref<128x128xf32, #tpu.memory_space<vmem_shared>>
      tpu.wait_dma2 semaphore(%run_scoped3A : memref<!tpu.dma_semaphore, #tpu.memory_space<semaphore_mem>>) src(%arg17 : memref<128x128xf32, #tpu.memory_space<vmem>>) dst(%dma_wait3A_102 : memref<128x128xf32, #tpu.memory_space<vmem_shared>>)
      tpu.yield
    }) : () -> ()
    %add3A_17 = arith.constant 384 : i32
    %add3A_18 = arith.addi %mul3A_10, %add3A_17 : i32
    "tpu.region"() ({
      %run_scoped3A = tpu.sem_alloc : memref<!tpu.dma_semaphore, #tpu.memory_space<semaphore_mem>>
      %dma_start3A_95 = arith.constant 0 : i32
      %dma_start3A_96 = tpu.memref_slice %arg20[%add3A_18, %dma_start3A_95] : memref<10000x128xf32, #tpu.memory_space<vmem_shared>> -> memref<128x128xf32, #tpu.memory_space<vmem_shared>>
      %dma_start3A_97 = arith.constant 0 : i32
      %dma_start3A_98 = tpu.memref_slice %arg20[%add3A_18, %dma_start3A_97] : memref<10000x128xf32, #tpu.memory_space<vmem_shared>> -> memref<128x128xf32, #tpu.memory_space<vmem_shared>>
      tpu.enqueue_dma source(%arg17 : memref<128x128xf32, #tpu.memory_space<vmem>>) target(%dma_start3A_98 : memref<128x128xf32, #tpu.memory_space<vmem_shared>>) target_semaphore(%run_scoped3A : memref<!tpu.dma_semaphore, #tpu.memory_space<semaphore_mem>>)
      %dma_wait3A_99 = arith.constant 0 : i32
      %dma_wait3A_100 = tpu.memref_slice %arg20[%add3A_18, %dma_wait3A_99] : memref<10000x128xf32, #tpu.memory_space<vmem_shared>> -> memref<128x128xf32, #tpu.memory_space<vmem_shared>>
      %dma_wait3A_101 = arith.constant 0 : i32
      %dma_wait3A_102 = tpu.memref_slice %arg20[%add3A_18, %dma_wait3A_101] : memref<10000x128xf32, #tpu.memory_space<vmem_shared>> -> memref<128x128xf32, #tpu.memory_space<vmem_shared>>
      tpu.wait_dma2 semaphore(%run_scoped3A : memref<!tpu.dma_semaphore, #tpu.memory_space<semaphore_mem>>) src(%arg17 : memref<128x128xf32, #tpu.memory_space<vmem>>) dst(%dma_wait3A_102 : memref<128x128xf32, #tpu.memory_space<vmem_shared>>)
      tpu.yield
    }) : () -> ()
    %add3A_19 = arith.constant 624 : i32
    %add3A_20 = arith.addi %mul3A_10, %add3A_19 : i32
    %sub3A = arith.constant 112 : i32
    %sub3A_21 = arith.subi %add3A_20, %sub3A : i32
    "tpu.region"() ({
      %run_scoped3A = tpu.sem_alloc : memref<!tpu.dma_semaphore, #tpu.memory_space<semaphore_mem>>
      %dma_start3A_95 = arith.constant 0 : i32
      %dma_start3A_96 = arith.constant 0 : i32
      %dma_start3A_97 = tpu.memref_slice %arg17[%dma_start3A_95, %dma_start3A_96] : memref<128x128xf32, #tpu.memory_space<vmem>> -> memref<112x128xf32, #tpu.memory_space<vmem>>
      %dma_start3A_98 = arith.constant 0 : i32
      %dma_start3A_99 = tpu.memref_slice %arg20[%sub3A_21, %dma_start3A_98] : memref<10000x128xf32, #tpu.memory_space<vmem_shared>> -> memref<112x128xf32, #tpu.memory_space<vmem_shared>>
      %dma_start3A_100 = arith.constant 0 : i32
      %dma_start3A_101 = tpu.memref_slice %arg20[%sub3A_21, %dma_start3A_100] : memref<10000x128xf32, #tpu.memory_space<vmem_shared>> -> memref<112x128xf32, #tpu.memory_space<vmem_shared>>
      %dma_start3A_102 = arith.constant 0 : i32
      %dma_start3A_103 = arith.constant 0 : i32
      %dma_start3A_104 = tpu.memref_slice %arg17[%dma_start3A_102, %dma_start3A_103] : memref<128x128xf32, #tpu.memory_space<vmem>> -> memref<112x128xf32, #tpu.memory_space<vmem>>
      tpu.enqueue_dma source(%dma_start3A_104 : memref<112x128xf32, #tpu.memory_space<vmem>>) target(%dma_start3A_101 : memref<112x128xf32, #tpu.memory_space<vmem_shared>>) target_semaphore(%run_scoped3A : memref<!tpu.dma_semaphore, #tpu.memory_space<semaphore_mem>>)
      %dma_wait3A_105 = arith.constant 0 : i32
      %dma_wait3A_106 = arith.constant 0 : i32
      %dma_wait3A_107 = tpu.memref_slice %arg17[%dma_wait3A_105, %dma_wait3A_106] : memref<128x128xf32, #tpu.memory_space<vmem>> -> memref<112x128xf32, #tpu.memory_space<vmem>>
      %dma_wait3A_108 = arith.constant 0 : i32
      %dma_wait3A_109 = tpu.memref_slice %arg20[%sub3A_21, %dma_wait3A_108] : memref<10000x128xf32, #tpu.memory_space<vmem_shared>> -> memref<112x128xf32, #tpu.memory_space<vmem_shared>>
      %dma_wait3A_110 = arith.constant 0 : i32
      %dma_wait3A_111 = tpu.memref_slice %arg20[%sub3A_21, %dma_wait3A_110] : memref<10000x128xf32, #tpu.memory_space<vmem_shared>> -> memref<112x128xf32, #tpu.memory_space<vmem_shared>>
      %dma_wait3A_112 = arith.constant 0 : i32
      %dma_wait3A_113 = arith.constant 0 : i32
      %dma_wait3A_114 = tpu.memref_slice %arg17[%dma_wait3A_112, %dma_wait3A_113] : memref<128x128xf32, #tpu.memory_space<vmem>> -> memref<112x128xf32, #tpu.memory_space<vmem>>
      tpu.wait_dma2 semaphore(%run_scoped3A : memref<!tpu.dma_semaphore, #tpu.memory_space<semaphore_mem>>) src(%dma_wait3A_114 : memref<112x128xf32, #tpu.memory_space<vmem>>) dst(%dma_wait3A_111 : memref<112x128xf32, #tpu.memory_space<vmem_shared>>)
      tpu.yield
    }) : () -> ()
    %eq3A = arith.constant 15 : i32
    %eq3A_22 = arith.cmpi eq, %arg1, %eq3A : i32
    %convert_element_type3A = arith.extui %eq3A_22 : i1 to i32
    %cond3A = arith.constant 0 : i32
    %cond3A_23 = arith.cmpi ne, %convert_element_type3A, %cond3A : i32
    scf.if %cond3A_23 {
      "tpu.region"() ({
        %run_scoped3A = tpu.sem_alloc : memref<!tpu.dma_semaphore, #tpu.memory_space<semaphore_mem>>
        %dma_start3A_95 = arith.constant 0 : i32
        %dma_start3A_96 = arith.constant 0 : i32
        %dma_start3A_97 = tpu.memref_slice %arg17[%dma_start3A_95, %dma_start3A_96] : memref<128x128xf32, #tpu.memory_space<vmem>> -> memref<16x128xf32, #tpu.memory_space<vmem>>
        %dma_start3A_98 = arith.constant 9984 : i32
        %dma_start3A_99 = arith.constant 0 : i32
        %dma_start3A_100 = tpu.memref_slice %arg20[%dma_start3A_98, %dma_start3A_99] : memref<10000x128xf32, #tpu.memory_space<vmem_shared>> -> memref<16x128xf32, #tpu.memory_space<vmem_shared>>
        %dma_start3A_101 = arith.constant 9984 : i32
        %dma_start3A_102 = arith.constant 0 : i32
        %dma_start3A_103 = tpu.memref_slice %arg20[%dma_start3A_101, %dma_start3A_102] : memref<10000x128xf32, #tpu.memory_space<vmem_shared>> -> memref<16x128xf32, #tpu.memory_space<vmem_shared>>
        %dma_start3A_104 = arith.constant 0 : i32
        %dma_start3A_105 = arith.constant 0 : i32
        %dma_start3A_106 = tpu.memref_slice %arg17[%dma_start3A_104, %dma_start3A_105] : memref<128x128xf32, #tpu.memory_space<vmem>> -> memref<16x128xf32, #tpu.memory_space<vmem>>
        tpu.enqueue_dma source(%dma_start3A_106 : memref<16x128xf32, #tpu.memory_space<vmem>>) target(%dma_start3A_103 : memref<16x128xf32, #tpu.memory_space<vmem_shared>>) target_semaphore(%run_scoped3A : memref<!tpu.dma_semaphore, #tpu.memory_space<semaphore_mem>>)
        %dma_wait3A_107 = arith.constant 0 : i32
        %dma_wait3A_108 = arith.constant 0 : i32
        %dma_wait3A_109 = tpu.memref_slice %arg17[%dma_wait3A_107, %dma_wait3A_108] : memref<128x128xf32, #tpu.memory_space<vmem>> -> memref<16x128xf32, #tpu.memory_space<vmem>>
        %dma_wait3A_110 = arith.constant 9984 : i32
        %dma_wait3A_111 = arith.constant 0 : i32
        %dma_wait3A_112 = tpu.memref_slice %arg20[%dma_wait3A_110, %dma_wait3A_111] : memref<10000x128xf32, #tpu.memory_space<vmem_shared>> -> memref<16x128xf32, #tpu.memory_space<vmem_shared>>
        %dma_wait3A_113 = arith.constant 9984 : i32
        %dma_wait3A_114 = arith.constant 0 : i32
        %dma_wait3A_115 = tpu.memref_slice %arg20[%dma_wait3A_113, %dma_wait3A_114] : memref<10000x128xf32, #tpu.memory_space<vmem_shared>> -> memref<16x128xf32, #tpu.memory_space<vmem_shared>>
        %dma_wait3A_116 = arith.constant 0 : i32
        %dma_wait3A_117 = arith.constant 0 : i32
        %dma_wait3A_118 = tpu.memref_slice %arg17[%dma_wait3A_116, %dma_wait3A_117] : memref<128x128xf32, #tpu.memory_space<vmem>> -> memref<16x128xf32, #tpu.memory_space<vmem>>
        tpu.wait_dma2 semaphore(%run_scoped3A : memref<!tpu.dma_semaphore, #tpu.memory_space<semaphore_mem>>) src(%dma_wait3A_118 : memref<16x128xf32, #tpu.memory_space<vmem>>) dst(%dma_wait3A_115 : memref<16x128xf32, #tpu.memory_space<vmem_shared>>)
        tpu.yield
      }) : () -> ()
    } else {
    }
    %barrier3A = arith.constant 0 : index
    tpu.barrier barrier_id(%barrier3A)
    %add3A_24 = arith.constant 0 : i32
    %add3A_25 = arith.addi %mul3A_2, %add3A_24 : i32
    %dma_start3A = tpu.memref_slice %arg3[%add3A_25] : memref<344064xi32, #tpu.memory_space<hbm>> -> memref<128xi32, #tpu.memory_space<hbm>>
    %dma_start3A_26 = tpu.memref_slice %arg3[%add3A_25] : memref<344064xi32, #tpu.memory_space<hbm>> -> memref<128xi32, #tpu.memory_space<hbm>>
    tpu.enqueue_dma source(%dma_start3A_26 : memref<128xi32, #tpu.memory_space<hbm>>) target(%arg7 : memref<128xi32, #tpu.memory_space<vmem>>) target_semaphore(%arg21 : memref<!tpu.dma_semaphore, #tpu.memory_space<semaphore_mem>>)
    %add3A_27 = arith.constant 0 : i32
    %add3A_28 = arith.addi %mul3A_2, %add3A_27 : i32
    %dma_start3A_29 = tpu.memref_slice %arg5[%add3A_28] : memref<344064xf32, #tpu.memory_space<hbm>> -> memref<128xf32, #tpu.memory_space<hbm>>
    %dma_start3A_30 = tpu.memref_slice %arg5[%add3A_28] : memref<344064xf32, #tpu.memory_space<hbm>> -> memref<128xf32, #tpu.memory_space<hbm>>
    tpu.enqueue_dma source(%dma_start3A_30 : memref<128xf32, #tpu.memory_space<hbm>>) target(%arg14 : memref<128xf32, #tpu.memory_space<vmem>>) target_semaphore(%arg21 : memref<!tpu.dma_semaphore, #tpu.memory_space<semaphore_mem>>)
    %add3A_31 = arith.constant 0 : i32
    %add3A_32 = arith.addi %mul3A_2, %add3A_31 : i32
    %dma_start3A_33 = tpu.memref_slice %arg4[%add3A_32] : memref<344064xi32, #tpu.memory_space<hbm>> -> memref<128xi32, #tpu.memory_space<hbm>>
    %dma_start3A_34 = tpu.memref_slice %arg4[%add3A_32] : memref<344064xi32, #tpu.memory_space<hbm>> -> memref<128xi32, #tpu.memory_space<hbm>>
    tpu.enqueue_dma source(%dma_start3A_34 : memref<128xi32, #tpu.memory_space<hbm>>) target(%arg10 : memref<128xi32, #tpu.memory_space<vmem>>) target_semaphore(%arg24 : memref<!tpu.dma_semaphore, #tpu.memory_space<semaphore_mem>>)
    %add3A_35 = arith.constant 128 : i32
    %add3A_36 = arith.addi %mul3A_2, %add3A_35 : i32
    %dma_start3A_37 = tpu.memref_slice %arg3[%add3A_36] : memref<344064xi32, #tpu.memory_space<hbm>> -> memref<128xi32, #tpu.memory_space<hbm>>
    %dma_start3A_38 = tpu.memref_slice %arg3[%add3A_36] : memref<344064xi32, #tpu.memory_space<hbm>> -> memref<128xi32, #tpu.memory_space<hbm>>
    tpu.enqueue_dma source(%dma_start3A_38 : memref<128xi32, #tpu.memory_space<hbm>>) target(%arg8 : memref<128xi32, #tpu.memory_space<vmem>>) target_semaphore(%arg22 : memref<!tpu.dma_semaphore, #tpu.memory_space<semaphore_mem>>)
    %add3A_39 = arith.constant 128 : i32
    %add3A_40 = arith.addi %mul3A_2, %add3A_39 : i32
    %dma_start3A_41 = tpu.memref_slice %arg5[%add3A_40] : memref<344064xf32, #tpu.memory_space<hbm>> -> memref<128xf32, #tpu.memory_space<hbm>>
    %dma_start3A_42 = tpu.memref_slice %arg5[%add3A_40] : memref<344064xf32, #tpu.memory_space<hbm>> -> memref<128xf32, #tpu.memory_space<hbm>>
    tpu.enqueue_dma source(%dma_start3A_42 : memref<128xf32, #tpu.memory_space<hbm>>) target(%arg15 : memref<128xf32, #tpu.memory_space<vmem>>) target_semaphore(%arg22 : memref<!tpu.dma_semaphore, #tpu.memory_space<semaphore_mem>>)
    %add3A_43 = arith.constant 128 : i32
    %add3A_44 = arith.addi %mul3A_2, %add3A_43 : i32
    %dma_start3A_45 = tpu.memref_slice %arg4[%add3A_44] : memref<344064xi32, #tpu.memory_space<hbm>> -> memref<128xi32, #tpu.memory_space<hbm>>
    %dma_start3A_46 = tpu.memref_slice %arg4[%add3A_44] : memref<344064xi32, #tpu.memory_space<hbm>> -> memref<128xi32, #tpu.memory_space<hbm>>
    tpu.enqueue_dma source(%dma_start3A_46 : memref<128xi32, #tpu.memory_space<hbm>>) target(%arg11 : memref<128xi32, #tpu.memory_space<vmem>>) target_semaphore(%arg25 : memref<!tpu.dma_semaphore, #tpu.memory_space<semaphore_mem>>)
    %add3A_47 = arith.constant 256 : i32
    %add3A_48 = arith.addi %mul3A_2, %add3A_47 : i32
    %dma_start3A_49 = tpu.memref_slice %arg3[%add3A_48] : memref<344064xi32, #tpu.memory_space<hbm>> -> memref<128xi32, #tpu.memory_space<hbm>>
    %dma_start3A_50 = tpu.memref_slice %arg3[%add3A_48] : memref<344064xi32, #tpu.memory_space<hbm>> -> memref<128xi32, #tpu.memory_space<hbm>>
    tpu.enqueue_dma source(%dma_start3A_50 : memref<128xi32, #tpu.memory_space<hbm>>) target(%arg9 : memref<128xi32, #tpu.memory_space<vmem>>) target_semaphore(%arg23 : memref<!tpu.dma_semaphore, #tpu.memory_space<semaphore_mem>>)
    %add3A_51 = arith.constant 256 : i32
    %add3A_52 = arith.addi %mul3A_2, %add3A_51 : i32
    %dma_start3A_53 = tpu.memref_slice %arg5[%add3A_52] : memref<344064xf32, #tpu.memory_space<hbm>> -> memref<128xf32, #tpu.memory_space<hbm>>
    %dma_start3A_54 = tpu.memref_slice %arg5[%add3A_52] : memref<344064xf32, #tpu.memory_space<hbm>> -> memref<128xf32, #tpu.memory_space<hbm>>
    tpu.enqueue_dma source(%dma_start3A_54 : memref<128xf32, #tpu.memory_space<hbm>>) target(%arg16 : memref<128xf32, #tpu.memory_space<vmem>>) target_semaphore(%arg23 : memref<!tpu.dma_semaphore, #tpu.memory_space<semaphore_mem>>)
    %add3A_55 = arith.constant 256 : i32
    %add3A_56 = arith.addi %mul3A_2, %add3A_55 : i32
    %dma_start3A_57 = tpu.memref_slice %arg4[%add3A_56] : memref<344064xi32, #tpu.memory_space<hbm>> -> memref<128xi32, #tpu.memory_space<hbm>>
    %dma_start3A_58 = tpu.memref_slice %arg4[%add3A_56] : memref<344064xi32, #tpu.memory_space<hbm>> -> memref<128xi32, #tpu.memory_space<hbm>>
    tpu.enqueue_dma source(%dma_start3A_58 : memref<128xi32, #tpu.memory_space<hbm>>) target(%arg12 : memref<128xi32, #tpu.memory_space<vmem>>) target_semaphore(%arg26 : memref<!tpu.dma_semaphore, #tpu.memory_space<semaphore_mem>>)
    %add3A_59 = arith.constant 0 : i32
    %add3A_60 = arith.addi %mul3A_2, %add3A_59 : i32
    %dma_wait3A = tpu.memref_slice %arg3[%add3A_60] : memref<344064xi32, #tpu.memory_space<hbm>> -> memref<128xi32, #tpu.memory_space<hbm>>
    %dma_wait3A_61 = tpu.memref_slice %arg3[%add3A_60] : memref<344064xi32, #tpu.memory_space<hbm>> -> memref<128xi32, #tpu.memory_space<hbm>>
    tpu.wait_dma2 semaphore(%arg21 : memref<!tpu.dma_semaphore, #tpu.memory_space<semaphore_mem>>) src(%dma_wait3A_61 : memref<128xi32, #tpu.memory_space<hbm>>) dst(%arg7 : memref<128xi32, #tpu.memory_space<vmem>>)
    %add3A_62 = arith.constant 0 : i32
    %add3A_63 = arith.addi %mul3A_2, %add3A_62 : i32
    %dma_wait3A_64 = tpu.memref_slice %arg5[%add3A_63] : memref<344064xf32, #tpu.memory_space<hbm>> -> memref<128xf32, #tpu.memory_space<hbm>>
    %dma_wait3A_65 = tpu.memref_slice %arg5[%add3A_63] : memref<344064xf32, #tpu.memory_space<hbm>> -> memref<128xf32, #tpu.memory_space<hbm>>
    tpu.wait_dma2 semaphore(%arg21 : memref<!tpu.dma_semaphore, #tpu.memory_space<semaphore_mem>>) src(%dma_wait3A_65 : memref<128xf32, #tpu.memory_space<hbm>>) dst(%arg14 : memref<128xf32, #tpu.memory_space<vmem>>)
    %dma_start3A_66 = arith.constant 0 : i32
    %dma_start3A_67 = arith.constant 0 : i32
    %dma_start3A_68 = tpu.memref_slice %arg2[%dma_start3A_66, %dma_start3A_67] : memref<10000x128xf32, #tpu.memory_space<hbm>> -> memref<10000x128xf32, #tpu.memory_space<hbm>>
    tpu.enqueue_indirect_dma source(%dma_start3A_68 : memref<10000x128xf32, #tpu.memory_space<hbm>>) target(%arg17 : memref<128x128xf32, #tpu.memory_space<vmem>>) offsets(%arg7 : memref<128xi32, #tpu.memory_space<vmem>>) semaphore(%arg28 : memref<!tpu.dma_semaphore, #tpu.memory_space<semaphore_mem>>)
    %add3A_69 = arith.constant 128 : i32
    %add3A_70 = arith.addi %mul3A_2, %add3A_69 : i32
    %dma_wait3A_71 = tpu.memref_slice %arg3[%add3A_70] : memref<344064xi32, #tpu.memory_space<hbm>> -> memref<128xi32, #tpu.memory_space<hbm>>
    %dma_wait3A_72 = tpu.memref_slice %arg3[%add3A_70] : memref<344064xi32, #tpu.memory_space<hbm>> -> memref<128xi32, #tpu.memory_space<hbm>>
    tpu.wait_dma2 semaphore(%arg22 : memref<!tpu.dma_semaphore, #tpu.memory_space<semaphore_mem>>) src(%dma_wait3A_72 : memref<128xi32, #tpu.memory_space<hbm>>) dst(%arg8 : memref<128xi32, #tpu.memory_space<vmem>>)
    %add3A_73 = arith.constant 128 : i32
    %add3A_74 = arith.addi %mul3A_2, %add3A_73 : i32
    %dma_wait3A_75 = tpu.memref_slice %arg5[%add3A_74] : memref<344064xf32, #tpu.memory_space<hbm>> -> memref<128xf32, #tpu.memory_space<hbm>>
    %dma_wait3A_76 = tpu.memref_slice %arg5[%add3A_74] : memref<344064xf32, #tpu.memory_space<hbm>> -> memref<128xf32, #tpu.memory_space<hbm>>
    tpu.wait_dma2 semaphore(%arg22 : memref<!tpu.dma_semaphore, #tpu.memory_space<semaphore_mem>>) src(%dma_wait3A_76 : memref<128xf32, #tpu.memory_space<hbm>>) dst(%arg15 : memref<128xf32, #tpu.memory_space<vmem>>)
    %dma_start3A_77 = arith.constant 0 : i32
    %dma_start3A_78 = arith.constant 0 : i32
    %dma_start3A_79 = tpu.memref_slice %arg2[%dma_start3A_77, %dma_start3A_78] : memref<10000x128xf32, #tpu.memory_space<hbm>> -> memref<10000x128xf32, #tpu.memory_space<hbm>>
    tpu.enqueue_indirect_dma source(%dma_start3A_79 : memref<10000x128xf32, #tpu.memory_space<hbm>>) target(%arg18 : memref<128x128xf32, #tpu.memory_space<vmem>>) offsets(%arg8 : memref<128xi32, #tpu.memory_space<vmem>>) semaphore(%arg29 : memref<!tpu.dma_semaphore, #tpu.memory_space<semaphore_mem>>)
    %scan3A_80 = arith.constant 0 : i32
    %scan3A_81 = arith.constant 0 : i32
    %scan3A_82 = arith.constant 7 : i32
    %scan3A_83 = arith.addi %scan3A_81, %scan3A_82 : i32
    %scan3A_84 = arith.constant 1 : i32
    scf.for %scan3A_95 = %scan3A_81 to %scan3A_83 step %scan3A_84  : i32 {
      %mul3A_96 = arith.constant 12 : i32
      %mul3A_97 = arith.muli %scan3A_95, %mul3A_96 : i32
      %add3A_98 = arith.constant 0 : i32
      %add3A_99 = arith.addi %mul3A_97, %add3A_98 : i32
      %ge3A = arith.constant 1 : i32
      %ge3A_100 = arith.cmpi sge, %add3A_99, %ge3A : i32
      %convert_element_type3A_101 = arith.extui %ge3A_100 : i1 to i32
      %cond3A_102 = arith.constant 0 : i32
      %cond3A_103 = arith.cmpi ne, %convert_element_type3A_101, %cond3A_102 : i32
      scf.if %cond3A_103 {
        %dma_wait3A_574 = arith.constant 0 : i32
        %dma_wait3A_575 = arith.constant 0 : i32
        %dma_wait3A_576 = tpu.memref_slice %arg20[%dma_wait3A_574, %dma_wait3A_575] : memref<10000x128xf32, #tpu.memory_space<vmem_shared>> -> memref<10000x128xf32, #tpu.memory_space<vmem_shared>>
        tpu.wait_indirect_dma semaphore(%arg32 : memref<!tpu.dma_semaphore, #tpu.memory_space<semaphore_mem>>) src(%arg19 : memref<128x128xf32, #tpu.memory_space<vmem>>) dst(%dma_wait3A_576 : memref<10000x128xf32, #tpu.memory_space<vmem_shared>>)
      } else {
      }
      %dma_wait3A_104 = arith.constant 0 : i32
      %dma_wait3A_105 = arith.constant 0 : i32
      %dma_wait3A_106 = tpu.memref_slice %arg2[%dma_wait3A_104, %dma_wait3A_105] : memref<10000x128xf32, #tpu.memory_space<hbm>> -> memref<10000x128xf32, #tpu.memory_space<hbm>>
      tpu.wait_indirect_dma semaphore(%arg28 : memref<!tpu.dma_semaphore, #tpu.memory_space<semaphore_mem>>) src(%dma_wait3A_106 : memref<10000x128xf32, #tpu.memory_space<hbm>>) dst(%arg17 : memref<128x128xf32, #tpu.memory_space<vmem>>)
      %scan3A_107 = arith.constant 0 : i32
      %scan3A_108 = arith.constant 0 : i32
      %scan3A_109 = arith.constant 128 : i32
      %scan3A_110 = arith.addi %scan3A_108, %scan3A_109 : i32
      %scan3A_111 = arith.constant 1 : i32
      scf.for %scan3A_574 = %scan3A_108 to %scan3A_110 step %scan3A_111  : i32 {
        %broadcast_in_dim3A_575 = arith.constant 0 : i32
        %broadcast_in_dim3A_576 = vector.broadcast %broadcast_in_dim3A_575 : i32 to vector<16xi32>
        %add3A_577 = vector.broadcast %scan3A_574 : i32 to vector<16xi32>
        %add3A_578 = arith.addi %broadcast_in_dim3A_576, %add3A_577 : vector<16xi32>
        %gather3A = tpu.vector_load_idx %arg14[%add3A_578] : memref<128xf32, #tpu.memory_space<vmem>>[vector<16xi32>], vector<16xf32>,
        %get3A = arith.index_cast %scan3A_574 : i32 to index
        %get3A_579 = arith.constant 0 : index
        %get3A_580 = tpu.vector_load %arg17[%get3A, %get3A_579] {strides = array<i32>} : memref<128x128xf32, #tpu.memory_space<vmem>>, vector<16xf32>,
        %mul3A_581 = arith.mulf %get3A_580, %gather3A : vector<16xf32>
        %swap3A = arith.index_cast %scan3A_574 : i32 to index
        %swap3A_582 = arith.constant 0 : index
        %swap3A_583 = tpu.vector_load %arg17[%swap3A, %swap3A_582] {strides = array<i32>} : memref<128x128xf32, #tpu.memory_space<vmem>>, vector<16xf32>,
        tpu.vector_store %arg17[%swap3A, %swap3A_582], %mul3A_581 {strides = array<i32>} : memref<128x128xf32, #tpu.memory_space<vmem>>, vector<16xf32>,
        %get3A_584 = arith.index_cast %scan3A_574 : i32 to index
        %get3A_585 = arith.constant 16 : index
        %get3A_586 = tpu.vector_load %arg17[%get3A_584, %get3A_585] {strides = array<i32>} : memref<128x128xf32, #tpu.memory_space<vmem>>, vector<16xf32>,
        %mul3A_587 = arith.mulf %get3A_586, %gather3A : vector<16xf32>
        %swap3A_588 = arith.index_cast %scan3A_574 : i32 to index
        %swap3A_589 = arith.constant 16 : index
        %swap3A_590 = tpu.vector_load %arg17[%swap3A_588, %swap3A_589] {strides = array<i32>} : memref<128x128xf32, #tpu.memory_space<vmem>>, vector<16xf32>,
        tpu.vector_store %arg17[%swap3A_588, %swap3A_589], %mul3A_587 {strides = array<i32>} : memref<128x128xf32, #tpu.memory_space<vmem>>, vector<16xf32>,
        %get3A_591 = arith.index_cast %scan3A_574 : i32 to index
        %get3A_592 = arith.constant 32 : index
        %get3A_593 = tpu.vector_load %arg17[%get3A_591, %get3A_592] {strides = array<i32>} : memref<128x128xf32, #tpu.memory_space<vmem>>, vector<16xf32>,
        %mul3A_594 = arith.mulf %get3A_593, %gather3A : vector<16xf32>
        %swap3A_595 = arith.index_cast %scan3A_574 : i32 to index
        %swap3A_596 = arith.constant 32 : index
        %swap3A_597 = tpu.vector_load %arg17[%swap3A_595, %swap3A_596] {strides = array<i32>} : memref<128x128xf32, #tpu.memory_space<vmem>>, vector<16xf32>,
        tpu.vector_store %arg17[%swap3A_595, %swap3A_596], %mul3A_594 {strides = array<i32>} : memref<128x128xf32, #tpu.memory_space<vmem>>, vector<16xf32>,
        %get3A_598 = arith.index_cast %scan3A_574 : i32 to index
        %get3A_599 = arith.constant 48 : index
        %get3A_600 = tpu.vector_load %arg17[%get3A_598, %get3A_599] {strides = array<i32>} : memref<128x128xf32, #tpu.memory_space<vmem>>, vector<16xf32>,
        %mul3A_601 = arith.mulf %get3A_600, %gather3A : vector<16xf32>
        %swap3A_602 = arith.index_cast %scan3A_574 : i32 to index
        %swap3A_603 = arith.constant 48 : index
        %swap3A_604 = tpu.vector_load %arg17[%swap3A_602, %swap3A_603] {strides = array<i32>} : memref<128x128xf32, #tpu.memory_space<vmem>>, vector<16xf32>,
        tpu.vector_store %arg17[%swap3A_602, %swap3A_603], %mul3A_601 {strides = array<i32>} : memref<128x128xf32, #tpu.memory_space<vmem>>, vector<16xf32>,
        %get3A_605 = arith.index_cast %scan3A_574 : i32 to index
        %get3A_606 = arith.constant 64 : index
        %get3A_607 = tpu.vector_load %arg17[%get3A_605, %get3A_606] {strides = array<i32>} : memref<128x128xf32, #tpu.memory_space<vmem>>, vector<16xf32>,
        %mul3A_608 = arith.mulf %get3A_607, %gather3A : vector<16xf32>
        %swap3A_609 = arith.index_cast %scan3A_574 : i32 to index
        %swap3A_610 = arith.constant 64 : index
        %swap3A_611 = tpu.vector_load %arg17[%swap3A_609, %swap3A_610] {strides = array<i32>} : memref<128x128xf32, #tpu.memory_space<vmem>>, vector<16xf32>,
        tpu.vector_store %arg17[%swap3A_609, %swap3A_610], %mul3A_608 {strides = array<i32>} : memref<128x128xf32, #tpu.memory_space<vmem>>, vector<16xf32>,
        %get3A_612 = arith.index_cast %scan3A_574 : i32 to index
        %get3A_613 = arith.constant 80 : index
        %get3A_614 = tpu.vector_load %arg17[%get3A_612, %get3A_613] {strides = array<i32>} : memref<128x128xf32, #tpu.memory_space<vmem>>, vector<16xf32>,
        %mul3A_615 = arith.mulf %get3A_614, %gather3A : vector<16xf32>
        %swap3A_616 = arith.index_cast %scan3A_574 : i32 to index
        %swap3A_617 = arith.constant 80 : index
        %swap3A_618 = tpu.vector_load %arg17[%swap3A_616, %swap3A_617] {strides = array<i32>} : memref<128x128xf32, #tpu.memory_space<vmem>>, vector<16xf32>,
        tpu.vector_store %arg17[%swap3A_616, %swap3A_617], %mul3A_615 {strides = array<i32>} : memref<128x128xf32, #tpu.memory_space<vmem>>, vector<16xf32>,
        %get3A_619 = arith.index_cast %scan3A_574 : i32 to index
        %get3A_620 = arith.constant 96 : index
        %get3A_621 = tpu.vector_load %arg17[%get3A_619, %get3A_620] {strides = array<i32>} : memref<128x128xf32, #tpu.memory_space<vmem>>, vector<16xf32>,
        %mul3A_622 = arith.mulf %get3A_621, %gather3A : vector<16xf32>
        %swap3A_623 = arith.index_cast %scan3A_574 : i32 to index
        %swap3A_624 = arith.constant 96 : index
        %swap3A_625 = tpu.vector_load %arg17[%swap3A_623, %swap3A_624] {strides = array<i32>} : memref<128x128xf32, #tpu.memory_space<vmem>>, vector<16xf32>,
        tpu.vector_store %arg17[%swap3A_623, %swap3A_624], %mul3A_622 {strides = array<i32>} : memref<128x128xf32, #tpu.memory_space<vmem>>, vector<16xf32>,
        %get3A_626 = arith.index_cast %scan3A_574 : i32 to index
        %get3A_627 = arith.constant 112 : index
        %get3A_628 = tpu.vector_load %arg17[%get3A_626, %get3A_627] {strides = array<i32>} : memref<128x128xf32, #tpu.memory_space<vmem>>, vector<16xf32>,
        %mul3A_629 = arith.mulf %get3A_628, %gather3A : vector<16xf32>
        %swap3A_630 = arith.index_cast %scan3A_574 : i32 to index
        %swap3A_631 = arith.constant 112 : index
        %swap3A_632 = tpu.vector_load %arg17[%swap3A_630, %swap3A_631] {strides = array<i32>} : memref<128x128xf32, #tpu.memory_space<vmem>>, vector<16xf32>,
        tpu.vector_store %arg17[%swap3A_630, %swap3A_631], %mul3A_629 {strides = array<i32>} : memref<128x128xf32, #tpu.memory_space<vmem>>, vector<16xf32>,
      }
      %scan3A_112 = arith.constant 128 : i32
      %mul3A_113 = arith.constant 128 : i32
      %mul3A_114 = arith.muli %add3A_99, %mul3A_113 : i32
      %add3A_115 = arith.addi %mul3A_2, %mul3A_114 : i32
      %dma_wait3A_116 = tpu.memref_slice %arg4[%add3A_115] : memref<344064xi32, #tpu.memory_space<hbm>> -> memref<128xi32, #tpu.memory_space<hbm>>
      %dma_wait3A_117 = tpu.memref_slice %arg4[%add3A_115] : memref<344064xi32, #tpu.memory_space<hbm>> -> memref<128xi32, #tpu.memory_space<hbm>>
      tpu.wait_dma2 semaphore(%arg24 : memref<!tpu.dma_semaphore, #tpu.memory_space<semaphore_mem>>) src(%dma_wait3A_117 : memref<128xi32, #tpu.memory_space<hbm>>) dst(%arg10 : memref<128xi32, #tpu.memory_space<vmem>>)
      %dma_start3A_118 = arith.constant 0 : i32
      %dma_start3A_119 = arith.constant 0 : i32
      %dma_start3A_120 = tpu.memref_slice %arg20[%dma_start3A_118, %dma_start3A_119] : memref<10000x128xf32, #tpu.memory_space<vmem_shared>> -> memref<10000x128xf32, #tpu.memory_space<vmem_shared>>
      tpu.enqueue_indirect_dma source(%arg17 : memref<128x128xf32, #tpu.memory_space<vmem>>) target(%dma_start3A_120 : memref<10000x128xf32, #tpu.memory_space<vmem_shared>>) offsets(%arg10 : memref<128xi32, #tpu.memory_space<vmem>>) semaphore(%arg31 : memref<!tpu.dma_semaphore, #tpu.memory_space<semaphore_mem>>) {add = true}
      %add3A_121 = arith.constant 3 : i32
      %add3A_122 = arith.addi %add3A_99, %add3A_121 : i32
      %lt3A = arith.constant 84 : i32
      %lt3A_123 = arith.cmpi slt, %add3A_122, %lt3A : i32
      %convert_element_type3A_124 = arith.extui %lt3A_123 : i1 to i32
      %cond3A_125 = arith.constant 0 : i32
      %cond3A_126 = arith.cmpi ne, %convert_element_type3A_124, %cond3A_125 : i32
      scf.if %cond3A_126 {
        %add3A_574 = arith.constant 3 : i32
        %add3A_575 = arith.addi %add3A_99, %add3A_574 : i32
        %mul3A_576 = arith.constant 128 : i32
        %mul3A_577 = arith.muli %add3A_575, %mul3A_576 : i32
        %add3A_578 = arith.addi %mul3A_2, %mul3A_577 : i32
        %dma_start3A_579 = tpu.memref_slice %arg3[%add3A_578] : memref<344064xi32, #tpu.memory_space<hbm>> -> memref<128xi32, #tpu.memory_space<hbm>>
        %dma_start3A_580 = tpu.memref_slice %arg3[%add3A_578] : memref<344064xi32, #tpu.memory_space<hbm>> -> memref<128xi32, #tpu.memory_space<hbm>>
        tpu.enqueue_dma source(%dma_start3A_580 : memref<128xi32, #tpu.memory_space<hbm>>) target(%arg7 : memref<128xi32, #tpu.memory_space<vmem>>) target_semaphore(%arg21 : memref<!tpu.dma_semaphore, #tpu.memory_space<semaphore_mem>>)
        %mul3A_581 = arith.constant 128 : i32
        %mul3A_582 = arith.muli %add3A_575, %mul3A_581 : i32
        %add3A_583 = arith.addi %mul3A_2, %mul3A_582 : i32
        %dma_start3A_584 = tpu.memref_slice %arg5[%add3A_583] : memref<344064xf32, #tpu.memory_space<hbm>> -> memref<128xf32, #tpu.memory_space<hbm>>
        %dma_start3A_585 = tpu.memref_slice %arg5[%add3A_583] : memref<344064xf32, #tpu.memory_space<hbm>> -> memref<128xf32, #tpu.memory_space<hbm>>
        tpu.enqueue_dma source(%dma_start3A_585 : memref<128xf32, #tpu.memory_space<hbm>>) target(%arg14 : memref<128xf32, #tpu.memory_space<vmem>>) target_semaphore(%arg21 : memref<!tpu.dma_semaphore, #tpu.memory_space<semaphore_mem>>)
        %mul3A_586 = arith.constant 128 : i32
        %mul3A_587 = arith.muli %add3A_575, %mul3A_586 : i32
        %add3A_588 = arith.addi %mul3A_2, %mul3A_587 : i32
        %dma_start3A_589 = tpu.memref_slice %arg4[%add3A_588] : memref<344064xi32, #tpu.memory_space<hbm>> -> memref<128xi32, #tpu.memory_space<hbm>>
        %dma_start3A_590 = tpu.memref_slice %arg4[%add3A_588] : memref<344064xi32, #tpu.memory_space<hbm>> -> memref<128xi32, #tpu.memory_space<hbm>>
        tpu.enqueue_dma source(%dma_start3A_590 : memref<128xi32, #tpu.memory_space<hbm>>) target(%arg13 : memref<128xi32, #tpu.memory_space<vmem>>) target_semaphore(%arg27 : memref<!tpu.dma_semaphore, #tpu.memory_space<semaphore_mem>>)
      } else {
      }
      %add3A_127 = arith.constant 2 : i32
      %add3A_128 = arith.addi %add3A_99, %add3A_127 : i32
      %lt3A_129 = arith.constant 84 : i32
      %lt3A_130 = arith.cmpi slt, %add3A_128, %lt3A_129 : i32
      %convert_element_type3A_131 = arith.extui %lt3A_130 : i1 to i32
      %cond3A_132 = arith.constant 0 : i32
      %cond3A_133 = arith.cmpi ne, %convert_element_type3A_131, %cond3A_132 : i32
      scf.if %cond3A_133 {
        %add3A_574 = arith.constant 2 : i32
        %add3A_575 = arith.addi %add3A_99, %add3A_574 : i32
        %mul3A_576 = arith.constant 128 : i32
        %mul3A_577 = arith.muli %add3A_575, %mul3A_576 : i32
        %add3A_578 = arith.addi %mul3A_2, %mul3A_577 : i32
        %dma_wait3A_579 = tpu.memref_slice %arg3[%add3A_578] : memref<344064xi32, #tpu.memory_space<hbm>> -> memref<128xi32, #tpu.memory_space<hbm>>
        %dma_wait3A_580 = tpu.memref_slice %arg3[%add3A_578] : memref<344064xi32, #tpu.memory_space<hbm>> -> memref<128xi32, #tpu.memory_space<hbm>>
        tpu.wait_dma2 semaphore(%arg23 : memref<!tpu.dma_semaphore, #tpu.memory_space<semaphore_mem>>) src(%dma_wait3A_580 : memref<128xi32, #tpu.memory_space<hbm>>) dst(%arg9 : memref<128xi32, #tpu.memory_space<vmem>>)
        %mul3A_581 = arith.constant 128 : i32
        %mul3A_582 = arith.muli %add3A_575, %mul3A_581 : i32
        %add3A_583 = arith.addi %mul3A_2, %mul3A_582 : i32
        %dma_wait3A_584 = tpu.memref_slice %arg5[%add3A_583] : memref<344064xf32, #tpu.memory_space<hbm>> -> memref<128xf32, #tpu.memory_space<hbm>>
        %dma_wait3A_585 = tpu.memref_slice %arg5[%add3A_583] : memref<344064xf32, #tpu.memory_space<hbm>> -> memref<128xf32, #tpu.memory_space<hbm>>
        tpu.wait_dma2 semaphore(%arg23 : memref<!tpu.dma_semaphore, #tpu.memory_space<semaphore_mem>>) src(%dma_wait3A_585 : memref<128xf32, #tpu.memory_space<hbm>>) dst(%arg16 : memref<128xf32, #tpu.memory_space<vmem>>)
        %dma_start3A_586 = arith.constant 0 : i32
        %dma_start3A_587 = arith.constant 0 : i32
        %dma_start3A_588 = tpu.memref_slice %arg2[%dma_start3A_586, %dma_start3A_587] : memref<10000x128xf32, #tpu.memory_space<hbm>> -> memref<10000x128xf32, #tpu.memory_space<hbm>>
        tpu.enqueue_indirect_dma source(%dma_start3A_588 : memref<10000x128xf32, #tpu.memory_space<hbm>>) target(%arg19 : memref<128x128xf32, #tpu.memory_space<vmem>>) offsets(%arg9 : memref<128xi32, #tpu.memory_space<vmem>>) semaphore(%arg30 : memref<!tpu.dma_semaphore, #tpu.memory_space<semaphore_mem>>)
      } else {
      }
      %mul3A_134 = arith.constant 12 : i32
      %mul3A_135 = arith.muli %scan3A_95, %mul3A_134 : i32
      %add3A_136 = arith.constant 1 : i32
      %add3A_137 = arith.addi %mul3A_135, %add3A_136 : i32
      %ge3A_138 = arith.constant 1 : i32
      %ge3A_139 = arith.cmpi sge, %add3A_137, %ge3A_138 : i32
      %convert_element_type3A_140 = arith.extui %ge3A_139 : i1 to i32
      %cond3A_141 = arith.constant 0 : i32
      %cond3A_142 = arith.cmpi ne, %convert_element_type3A_140, %cond3A_141 : i32
      scf.if %cond3A_142 {
        %dma_wait3A_574 = arith.constant 0 : i32
        %dma_wait3A_575 = arith.constant 0 : i32
        %dma_wait3A_576 = tpu.memref_slice %arg20[%dma_wait3A_574, %dma_wait3A_575] : memref<10000x128xf32, #tpu.memory_space<vmem_shared>> -> memref<10000x128xf32, #tpu.memory_space<vmem_shared>>
        tpu.wait_indirect_dma semaphore(%arg31 : memref<!tpu.dma_semaphore, #tpu.memory_space<semaphore_mem>>) src(%arg17 : memref<128x128xf32, #tpu.memory_space<vmem>>) dst(%dma_wait3A_576 : memref<10000x128xf32, #tpu.memory_space<vmem_shared>>)
      } else {
      }
      %dma_wait3A_143 = arith.constant 0 : i32
      %dma_wait3A_144 = arith.constant 0 : i32
      %dma_wait3A_145 = tpu.memref_slice %arg2[%dma_wait3A_143, %dma_wait3A_144] : memref<10000x128xf32, #tpu.memory_space<hbm>> -> memref<10000x128xf32, #tpu.memory_space<hbm>>
      tpu.wait_indirect_dma semaphore(%arg29 : memref<!tpu.dma_semaphore, #tpu.memory_space<semaphore_mem>>) src(%dma_wait3A_145 : memref<10000x128xf32, #tpu.memory_space<hbm>>) dst(%arg18 : memref<128x128xf32, #tpu.memory_space<vmem>>)
      %scan3A_146 = arith.constant 0 : i32
      %scan3A_147 = arith.constant 0 : i32
      %scan3A_148 = arith.constant 128 : i32
      %scan3A_149 = arith.addi %scan3A_147, %scan3A_148 : i32
      %scan3A_150 = arith.constant 1 : i32
      scf.for %scan3A_574 = %scan3A_147 to %scan3A_149 step %scan3A_150  : i32 {
        %broadcast_in_dim3A_575 = arith.constant 0 : i32
        %broadcast_in_dim3A_576 = vector.broadcast %broadcast_in_dim3A_575 : i32 to vector<16xi32>
        %add3A_577 = vector.broadcast %scan3A_574 : i32 to vector<16xi32>
        %add3A_578 = arith.addi %broadcast_in_dim3A_576, %add3A_577 : vector<16xi32>
        %gather3A = tpu.vector_load_idx %arg15[%add3A_578] : memref<128xf32, #tpu.memory_space<vmem>>[vector<16xi32>], vector<16xf32>,
        %get3A = arith.index_cast %scan3A_574 : i32 to index
        %get3A_579 = arith.constant 0 : index
        %get3A_580 = tpu.vector_load %arg18[%get3A, %get3A_579] {strides = array<i32>} : memref<128x128xf32, #tpu.memory_space<vmem>>, vector<16xf32>,
        %mul3A_581 = arith.mulf %get3A_580, %gather3A : vector<16xf32>
        %swap3A = arith.index_cast %scan3A_574 : i32 to index
        %swap3A_582 = arith.constant 0 : index
        %swap3A_583 = tpu.vector_load %arg18[%swap3A, %swap3A_582] {strides = array<i32>} : memref<128x128xf32, #tpu.memory_space<vmem>>, vector<16xf32>,
        tpu.vector_store %arg18[%swap3A, %swap3A_582], %mul3A_581 {strides = array<i32>} : memref<128x128xf32, #tpu.memory_space<vmem>>, vector<16xf32>,
        %get3A_584 = arith.index_cast %scan3A_574 : i32 to index
        %get3A_585 = arith.constant 16 : index
        %get3A_586 = tpu.vector_load %arg18[%get3A_584, %get3A_585] {strides = array<i32>} : memref<128x128xf32, #tpu.memory_space<vmem>>, vector<16xf32>,
        %mul3A_587 = arith.mulf %get3A_586, %gather3A : vector<16xf32>
        %swap3A_588 = arith.index_cast %scan3A_574 : i32 to index
        %swap3A_589 = arith.constant 16 : index
        %swap3A_590 = tpu.vector_load %arg18[%swap3A_588, %swap3A_589] {strides = array<i32>} : memref<128x128xf32, #tpu.memory_space<vmem>>, vector<16xf32>,
        tpu.vector_store %arg18[%swap3A_588, %swap3A_589], %mul3A_587 {strides = array<i32>} : memref<128x128xf32, #tpu.memory_space<vmem>>, vector<16xf32>,
        %get3A_591 = arith.index_cast %scan3A_574 : i32 to index
        %get3A_592 = arith.constant 32 : index
        %get3A_593 = tpu.vector_load %arg18[%get3A_591, %get3A_592] {strides = array<i32>} : memref<128x128xf32, #tpu.memory_space<vmem>>, vector<16xf32>,
        %mul3A_594 = arith.mulf %get3A_593, %gather3A : vector<16xf32>
        %swap3A_595 = arith.index_cast %scan3A_574 : i32 to index
        %swap3A_596 = arith.constant 32 : index
        %swap3A_597 = tpu.vector_load %arg18[%swap3A_595, %swap3A_596] {strides = array<i32>} : memref<128x128xf32, #tpu.memory_space<vmem>>, vector<16xf32>,
        tpu.vector_store %arg18[%swap3A_595, %swap3A_596], %mul3A_594 {strides = array<i32>} : memref<128x128xf32, #tpu.memory_space<vmem>>, vector<16xf32>,
        %get3A_598 = arith.index_cast %scan3A_574 : i32 to index
        %get3A_599 = arith.constant 48 : index
        %get3A_600 = tpu.vector_load %arg18[%get3A_598, %get3A_599] {strides = array<i32>} : memref<128x128xf32, #tpu.memory_space<vmem>>, vector<16xf32>,
        %mul3A_601 = arith.mulf %get3A_600, %gather3A : vector<16xf32>
        %swap3A_602 = arith.index_cast %scan3A_574 : i32 to index
        %swap3A_603 = arith.constant 48 : index
        %swap3A_604 = tpu.vector_load %arg18[%swap3A_602, %swap3A_603] {strides = array<i32>} : memref<128x128xf32, #tpu.memory_space<vmem>>, vector<16xf32>,
        tpu.vector_store %arg18[%swap3A_602, %swap3A_603], %mul3A_601 {strides = array<i32>} : memref<128x128xf32, #tpu.memory_space<vmem>>, vector<16xf32>,
        %get3A_605 = arith.index_cast %scan3A_574 : i32 to index
        %get3A_606 = arith.constant 64 : index
        %get3A_607 = tpu.vector_load %arg18[%get3A_605, %get3A_606] {strides = array<i32>} : memref<128x128xf32, #tpu.memory_space<vmem>>, vector<16xf32>,
        %mul3A_608 = arith.mulf %get3A_607, %gather3A : vector<16xf32>
        %swap3A_609 = arith.index_cast %scan3A_574 : i32 to index
        %swap3A_610 = arith.constant 64 : index
        %swap3A_611 = tpu.vector_load %arg18[%swap3A_609, %swap3A_610] {strides = array<i32>} : memref<128x128xf32, #tpu.memory_space<vmem>>, vector<16xf32>,
        tpu.vector_store %arg18[%swap3A_609, %swap3A_610], %mul3A_608 {strides = array<i32>} : memref<128x128xf32, #tpu.memory_space<vmem>>, vector<16xf32>,
        %get3A_612 = arith.index_cast %scan3A_574 : i32 to index
        %get3A_613 = arith.constant 80 : index
        %get3A_614 = tpu.vector_load %arg18[%get3A_612, %get3A_613] {strides = array<i32>} : memref<128x128xf32, #tpu.memory_space<vmem>>, vector<16xf32>,
        %mul3A_615 = arith.mulf %get3A_614, %gather3A : vector<16xf32>
        %swap3A_616 = arith.index_cast %scan3A_574 : i32 to index
        %swap3A_617 = arith.constant 80 : index
        %swap3A_618 = tpu.vector_load %arg18[%swap3A_616, %swap3A_617] {strides = array<i32>} : memref<128x128xf32, #tpu.memory_space<vmem>>, vector<16xf32>,
        tpu.vector_store %arg18[%swap3A_616, %swap3A_617], %mul3A_615 {strides = array<i32>} : memref<128x128xf32, #tpu.memory_space<vmem>>, vector<16xf32>,
        %get3A_619 = arith.index_cast %scan3A_574 : i32 to index
        %get3A_620 = arith.constant 96 : index
        %get3A_621 = tpu.vector_load %arg18[%get3A_619, %get3A_620] {strides = array<i32>} : memref<128x128xf32, #tpu.memory_space<vmem>>, vector<16xf32>,
        %mul3A_622 = arith.mulf %get3A_621, %gather3A : vector<16xf32>
        %swap3A_623 = arith.index_cast %scan3A_574 : i32 to index
        %swap3A_624 = arith.constant 96 : index
        %swap3A_625 = tpu.vector_load %arg18[%swap3A_623, %swap3A_624] {strides = array<i32>} : memref<128x128xf32, #tpu.memory_space<vmem>>, vector<16xf32>,
        tpu.vector_store %arg18[%swap3A_623, %swap3A_624], %mul3A_622 {strides = array<i32>} : memref<128x128xf32, #tpu.memory_space<vmem>>, vector<16xf32>,
        %get3A_626 = arith.index_cast %scan3A_574 : i32 to index
        %get3A_627 = arith.constant 112 : index
        %get3A_628 = tpu.vector_load %arg18[%get3A_626, %get3A_627] {strides = array<i32>} : memref<128x128xf32, #tpu.memory_space<vmem>>, vector<16xf32>,
        %mul3A_629 = arith.mulf %get3A_628, %gather3A : vector<16xf32>
        %swap3A_630 = arith.index_cast %scan3A_574 : i32 to index
        %swap3A_631 = arith.constant 112 : index
        %swap3A_632 = tpu.vector_load %arg18[%swap3A_630, %swap3A_631] {strides = array<i32>} : memref<128x128xf32, #tpu.memory_space<vmem>>, vector<16xf32>,
        tpu.vector_store %arg18[%swap3A_630, %swap3A_631], %mul3A_629 {strides = array<i32>} : memref<128x128xf32, #tpu.memory_space<vmem>>, vector<16xf32>,
      }
      %scan3A_151 = arith.constant 128 : i32
      %mul3A_152 = arith.constant 128 : i32
      %mul3A_153 = arith.muli %add3A_137, %mul3A_152 : i32
      %add3A_154 = arith.addi %mul3A_2, %mul3A_153 : i32
      %dma_wait3A_155 = tpu.memref_slice %arg4[%add3A_154] : memref<344064xi32, #tpu.memory_space<hbm>> -> memref<128xi32, #tpu.memory_space<hbm>>
      %dma_wait3A_156 = tpu.memref_slice %arg4[%add3A_154] : memref<344064xi32, #tpu.memory_space<hbm>> -> memref<128xi32, #tpu.memory_space<hbm>>
      tpu.wait_dma2 semaphore(%arg25 : memref<!tpu.dma_semaphore, #tpu.memory_space<semaphore_mem>>) src(%dma_wait3A_156 : memref<128xi32, #tpu.memory_space<hbm>>) dst(%arg11 : memref<128xi32, #tpu.memory_space<vmem>>)
      %dma_start3A_157 = arith.constant 0 : i32
      %dma_start3A_158 = arith.constant 0 : i32
      %dma_start3A_159 = tpu.memref_slice %arg20[%dma_start3A_157, %dma_start3A_158] : memref<10000x128xf32, #tpu.memory_space<vmem_shared>> -> memref<10000x128xf32, #tpu.memory_space<vmem_shared>>
      tpu.enqueue_indirect_dma source(%arg18 : memref<128x128xf32, #tpu.memory_space<vmem>>) target(%dma_start3A_159 : memref<10000x128xf32, #tpu.memory_space<vmem_shared>>) offsets(%arg11 : memref<128xi32, #tpu.memory_space<vmem>>) semaphore(%arg32 : memref<!tpu.dma_semaphore, #tpu.memory_space<semaphore_mem>>) {add = true}
      %add3A_160 = arith.constant 3 : i32
      %add3A_161 = arith.addi %add3A_137, %add3A_160 : i32
      %lt3A_162 = arith.constant 84 : i32
      %lt3A_163 = arith.cmpi slt, %add3A_161, %lt3A_162 : i32
      %convert_element_type3A_164 = arith.extui %lt3A_163 : i1 to i32
      %cond3A_165 = arith.constant 0 : i32
      %cond3A_166 = arith.cmpi ne, %convert_element_type3A_164, %cond3A_165 : i32
      scf.if %cond3A_166 {
        %add3A_574 = arith.constant 3 : i32
        %add3A_575 = arith.addi %add3A_137, %add3A_574 : i32
        %mul3A_576 = arith.constant 128 : i32
        %mul3A_577 = arith.muli %add3A_575, %mul3A_576 : i32
        %add3A_578 = arith.addi %mul3A_2, %mul3A_577 : i32
        %dma_start3A_579 = tpu.memref_slice %arg3[%add3A_578] : memref<344064xi32, #tpu.memory_space<hbm>> -> memref<128xi32, #tpu.memory_space<hbm>>
        %dma_start3A_580 = tpu.memref_slice %arg3[%add3A_578] : memref<344064xi32, #tpu.memory_space<hbm>> -> memref<128xi32, #tpu.memory_space<hbm>>
        tpu.enqueue_dma source(%dma_start3A_580 : memref<128xi32, #tpu.memory_space<hbm>>) target(%arg8 : memref<128xi32, #tpu.memory_space<vmem>>) target_semaphore(%arg22 : memref<!tpu.dma_semaphore, #tpu.memory_space<semaphore_mem>>)
        %mul3A_581 = arith.constant 128 : i32
        %mul3A_582 = arith.muli %add3A_575, %mul3A_581 : i32
        %add3A_583 = arith.addi %mul3A_2, %mul3A_582 : i32
        %dma_start3A_584 = tpu.memref_slice %arg5[%add3A_583] : memref<344064xf32, #tpu.memory_space<hbm>> -> memref<128xf32, #tpu.memory_space<hbm>>
        %dma_start3A_585 = tpu.memref_slice %arg5[%add3A_583] : memref<344064xf32, #tpu.memory_space<hbm>> -> memref<128xf32, #tpu.memory_space<hbm>>
        tpu.enqueue_dma source(%dma_start3A_585 : memref<128xf32, #tpu.memory_space<hbm>>) target(%arg15 : memref<128xf32, #tpu.memory_space<vmem>>) target_semaphore(%arg22 : memref<!tpu.dma_semaphore, #tpu.memory_space<semaphore_mem>>)
        %mul3A_586 = arith.constant 128 : i32
        %mul3A_587 = arith.muli %add3A_575, %mul3A_586 : i32
        %add3A_588 = arith.addi %mul3A_2, %mul3A_587 : i32
        %dma_start3A_589 = tpu.memref_slice %arg4[%add3A_588] : memref<344064xi32, #tpu.memory_space<hbm>> -> memref<128xi32, #tpu.memory_space<hbm>>
        %dma_start3A_590 = tpu.memref_slice %arg4[%add3A_588] : memref<344064xi32, #tpu.memory_space<hbm>> -> memref<128xi32, #tpu.memory_space<hbm>>
        tpu.enqueue_dma source(%dma_start3A_590 : memref<128xi32, #tpu.memory_space<hbm>>) target(%arg10 : memref<128xi32, #tpu.memory_space<vmem>>) target_semaphore(%arg24 : memref<!tpu.dma_semaphore, #tpu.memory_space<semaphore_mem>>)
      } else {
      }
      %add3A_167 = arith.constant 2 : i32
      %add3A_168 = arith.addi %add3A_137, %add3A_167 : i32
      %lt3A_169 = arith.constant 84 : i32
      %lt3A_170 = arith.cmpi slt, %add3A_168, %lt3A_169 : i32
      %convert_element_type3A_171 = arith.extui %lt3A_170 : i1 to i32
      %cond3A_172 = arith.constant 0 : i32
      %cond3A_173 = arith.cmpi ne, %convert_element_type3A_171, %cond3A_172 : i32
      scf.if %cond3A_173 {
        %add3A_574 = arith.constant 2 : i32
        %add3A_575 = arith.addi %add3A_137, %add3A_574 : i32
        %mul3A_576 = arith.constant 128 : i32
        %mul3A_577 = arith.muli %add3A_575, %mul3A_576 : i32
        %add3A_578 = arith.addi %mul3A_2, %mul3A_577 : i32
        %dma_wait3A_579 = tpu.memref_slice %arg3[%add3A_578] : memref<344064xi32, #tpu.memory_space<hbm>> -> memref<128xi32, #tpu.memory_space<hbm>>
        %dma_wait3A_580 = tpu.memref_slice %arg3[%add3A_578] : memref<344064xi32, #tpu.memory_space<hbm>> -> memref<128xi32, #tpu.memory_space<hbm>>
        tpu.wait_dma2 semaphore(%arg21 : memref<!tpu.dma_semaphore, #tpu.memory_space<semaphore_mem>>) src(%dma_wait3A_580 : memref<128xi32, #tpu.memory_space<hbm>>) dst(%arg7 : memref<128xi32, #tpu.memory_space<vmem>>)
        %mul3A_581 = arith.constant 128 : i32
        %mul3A_582 = arith.muli %add3A_575, %mul3A_581 : i32
        %add3A_583 = arith.addi %mul3A_2, %mul3A_582 : i32
        %dma_wait3A_584 = tpu.memref_slice %arg5[%add3A_583] : memref<344064xf32, #tpu.memory_space<hbm>> -> memref<128xf32, #tpu.memory_space<hbm>>
        %dma_wait3A_585 = tpu.memref_slice %arg5[%add3A_583] : memref<344064xf32, #tpu.memory_space<hbm>> -> memref<128xf32, #tpu.memory_space<hbm>>
        tpu.wait_dma2 semaphore(%arg21 : memref<!tpu.dma_semaphore, #tpu.memory_space<semaphore_mem>>) src(%dma_wait3A_585 : memref<128xf32, #tpu.memory_space<hbm>>) dst(%arg14 : memref<128xf32, #tpu.memory_space<vmem>>)
        %dma_start3A_586 = arith.constant 0 : i32
        %dma_start3A_587 = arith.constant 0 : i32
        %dma_start3A_588 = tpu.memref_slice %arg2[%dma_start3A_586, %dma_start3A_587] : memref<10000x128xf32, #tpu.memory_space<hbm>> -> memref<10000x128xf32, #tpu.memory_space<hbm>>
        tpu.enqueue_indirect_dma source(%dma_start3A_588 : memref<10000x128xf32, #tpu.memory_space<hbm>>) target(%arg17 : memref<128x128xf32, #tpu.memory_space<vmem>>) offsets(%arg7 : memref<128xi32, #tpu.memory_space<vmem>>) semaphore(%arg28 : memref<!tpu.dma_semaphore, #tpu.memory_space<semaphore_mem>>)
      } else {
      }
      %mul3A_174 = arith.constant 12 : i32
      %mul3A_175 = arith.muli %scan3A_95, %mul3A_174 : i32
      %add3A_176 = arith.constant 2 : i32
      %add3A_177 = arith.addi %mul3A_175, %add3A_176 : i32
      %ge3A_178 = arith.constant 1 : i32
      %ge3A_179 = arith.cmpi sge, %add3A_177, %ge3A_178 : i32
      %convert_element_type3A_180 = arith.extui %ge3A_179 : i1 to i32
      %cond3A_181 = arith.constant 0 : i32
      %cond3A_182 = arith.cmpi ne, %convert_element_type3A_180, %cond3A_181 : i32
      scf.if %cond3A_182 {
        %dma_wait3A_574 = arith.constant 0 : i32
        %dma_wait3A_575 = arith.constant 0 : i32
        %dma_wait3A_576 = tpu.memref_slice %arg20[%dma_wait3A_574, %dma_wait3A_575] : memref<10000x128xf32, #tpu.memory_space<vmem_shared>> -> memref<10000x128xf32, #tpu.memory_space<vmem_shared>>
        tpu.wait_indirect_dma semaphore(%arg32 : memref<!tpu.dma_semaphore, #tpu.memory_space<semaphore_mem>>) src(%arg18 : memref<128x128xf32, #tpu.memory_space<vmem>>) dst(%dma_wait3A_576 : memref<10000x128xf32, #tpu.memory_space<vmem_shared>>)
      } else {
      }
      %dma_wait3A_183 = arith.constant 0 : i32
      %dma_wait3A_184 = arith.constant 0 : i32
      %dma_wait3A_185 = tpu.memref_slice %arg2[%dma_wait3A_183, %dma_wait3A_184] : memref<10000x128xf32, #tpu.memory_space<hbm>> -> memref<10000x128xf32, #tpu.memory_space<hbm>>
      tpu.wait_indirect_dma semaphore(%arg30 : memref<!tpu.dma_semaphore, #tpu.memory_space<semaphore_mem>>) src(%dma_wait3A_185 : memref<10000x128xf32, #tpu.memory_space<hbm>>) dst(%arg19 : memref<128x128xf32, #tpu.memory_space<vmem>>)
      %scan3A_186 = arith.constant 0 : i32
      %scan3A_187 = arith.constant 0 : i32
      %scan3A_188 = arith.constant 128 : i32
      %scan3A_189 = arith.addi %scan3A_187, %scan3A_188 : i32
      %scan3A_190 = arith.constant 1 : i32
      scf.for %scan3A_574 = %scan3A_187 to %scan3A_189 step %scan3A_190  : i32 {
        %broadcast_in_dim3A_575 = arith.constant 0 : i32
        %broadcast_in_dim3A_576 = vector.broadcast %broadcast_in_dim3A_575 : i32 to vector<16xi32>
        %add3A_577 = vector.broadcast %scan3A_574 : i32 to vector<16xi32>
        %add3A_578 = arith.addi %broadcast_in_dim3A_576, %add3A_577 : vector<16xi32>
        %gather3A = tpu.vector_load_idx %arg16[%add3A_578] : memref<128xf32, #tpu.memory_space<vmem>>[vector<16xi32>], vector<16xf32>,
        %get3A = arith.index_cast %scan3A_574 : i32 to index
        %get3A_579 = arith.constant 0 : index
        %get3A_580 = tpu.vector_load %arg19[%get3A, %get3A_579] {strides = array<i32>} : memref<128x128xf32, #tpu.memory_space<vmem>>, vector<16xf32>,
        %mul3A_581 = arith.mulf %get3A_580, %gather3A : vector<16xf32>
        %swap3A = arith.index_cast %scan3A_574 : i32 to index
        %swap3A_582 = arith.constant 0 : index
        %swap3A_583 = tpu.vector_load %arg19[%swap3A, %swap3A_582] {strides = array<i32>} : memref<128x128xf32, #tpu.memory_space<vmem>>, vector<16xf32>,
        tpu.vector_store %arg19[%swap3A, %swap3A_582], %mul3A_581 {strides = array<i32>} : memref<128x128xf32, #tpu.memory_space<vmem>>, vector<16xf32>,
        %get3A_584 = arith.index_cast %scan3A_574 : i32 to index
        %get3A_585 = arith.constant 16 : index
        %get3A_586 = tpu.vector_load %arg19[%get3A_584, %get3A_585] {strides = array<i32>} : memref<128x128xf32, #tpu.memory_space<vmem>>, vector<16xf32>,
        %mul3A_587 = arith.mulf %get3A_586, %gather3A : vector<16xf32>
        %swap3A_588 = arith.index_cast %scan3A_574 : i32 to index
        %swap3A_589 = arith.constant 16 : index
        %swap3A_590 = tpu.vector_load %arg19[%swap3A_588, %swap3A_589] {strides = array<i32>} : memref<128x128xf32, #tpu.memory_space<vmem>>, vector<16xf32>,
        tpu.vector_store %arg19[%swap3A_588, %swap3A_589], %mul3A_587 {strides = array<i32>} : memref<128x128xf32, #tpu.memory_space<vmem>>, vector<16xf32>,
        %get3A_591 = arith.index_cast %scan3A_574 : i32 to index
        %get3A_592 = arith.constant 32 : index
        %get3A_593 = tpu.vector_load %arg19[%get3A_591, %get3A_592] {strides = array<i32>} : memref<128x128xf32, #tpu.memory_space<vmem>>, vector<16xf32>,
        %mul3A_594 = arith.mulf %get3A_593, %gather3A : vector<16xf32>
        %swap3A_595 = arith.index_cast %scan3A_574 : i32 to index
        %swap3A_596 = arith.constant 32 : index
        %swap3A_597 = tpu.vector_load %arg19[%swap3A_595, %swap3A_596] {strides = array<i32>} : memref<128x128xf32, #tpu.memory_space<vmem>>, vector<16xf32>,
        tpu.vector_store %arg19[%swap3A_595, %swap3A_596], %mul3A_594 {strides = array<i32>} : memref<128x128xf32, #tpu.memory_space<vmem>>, vector<16xf32>,
        %get3A_598 = arith.index_cast %scan3A_574 : i32 to index
        %get3A_599 = arith.constant 48 : index
        %get3A_600 = tpu.vector_load %arg19[%get3A_598, %get3A_599] {strides = array<i32>} : memref<128x128xf32, #tpu.memory_space<vmem>>, vector<16xf32>,
        %mul3A_601 = arith.mulf %get3A_600, %gather3A : vector<16xf32>
        %swap3A_602 = arith.index_cast %scan3A_574 : i32 to index
        %swap3A_603 = arith.constant 48 : index
        %swap3A_604 = tpu.vector_load %arg19[%swap3A_602, %swap3A_603] {strides = array<i32>} : memref<128x128xf32, #tpu.memory_space<vmem>>, vector<16xf32>,
        tpu.vector_store %arg19[%swap3A_602, %swap3A_603], %mul3A_601 {strides = array<i32>} : memref<128x128xf32, #tpu.memory_space<vmem>>, vector<16xf32>,
        %get3A_605 = arith.index_cast %scan3A_574 : i32 to index
        %get3A_606 = arith.constant 64 : index
        %get3A_607 = tpu.vector_load %arg19[%get3A_605, %get3A_606] {strides = array<i32>} : memref<128x128xf32, #tpu.memory_space<vmem>>, vector<16xf32>,
        %mul3A_608 = arith.mulf %get3A_607, %gather3A : vector<16xf32>
        %swap3A_609 = arith.index_cast %scan3A_574 : i32 to index
        %swap3A_610 = arith.constant 64 : index
        %swap3A_611 = tpu.vector_load %arg19[%swap3A_609, %swap3A_610] {strides = array<i32>} : memref<128x128xf32, #tpu.memory_space<vmem>>, vector<16xf32>,
        tpu.vector_store %arg19[%swap3A_609, %swap3A_610], %mul3A_608 {strides = array<i32>} : memref<128x128xf32, #tpu.memory_space<vmem>>, vector<16xf32>,
        %get3A_612 = arith.index_cast %scan3A_574 : i32 to index
        %get3A_613 = arith.constant 80 : index
        %get3A_614 = tpu.vector_load %arg19[%get3A_612, %get3A_613] {strides = array<i32>} : memref<128x128xf32, #tpu.memory_space<vmem>>, vector<16xf32>,
        %mul3A_615 = arith.mulf %get3A_614, %gather3A : vector<16xf32>
        %swap3A_616 = arith.index_cast %scan3A_574 : i32 to index
        %swap3A_617 = arith.constant 80 : index
        %swap3A_618 = tpu.vector_load %arg19[%swap3A_616, %swap3A_617] {strides = array<i32>} : memref<128x128xf32, #tpu.memory_space<vmem>>, vector<16xf32>,
        tpu.vector_store %arg19[%swap3A_616, %swap3A_617], %mul3A_615 {strides = array<i32>} : memref<128x128xf32, #tpu.memory_space<vmem>>, vector<16xf32>,
        %get3A_619 = arith.index_cast %scan3A_574 : i32 to index
        %get3A_620 = arith.constant 96 : index
        %get3A_621 = tpu.vector_load %arg19[%get3A_619, %get3A_620] {strides = array<i32>} : memref<128x128xf32, #tpu.memory_space<vmem>>, vector<16xf32>,
        %mul3A_622 = arith.mulf %get3A_621, %gather3A : vector<16xf32>
        %swap3A_623 = arith.index_cast %scan3A_574 : i32 to index
        %swap3A_624 = arith.constant 96 : index
        %swap3A_625 = tpu.vector_load %arg19[%swap3A_623, %swap3A_624] {strides = array<i32>} : memref<128x128xf32, #tpu.memory_space<vmem>>, vector<16xf32>,
        tpu.vector_store %arg19[%swap3A_623, %swap3A_624], %mul3A_622 {strides = array<i32>} : memref<128x128xf32, #tpu.memory_space<vmem>>, vector<16xf32>,
        %get3A_626 = arith.index_cast %scan3A_574 : i32 to index
        %get3A_627 = arith.constant 112 : index
        %get3A_628 = tpu.vector_load %arg19[%get3A_626, %get3A_627] {strides = array<i32>} : memref<128x128xf32, #tpu.memory_space<vmem>>, vector<16xf32>,
        %mul3A_629 = arith.mulf %get3A_628, %gather3A : vector<16xf32>
        %swap3A_630 = arith.index_cast %scan3A_574 : i32 to index
        %swap3A_631 = arith.constant 112 : index
        %swap3A_632 = tpu.vector_load %arg19[%swap3A_630, %swap3A_631] {strides = array<i32>} : memref<128x128xf32, #tpu.memory_space<vmem>>, vector<16xf32>,
        tpu.vector_store %arg19[%swap3A_630, %swap3A_631], %mul3A_629 {strides = array<i32>} : memref<128x128xf32, #tpu.memory_space<vmem>>, vector<16xf32>,
      }
      %scan3A_191 = arith.constant 128 : i32
      %mul3A_192 = arith.constant 128 : i32
      %mul3A_193 = arith.muli %add3A_177, %mul3A_192 : i32
      %add3A_194 = arith.addi %mul3A_2, %mul3A_193 : i32
      %dma_wait3A_195 = tpu.memref_slice %arg4[%add3A_194] : memref<344064xi32, #tpu.memory_space<hbm>> -> memref<128xi32, #tpu.memory_space<hbm>>
      %dma_wait3A_196 = tpu.memref_slice %arg4[%add3A_194] : memref<344064xi32, #tpu.memory_space<hbm>> -> memref<128xi32, #tpu.memory_space<hbm>>
      tpu.wait_dma2 semaphore(%arg26 : memref<!tpu.dma_semaphore, #tpu.memory_space<semaphore_mem>>) src(%dma_wait3A_196 : memref<128xi32, #tpu.memory_space<hbm>>) dst(%arg12 : memref<128xi32, #tpu.memory_space<vmem>>)
      %dma_start3A_197 = arith.constant 0 : i32
      %dma_start3A_198 = arith.constant 0 : i32
      %dma_start3A_199 = tpu.memref_slice %arg20[%dma_start3A_197, %dma_start3A_198] : memref<10000x128xf32, #tpu.memory_space<vmem_shared>> -> memref<10000x128xf32, #tpu.memory_space<vmem_shared>>
      tpu.enqueue_indirect_dma source(%arg19 : memref<128x128xf32, #tpu.memory_space<vmem>>) target(%dma_start3A_199 : memref<10000x128xf32, #tpu.memory_space<vmem_shared>>) offsets(%arg12 : memref<128xi32, #tpu.memory_space<vmem>>) semaphore(%arg31 : memref<!tpu.dma_semaphore, #tpu.memory_space<semaphore_mem>>) {add = true}
      %add3A_200 = arith.constant 3 : i32
      %add3A_201 = arith.addi %add3A_177, %add3A_200 : i32
      %lt3A_202 = arith.constant 84 : i32
      %lt3A_203 = arith.cmpi slt, %add3A_201, %lt3A_202 : i32
      %convert_element_type3A_204 = arith.extui %lt3A_203 : i1 to i32
      %cond3A_205 = arith.constant 0 : i32
      %cond3A_206 = arith.cmpi ne, %convert_element_type3A_204, %cond3A_205 : i32
      scf.if %cond3A_206 {
        %add3A_574 = arith.constant 3 : i32
        %add3A_575 = arith.addi %add3A_177, %add3A_574 : i32
        %mul3A_576 = arith.constant 128 : i32
        %mul3A_577 = arith.muli %add3A_575, %mul3A_576 : i32
        %add3A_578 = arith.addi %mul3A_2, %mul3A_577 : i32
        %dma_start3A_579 = tpu.memref_slice %arg3[%add3A_578] : memref<344064xi32, #tpu.memory_space<hbm>> -> memref<128xi32, #tpu.memory_space<hbm>>
        %dma_start3A_580 = tpu.memref_slice %arg3[%add3A_578] : memref<344064xi32, #tpu.memory_space<hbm>> -> memref<128xi32, #tpu.memory_space<hbm>>
        tpu.enqueue_dma source(%dma_start3A_580 : memref<128xi32, #tpu.memory_space<hbm>>) target(%arg9 : memref<128xi32, #tpu.memory_space<vmem>>) target_semaphore(%arg23 : memref<!tpu.dma_semaphore, #tpu.memory_space<semaphore_mem>>)
        %mul3A_581 = arith.constant 128 : i32
        %mul3A_582 = arith.muli %add3A_575, %mul3A_581 : i32
        %add3A_583 = arith.addi %mul3A_2, %mul3A_582 : i32
        %dma_start3A_584 = tpu.memref_slice %arg5[%add3A_583] : memref<344064xf32, #tpu.memory_space<hbm>> -> memref<128xf32, #tpu.memory_space<hbm>>
        %dma_start3A_585 = tpu.memref_slice %arg5[%add3A_583] : memref<344064xf32, #tpu.memory_space<hbm>> -> memref<128xf32, #tpu.memory_space<hbm>>
        tpu.enqueue_dma source(%dma_start3A_585 : memref<128xf32, #tpu.memory_space<hbm>>) target(%arg16 : memref<128xf32, #tpu.memory_space<vmem>>) target_semaphore(%arg23 : memref<!tpu.dma_semaphore, #tpu.memory_space<semaphore_mem>>)
        %mul3A_586 = arith.constant 128 : i32
        %mul3A_587 = arith.muli %add3A_575, %mul3A_586 : i32
        %add3A_588 = arith.addi %mul3A_2, %mul3A_587 : i32
        %dma_start3A_589 = tpu.memref_slice %arg4[%add3A_588] : memref<344064xi32, #tpu.memory_space<hbm>> -> memref<128xi32, #tpu.memory_space<hbm>>
        %dma_start3A_590 = tpu.memref_slice %arg4[%add3A_588] : memref<344064xi32, #tpu.memory_space<hbm>> -> memref<128xi32, #tpu.memory_space<hbm>>
        tpu.enqueue_dma source(%dma_start3A_590 : memref<128xi32, #tpu.memory_space<hbm>>) target(%arg11 : memref<128xi32, #tpu.memory_space<vmem>>) target_semaphore(%arg25 : memref<!tpu.dma_semaphore, #tpu.memory_space<semaphore_mem>>)
      } else {
      }
      %add3A_207 = arith.constant 2 : i32
      %add3A_208 = arith.addi %add3A_177, %add3A_207 : i32
      %lt3A_209 = arith.constant 84 : i32
      %lt3A_210 = arith.cmpi slt, %add3A_208, %lt3A_209 : i32
      %convert_element_type3A_211 = arith.extui %lt3A_210 : i1 to i32
      %cond3A_212 = arith.constant 0 : i32
      %cond3A_213 = arith.cmpi ne, %convert_element_type3A_211, %cond3A_212 : i32
      scf.if %cond3A_213 {
        %add3A_574 = arith.constant 2 : i32
        %add3A_575 = arith.addi %add3A_177, %add3A_574 : i32
        %mul3A_576 = arith.constant 128 : i32
        %mul3A_577 = arith.muli %add3A_575, %mul3A_576 : i32
        %add3A_578 = arith.addi %mul3A_2, %mul3A_577 : i32
        %dma_wait3A_579 = tpu.memref_slice %arg3[%add3A_578] : memref<344064xi32, #tpu.memory_space<hbm>> -> memref<128xi32, #tpu.memory_space<hbm>>
        %dma_wait3A_580 = tpu.memref_slice %arg3[%add3A_578] : memref<344064xi32, #tpu.memory_space<hbm>> -> memref<128xi32, #tpu.memory_space<hbm>>
        tpu.wait_dma2 semaphore(%arg22 : memref<!tpu.dma_semaphore, #tpu.memory_space<semaphore_mem>>) src(%dma_wait3A_580 : memref<128xi32, #tpu.memory_space<hbm>>) dst(%arg8 : memref<128xi32, #tpu.memory_space<vmem>>)
        %mul3A_581 = arith.constant 128 : i32
        %mul3A_582 = arith.muli %add3A_575, %mul3A_581 : i32
        %add3A_583 = arith.addi %mul3A_2, %mul3A_582 : i32
        %dma_wait3A_584 = tpu.memref_slice %arg5[%add3A_583] : memref<344064xf32, #tpu.memory_space<hbm>> -> memref<128xf32, #tpu.memory_space<hbm>>
        %dma_wait3A_585 = tpu.memref_slice %arg5[%add3A_583] : memref<344064xf32, #tpu.memory_space<hbm>> -> memref<128xf32, #tpu.memory_space<hbm>>
        tpu.wait_dma2 semaphore(%arg22 : memref<!tpu.dma_semaphore, #tpu.memory_space<semaphore_mem>>) src(%dma_wait3A_585 : memref<128xf32, #tpu.memory_space<hbm>>) dst(%arg15 : memref<128xf32, #tpu.memory_space<vmem>>)
        %dma_start3A_586 = arith.constant 0 : i32
        %dma_start3A_587 = arith.constant 0 : i32
        %dma_start3A_588 = tpu.memref_slice %arg2[%dma_start3A_586, %dma_start3A_587] : memref<10000x128xf32, #tpu.memory_space<hbm>> -> memref<10000x128xf32, #tpu.memory_space<hbm>>
        tpu.enqueue_indirect_dma source(%dma_start3A_588 : memref<10000x128xf32, #tpu.memory_space<hbm>>) target(%arg18 : memref<128x128xf32, #tpu.memory_space<vmem>>) offsets(%arg8 : memref<128xi32, #tpu.memory_space<vmem>>) semaphore(%arg29 : memref<!tpu.dma_semaphore, #tpu.memory_space<semaphore_mem>>)
      } else {
      }
      %mul3A_214 = arith.constant 12 : i32
      %mul3A_215 = arith.muli %scan3A_95, %mul3A_214 : i32
      %add3A_216 = arith.constant 3 : i32
      %add3A_217 = arith.addi %mul3A_215, %add3A_216 : i32
      %ge3A_218 = arith.constant 1 : i32
      %ge3A_219 = arith.cmpi sge, %add3A_217, %ge3A_218 : i32
      %convert_element_type3A_220 = arith.extui %ge3A_219 : i1 to i32
      %cond3A_221 = arith.constant 0 : i32
      %cond3A_222 = arith.cmpi ne, %convert_element_type3A_220, %cond3A_221 : i32
      scf.if %cond3A_222 {
        %dma_wait3A_574 = arith.constant 0 : i32
        %dma_wait3A_575 = arith.constant 0 : i32
        %dma_wait3A_576 = tpu.memref_slice %arg20[%dma_wait3A_574, %dma_wait3A_575] : memref<10000x128xf32, #tpu.memory_space<vmem_shared>> -> memref<10000x128xf32, #tpu.memory_space<vmem_shared>>
        tpu.wait_indirect_dma semaphore(%arg31 : memref<!tpu.dma_semaphore, #tpu.memory_space<semaphore_mem>>) src(%arg19 : memref<128x128xf32, #tpu.memory_space<vmem>>) dst(%dma_wait3A_576 : memref<10000x128xf32, #tpu.memory_space<vmem_shared>>)
      } else {
      }
      %dma_wait3A_223 = arith.constant 0 : i32
      %dma_wait3A_224 = arith.constant 0 : i32
      %dma_wait3A_225 = tpu.memref_slice %arg2[%dma_wait3A_223, %dma_wait3A_224] : memref<10000x128xf32, #tpu.memory_space<hbm>> -> memref<10000x128xf32, #tpu.memory_space<hbm>>
      tpu.wait_indirect_dma semaphore(%arg28 : memref<!tpu.dma_semaphore, #tpu.memory_space<semaphore_mem>>) src(%dma_wait3A_225 : memref<10000x128xf32, #tpu.memory_space<hbm>>) dst(%arg17 : memref<128x128xf32, #tpu.memory_space<vmem>>)
      %scan3A_226 = arith.constant 0 : i32
      %scan3A_227 = arith.constant 0 : i32
      %scan3A_228 = arith.constant 128 : i32
      %scan3A_229 = arith.addi %scan3A_227, %scan3A_228 : i32
      %scan3A_230 = arith.constant 1 : i32
      scf.for %scan3A_574 = %scan3A_227 to %scan3A_229 step %scan3A_230  : i32 {
        %broadcast_in_dim3A_575 = arith.constant 0 : i32
        %broadcast_in_dim3A_576 = vector.broadcast %broadcast_in_dim3A_575 : i32 to vector<16xi32>
        %add3A_577 = vector.broadcast %scan3A_574 : i32 to vector<16xi32>
        %add3A_578 = arith.addi %broadcast_in_dim3A_576, %add3A_577 : vector<16xi32>
        %gather3A = tpu.vector_load_idx %arg14[%add3A_578] : memref<128xf32, #tpu.memory_space<vmem>>[vector<16xi32>], vector<16xf32>,
        %get3A = arith.index_cast %scan3A_574 : i32 to index
        %get3A_579 = arith.constant 0 : index
        %get3A_580 = tpu.vector_load %arg17[%get3A, %get3A_579] {strides = array<i32>} : memref<128x128xf32, #tpu.memory_space<vmem>>, vector<16xf32>,
        %mul3A_581 = arith.mulf %get3A_580, %gather3A : vector<16xf32>
        %swap3A = arith.index_cast %scan3A_574 : i32 to index
        %swap3A_582 = arith.constant 0 : index
        %swap3A_583 = tpu.vector_load %arg17[%swap3A, %swap3A_582] {strides = array<i32>} : memref<128x128xf32, #tpu.memory_space<vmem>>, vector<16xf32>,
        tpu.vector_store %arg17[%swap3A, %swap3A_582], %mul3A_581 {strides = array<i32>} : memref<128x128xf32, #tpu.memory_space<vmem>>, vector<16xf32>,
        %get3A_584 = arith.index_cast %scan3A_574 : i32 to index
        %get3A_585 = arith.constant 16 : index
        %get3A_586 = tpu.vector_load %arg17[%get3A_584, %get3A_585] {strides = array<i32>} : memref<128x128xf32, #tpu.memory_space<vmem>>, vector<16xf32>,
        %mul3A_587 = arith.mulf %get3A_586, %gather3A : vector<16xf32>
        %swap3A_588 = arith.index_cast %scan3A_574 : i32 to index
        %swap3A_589 = arith.constant 16 : index
        %swap3A_590 = tpu.vector_load %arg17[%swap3A_588, %swap3A_589] {strides = array<i32>} : memref<128x128xf32, #tpu.memory_space<vmem>>, vector<16xf32>,
        tpu.vector_store %arg17[%swap3A_588, %swap3A_589], %mul3A_587 {strides = array<i32>} : memref<128x128xf32, #tpu.memory_space<vmem>>, vector<16xf32>,
        %get3A_591 = arith.index_cast %scan3A_574 : i32 to index
        %get3A_592 = arith.constant 32 : index
        %get3A_593 = tpu.vector_load %arg17[%get3A_591, %get3A_592] {strides = array<i32>} : memref<128x128xf32, #tpu.memory_space<vmem>>, vector<16xf32>,
        %mul3A_594 = arith.mulf %get3A_593, %gather3A : vector<16xf32>
        %swap3A_595 = arith.index_cast %scan3A_574 : i32 to index
        %swap3A_596 = arith.constant 32 : index
        %swap3A_597 = tpu.vector_load %arg17[%swap3A_595, %swap3A_596] {strides = array<i32>} : memref<128x128xf32, #tpu.memory_space<vmem>>, vector<16xf32>,
        tpu.vector_store %arg17[%swap3A_595, %swap3A_596], %mul3A_594 {strides = array<i32>} : memref<128x128xf32, #tpu.memory_space<vmem>>, vector<16xf32>,
        %get3A_598 = arith.index_cast %scan3A_574 : i32 to index
        %get3A_599 = arith.constant 48 : index
        %get3A_600 = tpu.vector_load %arg17[%get3A_598, %get3A_599] {strides = array<i32>} : memref<128x128xf32, #tpu.memory_space<vmem>>, vector<16xf32>,
        %mul3A_601 = arith.mulf %get3A_600, %gather3A : vector<16xf32>
        %swap3A_602 = arith.index_cast %scan3A_574 : i32 to index
        %swap3A_603 = arith.constant 48 : index
        %swap3A_604 = tpu.vector_load %arg17[%swap3A_602, %swap3A_603] {strides = array<i32>} : memref<128x128xf32, #tpu.memory_space<vmem>>, vector<16xf32>,
        tpu.vector_store %arg17[%swap3A_602, %swap3A_603], %mul3A_601 {strides = array<i32>} : memref<128x128xf32, #tpu.memory_space<vmem>>, vector<16xf32>,
        %get3A_605 = arith.index_cast %scan3A_574 : i32 to index
        %get3A_606 = arith.constant 64 : index
        %get3A_607 = tpu.vector_load %arg17[%get3A_605, %get3A_606] {strides = array<i32>} : memref<128x128xf32, #tpu.memory_space<vmem>>, vector<16xf32>,
        %mul3A_608 = arith.mulf %get3A_607, %gather3A : vector<16xf32>
        %swap3A_609 = arith.index_cast %scan3A_574 : i32 to index
        %swap3A_610 = arith.constant 64 : index
        %swap3A_611 = tpu.vector_load %arg17[%swap3A_609, %swap3A_610] {strides = array<i32>} : memref<128x128xf32, #tpu.memory_space<vmem>>, vector<16xf32>,
        tpu.vector_store %arg17[%swap3A_609, %swap3A_610], %mul3A_608 {strides = array<i32>} : memref<128x128xf32, #tpu.memory_space<vmem>>, vector<16xf32>,
        %get3A_612 = arith.index_cast %scan3A_574 : i32 to index
        %get3A_613 = arith.constant 80 : index
        %get3A_614 = tpu.vector_load %arg17[%get3A_612, %get3A_613] {strides = array<i32>} : memref<128x128xf32, #tpu.memory_space<vmem>>, vector<16xf32>,
        %mul3A_615 = arith.mulf %get3A_614, %gather3A : vector<16xf32>
        %swap3A_616 = arith.index_cast %scan3A_574 : i32 to index
        %swap3A_617 = arith.constant 80 : index
        %swap3A_618 = tpu.vector_load %arg17[%swap3A_616, %swap3A_617] {strides = array<i32>} : memref<128x128xf32, #tpu.memory_space<vmem>>, vector<16xf32>,
        tpu.vector_store %arg17[%swap3A_616, %swap3A_617], %mul3A_615 {strides = array<i32>} : memref<128x128xf32, #tpu.memory_space<vmem>>, vector<16xf32>,
        %get3A_619 = arith.index_cast %scan3A_574 : i32 to index
        %get3A_620 = arith.constant 96 : index
        %get3A_621 = tpu.vector_load %arg17[%get3A_619, %get3A_620] {strides = array<i32>} : memref<128x128xf32, #tpu.memory_space<vmem>>, vector<16xf32>,
        %mul3A_622 = arith.mulf %get3A_621, %gather3A : vector<16xf32>
        %swap3A_623 = arith.index_cast %scan3A_574 : i32 to index
        %swap3A_624 = arith.constant 96 : index
        %swap3A_625 = tpu.vector_load %arg17[%swap3A_623, %swap3A_624] {strides = array<i32>} : memref<128x128xf32, #tpu.memory_space<vmem>>, vector<16xf32>,
        tpu.vector_store %arg17[%swap3A_623, %swap3A_624], %mul3A_622 {strides = array<i32>} : memref<128x128xf32, #tpu.memory_space<vmem>>, vector<16xf32>,
        %get3A_626 = arith.index_cast %scan3A_574 : i32 to index
        %get3A_627 = arith.constant 112 : index
        %get3A_628 = tpu.vector_load %arg17[%get3A_626, %get3A_627] {strides = array<i32>} : memref<128x128xf32, #tpu.memory_space<vmem>>, vector<16xf32>,
        %mul3A_629 = arith.mulf %get3A_628, %gather3A : vector<16xf32>
        %swap3A_630 = arith.index_cast %scan3A_574 : i32 to index
        %swap3A_631 = arith.constant 112 : index
        %swap3A_632 = tpu.vector_load %arg17[%swap3A_630, %swap3A_631] {strides = array<i32>} : memref<128x128xf32, #tpu.memory_space<vmem>>, vector<16xf32>,
        tpu.vector_store %arg17[%swap3A_630, %swap3A_631], %mul3A_629 {strides = array<i32>} : memref<128x128xf32, #tpu.memory_space<vmem>>, vector<16xf32>,
      }
      %scan3A_231 = arith.constant 128 : i32
      %mul3A_232 = arith.constant 128 : i32
      %mul3A_233 = arith.muli %add3A_217, %mul3A_232 : i32
      %add3A_234 = arith.addi %mul3A_2, %mul3A_233 : i32
      %dma_wait3A_235 = tpu.memref_slice %arg4[%add3A_234] : memref<344064xi32, #tpu.memory_space<hbm>> -> memref<128xi32, #tpu.memory_space<hbm>>
      %dma_wait3A_236 = tpu.memref_slice %arg4[%add3A_234] : memref<344064xi32, #tpu.memory_space<hbm>> -> memref<128xi32, #tpu.memory_space<hbm>>
      tpu.wait_dma2 semaphore(%arg27 : memref<!tpu.dma_semaphore, #tpu.memory_space<semaphore_mem>>) src(%dma_wait3A_236 : memref<128xi32, #tpu.memory_space<hbm>>) dst(%arg13 : memref<128xi32, #tpu.memory_space<vmem>>)
      %dma_start3A_237 = arith.constant 0 : i32
      %dma_start3A_238 = arith.constant 0 : i32
      %dma_start3A_239 = tpu.memref_slice %arg20[%dma_start3A_237, %dma_start3A_238] : memref<10000x128xf32, #tpu.memory_space<vmem_shared>> -> memref<10000x128xf32, #tpu.memory_space<vmem_shared>>
      tpu.enqueue_indirect_dma source(%arg17 : memref<128x128xf32, #tpu.memory_space<vmem>>) target(%dma_start3A_239 : memref<10000x128xf32, #tpu.memory_space<vmem_shared>>) offsets(%arg13 : memref<128xi32, #tpu.memory_space<vmem>>) semaphore(%arg32 : memref<!tpu.dma_semaphore, #tpu.memory_space<semaphore_mem>>) {add = true}
      %add3A_240 = arith.constant 3 : i32
      %add3A_241 = arith.addi %add3A_217, %add3A_240 : i32
      %lt3A_242 = arith.constant 84 : i32
      %lt3A_243 = arith.cmpi slt, %add3A_241, %lt3A_242 : i32
      %convert_element_type3A_244 = arith.extui %lt3A_243 : i1 to i32
      %cond3A_245 = arith.constant 0 : i32
      %cond3A_246 = arith.cmpi ne, %convert_element_type3A_244, %cond3A_245 : i32
      scf.if %cond3A_246 {
        %add3A_574 = arith.constant 3 : i32
        %add3A_575 = arith.addi %add3A_217, %add3A_574 : i32
        %mul3A_576 = arith.constant 128 : i32
        %mul3A_577 = arith.muli %add3A_575, %mul3A_576 : i32
        %add3A_578 = arith.addi %mul3A_2, %mul3A_577 : i32
        %dma_start3A_579 = tpu.memref_slice %arg3[%add3A_578] : memref<344064xi32, #tpu.memory_space<hbm>> -> memref<128xi32, #tpu.memory_space<hbm>>
        %dma_start3A_580 = tpu.memref_slice %arg3[%add3A_578] : memref<344064xi32, #tpu.memory_space<hbm>> -> memref<128xi32, #tpu.memory_space<hbm>>
        tpu.enqueue_dma source(%dma_start3A_580 : memref<128xi32, #tpu.memory_space<hbm>>) target(%arg7 : memref<128xi32, #tpu.memory_space<vmem>>) target_semaphore(%arg21 : memref<!tpu.dma_semaphore, #tpu.memory_space<semaphore_mem>>)
        %mul3A_581 = arith.constant 128 : i32
        %mul3A_582 = arith.muli %add3A_575, %mul3A_581 : i32
        %add3A_583 = arith.addi %mul3A_2, %mul3A_582 : i32
        %dma_start3A_584 = tpu.memref_slice %arg5[%add3A_583] : memref<344064xf32, #tpu.memory_space<hbm>> -> memref<128xf32, #tpu.memory_space<hbm>>
        %dma_start3A_585 = tpu.memref_slice %arg5[%add3A_583] : memref<344064xf32, #tpu.memory_space<hbm>> -> memref<128xf32, #tpu.memory_space<hbm>>
        tpu.enqueue_dma source(%dma_start3A_585 : memref<128xf32, #tpu.memory_space<hbm>>) target(%arg14 : memref<128xf32, #tpu.memory_space<vmem>>) target_semaphore(%arg21 : memref<!tpu.dma_semaphore, #tpu.memory_space<semaphore_mem>>)
        %mul3A_586 = arith.constant 128 : i32
        %mul3A_587 = arith.muli %add3A_575, %mul3A_586 : i32
        %add3A_588 = arith.addi %mul3A_2, %mul3A_587 : i32
        %dma_start3A_589 = tpu.memref_slice %arg4[%add3A_588] : memref<344064xi32, #tpu.memory_space<hbm>> -> memref<128xi32, #tpu.memory_space<hbm>>
        %dma_start3A_590 = tpu.memref_slice %arg4[%add3A_588] : memref<344064xi32, #tpu.memory_space<hbm>> -> memref<128xi32, #tpu.memory_space<hbm>>
        tpu.enqueue_dma source(%dma_start3A_590 : memref<128xi32, #tpu.memory_space<hbm>>) target(%arg12 : memref<128xi32, #tpu.memory_space<vmem>>) target_semaphore(%arg26 : memref<!tpu.dma_semaphore, #tpu.memory_space<semaphore_mem>>)
      } else {
      }
      %add3A_247 = arith.constant 2 : i32
      %add3A_248 = arith.addi %add3A_217, %add3A_247 : i32
      %lt3A_249 = arith.constant 84 : i32
      %lt3A_250 = arith.cmpi slt, %add3A_248, %lt3A_249 : i32
      %convert_element_type3A_251 = arith.extui %lt3A_250 : i1 to i32
      %cond3A_252 = arith.constant 0 : i32
      %cond3A_253 = arith.cmpi ne, %convert_element_type3A_251, %cond3A_252 : i32
      scf.if %cond3A_253 {
        %add3A_574 = arith.constant 2 : i32
        %add3A_575 = arith.addi %add3A_217, %add3A_574 : i32
        %mul3A_576 = arith.constant 128 : i32
        %mul3A_577 = arith.muli %add3A_575, %mul3A_576 : i32
        %add3A_578 = arith.addi %mul3A_2, %mul3A_577 : i32
        %dma_wait3A_579 = tpu.memref_slice %arg3[%add3A_578] : memref<344064xi32, #tpu.memory_space<hbm>> -> memref<128xi32, #tpu.memory_space<hbm>>
        %dma_wait3A_580 = tpu.memref_slice %arg3[%add3A_578] : memref<344064xi32, #tpu.memory_space<hbm>> -> memref<128xi32, #tpu.memory_space<hbm>>
        tpu.wait_dma2 semaphore(%arg23 : memref<!tpu.dma_semaphore, #tpu.memory_space<semaphore_mem>>) src(%dma_wait3A_580 : memref<128xi32, #tpu.memory_space<hbm>>) dst(%arg9 : memref<128xi32, #tpu.memory_space<vmem>>)
        %mul3A_581 = arith.constant 128 : i32
        %mul3A_582 = arith.muli %add3A_575, %mul3A_581 : i32
        %add3A_583 = arith.addi %mul3A_2, %mul3A_582 : i32
        %dma_wait3A_584 = tpu.memref_slice %arg5[%add3A_583] : memref<344064xf32, #tpu.memory_space<hbm>> -> memref<128xf32, #tpu.memory_space<hbm>>
        %dma_wait3A_585 = tpu.memref_slice %arg5[%add3A_583] : memref<344064xf32, #tpu.memory_space<hbm>> -> memref<128xf32, #tpu.memory_space<hbm>>
        tpu.wait_dma2 semaphore(%arg23 : memref<!tpu.dma_semaphore, #tpu.memory_space<semaphore_mem>>) src(%dma_wait3A_585 : memref<128xf32, #tpu.memory_space<hbm>>) dst(%arg16 : memref<128xf32, #tpu.memory_space<vmem>>)
        %dma_start3A_586 = arith.constant 0 : i32
        %dma_start3A_587 = arith.constant 0 : i32
        %dma_start3A_588 = tpu.memref_slice %arg2[%dma_start3A_586, %dma_start3A_587] : memref<10000x128xf32, #tpu.memory_space<hbm>> -> memref<10000x128xf32, #tpu.memory_space<hbm>>
        tpu.enqueue_indirect_dma source(%dma_start3A_588 : memref<10000x128xf32, #tpu.memory_space<hbm>>) target(%arg19 : memref<128x128xf32, #tpu.memory_space<vmem>>) offsets(%arg9 : memref<128xi32, #tpu.memory_space<vmem>>) semaphore(%arg30 : memref<!tpu.dma_semaphore, #tpu.memory_space<semaphore_mem>>)
      } else {
      }
      %mul3A_254 = arith.constant 12 : i32
      %mul3A_255 = arith.muli %scan3A_95, %mul3A_254 : i32
      %add3A_256 = arith.constant 4 : i32
      %add3A_257 = arith.addi %mul3A_255, %add3A_256 : i32
      %ge3A_258 = arith.constant 1 : i32
      %ge3A_259 = arith.cmpi sge, %add3A_257, %ge3A_258 : i32
      %convert_element_type3A_260 = arith.extui %ge3A_259 : i1 to i32
      %cond3A_261 = arith.constant 0 : i32
      %cond3A_262 = arith.cmpi ne, %convert_element_type3A_260, %cond3A_261 : i32
      scf.if %cond3A_262 {
        %dma_wait3A_574 = arith.constant 0 : i32
        %dma_wait3A_575 = arith.constant 0 : i32
        %dma_wait3A_576 = tpu.memref_slice %arg20[%dma_wait3A_574, %dma_wait3A_575] : memref<10000x128xf32, #tpu.memory_space<vmem_shared>> -> memref<10000x128xf32, #tpu.memory_space<vmem_shared>>
        tpu.wait_indirect_dma semaphore(%arg32 : memref<!tpu.dma_semaphore, #tpu.memory_space<semaphore_mem>>) src(%arg17 : memref<128x128xf32, #tpu.memory_space<vmem>>) dst(%dma_wait3A_576 : memref<10000x128xf32, #tpu.memory_space<vmem_shared>>)
      } else {
      }
      %dma_wait3A_263 = arith.constant 0 : i32
      %dma_wait3A_264 = arith.constant 0 : i32
      %dma_wait3A_265 = tpu.memref_slice %arg2[%dma_wait3A_263, %dma_wait3A_264] : memref<10000x128xf32, #tpu.memory_space<hbm>> -> memref<10000x128xf32, #tpu.memory_space<hbm>>
      tpu.wait_indirect_dma semaphore(%arg29 : memref<!tpu.dma_semaphore, #tpu.memory_space<semaphore_mem>>) src(%dma_wait3A_265 : memref<10000x128xf32, #tpu.memory_space<hbm>>) dst(%arg18 : memref<128x128xf32, #tpu.memory_space<vmem>>)
      %scan3A_266 = arith.constant 0 : i32
      %scan3A_267 = arith.constant 0 : i32
      %scan3A_268 = arith.constant 128 : i32
      %scan3A_269 = arith.addi %scan3A_267, %scan3A_268 : i32
      %scan3A_270 = arith.constant 1 : i32
      scf.for %scan3A_574 = %scan3A_267 to %scan3A_269 step %scan3A_270  : i32 {
        %broadcast_in_dim3A_575 = arith.constant 0 : i32
        %broadcast_in_dim3A_576 = vector.broadcast %broadcast_in_dim3A_575 : i32 to vector<16xi32>
        %add3A_577 = vector.broadcast %scan3A_574 : i32 to vector<16xi32>
        %add3A_578 = arith.addi %broadcast_in_dim3A_576, %add3A_577 : vector<16xi32>
        %gather3A = tpu.vector_load_idx %arg15[%add3A_578] : memref<128xf32, #tpu.memory_space<vmem>>[vector<16xi32>], vector<16xf32>,
        %get3A = arith.index_cast %scan3A_574 : i32 to index
        %get3A_579 = arith.constant 0 : index
        %get3A_580 = tpu.vector_load %arg18[%get3A, %get3A_579] {strides = array<i32>} : memref<128x128xf32, #tpu.memory_space<vmem>>, vector<16xf32>,
        %mul3A_581 = arith.mulf %get3A_580, %gather3A : vector<16xf32>
        %swap3A = arith.index_cast %scan3A_574 : i32 to index
        %swap3A_582 = arith.constant 0 : index
        %swap3A_583 = tpu.vector_load %arg18[%swap3A, %swap3A_582] {strides = array<i32>} : memref<128x128xf32, #tpu.memory_space<vmem>>, vector<16xf32>,
        tpu.vector_store %arg18[%swap3A, %swap3A_582], %mul3A_581 {strides = array<i32>} : memref<128x128xf32, #tpu.memory_space<vmem>>, vector<16xf32>,
        %get3A_584 = arith.index_cast %scan3A_574 : i32 to index
        %get3A_585 = arith.constant 16 : index
        %get3A_586 = tpu.vector_load %arg18[%get3A_584, %get3A_585] {strides = array<i32>} : memref<128x128xf32, #tpu.memory_space<vmem>>, vector<16xf32>,
        %mul3A_587 = arith.mulf %get3A_586, %gather3A : vector<16xf32>
        %swap3A_588 = arith.index_cast %scan3A_574 : i32 to index
        %swap3A_589 = arith.constant 16 : index
        %swap3A_590 = tpu.vector_load %arg18[%swap3A_588, %swap3A_589] {strides = array<i32>} : memref<128x128xf32, #tpu.memory_space<vmem>>, vector<16xf32>,
        tpu.vector_store %arg18[%swap3A_588, %swap3A_589], %mul3A_587 {strides = array<i32>} : memref<128x128xf32, #tpu.memory_space<vmem>>, vector<16xf32>,
        %get3A_591 = arith.index_cast %scan3A_574 : i32 to index
        %get3A_592 = arith.constant 32 : index
        %get3A_593 = tpu.vector_load %arg18[%get3A_591, %get3A_592] {strides = array<i32>} : memref<128x128xf32, #tpu.memory_space<vmem>>, vector<16xf32>,
        %mul3A_594 = arith.mulf %get3A_593, %gather3A : vector<16xf32>
        %swap3A_595 = arith.index_cast %scan3A_574 : i32 to index
        %swap3A_596 = arith.constant 32 : index
        %swap3A_597 = tpu.vector_load %arg18[%swap3A_595, %swap3A_596] {strides = array<i32>} : memref<128x128xf32, #tpu.memory_space<vmem>>, vector<16xf32>,
        tpu.vector_store %arg18[%swap3A_595, %swap3A_596], %mul3A_594 {strides = array<i32>} : memref<128x128xf32, #tpu.memory_space<vmem>>, vector<16xf32>,
        %get3A_598 = arith.index_cast %scan3A_574 : i32 to index
        %get3A_599 = arith.constant 48 : index
        %get3A_600 = tpu.vector_load %arg18[%get3A_598, %get3A_599] {strides = array<i32>} : memref<128x128xf32, #tpu.memory_space<vmem>>, vector<16xf32>,
        %mul3A_601 = arith.mulf %get3A_600, %gather3A : vector<16xf32>
        %swap3A_602 = arith.index_cast %scan3A_574 : i32 to index
        %swap3A_603 = arith.constant 48 : index
        %swap3A_604 = tpu.vector_load %arg18[%swap3A_602, %swap3A_603] {strides = array<i32>} : memref<128x128xf32, #tpu.memory_space<vmem>>, vector<16xf32>,
        tpu.vector_store %arg18[%swap3A_602, %swap3A_603], %mul3A_601 {strides = array<i32>} : memref<128x128xf32, #tpu.memory_space<vmem>>, vector<16xf32>,
        %get3A_605 = arith.index_cast %scan3A_574 : i32 to index
        %get3A_606 = arith.constant 64 : index
        %get3A_607 = tpu.vector_load %arg18[%get3A_605, %get3A_606] {strides = array<i32>} : memref<128x128xf32, #tpu.memory_space<vmem>>, vector<16xf32>,
        %mul3A_608 = arith.mulf %get3A_607, %gather3A : vector<16xf32>
        %swap3A_609 = arith.index_cast %scan3A_574 : i32 to index
        %swap3A_610 = arith.constant 64 : index
        %swap3A_611 = tpu.vector_load %arg18[%swap3A_609, %swap3A_610] {strides = array<i32>} : memref<128x128xf32, #tpu.memory_space<vmem>>, vector<16xf32>,
        tpu.vector_store %arg18[%swap3A_609, %swap3A_610], %mul3A_608 {strides = array<i32>} : memref<128x128xf32, #tpu.memory_space<vmem>>, vector<16xf32>,
        %get3A_612 = arith.index_cast %scan3A_574 : i32 to index
        %get3A_613 = arith.constant 80 : index
        %get3A_614 = tpu.vector_load %arg18[%get3A_612, %get3A_613] {strides = array<i32>} : memref<128x128xf32, #tpu.memory_space<vmem>>, vector<16xf32>,
        %mul3A_615 = arith.mulf %get3A_614, %gather3A : vector<16xf32>
        %swap3A_616 = arith.index_cast %scan3A_574 : i32 to index
        %swap3A_617 = arith.constant 80 : index
        %swap3A_618 = tpu.vector_load %arg18[%swap3A_616, %swap3A_617] {strides = array<i32>} : memref<128x128xf32, #tpu.memory_space<vmem>>, vector<16xf32>,
        tpu.vector_store %arg18[%swap3A_616, %swap3A_617], %mul3A_615 {strides = array<i32>} : memref<128x128xf32, #tpu.memory_space<vmem>>, vector<16xf32>,
        %get3A_619 = arith.index_cast %scan3A_574 : i32 to index
        %get3A_620 = arith.constant 96 : index
        %get3A_621 = tpu.vector_load %arg18[%get3A_619, %get3A_620] {strides = array<i32>} : memref<128x128xf32, #tpu.memory_space<vmem>>, vector<16xf32>,
        %mul3A_622 = arith.mulf %get3A_621, %gather3A : vector<16xf32>
        %swap3A_623 = arith.index_cast %scan3A_574 : i32 to index
        %swap3A_624 = arith.constant 96 : index
        %swap3A_625 = tpu.vector_load %arg18[%swap3A_623, %swap3A_624] {strides = array<i32>} : memref<128x128xf32, #tpu.memory_space<vmem>>, vector<16xf32>,
        tpu.vector_store %arg18[%swap3A_623, %swap3A_624], %mul3A_622 {strides = array<i32>} : memref<128x128xf32, #tpu.memory_space<vmem>>, vector<16xf32>,
        %get3A_626 = arith.index_cast %scan3A_574 : i32 to index
        %get3A_627 = arith.constant 112 : index
        %get3A_628 = tpu.vector_load %arg18[%get3A_626, %get3A_627] {strides = array<i32>} : memref<128x128xf32, #tpu.memory_space<vmem>>, vector<16xf32>,
        %mul3A_629 = arith.mulf %get3A_628, %gather3A : vector<16xf32>
        %swap3A_630 = arith.index_cast %scan3A_574 : i32 to index
        %swap3A_631 = arith.constant 112 : index
        %swap3A_632 = tpu.vector_load %arg18[%swap3A_630, %swap3A_631] {strides = array<i32>} : memref<128x128xf32, #tpu.memory_space<vmem>>, vector<16xf32>,
        tpu.vector_store %arg18[%swap3A_630, %swap3A_631], %mul3A_629 {strides = array<i32>} : memref<128x128xf32, #tpu.memory_space<vmem>>, vector<16xf32>,
      }
      %scan3A_271 = arith.constant 128 : i32
      %mul3A_272 = arith.constant 128 : i32
      %mul3A_273 = arith.muli %add3A_257, %mul3A_272 : i32
      %add3A_274 = arith.addi %mul3A_2, %mul3A_273 : i32
      %dma_wait3A_275 = tpu.memref_slice %arg4[%add3A_274] : memref<344064xi32, #tpu.memory_space<hbm>> -> memref<128xi32, #tpu.memory_space<hbm>>
      %dma_wait3A_276 = tpu.memref_slice %arg4[%add3A_274] : memref<344064xi32, #tpu.memory_space<hbm>> -> memref<128xi32, #tpu.memory_space<hbm>>
      tpu.wait_dma2 semaphore(%arg24 : memref<!tpu.dma_semaphore, #tpu.memory_space<semaphore_mem>>) src(%dma_wait3A_276 : memref<128xi32, #tpu.memory_space<hbm>>) dst(%arg10 : memref<128xi32, #tpu.memory_space<vmem>>)
      %dma_start3A_277 = arith.constant 0 : i32
      %dma_start3A_278 = arith.constant 0 : i32
      %dma_start3A_279 = tpu.memref_slice %arg20[%dma_start3A_277, %dma_start3A_278] : memref<10000x128xf32, #tpu.memory_space<vmem_shared>> -> memref<10000x128xf32, #tpu.memory_space<vmem_shared>>
      tpu.enqueue_indirect_dma source(%arg18 : memref<128x128xf32, #tpu.memory_space<vmem>>) target(%dma_start3A_279 : memref<10000x128xf32, #tpu.memory_space<vmem_shared>>) offsets(%arg10 : memref<128xi32, #tpu.memory_space<vmem>>) semaphore(%arg31 : memref<!tpu.dma_semaphore, #tpu.memory_space<semaphore_mem>>) {add = true}
      %add3A_280 = arith.constant 3 : i32
      %add3A_281 = arith.addi %add3A_257, %add3A_280 : i32
      %lt3A_282 = arith.constant 84 : i32
      %lt3A_283 = arith.cmpi slt, %add3A_281, %lt3A_282 : i32
      %convert_element_type3A_284 = arith.extui %lt3A_283 : i1 to i32
      %cond3A_285 = arith.constant 0 : i32
      %cond3A_286 = arith.cmpi ne, %convert_element_type3A_284, %cond3A_285 : i32
      scf.if %cond3A_286 {
        %add3A_574 = arith.constant 3 : i32
        %add3A_575 = arith.addi %add3A_257, %add3A_574 : i32
        %mul3A_576 = arith.constant 128 : i32
        %mul3A_577 = arith.muli %add3A_575, %mul3A_576 : i32
        %add3A_578 = arith.addi %mul3A_2, %mul3A_577 : i32
        %dma_start3A_579 = tpu.memref_slice %arg3[%add3A_578] : memref<344064xi32, #tpu.memory_space<hbm>> -> memref<128xi32, #tpu.memory_space<hbm>>
        %dma_start3A_580 = tpu.memref_slice %arg3[%add3A_578] : memref<344064xi32, #tpu.memory_space<hbm>> -> memref<128xi32, #tpu.memory_space<hbm>>
        tpu.enqueue_dma source(%dma_start3A_580 : memref<128xi32, #tpu.memory_space<hbm>>) target(%arg8 : memref<128xi32, #tpu.memory_space<vmem>>) target_semaphore(%arg22 : memref<!tpu.dma_semaphore, #tpu.memory_space<semaphore_mem>>)
        %mul3A_581 = arith.constant 128 : i32
        %mul3A_582 = arith.muli %add3A_575, %mul3A_581 : i32
        %add3A_583 = arith.addi %mul3A_2, %mul3A_582 : i32
        %dma_start3A_584 = tpu.memref_slice %arg5[%add3A_583] : memref<344064xf32, #tpu.memory_space<hbm>> -> memref<128xf32, #tpu.memory_space<hbm>>
        %dma_start3A_585 = tpu.memref_slice %arg5[%add3A_583] : memref<344064xf32, #tpu.memory_space<hbm>> -> memref<128xf32, #tpu.memory_space<hbm>>
        tpu.enqueue_dma source(%dma_start3A_585 : memref<128xf32, #tpu.memory_space<hbm>>) target(%arg15 : memref<128xf32, #tpu.memory_space<vmem>>) target_semaphore(%arg22 : memref<!tpu.dma_semaphore, #tpu.memory_space<semaphore_mem>>)
        %mul3A_586 = arith.constant 128 : i32
        %mul3A_587 = arith.muli %add3A_575, %mul3A_586 : i32
        %add3A_588 = arith.addi %mul3A_2, %mul3A_587 : i32
        %dma_start3A_589 = tpu.memref_slice %arg4[%add3A_588] : memref<344064xi32, #tpu.memory_space<hbm>> -> memref<128xi32, #tpu.memory_space<hbm>>
        %dma_start3A_590 = tpu.memref_slice %arg4[%add3A_588] : memref<344064xi32, #tpu.memory_space<hbm>> -> memref<128xi32, #tpu.memory_space<hbm>>
        tpu.enqueue_dma source(%dma_start3A_590 : memref<128xi32, #tpu.memory_space<hbm>>) target(%arg13 : memref<128xi32, #tpu.memory_space<vmem>>) target_semaphore(%arg27 : memref<!tpu.dma_semaphore, #tpu.memory_space<semaphore_mem>>)
      } else {
      }
      %add3A_287 = arith.constant 2 : i32
      %add3A_288 = arith.addi %add3A_257, %add3A_287 : i32
      %lt3A_289 = arith.constant 84 : i32
      %lt3A_290 = arith.cmpi slt, %add3A_288, %lt3A_289 : i32
      %convert_element_type3A_291 = arith.extui %lt3A_290 : i1 to i32
      %cond3A_292 = arith.constant 0 : i32
      %cond3A_293 = arith.cmpi ne, %convert_element_type3A_291, %cond3A_292 : i32
      scf.if %cond3A_293 {
        %add3A_574 = arith.constant 2 : i32
        %add3A_575 = arith.addi %add3A_257, %add3A_574 : i32
        %mul3A_576 = arith.constant 128 : i32
        %mul3A_577 = arith.muli %add3A_575, %mul3A_576 : i32
        %add3A_578 = arith.addi %mul3A_2, %mul3A_577 : i32
        %dma_wait3A_579 = tpu.memref_slice %arg3[%add3A_578] : memref<344064xi32, #tpu.memory_space<hbm>> -> memref<128xi32, #tpu.memory_space<hbm>>
        %dma_wait3A_580 = tpu.memref_slice %arg3[%add3A_578] : memref<344064xi32, #tpu.memory_space<hbm>> -> memref<128xi32, #tpu.memory_space<hbm>>
        tpu.wait_dma2 semaphore(%arg21 : memref<!tpu.dma_semaphore, #tpu.memory_space<semaphore_mem>>) src(%dma_wait3A_580 : memref<128xi32, #tpu.memory_space<hbm>>) dst(%arg7 : memref<128xi32, #tpu.memory_space<vmem>>)
        %mul3A_581 = arith.constant 128 : i32
        %mul3A_582 = arith.muli %add3A_575, %mul3A_581 : i32
        %add3A_583 = arith.addi %mul3A_2, %mul3A_582 : i32
        %dma_wait3A_584 = tpu.memref_slice %arg5[%add3A_583] : memref<344064xf32, #tpu.memory_space<hbm>> -> memref<128xf32, #tpu.memory_space<hbm>>
        %dma_wait3A_585 = tpu.memref_slice %arg5[%add3A_583] : memref<344064xf32, #tpu.memory_space<hbm>> -> memref<128xf32, #tpu.memory_space<hbm>>
        tpu.wait_dma2 semaphore(%arg21 : memref<!tpu.dma_semaphore, #tpu.memory_space<semaphore_mem>>) src(%dma_wait3A_585 : memref<128xf32, #tpu.memory_space<hbm>>) dst(%arg14 : memref<128xf32, #tpu.memory_space<vmem>>)
        %dma_start3A_586 = arith.constant 0 : i32
        %dma_start3A_587 = arith.constant 0 : i32
        %dma_start3A_588 = tpu.memref_slice %arg2[%dma_start3A_586, %dma_start3A_587] : memref<10000x128xf32, #tpu.memory_space<hbm>> -> memref<10000x128xf32, #tpu.memory_space<hbm>>
        tpu.enqueue_indirect_dma source(%dma_start3A_588 : memref<10000x128xf32, #tpu.memory_space<hbm>>) target(%arg17 : memref<128x128xf32, #tpu.memory_space<vmem>>) offsets(%arg7 : memref<128xi32, #tpu.memory_space<vmem>>) semaphore(%arg28 : memref<!tpu.dma_semaphore, #tpu.memory_space<semaphore_mem>>)
      } else {
      }
      %mul3A_294 = arith.constant 12 : i32
      %mul3A_295 = arith.muli %scan3A_95, %mul3A_294 : i32
      %add3A_296 = arith.constant 5 : i32
      %add3A_297 = arith.addi %mul3A_295, %add3A_296 : i32
      %ge3A_298 = arith.constant 1 : i32
      %ge3A_299 = arith.cmpi sge, %add3A_297, %ge3A_298 : i32
      %convert_element_type3A_300 = arith.extui %ge3A_299 : i1 to i32
      %cond3A_301 = arith.constant 0 : i32
      %cond3A_302 = arith.cmpi ne, %convert_element_type3A_300, %cond3A_301 : i32
      scf.if %cond3A_302 {
        %dma_wait3A_574 = arith.constant 0 : i32
        %dma_wait3A_575 = arith.constant 0 : i32
        %dma_wait3A_576 = tpu.memref_slice %arg20[%dma_wait3A_574, %dma_wait3A_575] : memref<10000x128xf32, #tpu.memory_space<vmem_shared>> -> memref<10000x128xf32, #tpu.memory_space<vmem_shared>>
        tpu.wait_indirect_dma semaphore(%arg31 : memref<!tpu.dma_semaphore, #tpu.memory_space<semaphore_mem>>) src(%arg18 : memref<128x128xf32, #tpu.memory_space<vmem>>) dst(%dma_wait3A_576 : memref<10000x128xf32, #tpu.memory_space<vmem_shared>>)
      } else {
      }
      %dma_wait3A_303 = arith.constant 0 : i32
      %dma_wait3A_304 = arith.constant 0 : i32
      %dma_wait3A_305 = tpu.memref_slice %arg2[%dma_wait3A_303, %dma_wait3A_304] : memref<10000x128xf32, #tpu.memory_space<hbm>> -> memref<10000x128xf32, #tpu.memory_space<hbm>>
      tpu.wait_indirect_dma semaphore(%arg30 : memref<!tpu.dma_semaphore, #tpu.memory_space<semaphore_mem>>) src(%dma_wait3A_305 : memref<10000x128xf32, #tpu.memory_space<hbm>>) dst(%arg19 : memref<128x128xf32, #tpu.memory_space<vmem>>)
      %scan3A_306 = arith.constant 0 : i32
      %scan3A_307 = arith.constant 0 : i32
      %scan3A_308 = arith.constant 128 : i32
      %scan3A_309 = arith.addi %scan3A_307, %scan3A_308 : i32
      %scan3A_310 = arith.constant 1 : i32
      scf.for %scan3A_574 = %scan3A_307 to %scan3A_309 step %scan3A_310  : i32 {
        %broadcast_in_dim3A_575 = arith.constant 0 : i32
        %broadcast_in_dim3A_576 = vector.broadcast %broadcast_in_dim3A_575 : i32 to vector<16xi32>
        %add3A_577 = vector.broadcast %scan3A_574 : i32 to vector<16xi32>
        %add3A_578 = arith.addi %broadcast_in_dim3A_576, %add3A_577 : vector<16xi32>
        %gather3A = tpu.vector_load_idx %arg16[%add3A_578] : memref<128xf32, #tpu.memory_space<vmem>>[vector<16xi32>], vector<16xf32>,
        %get3A = arith.index_cast %scan3A_574 : i32 to index
        %get3A_579 = arith.constant 0 : index
        %get3A_580 = tpu.vector_load %arg19[%get3A, %get3A_579] {strides = array<i32>} : memref<128x128xf32, #tpu.memory_space<vmem>>, vector<16xf32>,
        %mul3A_581 = arith.mulf %get3A_580, %gather3A : vector<16xf32>
        %swap3A = arith.index_cast %scan3A_574 : i32 to index
        %swap3A_582 = arith.constant 0 : index
        %swap3A_583 = tpu.vector_load %arg19[%swap3A, %swap3A_582] {strides = array<i32>} : memref<128x128xf32, #tpu.memory_space<vmem>>, vector<16xf32>,
        tpu.vector_store %arg19[%swap3A, %swap3A_582], %mul3A_581 {strides = array<i32>} : memref<128x128xf32, #tpu.memory_space<vmem>>, vector<16xf32>,
        %get3A_584 = arith.index_cast %scan3A_574 : i32 to index
        %get3A_585 = arith.constant 16 : index
        %get3A_586 = tpu.vector_load %arg19[%get3A_584, %get3A_585] {strides = array<i32>} : memref<128x128xf32, #tpu.memory_space<vmem>>, vector<16xf32>,
        %mul3A_587 = arith.mulf %get3A_586, %gather3A : vector<16xf32>
        %swap3A_588 = arith.index_cast %scan3A_574 : i32 to index
        %swap3A_589 = arith.constant 16 : index
        %swap3A_590 = tpu.vector_load %arg19[%swap3A_588, %swap3A_589] {strides = array<i32>} : memref<128x128xf32, #tpu.memory_space<vmem>>, vector<16xf32>,
        tpu.vector_store %arg19[%swap3A_588, %swap3A_589], %mul3A_587 {strides = array<i32>} : memref<128x128xf32, #tpu.memory_space<vmem>>, vector<16xf32>,
        %get3A_591 = arith.index_cast %scan3A_574 : i32 to index
        %get3A_592 = arith.constant 32 : index
        %get3A_593 = tpu.vector_load %arg19[%get3A_591, %get3A_592] {strides = array<i32>} : memref<128x128xf32, #tpu.memory_space<vmem>>, vector<16xf32>,
        %mul3A_594 = arith.mulf %get3A_593, %gather3A : vector<16xf32>
        %swap3A_595 = arith.index_cast %scan3A_574 : i32 to index
        %swap3A_596 = arith.constant 32 : index
        %swap3A_597 = tpu.vector_load %arg19[%swap3A_595, %swap3A_596] {strides = array<i32>} : memref<128x128xf32, #tpu.memory_space<vmem>>, vector<16xf32>,
        tpu.vector_store %arg19[%swap3A_595, %swap3A_596], %mul3A_594 {strides = array<i32>} : memref<128x128xf32, #tpu.memory_space<vmem>>, vector<16xf32>,
        %get3A_598 = arith.index_cast %scan3A_574 : i32 to index
        %get3A_599 = arith.constant 48 : index
        %get3A_600 = tpu.vector_load %arg19[%get3A_598, %get3A_599] {strides = array<i32>} : memref<128x128xf32, #tpu.memory_space<vmem>>, vector<16xf32>,
        %mul3A_601 = arith.mulf %get3A_600, %gather3A : vector<16xf32>
        %swap3A_602 = arith.index_cast %scan3A_574 : i32 to index
        %swap3A_603 = arith.constant 48 : index
        %swap3A_604 = tpu.vector_load %arg19[%swap3A_602, %swap3A_603] {strides = array<i32>} : memref<128x128xf32, #tpu.memory_space<vmem>>, vector<16xf32>,
        tpu.vector_store %arg19[%swap3A_602, %swap3A_603], %mul3A_601 {strides = array<i32>} : memref<128x128xf32, #tpu.memory_space<vmem>>, vector<16xf32>,
        %get3A_605 = arith.index_cast %scan3A_574 : i32 to index
        %get3A_606 = arith.constant 64 : index
        %get3A_607 = tpu.vector_load %arg19[%get3A_605, %get3A_606] {strides = array<i32>} : memref<128x128xf32, #tpu.memory_space<vmem>>, vector<16xf32>,
        %mul3A_608 = arith.mulf %get3A_607, %gather3A : vector<16xf32>
        %swap3A_609 = arith.index_cast %scan3A_574 : i32 to index
        %swap3A_610 = arith.constant 64 : index
        %swap3A_611 = tpu.vector_load %arg19[%swap3A_609, %swap3A_610] {strides = array<i32>} : memref<128x128xf32, #tpu.memory_space<vmem>>, vector<16xf32>,
        tpu.vector_store %arg19[%swap3A_609, %swap3A_610], %mul3A_608 {strides = array<i32>} : memref<128x128xf32, #tpu.memory_space<vmem>>, vector<16xf32>,
        %get3A_612 = arith.index_cast %scan3A_574 : i32 to index
        %get3A_613 = arith.constant 80 : index
        %get3A_614 = tpu.vector_load %arg19[%get3A_612, %get3A_613] {strides = array<i32>} : memref<128x128xf32, #tpu.memory_space<vmem>>, vector<16xf32>,
        %mul3A_615 = arith.mulf %get3A_614, %gather3A : vector<16xf32>
        %swap3A_616 = arith.index_cast %scan3A_574 : i32 to index
        %swap3A_617 = arith.constant 80 : index
        %swap3A_618 = tpu.vector_load %arg19[%swap3A_616, %swap3A_617] {strides = array<i32>} : memref<128x128xf32, #tpu.memory_space<vmem>>, vector<16xf32>,
        tpu.vector_store %arg19[%swap3A_616, %swap3A_617], %mul3A_615 {strides = array<i32>} : memref<128x128xf32, #tpu.memory_space<vmem>>, vector<16xf32>,
        %get3A_619 = arith.index_cast %scan3A_574 : i32 to index
        %get3A_620 = arith.constant 96 : index
        %get3A_621 = tpu.vector_load %arg19[%get3A_619, %get3A_620] {strides = array<i32>} : memref<128x128xf32, #tpu.memory_space<vmem>>, vector<16xf32>,
        %mul3A_622 = arith.mulf %get3A_621, %gather3A : vector<16xf32>
        %swap3A_623 = arith.index_cast %scan3A_574 : i32 to index
        %swap3A_624 = arith.constant 96 : index
        %swap3A_625 = tpu.vector_load %arg19[%swap3A_623, %swap3A_624] {strides = array<i32>} : memref<128x128xf32, #tpu.memory_space<vmem>>, vector<16xf32>,
        tpu.vector_store %arg19[%swap3A_623, %swap3A_624], %mul3A_622 {strides = array<i32>} : memref<128x128xf32, #tpu.memory_space<vmem>>, vector<16xf32>,
        %get3A_626 = arith.index_cast %scan3A_574 : i32 to index
        %get3A_627 = arith.constant 112 : index
        %get3A_628 = tpu.vector_load %arg19[%get3A_626, %get3A_627] {strides = array<i32>} : memref<128x128xf32, #tpu.memory_space<vmem>>, vector<16xf32>,
        %mul3A_629 = arith.mulf %get3A_628, %gather3A : vector<16xf32>
        %swap3A_630 = arith.index_cast %scan3A_574 : i32 to index
        %swap3A_631 = arith.constant 112 : index
        %swap3A_632 = tpu.vector_load %arg19[%swap3A_630, %swap3A_631] {strides = array<i32>} : memref<128x128xf32, #tpu.memory_space<vmem>>, vector<16xf32>,
        tpu.vector_store %arg19[%swap3A_630, %swap3A_631], %mul3A_629 {strides = array<i32>} : memref<128x128xf32, #tpu.memory_space<vmem>>, vector<16xf32>,
      }
      %scan3A_311 = arith.constant 128 : i32
      %mul3A_312 = arith.constant 128 : i32
      %mul3A_313 = arith.muli %add3A_297, %mul3A_312 : i32
      %add3A_314 = arith.addi %mul3A_2, %mul3A_313 : i32
      %dma_wait3A_315 = tpu.memref_slice %arg4[%add3A_314] : memref<344064xi32, #tpu.memory_space<hbm>> -> memref<128xi32, #tpu.memory_space<hbm>>
      %dma_wait3A_316 = tpu.memref_slice %arg4[%add3A_314] : memref<344064xi32, #tpu.memory_space<hbm>> -> memref<128xi32, #tpu.memory_space<hbm>>
      tpu.wait_dma2 semaphore(%arg25 : memref<!tpu.dma_semaphore, #tpu.memory_space<semaphore_mem>>) src(%dma_wait3A_316 : memref<128xi32, #tpu.memory_space<hbm>>) dst(%arg11 : memref<128xi32, #tpu.memory_space<vmem>>)
      %dma_start3A_317 = arith.constant 0 : i32
      %dma_start3A_318 = arith.constant 0 : i32
      %dma_start3A_319 = tpu.memref_slice %arg20[%dma_start3A_317, %dma_start3A_318] : memref<10000x128xf32, #tpu.memory_space<vmem_shared>> -> memref<10000x128xf32, #tpu.memory_space<vmem_shared>>
      tpu.enqueue_indirect_dma source(%arg19 : memref<128x128xf32, #tpu.memory_space<vmem>>) target(%dma_start3A_319 : memref<10000x128xf32, #tpu.memory_space<vmem_shared>>) offsets(%arg11 : memref<128xi32, #tpu.memory_space<vmem>>) semaphore(%arg32 : memref<!tpu.dma_semaphore, #tpu.memory_space<semaphore_mem>>) {add = true}
      %add3A_320 = arith.constant 3 : i32
      %add3A_321 = arith.addi %add3A_297, %add3A_320 : i32
      %lt3A_322 = arith.constant 84 : i32
      %lt3A_323 = arith.cmpi slt, %add3A_321, %lt3A_322 : i32
      %convert_element_type3A_324 = arith.extui %lt3A_323 : i1 to i32
      %cond3A_325 = arith.constant 0 : i32
      %cond3A_326 = arith.cmpi ne, %convert_element_type3A_324, %cond3A_325 : i32
      scf.if %cond3A_326 {
        %add3A_574 = arith.constant 3 : i32
        %add3A_575 = arith.addi %add3A_297, %add3A_574 : i32
        %mul3A_576 = arith.constant 128 : i32
        %mul3A_577 = arith.muli %add3A_575, %mul3A_576 : i32
        %add3A_578 = arith.addi %mul3A_2, %mul3A_577 : i32
        %dma_start3A_579 = tpu.memref_slice %arg3[%add3A_578] : memref<344064xi32, #tpu.memory_space<hbm>> -> memref<128xi32, #tpu.memory_space<hbm>>
        %dma_start3A_580 = tpu.memref_slice %arg3[%add3A_578] : memref<344064xi32, #tpu.memory_space<hbm>> -> memref<128xi32, #tpu.memory_space<hbm>>
        tpu.enqueue_dma source(%dma_start3A_580 : memref<128xi32, #tpu.memory_space<hbm>>) target(%arg9 : memref<128xi32, #tpu.memory_space<vmem>>) target_semaphore(%arg23 : memref<!tpu.dma_semaphore, #tpu.memory_space<semaphore_mem>>)
        %mul3A_581 = arith.constant 128 : i32
        %mul3A_582 = arith.muli %add3A_575, %mul3A_581 : i32
        %add3A_583 = arith.addi %mul3A_2, %mul3A_582 : i32
        %dma_start3A_584 = tpu.memref_slice %arg5[%add3A_583] : memref<344064xf32, #tpu.memory_space<hbm>> -> memref<128xf32, #tpu.memory_space<hbm>>
        %dma_start3A_585 = tpu.memref_slice %arg5[%add3A_583] : memref<344064xf32, #tpu.memory_space<hbm>> -> memref<128xf32, #tpu.memory_space<hbm>>
        tpu.enqueue_dma source(%dma_start3A_585 : memref<128xf32, #tpu.memory_space<hbm>>) target(%arg16 : memref<128xf32, #tpu.memory_space<vmem>>) target_semaphore(%arg23 : memref<!tpu.dma_semaphore, #tpu.memory_space<semaphore_mem>>)
        %mul3A_586 = arith.constant 128 : i32
        %mul3A_587 = arith.muli %add3A_575, %mul3A_586 : i32
        %add3A_588 = arith.addi %mul3A_2, %mul3A_587 : i32
        %dma_start3A_589 = tpu.memref_slice %arg4[%add3A_588] : memref<344064xi32, #tpu.memory_space<hbm>> -> memref<128xi32, #tpu.memory_space<hbm>>
        %dma_start3A_590 = tpu.memref_slice %arg4[%add3A_588] : memref<344064xi32, #tpu.memory_space<hbm>> -> memref<128xi32, #tpu.memory_space<hbm>>
        tpu.enqueue_dma source(%dma_start3A_590 : memref<128xi32, #tpu.memory_space<hbm>>) target(%arg10 : memref<128xi32, #tpu.memory_space<vmem>>) target_semaphore(%arg24 : memref<!tpu.dma_semaphore, #tpu.memory_space<semaphore_mem>>)
      } else {
      }
      %add3A_327 = arith.constant 2 : i32
      %add3A_328 = arith.addi %add3A_297, %add3A_327 : i32
      %lt3A_329 = arith.constant 84 : i32
      %lt3A_330 = arith.cmpi slt, %add3A_328, %lt3A_329 : i32
      %convert_element_type3A_331 = arith.extui %lt3A_330 : i1 to i32
      %cond3A_332 = arith.constant 0 : i32
      %cond3A_333 = arith.cmpi ne, %convert_element_type3A_331, %cond3A_332 : i32
      scf.if %cond3A_333 {
        %add3A_574 = arith.constant 2 : i32
        %add3A_575 = arith.addi %add3A_297, %add3A_574 : i32
        %mul3A_576 = arith.constant 128 : i32
        %mul3A_577 = arith.muli %add3A_575, %mul3A_576 : i32
        %add3A_578 = arith.addi %mul3A_2, %mul3A_577 : i32
        %dma_wait3A_579 = tpu.memref_slice %arg3[%add3A_578] : memref<344064xi32, #tpu.memory_space<hbm>> -> memref<128xi32, #tpu.memory_space<hbm>>
        %dma_wait3A_580 = tpu.memref_slice %arg3[%add3A_578] : memref<344064xi32, #tpu.memory_space<hbm>> -> memref<128xi32, #tpu.memory_space<hbm>>
        tpu.wait_dma2 semaphore(%arg22 : memref<!tpu.dma_semaphore, #tpu.memory_space<semaphore_mem>>) src(%dma_wait3A_580 : memref<128xi32, #tpu.memory_space<hbm>>) dst(%arg8 : memref<128xi32, #tpu.memory_space<vmem>>)
        %mul3A_581 = arith.constant 128 : i32
        %mul3A_582 = arith.muli %add3A_575, %mul3A_581 : i32
        %add3A_583 = arith.addi %mul3A_2, %mul3A_582 : i32
        %dma_wait3A_584 = tpu.memref_slice %arg5[%add3A_583] : memref<344064xf32, #tpu.memory_space<hbm>> -> memref<128xf32, #tpu.memory_space<hbm>>
        %dma_wait3A_585 = tpu.memref_slice %arg5[%add3A_583] : memref<344064xf32, #tpu.memory_space<hbm>> -> memref<128xf32, #tpu.memory_space<hbm>>
        tpu.wait_dma2 semaphore(%arg22 : memref<!tpu.dma_semaphore, #tpu.memory_space<semaphore_mem>>) src(%dma_wait3A_585 : memref<128xf32, #tpu.memory_space<hbm>>) dst(%arg15 : memref<128xf32, #tpu.memory_space<vmem>>)
        %dma_start3A_586 = arith.constant 0 : i32
        %dma_start3A_587 = arith.constant 0 : i32
        %dma_start3A_588 = tpu.memref_slice %arg2[%dma_start3A_586, %dma_start3A_587] : memref<10000x128xf32, #tpu.memory_space<hbm>> -> memref<10000x128xf32, #tpu.memory_space<hbm>>
        tpu.enqueue_indirect_dma source(%dma_start3A_588 : memref<10000x128xf32, #tpu.memory_space<hbm>>) target(%arg18 : memref<128x128xf32, #tpu.memory_space<vmem>>) offsets(%arg8 : memref<128xi32, #tpu.memory_space<vmem>>) semaphore(%arg29 : memref<!tpu.dma_semaphore, #tpu.memory_space<semaphore_mem>>)
      } else {
      }
      %mul3A_334 = arith.constant 12 : i32
      %mul3A_335 = arith.muli %scan3A_95, %mul3A_334 : i32
      %add3A_336 = arith.constant 6 : i32
      %add3A_337 = arith.addi %mul3A_335, %add3A_336 : i32
      %ge3A_338 = arith.constant 1 : i32
      %ge3A_339 = arith.cmpi sge, %add3A_337, %ge3A_338 : i32
      %convert_element_type3A_340 = arith.extui %ge3A_339 : i1 to i32
      %cond3A_341 = arith.constant 0 : i32
      %cond3A_342 = arith.cmpi ne, %convert_element_type3A_340, %cond3A_341 : i32
      scf.if %cond3A_342 {
        %dma_wait3A_574 = arith.constant 0 : i32
        %dma_wait3A_575 = arith.constant 0 : i32
        %dma_wait3A_576 = tpu.memref_slice %arg20[%dma_wait3A_574, %dma_wait3A_575] : memref<10000x128xf32, #tpu.memory_space<vmem_shared>> -> memref<10000x128xf32, #tpu.memory_space<vmem_shared>>
        tpu.wait_indirect_dma semaphore(%arg32 : memref<!tpu.dma_semaphore, #tpu.memory_space<semaphore_mem>>) src(%arg19 : memref<128x128xf32, #tpu.memory_space<vmem>>) dst(%dma_wait3A_576 : memref<10000x128xf32, #tpu.memory_space<vmem_shared>>)
      } else {
      }
      %dma_wait3A_343 = arith.constant 0 : i32
      %dma_wait3A_344 = arith.constant 0 : i32
      %dma_wait3A_345 = tpu.memref_slice %arg2[%dma_wait3A_343, %dma_wait3A_344] : memref<10000x128xf32, #tpu.memory_space<hbm>> -> memref<10000x128xf32, #tpu.memory_space<hbm>>
      tpu.wait_indirect_dma semaphore(%arg28 : memref<!tpu.dma_semaphore, #tpu.memory_space<semaphore_mem>>) src(%dma_wait3A_345 : memref<10000x128xf32, #tpu.memory_space<hbm>>) dst(%arg17 : memref<128x128xf32, #tpu.memory_space<vmem>>)
      %scan3A_346 = arith.constant 0 : i32
      %scan3A_347 = arith.constant 0 : i32
      %scan3A_348 = arith.constant 128 : i32
      %scan3A_349 = arith.addi %scan3A_347, %scan3A_348 : i32
      %scan3A_350 = arith.constant 1 : i32
      scf.for %scan3A_574 = %scan3A_347 to %scan3A_349 step %scan3A_350  : i32 {
        %broadcast_in_dim3A_575 = arith.constant 0 : i32
        %broadcast_in_dim3A_576 = vector.broadcast %broadcast_in_dim3A_575 : i32 to vector<16xi32>
        %add3A_577 = vector.broadcast %scan3A_574 : i32 to vector<16xi32>
        %add3A_578 = arith.addi %broadcast_in_dim3A_576, %add3A_577 : vector<16xi32>
        %gather3A = tpu.vector_load_idx %arg14[%add3A_578] : memref<128xf32, #tpu.memory_space<vmem>>[vector<16xi32>], vector<16xf32>,
        %get3A = arith.index_cast %scan3A_574 : i32 to index
        %get3A_579 = arith.constant 0 : index
        %get3A_580 = tpu.vector_load %arg17[%get3A, %get3A_579] {strides = array<i32>} : memref<128x128xf32, #tpu.memory_space<vmem>>, vector<16xf32>,
        %mul3A_581 = arith.mulf %get3A_580, %gather3A : vector<16xf32>
        %swap3A = arith.index_cast %scan3A_574 : i32 to index
        %swap3A_582 = arith.constant 0 : index
        %swap3A_583 = tpu.vector_load %arg17[%swap3A, %swap3A_582] {strides = array<i32>} : memref<128x128xf32, #tpu.memory_space<vmem>>, vector<16xf32>,
        tpu.vector_store %arg17[%swap3A, %swap3A_582], %mul3A_581 {strides = array<i32>} : memref<128x128xf32, #tpu.memory_space<vmem>>, vector<16xf32>,
        %get3A_584 = arith.index_cast %scan3A_574 : i32 to index
        %get3A_585 = arith.constant 16 : index
        %get3A_586 = tpu.vector_load %arg17[%get3A_584, %get3A_585] {strides = array<i32>} : memref<128x128xf32, #tpu.memory_space<vmem>>, vector<16xf32>,
        %mul3A_587 = arith.mulf %get3A_586, %gather3A : vector<16xf32>
        %swap3A_588 = arith.index_cast %scan3A_574 : i32 to index
        %swap3A_589 = arith.constant 16 : index
        %swap3A_590 = tpu.vector_load %arg17[%swap3A_588, %swap3A_589] {strides = array<i32>} : memref<128x128xf32, #tpu.memory_space<vmem>>, vector<16xf32>,
        tpu.vector_store %arg17[%swap3A_588, %swap3A_589], %mul3A_587 {strides = array<i32>} : memref<128x128xf32, #tpu.memory_space<vmem>>, vector<16xf32>,
        %get3A_591 = arith.index_cast %scan3A_574 : i32 to index
        %get3A_592 = arith.constant 32 : index
        %get3A_593 = tpu.vector_load %arg17[%get3A_591, %get3A_592] {strides = array<i32>} : memref<128x128xf32, #tpu.memory_space<vmem>>, vector<16xf32>,
        %mul3A_594 = arith.mulf %get3A_593, %gather3A : vector<16xf32>
        %swap3A_595 = arith.index_cast %scan3A_574 : i32 to index
        %swap3A_596 = arith.constant 32 : index
        %swap3A_597 = tpu.vector_load %arg17[%swap3A_595, %swap3A_596] {strides = array<i32>} : memref<128x128xf32, #tpu.memory_space<vmem>>, vector<16xf32>,
        tpu.vector_store %arg17[%swap3A_595, %swap3A_596], %mul3A_594 {strides = array<i32>} : memref<128x128xf32, #tpu.memory_space<vmem>>, vector<16xf32>,
        %get3A_598 = arith.index_cast %scan3A_574 : i32 to index
        %get3A_599 = arith.constant 48 : index
        %get3A_600 = tpu.vector_load %arg17[%get3A_598, %get3A_599] {strides = array<i32>} : memref<128x128xf32, #tpu.memory_space<vmem>>, vector<16xf32>,
        %mul3A_601 = arith.mulf %get3A_600, %gather3A : vector<16xf32>
        %swap3A_602 = arith.index_cast %scan3A_574 : i32 to index
        %swap3A_603 = arith.constant 48 : index
        %swap3A_604 = tpu.vector_load %arg17[%swap3A_602, %swap3A_603] {strides = array<i32>} : memref<128x128xf32, #tpu.memory_space<vmem>>, vector<16xf32>,
        tpu.vector_store %arg17[%swap3A_602, %swap3A_603], %mul3A_601 {strides = array<i32>} : memref<128x128xf32, #tpu.memory_space<vmem>>, vector<16xf32>,
        %get3A_605 = arith.index_cast %scan3A_574 : i32 to index
        %get3A_606 = arith.constant 64 : index
        %get3A_607 = tpu.vector_load %arg17[%get3A_605, %get3A_606] {strides = array<i32>} : memref<128x128xf32, #tpu.memory_space<vmem>>, vector<16xf32>,
        %mul3A_608 = arith.mulf %get3A_607, %gather3A : vector<16xf32>
        %swap3A_609 = arith.index_cast %scan3A_574 : i32 to index
        %swap3A_610 = arith.constant 64 : index
        %swap3A_611 = tpu.vector_load %arg17[%swap3A_609, %swap3A_610] {strides = array<i32>} : memref<128x128xf32, #tpu.memory_space<vmem>>, vector<16xf32>,
        tpu.vector_store %arg17[%swap3A_609, %swap3A_610], %mul3A_608 {strides = array<i32>} : memref<128x128xf32, #tpu.memory_space<vmem>>, vector<16xf32>,
        %get3A_612 = arith.index_cast %scan3A_574 : i32 to index
        %get3A_613 = arith.constant 80 : index
        %get3A_614 = tpu.vector_load %arg17[%get3A_612, %get3A_613] {strides = array<i32>} : memref<128x128xf32, #tpu.memory_space<vmem>>, vector<16xf32>,
        %mul3A_615 = arith.mulf %get3A_614, %gather3A : vector<16xf32>
        %swap3A_616 = arith.index_cast %scan3A_574 : i32 to index
        %swap3A_617 = arith.constant 80 : index
        %swap3A_618 = tpu.vector_load %arg17[%swap3A_616, %swap3A_617] {strides = array<i32>} : memref<128x128xf32, #tpu.memory_space<vmem>>, vector<16xf32>,
        tpu.vector_store %arg17[%swap3A_616, %swap3A_617], %mul3A_615 {strides = array<i32>} : memref<128x128xf32, #tpu.memory_space<vmem>>, vector<16xf32>,
        %get3A_619 = arith.index_cast %scan3A_574 : i32 to index
        %get3A_620 = arith.constant 96 : index
        %get3A_621 = tpu.vector_load %arg17[%get3A_619, %get3A_620] {strides = array<i32>} : memref<128x128xf32, #tpu.memory_space<vmem>>, vector<16xf32>,
        %mul3A_622 = arith.mulf %get3A_621, %gather3A : vector<16xf32>
        %swap3A_623 = arith.index_cast %scan3A_574 : i32 to index
        %swap3A_624 = arith.constant 96 : index
        %swap3A_625 = tpu.vector_load %arg17[%swap3A_623, %swap3A_624] {strides = array<i32>} : memref<128x128xf32, #tpu.memory_space<vmem>>, vector<16xf32>,
        tpu.vector_store %arg17[%swap3A_623, %swap3A_624], %mul3A_622 {strides = array<i32>} : memref<128x128xf32, #tpu.memory_space<vmem>>, vector<16xf32>,
        %get3A_626 = arith.index_cast %scan3A_574 : i32 to index
        %get3A_627 = arith.constant 112 : index
        %get3A_628 = tpu.vector_load %arg17[%get3A_626, %get3A_627] {strides = array<i32>} : memref<128x128xf32, #tpu.memory_space<vmem>>, vector<16xf32>,
        %mul3A_629 = arith.mulf %get3A_628, %gather3A : vector<16xf32>
        %swap3A_630 = arith.index_cast %scan3A_574 : i32 to index
        %swap3A_631 = arith.constant 112 : index
        %swap3A_632 = tpu.vector_load %arg17[%swap3A_630, %swap3A_631] {strides = array<i32>} : memref<128x128xf32, #tpu.memory_space<vmem>>, vector<16xf32>,
        tpu.vector_store %arg17[%swap3A_630, %swap3A_631], %mul3A_629 {strides = array<i32>} : memref<128x128xf32, #tpu.memory_space<vmem>>, vector<16xf32>,
      }
      %scan3A_351 = arith.constant 128 : i32
      %mul3A_352 = arith.constant 128 : i32
      %mul3A_353 = arith.muli %add3A_337, %mul3A_352 : i32
      %add3A_354 = arith.addi %mul3A_2, %mul3A_353 : i32
      %dma_wait3A_355 = tpu.memref_slice %arg4[%add3A_354] : memref<344064xi32, #tpu.memory_space<hbm>> -> memref<128xi32, #tpu.memory_space<hbm>>
      %dma_wait3A_356 = tpu.memref_slice %arg4[%add3A_354] : memref<344064xi32, #tpu.memory_space<hbm>> -> memref<128xi32, #tpu.memory_space<hbm>>
      tpu.wait_dma2 semaphore(%arg26 : memref<!tpu.dma_semaphore, #tpu.memory_space<semaphore_mem>>) src(%dma_wait3A_356 : memref<128xi32, #tpu.memory_space<hbm>>) dst(%arg12 : memref<128xi32, #tpu.memory_space<vmem>>)
      %dma_start3A_357 = arith.constant 0 : i32
      %dma_start3A_358 = arith.constant 0 : i32
      %dma_start3A_359 = tpu.memref_slice %arg20[%dma_start3A_357, %dma_start3A_358] : memref<10000x128xf32, #tpu.memory_space<vmem_shared>> -> memref<10000x128xf32, #tpu.memory_space<vmem_shared>>
      tpu.enqueue_indirect_dma source(%arg17 : memref<128x128xf32, #tpu.memory_space<vmem>>) target(%dma_start3A_359 : memref<10000x128xf32, #tpu.memory_space<vmem_shared>>) offsets(%arg12 : memref<128xi32, #tpu.memory_space<vmem>>) semaphore(%arg31 : memref<!tpu.dma_semaphore, #tpu.memory_space<semaphore_mem>>) {add = true}
      %add3A_360 = arith.constant 3 : i32
      %add3A_361 = arith.addi %add3A_337, %add3A_360 : i32
      %lt3A_362 = arith.constant 84 : i32
      %lt3A_363 = arith.cmpi slt, %add3A_361, %lt3A_362 : i32
      %convert_element_type3A_364 = arith.extui %lt3A_363 : i1 to i32
      %cond3A_365 = arith.constant 0 : i32
      %cond3A_366 = arith.cmpi ne, %convert_element_type3A_364, %cond3A_365 : i32
      scf.if %cond3A_366 {
        %add3A_574 = arith.constant 3 : i32
        %add3A_575 = arith.addi %add3A_337, %add3A_574 : i32
        %mul3A_576 = arith.constant 128 : i32
        %mul3A_577 = arith.muli %add3A_575, %mul3A_576 : i32
        %add3A_578 = arith.addi %mul3A_2, %mul3A_577 : i32
        %dma_start3A_579 = tpu.memref_slice %arg3[%add3A_578] : memref<344064xi32, #tpu.memory_space<hbm>> -> memref<128xi32, #tpu.memory_space<hbm>>
        %dma_start3A_580 = tpu.memref_slice %arg3[%add3A_578] : memref<344064xi32, #tpu.memory_space<hbm>> -> memref<128xi32, #tpu.memory_space<hbm>>
        tpu.enqueue_dma source(%dma_start3A_580 : memref<128xi32, #tpu.memory_space<hbm>>) target(%arg7 : memref<128xi32, #tpu.memory_space<vmem>>) target_semaphore(%arg21 : memref<!tpu.dma_semaphore, #tpu.memory_space<semaphore_mem>>)
        %mul3A_581 = arith.constant 128 : i32
        %mul3A_582 = arith.muli %add3A_575, %mul3A_581 : i32
        %add3A_583 = arith.addi %mul3A_2, %mul3A_582 : i32
        %dma_start3A_584 = tpu.memref_slice %arg5[%add3A_583] : memref<344064xf32, #tpu.memory_space<hbm>> -> memref<128xf32, #tpu.memory_space<hbm>>
        %dma_start3A_585 = tpu.memref_slice %arg5[%add3A_583] : memref<344064xf32, #tpu.memory_space<hbm>> -> memref<128xf32, #tpu.memory_space<hbm>>
        tpu.enqueue_dma source(%dma_start3A_585 : memref<128xf32, #tpu.memory_space<hbm>>) target(%arg14 : memref<128xf32, #tpu.memory_space<vmem>>) target_semaphore(%arg21 : memref<!tpu.dma_semaphore, #tpu.memory_space<semaphore_mem>>)
        %mul3A_586 = arith.constant 128 : i32
        %mul3A_587 = arith.muli %add3A_575, %mul3A_586 : i32
        %add3A_588 = arith.addi %mul3A_2, %mul3A_587 : i32
        %dma_start3A_589 = tpu.memref_slice %arg4[%add3A_588] : memref<344064xi32, #tpu.memory_space<hbm>> -> memref<128xi32, #tpu.memory_space<hbm>>
        %dma_start3A_590 = tpu.memref_slice %arg4[%add3A_588] : memref<344064xi32, #tpu.memory_space<hbm>> -> memref<128xi32, #tpu.memory_space<hbm>>
        tpu.enqueue_dma source(%dma_start3A_590 : memref<128xi32, #tpu.memory_space<hbm>>) target(%arg11 : memref<128xi32, #tpu.memory_space<vmem>>) target_semaphore(%arg25 : memref<!tpu.dma_semaphore, #tpu.memory_space<semaphore_mem>>)
      } else {
      }
      %add3A_367 = arith.constant 2 : i32
      %add3A_368 = arith.addi %add3A_337, %add3A_367 : i32
      %lt3A_369 = arith.constant 84 : i32
      %lt3A_370 = arith.cmpi slt, %add3A_368, %lt3A_369 : i32
      %convert_element_type3A_371 = arith.extui %lt3A_370 : i1 to i32
      %cond3A_372 = arith.constant 0 : i32
      %cond3A_373 = arith.cmpi ne, %convert_element_type3A_371, %cond3A_372 : i32
      scf.if %cond3A_373 {
        %add3A_574 = arith.constant 2 : i32
        %add3A_575 = arith.addi %add3A_337, %add3A_574 : i32
        %mul3A_576 = arith.constant 128 : i32
        %mul3A_577 = arith.muli %add3A_575, %mul3A_576 : i32
        %add3A_578 = arith.addi %mul3A_2, %mul3A_577 : i32
        %dma_wait3A_579 = tpu.memref_slice %arg3[%add3A_578] : memref<344064xi32, #tpu.memory_space<hbm>> -> memref<128xi32, #tpu.memory_space<hbm>>
        %dma_wait3A_580 = tpu.memref_slice %arg3[%add3A_578] : memref<344064xi32, #tpu.memory_space<hbm>> -> memref<128xi32, #tpu.memory_space<hbm>>
        tpu.wait_dma2 semaphore(%arg23 : memref<!tpu.dma_semaphore, #tpu.memory_space<semaphore_mem>>) src(%dma_wait3A_580 : memref<128xi32, #tpu.memory_space<hbm>>) dst(%arg9 : memref<128xi32, #tpu.memory_space<vmem>>)
        %mul3A_581 = arith.constant 128 : i32
        %mul3A_582 = arith.muli %add3A_575, %mul3A_581 : i32
        %add3A_583 = arith.addi %mul3A_2, %mul3A_582 : i32
        %dma_wait3A_584 = tpu.memref_slice %arg5[%add3A_583] : memref<344064xf32, #tpu.memory_space<hbm>> -> memref<128xf32, #tpu.memory_space<hbm>>
        %dma_wait3A_585 = tpu.memref_slice %arg5[%add3A_583] : memref<344064xf32, #tpu.memory_space<hbm>> -> memref<128xf32, #tpu.memory_space<hbm>>
        tpu.wait_dma2 semaphore(%arg23 : memref<!tpu.dma_semaphore, #tpu.memory_space<semaphore_mem>>) src(%dma_wait3A_585 : memref<128xf32, #tpu.memory_space<hbm>>) dst(%arg16 : memref<128xf32, #tpu.memory_space<vmem>>)
        %dma_start3A_586 = arith.constant 0 : i32
        %dma_start3A_587 = arith.constant 0 : i32
        %dma_start3A_588 = tpu.memref_slice %arg2[%dma_start3A_586, %dma_start3A_587] : memref<10000x128xf32, #tpu.memory_space<hbm>> -> memref<10000x128xf32, #tpu.memory_space<hbm>>
        tpu.enqueue_indirect_dma source(%dma_start3A_588 : memref<10000x128xf32, #tpu.memory_space<hbm>>) target(%arg19 : memref<128x128xf32, #tpu.memory_space<vmem>>) offsets(%arg9 : memref<128xi32, #tpu.memory_space<vmem>>) semaphore(%arg30 : memref<!tpu.dma_semaphore, #tpu.memory_space<semaphore_mem>>)
      } else {
      }
      %mul3A_374 = arith.constant 12 : i32
      %mul3A_375 = arith.muli %scan3A_95, %mul3A_374 : i32
      %add3A_376 = arith.constant 7 : i32
      %add3A_377 = arith.addi %mul3A_375, %add3A_376 : i32
      %ge3A_378 = arith.constant 1 : i32
      %ge3A_379 = arith.cmpi sge, %add3A_377, %ge3A_378 : i32
      %convert_element_type3A_380 = arith.extui %ge3A_379 : i1 to i32
      %cond3A_381 = arith.constant 0 : i32
      %cond3A_382 = arith.cmpi ne, %convert_element_type3A_380, %cond3A_381 : i32
      scf.if %cond3A_382 {
        %dma_wait3A_574 = arith.constant 0 : i32
        %dma_wait3A_575 = arith.constant 0 : i32
        %dma_wait3A_576 = tpu.memref_slice %arg20[%dma_wait3A_574, %dma_wait3A_575] : memref<10000x128xf32, #tpu.memory_space<vmem_shared>> -> memref<10000x128xf32, #tpu.memory_space<vmem_shared>>
        tpu.wait_indirect_dma semaphore(%arg31 : memref<!tpu.dma_semaphore, #tpu.memory_space<semaphore_mem>>) src(%arg17 : memref<128x128xf32, #tpu.memory_space<vmem>>) dst(%dma_wait3A_576 : memref<10000x128xf32, #tpu.memory_space<vmem_shared>>)
      } else {
      }
      %dma_wait3A_383 = arith.constant 0 : i32
      %dma_wait3A_384 = arith.constant 0 : i32
      %dma_wait3A_385 = tpu.memref_slice %arg2[%dma_wait3A_383, %dma_wait3A_384] : memref<10000x128xf32, #tpu.memory_space<hbm>> -> memref<10000x128xf32, #tpu.memory_space<hbm>>
      tpu.wait_indirect_dma semaphore(%arg29 : memref<!tpu.dma_semaphore, #tpu.memory_space<semaphore_mem>>) src(%dma_wait3A_385 : memref<10000x128xf32, #tpu.memory_space<hbm>>) dst(%arg18 : memref<128x128xf32, #tpu.memory_space<vmem>>)
      %scan3A_386 = arith.constant 0 : i32
      %scan3A_387 = arith.constant 0 : i32
      %scan3A_388 = arith.constant 128 : i32
      %scan3A_389 = arith.addi %scan3A_387, %scan3A_388 : i32
      %scan3A_390 = arith.constant 1 : i32
      scf.for %scan3A_574 = %scan3A_387 to %scan3A_389 step %scan3A_390  : i32 {
        %broadcast_in_dim3A_575 = arith.constant 0 : i32
        %broadcast_in_dim3A_576 = vector.broadcast %broadcast_in_dim3A_575 : i32 to vector<16xi32>
        %add3A_577 = vector.broadcast %scan3A_574 : i32 to vector<16xi32>
        %add3A_578 = arith.addi %broadcast_in_dim3A_576, %add3A_577 : vector<16xi32>
        %gather3A = tpu.vector_load_idx %arg15[%add3A_578] : memref<128xf32, #tpu.memory_space<vmem>>[vector<16xi32>], vector<16xf32>,
        %get3A = arith.index_cast %scan3A_574 : i32 to index
        %get3A_579 = arith.constant 0 : index
        %get3A_580 = tpu.vector_load %arg18[%get3A, %get3A_579] {strides = array<i32>} : memref<128x128xf32, #tpu.memory_space<vmem>>, vector<16xf32>,
        %mul3A_581 = arith.mulf %get3A_580, %gather3A : vector<16xf32>
        %swap3A = arith.index_cast %scan3A_574 : i32 to index
        %swap3A_582 = arith.constant 0 : index
        %swap3A_583 = tpu.vector_load %arg18[%swap3A, %swap3A_582] {strides = array<i32>} : memref<128x128xf32, #tpu.memory_space<vmem>>, vector<16xf32>,
        tpu.vector_store %arg18[%swap3A, %swap3A_582], %mul3A_581 {strides = array<i32>} : memref<128x128xf32, #tpu.memory_space<vmem>>, vector<16xf32>,
        %get3A_584 = arith.index_cast %scan3A_574 : i32 to index
        %get3A_585 = arith.constant 16 : index
        %get3A_586 = tpu.vector_load %arg18[%get3A_584, %get3A_585] {strides = array<i32>} : memref<128x128xf32, #tpu.memory_space<vmem>>, vector<16xf32>,
        %mul3A_587 = arith.mulf %get3A_586, %gather3A : vector<16xf32>
        %swap3A_588 = arith.index_cast %scan3A_574 : i32 to index
        %swap3A_589 = arith.constant 16 : index
        %swap3A_590 = tpu.vector_load %arg18[%swap3A_588, %swap3A_589] {strides = array<i32>} : memref<128x128xf32, #tpu.memory_space<vmem>>, vector<16xf32>,
        tpu.vector_store %arg18[%swap3A_588, %swap3A_589], %mul3A_587 {strides = array<i32>} : memref<128x128xf32, #tpu.memory_space<vmem>>, vector<16xf32>,
        %get3A_591 = arith.index_cast %scan3A_574 : i32 to index
        %get3A_592 = arith.constant 32 : index
        %get3A_593 = tpu.vector_load %arg18[%get3A_591, %get3A_592] {strides = array<i32>} : memref<128x128xf32, #tpu.memory_space<vmem>>, vector<16xf32>,
        %mul3A_594 = arith.mulf %get3A_593, %gather3A : vector<16xf32>
        %swap3A_595 = arith.index_cast %scan3A_574 : i32 to index
        %swap3A_596 = arith.constant 32 : index
        %swap3A_597 = tpu.vector_load %arg18[%swap3A_595, %swap3A_596] {strides = array<i32>} : memref<128x128xf32, #tpu.memory_space<vmem>>, vector<16xf32>,
        tpu.vector_store %arg18[%swap3A_595, %swap3A_596], %mul3A_594 {strides = array<i32>} : memref<128x128xf32, #tpu.memory_space<vmem>>, vector<16xf32>,
        %get3A_598 = arith.index_cast %scan3A_574 : i32 to index
        %get3A_599 = arith.constant 48 : index
        %get3A_600 = tpu.vector_load %arg18[%get3A_598, %get3A_599] {strides = array<i32>} : memref<128x128xf32, #tpu.memory_space<vmem>>, vector<16xf32>,
        %mul3A_601 = arith.mulf %get3A_600, %gather3A : vector<16xf32>
        %swap3A_602 = arith.index_cast %scan3A_574 : i32 to index
        %swap3A_603 = arith.constant 48 : index
        %swap3A_604 = tpu.vector_load %arg18[%swap3A_602, %swap3A_603] {strides = array<i32>} : memref<128x128xf32, #tpu.memory_space<vmem>>, vector<16xf32>,
        tpu.vector_store %arg18[%swap3A_602, %swap3A_603], %mul3A_601 {strides = array<i32>} : memref<128x128xf32, #tpu.memory_space<vmem>>, vector<16xf32>,
        %get3A_605 = arith.index_cast %scan3A_574 : i32 to index
        %get3A_606 = arith.constant 64 : index
        %get3A_607 = tpu.vector_load %arg18[%get3A_605, %get3A_606] {strides = array<i32>} : memref<128x128xf32, #tpu.memory_space<vmem>>, vector<16xf32>,
        %mul3A_608 = arith.mulf %get3A_607, %gather3A : vector<16xf32>
        %swap3A_609 = arith.index_cast %scan3A_574 : i32 to index
        %swap3A_610 = arith.constant 64 : index
        %swap3A_611 = tpu.vector_load %arg18[%swap3A_609, %swap3A_610] {strides = array<i32>} : memref<128x128xf32, #tpu.memory_space<vmem>>, vector<16xf32>,
        tpu.vector_store %arg18[%swap3A_609, %swap3A_610], %mul3A_608 {strides = array<i32>} : memref<128x128xf32, #tpu.memory_space<vmem>>, vector<16xf32>,
        %get3A_612 = arith.index_cast %scan3A_574 : i32 to index
        %get3A_613 = arith.constant 80 : index
        %get3A_614 = tpu.vector_load %arg18[%get3A_612, %get3A_613] {strides = array<i32>} : memref<128x128xf32, #tpu.memory_space<vmem>>, vector<16xf32>,
        %mul3A_615 = arith.mulf %get3A_614, %gather3A : vector<16xf32>
        %swap3A_616 = arith.index_cast %scan3A_574 : i32 to index
        %swap3A_617 = arith.constant 80 : index
        %swap3A_618 = tpu.vector_load %arg18[%swap3A_616, %swap3A_617] {strides = array<i32>} : memref<128x128xf32, #tpu.memory_space<vmem>>, vector<16xf32>,
        tpu.vector_store %arg18[%swap3A_616, %swap3A_617], %mul3A_615 {strides = array<i32>} : memref<128x128xf32, #tpu.memory_space<vmem>>, vector<16xf32>,
        %get3A_619 = arith.index_cast %scan3A_574 : i32 to index
        %get3A_620 = arith.constant 96 : index
        %get3A_621 = tpu.vector_load %arg18[%get3A_619, %get3A_620] {strides = array<i32>} : memref<128x128xf32, #tpu.memory_space<vmem>>, vector<16xf32>,
        %mul3A_622 = arith.mulf %get3A_621, %gather3A : vector<16xf32>
        %swap3A_623 = arith.index_cast %scan3A_574 : i32 to index
        %swap3A_624 = arith.constant 96 : index
        %swap3A_625 = tpu.vector_load %arg18[%swap3A_623, %swap3A_624] {strides = array<i32>} : memref<128x128xf32, #tpu.memory_space<vmem>>, vector<16xf32>,
        tpu.vector_store %arg18[%swap3A_623, %swap3A_624], %mul3A_622 {strides = array<i32>} : memref<128x128xf32, #tpu.memory_space<vmem>>, vector<16xf32>,
        %get3A_626 = arith.index_cast %scan3A_574 : i32 to index
        %get3A_627 = arith.constant 112 : index
        %get3A_628 = tpu.vector_load %arg18[%get3A_626, %get3A_627] {strides = array<i32>} : memref<128x128xf32, #tpu.memory_space<vmem>>, vector<16xf32>,
        %mul3A_629 = arith.mulf %get3A_628, %gather3A : vector<16xf32>
        %swap3A_630 = arith.index_cast %scan3A_574 : i32 to index
        %swap3A_631 = arith.constant 112 : index
        %swap3A_632 = tpu.vector_load %arg18[%swap3A_630, %swap3A_631] {strides = array<i32>} : memref<128x128xf32, #tpu.memory_space<vmem>>, vector<16xf32>,
        tpu.vector_store %arg18[%swap3A_630, %swap3A_631], %mul3A_629 {strides = array<i32>} : memref<128x128xf32, #tpu.memory_space<vmem>>, vector<16xf32>,
      }
      %scan3A_391 = arith.constant 128 : i32
      %mul3A_392 = arith.constant 128 : i32
      %mul3A_393 = arith.muli %add3A_377, %mul3A_392 : i32
      %add3A_394 = arith.addi %mul3A_2, %mul3A_393 : i32
      %dma_wait3A_395 = tpu.memref_slice %arg4[%add3A_394] : memref<344064xi32, #tpu.memory_space<hbm>> -> memref<128xi32, #tpu.memory_space<hbm>>
      %dma_wait3A_396 = tpu.memref_slice %arg4[%add3A_394] : memref<344064xi32, #tpu.memory_space<hbm>> -> memref<128xi32, #tpu.memory_space<hbm>>
      tpu.wait_dma2 semaphore(%arg27 : memref<!tpu.dma_semaphore, #tpu.memory_space<semaphore_mem>>) src(%dma_wait3A_396 : memref<128xi32, #tpu.memory_space<hbm>>) dst(%arg13 : memref<128xi32, #tpu.memory_space<vmem>>)
      %dma_start3A_397 = arith.constant 0 : i32
      %dma_start3A_398 = arith.constant 0 : i32
      %dma_start3A_399 = tpu.memref_slice %arg20[%dma_start3A_397, %dma_start3A_398] : memref<10000x128xf32, #tpu.memory_space<vmem_shared>> -> memref<10000x128xf32, #tpu.memory_space<vmem_shared>>
      tpu.enqueue_indirect_dma source(%arg18 : memref<128x128xf32, #tpu.memory_space<vmem>>) target(%dma_start3A_399 : memref<10000x128xf32, #tpu.memory_space<vmem_shared>>) offsets(%arg13 : memref<128xi32, #tpu.memory_space<vmem>>) semaphore(%arg32 : memref<!tpu.dma_semaphore, #tpu.memory_space<semaphore_mem>>) {add = true}
      %add3A_400 = arith.constant 3 : i32
      %add3A_401 = arith.addi %add3A_377, %add3A_400 : i32
      %lt3A_402 = arith.constant 84 : i32
      %lt3A_403 = arith.cmpi slt, %add3A_401, %lt3A_402 : i32
      %convert_element_type3A_404 = arith.extui %lt3A_403 : i1 to i32
      %cond3A_405 = arith.constant 0 : i32
      %cond3A_406 = arith.cmpi ne, %convert_element_type3A_404, %cond3A_405 : i32
      scf.if %cond3A_406 {
        %add3A_574 = arith.constant 3 : i32
        %add3A_575 = arith.addi %add3A_377, %add3A_574 : i32
        %mul3A_576 = arith.constant 128 : i32
        %mul3A_577 = arith.muli %add3A_575, %mul3A_576 : i32
        %add3A_578 = arith.addi %mul3A_2, %mul3A_577 : i32
        %dma_start3A_579 = tpu.memref_slice %arg3[%add3A_578] : memref<344064xi32, #tpu.memory_space<hbm>> -> memref<128xi32, #tpu.memory_space<hbm>>
        %dma_start3A_580 = tpu.memref_slice %arg3[%add3A_578] : memref<344064xi32, #tpu.memory_space<hbm>> -> memref<128xi32, #tpu.memory_space<hbm>>
        tpu.enqueue_dma source(%dma_start3A_580 : memref<128xi32, #tpu.memory_space<hbm>>) target(%arg8 : memref<128xi32, #tpu.memory_space<vmem>>) target_semaphore(%arg22 : memref<!tpu.dma_semaphore, #tpu.memory_space<semaphore_mem>>)
        %mul3A_581 = arith.constant 128 : i32
        %mul3A_582 = arith.muli %add3A_575, %mul3A_581 : i32
        %add3A_583 = arith.addi %mul3A_2, %mul3A_582 : i32
        %dma_start3A_584 = tpu.memref_slice %arg5[%add3A_583] : memref<344064xf32, #tpu.memory_space<hbm>> -> memref<128xf32, #tpu.memory_space<hbm>>
        %dma_start3A_585 = tpu.memref_slice %arg5[%add3A_583] : memref<344064xf32, #tpu.memory_space<hbm>> -> memref<128xf32, #tpu.memory_space<hbm>>
        tpu.enqueue_dma source(%dma_start3A_585 : memref<128xf32, #tpu.memory_space<hbm>>) target(%arg15 : memref<128xf32, #tpu.memory_space<vmem>>) target_semaphore(%arg22 : memref<!tpu.dma_semaphore, #tpu.memory_space<semaphore_mem>>)
        %mul3A_586 = arith.constant 128 : i32
        %mul3A_587 = arith.muli %add3A_575, %mul3A_586 : i32
        %add3A_588 = arith.addi %mul3A_2, %mul3A_587 : i32
        %dma_start3A_589 = tpu.memref_slice %arg4[%add3A_588] : memref<344064xi32, #tpu.memory_space<hbm>> -> memref<128xi32, #tpu.memory_space<hbm>>
        %dma_start3A_590 = tpu.memref_slice %arg4[%add3A_588] : memref<344064xi32, #tpu.memory_space<hbm>> -> memref<128xi32, #tpu.memory_space<hbm>>
        tpu.enqueue_dma source(%dma_start3A_590 : memref<128xi32, #tpu.memory_space<hbm>>) target(%arg12 : memref<128xi32, #tpu.memory_space<vmem>>) target_semaphore(%arg26 : memref<!tpu.dma_semaphore, #tpu.memory_space<semaphore_mem>>)
      } else {
      }
      %add3A_407 = arith.constant 2 : i32
      %add3A_408 = arith.addi %add3A_377, %add3A_407 : i32
      %lt3A_409 = arith.constant 84 : i32
      %lt3A_410 = arith.cmpi slt, %add3A_408, %lt3A_409 : i32
      %convert_element_type3A_411 = arith.extui %lt3A_410 : i1 to i32
      %cond3A_412 = arith.constant 0 : i32
      %cond3A_413 = arith.cmpi ne, %convert_element_type3A_411, %cond3A_412 : i32
      scf.if %cond3A_413 {
        %add3A_574 = arith.constant 2 : i32
        %add3A_575 = arith.addi %add3A_377, %add3A_574 : i32
        %mul3A_576 = arith.constant 128 : i32
        %mul3A_577 = arith.muli %add3A_575, %mul3A_576 : i32
        %add3A_578 = arith.addi %mul3A_2, %mul3A_577 : i32
        %dma_wait3A_579 = tpu.memref_slice %arg3[%add3A_578] : memref<344064xi32, #tpu.memory_space<hbm>> -> memref<128xi32, #tpu.memory_space<hbm>>
        %dma_wait3A_580 = tpu.memref_slice %arg3[%add3A_578] : memref<344064xi32, #tpu.memory_space<hbm>> -> memref<128xi32, #tpu.memory_space<hbm>>
        tpu.wait_dma2 semaphore(%arg21 : memref<!tpu.dma_semaphore, #tpu.memory_space<semaphore_mem>>) src(%dma_wait3A_580 : memref<128xi32, #tpu.memory_space<hbm>>) dst(%arg7 : memref<128xi32, #tpu.memory_space<vmem>>)
        %mul3A_581 = arith.constant 128 : i32
        %mul3A_582 = arith.muli %add3A_575, %mul3A_581 : i32
        %add3A_583 = arith.addi %mul3A_2, %mul3A_582 : i32
        %dma_wait3A_584 = tpu.memref_slice %arg5[%add3A_583] : memref<344064xf32, #tpu.memory_space<hbm>> -> memref<128xf32, #tpu.memory_space<hbm>>
        %dma_wait3A_585 = tpu.memref_slice %arg5[%add3A_583] : memref<344064xf32, #tpu.memory_space<hbm>> -> memref<128xf32, #tpu.memory_space<hbm>>
        tpu.wait_dma2 semaphore(%arg21 : memref<!tpu.dma_semaphore, #tpu.memory_space<semaphore_mem>>) src(%dma_wait3A_585 : memref<128xf32, #tpu.memory_space<hbm>>) dst(%arg14 : memref<128xf32, #tpu.memory_space<vmem>>)
        %dma_start3A_586 = arith.constant 0 : i32
        %dma_start3A_587 = arith.constant 0 : i32
        %dma_start3A_588 = tpu.memref_slice %arg2[%dma_start3A_586, %dma_start3A_587] : memref<10000x128xf32, #tpu.memory_space<hbm>> -> memref<10000x128xf32, #tpu.memory_space<hbm>>
        tpu.enqueue_indirect_dma source(%dma_start3A_588 : memref<10000x128xf32, #tpu.memory_space<hbm>>) target(%arg17 : memref<128x128xf32, #tpu.memory_space<vmem>>) offsets(%arg7 : memref<128xi32, #tpu.memory_space<vmem>>) semaphore(%arg28 : memref<!tpu.dma_semaphore, #tpu.memory_space<semaphore_mem>>)
      } else {
      }
      %mul3A_414 = arith.constant 12 : i32
      %mul3A_415 = arith.muli %scan3A_95, %mul3A_414 : i32
      %add3A_416 = arith.constant 8 : i32
      %add3A_417 = arith.addi %mul3A_415, %add3A_416 : i32
      %ge3A_418 = arith.constant 1 : i32
      %ge3A_419 = arith.cmpi sge, %add3A_417, %ge3A_418 : i32
      %convert_element_type3A_420 = arith.extui %ge3A_419 : i1 to i32
      %cond3A_421 = arith.constant 0 : i32
      %cond3A_422 = arith.cmpi ne, %convert_element_type3A_420, %cond3A_421 : i32
      scf.if %cond3A_422 {
        %dma_wait3A_574 = arith.constant 0 : i32
        %dma_wait3A_575 = arith.constant 0 : i32
        %dma_wait3A_576 = tpu.memref_slice %arg20[%dma_wait3A_574, %dma_wait3A_575] : memref<10000x128xf32, #tpu.memory_space<vmem_shared>> -> memref<10000x128xf32, #tpu.memory_space<vmem_shared>>
        tpu.wait_indirect_dma semaphore(%arg32 : memref<!tpu.dma_semaphore, #tpu.memory_space<semaphore_mem>>) src(%arg18 : memref<128x128xf32, #tpu.memory_space<vmem>>) dst(%dma_wait3A_576 : memref<10000x128xf32, #tpu.memory_space<vmem_shared>>)
      } else {
      }
      %dma_wait3A_423 = arith.constant 0 : i32
      %dma_wait3A_424 = arith.constant 0 : i32
      %dma_wait3A_425 = tpu.memref_slice %arg2[%dma_wait3A_423, %dma_wait3A_424] : memref<10000x128xf32, #tpu.memory_space<hbm>> -> memref<10000x128xf32, #tpu.memory_space<hbm>>
      tpu.wait_indirect_dma semaphore(%arg30 : memref<!tpu.dma_semaphore, #tpu.memory_space<semaphore_mem>>) src(%dma_wait3A_425 : memref<10000x128xf32, #tpu.memory_space<hbm>>) dst(%arg19 : memref<128x128xf32, #tpu.memory_space<vmem>>)
      %scan3A_426 = arith.constant 0 : i32
      %scan3A_427 = arith.constant 0 : i32
      %scan3A_428 = arith.constant 128 : i32
      %scan3A_429 = arith.addi %scan3A_427, %scan3A_428 : i32
      %scan3A_430 = arith.constant 1 : i32
      scf.for %scan3A_574 = %scan3A_427 to %scan3A_429 step %scan3A_430  : i32 {
        %broadcast_in_dim3A_575 = arith.constant 0 : i32
        %broadcast_in_dim3A_576 = vector.broadcast %broadcast_in_dim3A_575 : i32 to vector<16xi32>
        %add3A_577 = vector.broadcast %scan3A_574 : i32 to vector<16xi32>
        %add3A_578 = arith.addi %broadcast_in_dim3A_576, %add3A_577 : vector<16xi32>
        %gather3A = tpu.vector_load_idx %arg16[%add3A_578] : memref<128xf32, #tpu.memory_space<vmem>>[vector<16xi32>], vector<16xf32>,
        %get3A = arith.index_cast %scan3A_574 : i32 to index
        %get3A_579 = arith.constant 0 : index
        %get3A_580 = tpu.vector_load %arg19[%get3A, %get3A_579] {strides = array<i32>} : memref<128x128xf32, #tpu.memory_space<vmem>>, vector<16xf32>,
        %mul3A_581 = arith.mulf %get3A_580, %gather3A : vector<16xf32>
        %swap3A = arith.index_cast %scan3A_574 : i32 to index
        %swap3A_582 = arith.constant 0 : index
        %swap3A_583 = tpu.vector_load %arg19[%swap3A, %swap3A_582] {strides = array<i32>} : memref<128x128xf32, #tpu.memory_space<vmem>>, vector<16xf32>,
        tpu.vector_store %arg19[%swap3A, %swap3A_582], %mul3A_581 {strides = array<i32>} : memref<128x128xf32, #tpu.memory_space<vmem>>, vector<16xf32>,
        %get3A_584 = arith.index_cast %scan3A_574 : i32 to index
        %get3A_585 = arith.constant 16 : index
        %get3A_586 = tpu.vector_load %arg19[%get3A_584, %get3A_585] {strides = array<i32>} : memref<128x128xf32, #tpu.memory_space<vmem>>, vector<16xf32>,
        %mul3A_587 = arith.mulf %get3A_586, %gather3A : vector<16xf32>
        %swap3A_588 = arith.index_cast %scan3A_574 : i32 to index
        %swap3A_589 = arith.constant 16 : index
        %swap3A_590 = tpu.vector_load %arg19[%swap3A_588, %swap3A_589] {strides = array<i32>} : memref<128x128xf32, #tpu.memory_space<vmem>>, vector<16xf32>,
        tpu.vector_store %arg19[%swap3A_588, %swap3A_589], %mul3A_587 {strides = array<i32>} : memref<128x128xf32, #tpu.memory_space<vmem>>, vector<16xf32>,
        %get3A_591 = arith.index_cast %scan3A_574 : i32 to index
        %get3A_592 = arith.constant 32 : index
        %get3A_593 = tpu.vector_load %arg19[%get3A_591, %get3A_592] {strides = array<i32>} : memref<128x128xf32, #tpu.memory_space<vmem>>, vector<16xf32>,
        %mul3A_594 = arith.mulf %get3A_593, %gather3A : vector<16xf32>
        %swap3A_595 = arith.index_cast %scan3A_574 : i32 to index
        %swap3A_596 = arith.constant 32 : index
        %swap3A_597 = tpu.vector_load %arg19[%swap3A_595, %swap3A_596] {strides = array<i32>} : memref<128x128xf32, #tpu.memory_space<vmem>>, vector<16xf32>,
        tpu.vector_store %arg19[%swap3A_595, %swap3A_596], %mul3A_594 {strides = array<i32>} : memref<128x128xf32, #tpu.memory_space<vmem>>, vector<16xf32>,
        %get3A_598 = arith.index_cast %scan3A_574 : i32 to index
        %get3A_599 = arith.constant 48 : index
        %get3A_600 = tpu.vector_load %arg19[%get3A_598, %get3A_599] {strides = array<i32>} : memref<128x128xf32, #tpu.memory_space<vmem>>, vector<16xf32>,
        %mul3A_601 = arith.mulf %get3A_600, %gather3A : vector<16xf32>
        %swap3A_602 = arith.index_cast %scan3A_574 : i32 to index
        %swap3A_603 = arith.constant 48 : index
        %swap3A_604 = tpu.vector_load %arg19[%swap3A_602, %swap3A_603] {strides = array<i32>} : memref<128x128xf32, #tpu.memory_space<vmem>>, vector<16xf32>,
        tpu.vector_store %arg19[%swap3A_602, %swap3A_603], %mul3A_601 {strides = array<i32>} : memref<128x128xf32, #tpu.memory_space<vmem>>, vector<16xf32>,
        %get3A_605 = arith.index_cast %scan3A_574 : i32 to index
        %get3A_606 = arith.constant 64 : index
        %get3A_607 = tpu.vector_load %arg19[%get3A_605, %get3A_606] {strides = array<i32>} : memref<128x128xf32, #tpu.memory_space<vmem>>, vector<16xf32>,
        %mul3A_608 = arith.mulf %get3A_607, %gather3A : vector<16xf32>
        %swap3A_609 = arith.index_cast %scan3A_574 : i32 to index
        %swap3A_610 = arith.constant 64 : index
        %swap3A_611 = tpu.vector_load %arg19[%swap3A_609, %swap3A_610] {strides = array<i32>} : memref<128x128xf32, #tpu.memory_space<vmem>>, vector<16xf32>,
        tpu.vector_store %arg19[%swap3A_609, %swap3A_610], %mul3A_608 {strides = array<i32>} : memref<128x128xf32, #tpu.memory_space<vmem>>, vector<16xf32>,
        %get3A_612 = arith.index_cast %scan3A_574 : i32 to index
        %get3A_613 = arith.constant 80 : index
        %get3A_614 = tpu.vector_load %arg19[%get3A_612, %get3A_613] {strides = array<i32>} : memref<128x128xf32, #tpu.memory_space<vmem>>, vector<16xf32>,
        %mul3A_615 = arith.mulf %get3A_614, %gather3A : vector<16xf32>
        %swap3A_616 = arith.index_cast %scan3A_574 : i32 to index
        %swap3A_617 = arith.constant 80 : index
        %swap3A_618 = tpu.vector_load %arg19[%swap3A_616, %swap3A_617] {strides = array<i32>} : memref<128x128xf32, #tpu.memory_space<vmem>>, vector<16xf32>,
        tpu.vector_store %arg19[%swap3A_616, %swap3A_617], %mul3A_615 {strides = array<i32>} : memref<128x128xf32, #tpu.memory_space<vmem>>, vector<16xf32>,
        %get3A_619 = arith.index_cast %scan3A_574 : i32 to index
        %get3A_620 = arith.constant 96 : index
        %get3A_621 = tpu.vector_load %arg19[%get3A_619, %get3A_620] {strides = array<i32>} : memref<128x128xf32, #tpu.memory_space<vmem>>, vector<16xf32>,
        %mul3A_622 = arith.mulf %get3A_621, %gather3A : vector<16xf32>
        %swap3A_623 = arith.index_cast %scan3A_574 : i32 to index
        %swap3A_624 = arith.constant 96 : index
        %swap3A_625 = tpu.vector_load %arg19[%swap3A_623, %swap3A_624] {strides = array<i32>} : memref<128x128xf32, #tpu.memory_space<vmem>>, vector<16xf32>,
        tpu.vector_store %arg19[%swap3A_623, %swap3A_624], %mul3A_622 {strides = array<i32>} : memref<128x128xf32, #tpu.memory_space<vmem>>, vector<16xf32>,
        %get3A_626 = arith.index_cast %scan3A_574 : i32 to index
        %get3A_627 = arith.constant 112 : index
        %get3A_628 = tpu.vector_load %arg19[%get3A_626, %get3A_627] {strides = array<i32>} : memref<128x128xf32, #tpu.memory_space<vmem>>, vector<16xf32>,
        %mul3A_629 = arith.mulf %get3A_628, %gather3A : vector<16xf32>
        %swap3A_630 = arith.index_cast %scan3A_574 : i32 to index
        %swap3A_631 = arith.constant 112 : index
        %swap3A_632 = tpu.vector_load %arg19[%swap3A_630, %swap3A_631] {strides = array<i32>} : memref<128x128xf32, #tpu.memory_space<vmem>>, vector<16xf32>,
        tpu.vector_store %arg19[%swap3A_630, %swap3A_631], %mul3A_629 {strides = array<i32>} : memref<128x128xf32, #tpu.memory_space<vmem>>, vector<16xf32>,
      }
      %scan3A_431 = arith.constant 128 : i32
      %mul3A_432 = arith.constant 128 : i32
      %mul3A_433 = arith.muli %add3A_417, %mul3A_432 : i32
      %add3A_434 = arith.addi %mul3A_2, %mul3A_433 : i32
      %dma_wait3A_435 = tpu.memref_slice %arg4[%add3A_434] : memref<344064xi32, #tpu.memory_space<hbm>> -> memref<128xi32, #tpu.memory_space<hbm>>
      %dma_wait3A_436 = tpu.memref_slice %arg4[%add3A_434] : memref<344064xi32, #tpu.memory_space<hbm>> -> memref<128xi32, #tpu.memory_space<hbm>>
      tpu.wait_dma2 semaphore(%arg24 : memref<!tpu.dma_semaphore, #tpu.memory_space<semaphore_mem>>) src(%dma_wait3A_436 : memref<128xi32, #tpu.memory_space<hbm>>) dst(%arg10 : memref<128xi32, #tpu.memory_space<vmem>>)
      %dma_start3A_437 = arith.constant 0 : i32
      %dma_start3A_438 = arith.constant 0 : i32
      %dma_start3A_439 = tpu.memref_slice %arg20[%dma_start3A_437, %dma_start3A_438] : memref<10000x128xf32, #tpu.memory_space<vmem_shared>> -> memref<10000x128xf32, #tpu.memory_space<vmem_shared>>
      tpu.enqueue_indirect_dma source(%arg19 : memref<128x128xf32, #tpu.memory_space<vmem>>) target(%dma_start3A_439 : memref<10000x128xf32, #tpu.memory_space<vmem_shared>>) offsets(%arg10 : memref<128xi32, #tpu.memory_space<vmem>>) semaphore(%arg31 : memref<!tpu.dma_semaphore, #tpu.memory_space<semaphore_mem>>) {add = true}
      %add3A_440 = arith.constant 3 : i32
      %add3A_441 = arith.addi %add3A_417, %add3A_440 : i32
      %lt3A_442 = arith.constant 84 : i32
      %lt3A_443 = arith.cmpi slt, %add3A_441, %lt3A_442 : i32
      %convert_element_type3A_444 = arith.extui %lt3A_443 : i1 to i32
      %cond3A_445 = arith.constant 0 : i32
      %cond3A_446 = arith.cmpi ne, %convert_element_type3A_444, %cond3A_445 : i32
      scf.if %cond3A_446 {
        %add3A_574 = arith.constant 3 : i32
        %add3A_575 = arith.addi %add3A_417, %add3A_574 : i32
        %mul3A_576 = arith.constant 128 : i32
        %mul3A_577 = arith.muli %add3A_575, %mul3A_576 : i32
        %add3A_578 = arith.addi %mul3A_2, %mul3A_577 : i32
        %dma_start3A_579 = tpu.memref_slice %arg3[%add3A_578] : memref<344064xi32, #tpu.memory_space<hbm>> -> memref<128xi32, #tpu.memory_space<hbm>>
        %dma_start3A_580 = tpu.memref_slice %arg3[%add3A_578] : memref<344064xi32, #tpu.memory_space<hbm>> -> memref<128xi32, #tpu.memory_space<hbm>>
        tpu.enqueue_dma source(%dma_start3A_580 : memref<128xi32, #tpu.memory_space<hbm>>) target(%arg9 : memref<128xi32, #tpu.memory_space<vmem>>) target_semaphore(%arg23 : memref<!tpu.dma_semaphore, #tpu.memory_space<semaphore_mem>>)
        %mul3A_581 = arith.constant 128 : i32
        %mul3A_582 = arith.muli %add3A_575, %mul3A_581 : i32
        %add3A_583 = arith.addi %mul3A_2, %mul3A_582 : i32
        %dma_start3A_584 = tpu.memref_slice %arg5[%add3A_583] : memref<344064xf32, #tpu.memory_space<hbm>> -> memref<128xf32, #tpu.memory_space<hbm>>
        %dma_start3A_585 = tpu.memref_slice %arg5[%add3A_583] : memref<344064xf32, #tpu.memory_space<hbm>> -> memref<128xf32, #tpu.memory_space<hbm>>
        tpu.enqueue_dma source(%dma_start3A_585 : memref<128xf32, #tpu.memory_space<hbm>>) target(%arg16 : memref<128xf32, #tpu.memory_space<vmem>>) target_semaphore(%arg23 : memref<!tpu.dma_semaphore, #tpu.memory_space<semaphore_mem>>)
        %mul3A_586 = arith.constant 128 : i32
        %mul3A_587 = arith.muli %add3A_575, %mul3A_586 : i32
        %add3A_588 = arith.addi %mul3A_2, %mul3A_587 : i32
        %dma_start3A_589 = tpu.memref_slice %arg4[%add3A_588] : memref<344064xi32, #tpu.memory_space<hbm>> -> memref<128xi32, #tpu.memory_space<hbm>>
        %dma_start3A_590 = tpu.memref_slice %arg4[%add3A_588] : memref<344064xi32, #tpu.memory_space<hbm>> -> memref<128xi32, #tpu.memory_space<hbm>>
        tpu.enqueue_dma source(%dma_start3A_590 : memref<128xi32, #tpu.memory_space<hbm>>) target(%arg13 : memref<128xi32, #tpu.memory_space<vmem>>) target_semaphore(%arg27 : memref<!tpu.dma_semaphore, #tpu.memory_space<semaphore_mem>>)
      } else {
      }
      %add3A_447 = arith.constant 2 : i32
      %add3A_448 = arith.addi %add3A_417, %add3A_447 : i32
      %lt3A_449 = arith.constant 84 : i32
      %lt3A_450 = arith.cmpi slt, %add3A_448, %lt3A_449 : i32
      %convert_element_type3A_451 = arith.extui %lt3A_450 : i1 to i32
      %cond3A_452 = arith.constant 0 : i32
      %cond3A_453 = arith.cmpi ne, %convert_element_type3A_451, %cond3A_452 : i32
      scf.if %cond3A_453 {
        %add3A_574 = arith.constant 2 : i32
        %add3A_575 = arith.addi %add3A_417, %add3A_574 : i32
        %mul3A_576 = arith.constant 128 : i32
        %mul3A_577 = arith.muli %add3A_575, %mul3A_576 : i32
        %add3A_578 = arith.addi %mul3A_2, %mul3A_577 : i32
        %dma_wait3A_579 = tpu.memref_slice %arg3[%add3A_578] : memref<344064xi32, #tpu.memory_space<hbm>> -> memref<128xi32, #tpu.memory_space<hbm>>
        %dma_wait3A_580 = tpu.memref_slice %arg3[%add3A_578] : memref<344064xi32, #tpu.memory_space<hbm>> -> memref<128xi32, #tpu.memory_space<hbm>>
        tpu.wait_dma2 semaphore(%arg22 : memref<!tpu.dma_semaphore, #tpu.memory_space<semaphore_mem>>) src(%dma_wait3A_580 : memref<128xi32, #tpu.memory_space<hbm>>) dst(%arg8 : memref<128xi32, #tpu.memory_space<vmem>>)
        %mul3A_581 = arith.constant 128 : i32
        %mul3A_582 = arith.muli %add3A_575, %mul3A_581 : i32
        %add3A_583 = arith.addi %mul3A_2, %mul3A_582 : i32
        %dma_wait3A_584 = tpu.memref_slice %arg5[%add3A_583] : memref<344064xf32, #tpu.memory_space<hbm>> -> memref<128xf32, #tpu.memory_space<hbm>>
        %dma_wait3A_585 = tpu.memref_slice %arg5[%add3A_583] : memref<344064xf32, #tpu.memory_space<hbm>> -> memref<128xf32, #tpu.memory_space<hbm>>
        tpu.wait_dma2 semaphore(%arg22 : memref<!tpu.dma_semaphore, #tpu.memory_space<semaphore_mem>>) src(%dma_wait3A_585 : memref<128xf32, #tpu.memory_space<hbm>>) dst(%arg15 : memref<128xf32, #tpu.memory_space<vmem>>)
        %dma_start3A_586 = arith.constant 0 : i32
        %dma_start3A_587 = arith.constant 0 : i32
        %dma_start3A_588 = tpu.memref_slice %arg2[%dma_start3A_586, %dma_start3A_587] : memref<10000x128xf32, #tpu.memory_space<hbm>> -> memref<10000x128xf32, #tpu.memory_space<hbm>>
        tpu.enqueue_indirect_dma source(%dma_start3A_588 : memref<10000x128xf32, #tpu.memory_space<hbm>>) target(%arg18 : memref<128x128xf32, #tpu.memory_space<vmem>>) offsets(%arg8 : memref<128xi32, #tpu.memory_space<vmem>>) semaphore(%arg29 : memref<!tpu.dma_semaphore, #tpu.memory_space<semaphore_mem>>)
      } else {
      }
      %mul3A_454 = arith.constant 12 : i32
      %mul3A_455 = arith.muli %scan3A_95, %mul3A_454 : i32
      %add3A_456 = arith.constant 9 : i32
      %add3A_457 = arith.addi %mul3A_455, %add3A_456 : i32
      %ge3A_458 = arith.constant 1 : i32
      %ge3A_459 = arith.cmpi sge, %add3A_457, %ge3A_458 : i32
      %convert_element_type3A_460 = arith.extui %ge3A_459 : i1 to i32
      %cond3A_461 = arith.constant 0 : i32
      %cond3A_462 = arith.cmpi ne, %convert_element_type3A_460, %cond3A_461 : i32
      scf.if %cond3A_462 {
        %dma_wait3A_574 = arith.constant 0 : i32
        %dma_wait3A_575 = arith.constant 0 : i32
        %dma_wait3A_576 = tpu.memref_slice %arg20[%dma_wait3A_574, %dma_wait3A_575] : memref<10000x128xf32, #tpu.memory_space<vmem_shared>> -> memref<10000x128xf32, #tpu.memory_space<vmem_shared>>
        tpu.wait_indirect_dma semaphore(%arg31 : memref<!tpu.dma_semaphore, #tpu.memory_space<semaphore_mem>>) src(%arg19 : memref<128x128xf32, #tpu.memory_space<vmem>>) dst(%dma_wait3A_576 : memref<10000x128xf32, #tpu.memory_space<vmem_shared>>)
      } else {
      }
      %dma_wait3A_463 = arith.constant 0 : i32
      %dma_wait3A_464 = arith.constant 0 : i32
      %dma_wait3A_465 = tpu.memref_slice %arg2[%dma_wait3A_463, %dma_wait3A_464] : memref<10000x128xf32, #tpu.memory_space<hbm>> -> memref<10000x128xf32, #tpu.memory_space<hbm>>
      tpu.wait_indirect_dma semaphore(%arg28 : memref<!tpu.dma_semaphore, #tpu.memory_space<semaphore_mem>>) src(%dma_wait3A_465 : memref<10000x128xf32, #tpu.memory_space<hbm>>) dst(%arg17 : memref<128x128xf32, #tpu.memory_space<vmem>>)
      %scan3A_466 = arith.constant 0 : i32
      %scan3A_467 = arith.constant 0 : i32
      %scan3A_468 = arith.constant 128 : i32
      %scan3A_469 = arith.addi %scan3A_467, %scan3A_468 : i32
      %scan3A_470 = arith.constant 1 : i32
      scf.for %scan3A_574 = %scan3A_467 to %scan3A_469 step %scan3A_470  : i32 {
        %broadcast_in_dim3A_575 = arith.constant 0 : i32
        %broadcast_in_dim3A_576 = vector.broadcast %broadcast_in_dim3A_575 : i32 to vector<16xi32>
        %add3A_577 = vector.broadcast %scan3A_574 : i32 to vector<16xi32>
        %add3A_578 = arith.addi %broadcast_in_dim3A_576, %add3A_577 : vector<16xi32>
        %gather3A = tpu.vector_load_idx %arg14[%add3A_578] : memref<128xf32, #tpu.memory_space<vmem>>[vector<16xi32>], vector<16xf32>,
        %get3A = arith.index_cast %scan3A_574 : i32 to index
        %get3A_579 = arith.constant 0 : index
        %get3A_580 = tpu.vector_load %arg17[%get3A, %get3A_579] {strides = array<i32>} : memref<128x128xf32, #tpu.memory_space<vmem>>, vector<16xf32>,
        %mul3A_581 = arith.mulf %get3A_580, %gather3A : vector<16xf32>
        %swap3A = arith.index_cast %scan3A_574 : i32 to index
        %swap3A_582 = arith.constant 0 : index
        %swap3A_583 = tpu.vector_load %arg17[%swap3A, %swap3A_582] {strides = array<i32>} : memref<128x128xf32, #tpu.memory_space<vmem>>, vector<16xf32>,
        tpu.vector_store %arg17[%swap3A, %swap3A_582], %mul3A_581 {strides = array<i32>} : memref<128x128xf32, #tpu.memory_space<vmem>>, vector<16xf32>,
        %get3A_584 = arith.index_cast %scan3A_574 : i32 to index
        %get3A_585 = arith.constant 16 : index
        %get3A_586 = tpu.vector_load %arg17[%get3A_584, %get3A_585] {strides = array<i32>} : memref<128x128xf32, #tpu.memory_space<vmem>>, vector<16xf32>,
        %mul3A_587 = arith.mulf %get3A_586, %gather3A : vector<16xf32>
        %swap3A_588 = arith.index_cast %scan3A_574 : i32 to index
        %swap3A_589 = arith.constant 16 : index
        %swap3A_590 = tpu.vector_load %arg17[%swap3A_588, %swap3A_589] {strides = array<i32>} : memref<128x128xf32, #tpu.memory_space<vmem>>, vector<16xf32>,
        tpu.vector_store %arg17[%swap3A_588, %swap3A_589], %mul3A_587 {strides = array<i32>} : memref<128x128xf32, #tpu.memory_space<vmem>>, vector<16xf32>,
        %get3A_591 = arith.index_cast %scan3A_574 : i32 to index
        %get3A_592 = arith.constant 32 : index
        %get3A_593 = tpu.vector_load %arg17[%get3A_591, %get3A_592] {strides = array<i32>} : memref<128x128xf32, #tpu.memory_space<vmem>>, vector<16xf32>,
        %mul3A_594 = arith.mulf %get3A_593, %gather3A : vector<16xf32>
        %swap3A_595 = arith.index_cast %scan3A_574 : i32 to index
        %swap3A_596 = arith.constant 32 : index
        %swap3A_597 = tpu.vector_load %arg17[%swap3A_595, %swap3A_596] {strides = array<i32>} : memref<128x128xf32, #tpu.memory_space<vmem>>, vector<16xf32>,
        tpu.vector_store %arg17[%swap3A_595, %swap3A_596], %mul3A_594 {strides = array<i32>} : memref<128x128xf32, #tpu.memory_space<vmem>>, vector<16xf32>,
        %get3A_598 = arith.index_cast %scan3A_574 : i32 to index
        %get3A_599 = arith.constant 48 : index
        %get3A_600 = tpu.vector_load %arg17[%get3A_598, %get3A_599] {strides = array<i32>} : memref<128x128xf32, #tpu.memory_space<vmem>>, vector<16xf32>,
        %mul3A_601 = arith.mulf %get3A_600, %gather3A : vector<16xf32>
        %swap3A_602 = arith.index_cast %scan3A_574 : i32 to index
        %swap3A_603 = arith.constant 48 : index
        %swap3A_604 = tpu.vector_load %arg17[%swap3A_602, %swap3A_603] {strides = array<i32>} : memref<128x128xf32, #tpu.memory_space<vmem>>, vector<16xf32>,
        tpu.vector_store %arg17[%swap3A_602, %swap3A_603], %mul3A_601 {strides = array<i32>} : memref<128x128xf32, #tpu.memory_space<vmem>>, vector<16xf32>,
        %get3A_605 = arith.index_cast %scan3A_574 : i32 to index
        %get3A_606 = arith.constant 64 : index
        %get3A_607 = tpu.vector_load %arg17[%get3A_605, %get3A_606] {strides = array<i32>} : memref<128x128xf32, #tpu.memory_space<vmem>>, vector<16xf32>,
        %mul3A_608 = arith.mulf %get3A_607, %gather3A : vector<16xf32>
        %swap3A_609 = arith.index_cast %scan3A_574 : i32 to index
        %swap3A_610 = arith.constant 64 : index
        %swap3A_611 = tpu.vector_load %arg17[%swap3A_609, %swap3A_610] {strides = array<i32>} : memref<128x128xf32, #tpu.memory_space<vmem>>, vector<16xf32>,
        tpu.vector_store %arg17[%swap3A_609, %swap3A_610], %mul3A_608 {strides = array<i32>} : memref<128x128xf32, #tpu.memory_space<vmem>>, vector<16xf32>,
        %get3A_612 = arith.index_cast %scan3A_574 : i32 to index
        %get3A_613 = arith.constant 80 : index
        %get3A_614 = tpu.vector_load %arg17[%get3A_612, %get3A_613] {strides = array<i32>} : memref<128x128xf32, #tpu.memory_space<vmem>>, vector<16xf32>,
        %mul3A_615 = arith.mulf %get3A_614, %gather3A : vector<16xf32>
        %swap3A_616 = arith.index_cast %scan3A_574 : i32 to index
        %swap3A_617 = arith.constant 80 : index
        %swap3A_618 = tpu.vector_load %arg17[%swap3A_616, %swap3A_617] {strides = array<i32>} : memref<128x128xf32, #tpu.memory_space<vmem>>, vector<16xf32>,
        tpu.vector_store %arg17[%swap3A_616, %swap3A_617], %mul3A_615 {strides = array<i32>} : memref<128x128xf32, #tpu.memory_space<vmem>>, vector<16xf32>,
        %get3A_619 = arith.index_cast %scan3A_574 : i32 to index
        %get3A_620 = arith.constant 96 : index
        %get3A_621 = tpu.vector_load %arg17[%get3A_619, %get3A_620] {strides = array<i32>} : memref<128x128xf32, #tpu.memory_space<vmem>>, vector<16xf32>,
        %mul3A_622 = arith.mulf %get3A_621, %gather3A : vector<16xf32>
        %swap3A_623 = arith.index_cast %scan3A_574 : i32 to index
        %swap3A_624 = arith.constant 96 : index
        %swap3A_625 = tpu.vector_load %arg17[%swap3A_623, %swap3A_624] {strides = array<i32>} : memref<128x128xf32, #tpu.memory_space<vmem>>, vector<16xf32>,
        tpu.vector_store %arg17[%swap3A_623, %swap3A_624], %mul3A_622 {strides = array<i32>} : memref<128x128xf32, #tpu.memory_space<vmem>>, vector<16xf32>,
        %get3A_626 = arith.index_cast %scan3A_574 : i32 to index
        %get3A_627 = arith.constant 112 : index
        %get3A_628 = tpu.vector_load %arg17[%get3A_626, %get3A_627] {strides = array<i32>} : memref<128x128xf32, #tpu.memory_space<vmem>>, vector<16xf32>,
        %mul3A_629 = arith.mulf %get3A_628, %gather3A : vector<16xf32>
        %swap3A_630 = arith.index_cast %scan3A_574 : i32 to index
        %swap3A_631 = arith.constant 112 : index
        %swap3A_632 = tpu.vector_load %arg17[%swap3A_630, %swap3A_631] {strides = array<i32>} : memref<128x128xf32, #tpu.memory_space<vmem>>, vector<16xf32>,
        tpu.vector_store %arg17[%swap3A_630, %swap3A_631], %mul3A_629 {strides = array<i32>} : memref<128x128xf32, #tpu.memory_space<vmem>>, vector<16xf32>,
      }
      %scan3A_471 = arith.constant 128 : i32
      %mul3A_472 = arith.constant 128 : i32
      %mul3A_473 = arith.muli %add3A_457, %mul3A_472 : i32
      %add3A_474 = arith.addi %mul3A_2, %mul3A_473 : i32
      %dma_wait3A_475 = tpu.memref_slice %arg4[%add3A_474] : memref<344064xi32, #tpu.memory_space<hbm>> -> memref<128xi32, #tpu.memory_space<hbm>>
      %dma_wait3A_476 = tpu.memref_slice %arg4[%add3A_474] : memref<344064xi32, #tpu.memory_space<hbm>> -> memref<128xi32, #tpu.memory_space<hbm>>
      tpu.wait_dma2 semaphore(%arg25 : memref<!tpu.dma_semaphore, #tpu.memory_space<semaphore_mem>>) src(%dma_wait3A_476 : memref<128xi32, #tpu.memory_space<hbm>>) dst(%arg11 : memref<128xi32, #tpu.memory_space<vmem>>)
      %dma_start3A_477 = arith.constant 0 : i32
      %dma_start3A_478 = arith.constant 0 : i32
      %dma_start3A_479 = tpu.memref_slice %arg20[%dma_start3A_477, %dma_start3A_478] : memref<10000x128xf32, #tpu.memory_space<vmem_shared>> -> memref<10000x128xf32, #tpu.memory_space<vmem_shared>>
      tpu.enqueue_indirect_dma source(%arg17 : memref<128x128xf32, #tpu.memory_space<vmem>>) target(%dma_start3A_479 : memref<10000x128xf32, #tpu.memory_space<vmem_shared>>) offsets(%arg11 : memref<128xi32, #tpu.memory_space<vmem>>) semaphore(%arg32 : memref<!tpu.dma_semaphore, #tpu.memory_space<semaphore_mem>>) {add = true}
      %add3A_480 = arith.constant 3 : i32
      %add3A_481 = arith.addi %add3A_457, %add3A_480 : i32
      %lt3A_482 = arith.constant 84 : i32
      %lt3A_483 = arith.cmpi slt, %add3A_481, %lt3A_482 : i32
      %convert_element_type3A_484 = arith.extui %lt3A_483 : i1 to i32
      %cond3A_485 = arith.constant 0 : i32
      %cond3A_486 = arith.cmpi ne, %convert_element_type3A_484, %cond3A_485 : i32
      scf.if %cond3A_486 {
        %add3A_574 = arith.constant 3 : i32
        %add3A_575 = arith.addi %add3A_457, %add3A_574 : i32
        %mul3A_576 = arith.constant 128 : i32
        %mul3A_577 = arith.muli %add3A_575, %mul3A_576 : i32
        %add3A_578 = arith.addi %mul3A_2, %mul3A_577 : i32
        %dma_start3A_579 = tpu.memref_slice %arg3[%add3A_578] : memref<344064xi32, #tpu.memory_space<hbm>> -> memref<128xi32, #tpu.memory_space<hbm>>
        %dma_start3A_580 = tpu.memref_slice %arg3[%add3A_578] : memref<344064xi32, #tpu.memory_space<hbm>> -> memref<128xi32, #tpu.memory_space<hbm>>
        tpu.enqueue_dma source(%dma_start3A_580 : memref<128xi32, #tpu.memory_space<hbm>>) target(%arg7 : memref<128xi32, #tpu.memory_space<vmem>>) target_semaphore(%arg21 : memref<!tpu.dma_semaphore, #tpu.memory_space<semaphore_mem>>)
        %mul3A_581 = arith.constant 128 : i32
        %mul3A_582 = arith.muli %add3A_575, %mul3A_581 : i32
        %add3A_583 = arith.addi %mul3A_2, %mul3A_582 : i32
        %dma_start3A_584 = tpu.memref_slice %arg5[%add3A_583] : memref<344064xf32, #tpu.memory_space<hbm>> -> memref<128xf32, #tpu.memory_space<hbm>>
        %dma_start3A_585 = tpu.memref_slice %arg5[%add3A_583] : memref<344064xf32, #tpu.memory_space<hbm>> -> memref<128xf32, #tpu.memory_space<hbm>>
        tpu.enqueue_dma source(%dma_start3A_585 : memref<128xf32, #tpu.memory_space<hbm>>) target(%arg14 : memref<128xf32, #tpu.memory_space<vmem>>) target_semaphore(%arg21 : memref<!tpu.dma_semaphore, #tpu.memory_space<semaphore_mem>>)
        %mul3A_586 = arith.constant 128 : i32
        %mul3A_587 = arith.muli %add3A_575, %mul3A_586 : i32
        %add3A_588 = arith.addi %mul3A_2, %mul3A_587 : i32
        %dma_start3A_589 = tpu.memref_slice %arg4[%add3A_588] : memref<344064xi32, #tpu.memory_space<hbm>> -> memref<128xi32, #tpu.memory_space<hbm>>
        %dma_start3A_590 = tpu.memref_slice %arg4[%add3A_588] : memref<344064xi32, #tpu.memory_space<hbm>> -> memref<128xi32, #tpu.memory_space<hbm>>
        tpu.enqueue_dma source(%dma_start3A_590 : memref<128xi32, #tpu.memory_space<hbm>>) target(%arg10 : memref<128xi32, #tpu.memory_space<vmem>>) target_semaphore(%arg24 : memref<!tpu.dma_semaphore, #tpu.memory_space<semaphore_mem>>)
      } else {
      }
      %add3A_487 = arith.constant 2 : i32
      %add3A_488 = arith.addi %add3A_457, %add3A_487 : i32
      %lt3A_489 = arith.constant 84 : i32
      %lt3A_490 = arith.cmpi slt, %add3A_488, %lt3A_489 : i32
      %convert_element_type3A_491 = arith.extui %lt3A_490 : i1 to i32
      %cond3A_492 = arith.constant 0 : i32
      %cond3A_493 = arith.cmpi ne, %convert_element_type3A_491, %cond3A_492 : i32
      scf.if %cond3A_493 {
        %add3A_574 = arith.constant 2 : i32
        %add3A_575 = arith.addi %add3A_457, %add3A_574 : i32
        %mul3A_576 = arith.constant 128 : i32
        %mul3A_577 = arith.muli %add3A_575, %mul3A_576 : i32
        %add3A_578 = arith.addi %mul3A_2, %mul3A_577 : i32
        %dma_wait3A_579 = tpu.memref_slice %arg3[%add3A_578] : memref<344064xi32, #tpu.memory_space<hbm>> -> memref<128xi32, #tpu.memory_space<hbm>>
        %dma_wait3A_580 = tpu.memref_slice %arg3[%add3A_578] : memref<344064xi32, #tpu.memory_space<hbm>> -> memref<128xi32, #tpu.memory_space<hbm>>
        tpu.wait_dma2 semaphore(%arg23 : memref<!tpu.dma_semaphore, #tpu.memory_space<semaphore_mem>>) src(%dma_wait3A_580 : memref<128xi32, #tpu.memory_space<hbm>>) dst(%arg9 : memref<128xi32, #tpu.memory_space<vmem>>)
        %mul3A_581 = arith.constant 128 : i32
        %mul3A_582 = arith.muli %add3A_575, %mul3A_581 : i32
        %add3A_583 = arith.addi %mul3A_2, %mul3A_582 : i32
        %dma_wait3A_584 = tpu.memref_slice %arg5[%add3A_583] : memref<344064xf32, #tpu.memory_space<hbm>> -> memref<128xf32, #tpu.memory_space<hbm>>
        %dma_wait3A_585 = tpu.memref_slice %arg5[%add3A_583] : memref<344064xf32, #tpu.memory_space<hbm>> -> memref<128xf32, #tpu.memory_space<hbm>>
        tpu.wait_dma2 semaphore(%arg23 : memref<!tpu.dma_semaphore, #tpu.memory_space<semaphore_mem>>) src(%dma_wait3A_585 : memref<128xf32, #tpu.memory_space<hbm>>) dst(%arg16 : memref<128xf32, #tpu.memory_space<vmem>>)
        %dma_start3A_586 = arith.constant 0 : i32
        %dma_start3A_587 = arith.constant 0 : i32
        %dma_start3A_588 = tpu.memref_slice %arg2[%dma_start3A_586, %dma_start3A_587] : memref<10000x128xf32, #tpu.memory_space<hbm>> -> memref<10000x128xf32, #tpu.memory_space<hbm>>
        tpu.enqueue_indirect_dma source(%dma_start3A_588 : memref<10000x128xf32, #tpu.memory_space<hbm>>) target(%arg19 : memref<128x128xf32, #tpu.memory_space<vmem>>) offsets(%arg9 : memref<128xi32, #tpu.memory_space<vmem>>) semaphore(%arg30 : memref<!tpu.dma_semaphore, #tpu.memory_space<semaphore_mem>>)
      } else {
      }
      %mul3A_494 = arith.constant 12 : i32
      %mul3A_495 = arith.muli %scan3A_95, %mul3A_494 : i32
      %add3A_496 = arith.constant 10 : i32
      %add3A_497 = arith.addi %mul3A_495, %add3A_496 : i32
      %ge3A_498 = arith.constant 1 : i32
      %ge3A_499 = arith.cmpi sge, %add3A_497, %ge3A_498 : i32
      %convert_element_type3A_500 = arith.extui %ge3A_499 : i1 to i32
      %cond3A_501 = arith.constant 0 : i32
      %cond3A_502 = arith.cmpi ne, %convert_element_type3A_500, %cond3A_501 : i32
      scf.if %cond3A_502 {
        %dma_wait3A_574 = arith.constant 0 : i32
        %dma_wait3A_575 = arith.constant 0 : i32
        %dma_wait3A_576 = tpu.memref_slice %arg20[%dma_wait3A_574, %dma_wait3A_575] : memref<10000x128xf32, #tpu.memory_space<vmem_shared>> -> memref<10000x128xf32, #tpu.memory_space<vmem_shared>>
        tpu.wait_indirect_dma semaphore(%arg32 : memref<!tpu.dma_semaphore, #tpu.memory_space<semaphore_mem>>) src(%arg17 : memref<128x128xf32, #tpu.memory_space<vmem>>) dst(%dma_wait3A_576 : memref<10000x128xf32, #tpu.memory_space<vmem_shared>>)
      } else {
      }
      %dma_wait3A_503 = arith.constant 0 : i32
      %dma_wait3A_504 = arith.constant 0 : i32
      %dma_wait3A_505 = tpu.memref_slice %arg2[%dma_wait3A_503, %dma_wait3A_504] : memref<10000x128xf32, #tpu.memory_space<hbm>> -> memref<10000x128xf32, #tpu.memory_space<hbm>>
      tpu.wait_indirect_dma semaphore(%arg29 : memref<!tpu.dma_semaphore, #tpu.memory_space<semaphore_mem>>) src(%dma_wait3A_505 : memref<10000x128xf32, #tpu.memory_space<hbm>>) dst(%arg18 : memref<128x128xf32, #tpu.memory_space<vmem>>)
      %scan3A_506 = arith.constant 0 : i32
      %scan3A_507 = arith.constant 0 : i32
      %scan3A_508 = arith.constant 128 : i32
      %scan3A_509 = arith.addi %scan3A_507, %scan3A_508 : i32
      %scan3A_510 = arith.constant 1 : i32
      scf.for %scan3A_574 = %scan3A_507 to %scan3A_509 step %scan3A_510  : i32 {
        %broadcast_in_dim3A_575 = arith.constant 0 : i32
        %broadcast_in_dim3A_576 = vector.broadcast %broadcast_in_dim3A_575 : i32 to vector<16xi32>
        %add3A_577 = vector.broadcast %scan3A_574 : i32 to vector<16xi32>
        %add3A_578 = arith.addi %broadcast_in_dim3A_576, %add3A_577 : vector<16xi32>
        %gather3A = tpu.vector_load_idx %arg15[%add3A_578] : memref<128xf32, #tpu.memory_space<vmem>>[vector<16xi32>], vector<16xf32>,
        %get3A = arith.index_cast %scan3A_574 : i32 to index
        %get3A_579 = arith.constant 0 : index
        %get3A_580 = tpu.vector_load %arg18[%get3A, %get3A_579] {strides = array<i32>} : memref<128x128xf32, #tpu.memory_space<vmem>>, vector<16xf32>,
        %mul3A_581 = arith.mulf %get3A_580, %gather3A : vector<16xf32>
        %swap3A = arith.index_cast %scan3A_574 : i32 to index
        %swap3A_582 = arith.constant 0 : index
        %swap3A_583 = tpu.vector_load %arg18[%swap3A, %swap3A_582] {strides = array<i32>} : memref<128x128xf32, #tpu.memory_space<vmem>>, vector<16xf32>,
        tpu.vector_store %arg18[%swap3A, %swap3A_582], %mul3A_581 {strides = array<i32>} : memref<128x128xf32, #tpu.memory_space<vmem>>, vector<16xf32>,
        %get3A_584 = arith.index_cast %scan3A_574 : i32 to index
        %get3A_585 = arith.constant 16 : index
        %get3A_586 = tpu.vector_load %arg18[%get3A_584, %get3A_585] {strides = array<i32>} : memref<128x128xf32, #tpu.memory_space<vmem>>, vector<16xf32>,
        %mul3A_587 = arith.mulf %get3A_586, %gather3A : vector<16xf32>
        %swap3A_588 = arith.index_cast %scan3A_574 : i32 to index
        %swap3A_589 = arith.constant 16 : index
        %swap3A_590 = tpu.vector_load %arg18[%swap3A_588, %swap3A_589] {strides = array<i32>} : memref<128x128xf32, #tpu.memory_space<vmem>>, vector<16xf32>,
        tpu.vector_store %arg18[%swap3A_588, %swap3A_589], %mul3A_587 {strides = array<i32>} : memref<128x128xf32, #tpu.memory_space<vmem>>, vector<16xf32>,
        %get3A_591 = arith.index_cast %scan3A_574 : i32 to index
        %get3A_592 = arith.constant 32 : index
        %get3A_593 = tpu.vector_load %arg18[%get3A_591, %get3A_592] {strides = array<i32>} : memref<128x128xf32, #tpu.memory_space<vmem>>, vector<16xf32>,
        %mul3A_594 = arith.mulf %get3A_593, %gather3A : vector<16xf32>
        %swap3A_595 = arith.index_cast %scan3A_574 : i32 to index
        %swap3A_596 = arith.constant 32 : index
        %swap3A_597 = tpu.vector_load %arg18[%swap3A_595, %swap3A_596] {strides = array<i32>} : memref<128x128xf32, #tpu.memory_space<vmem>>, vector<16xf32>,
        tpu.vector_store %arg18[%swap3A_595, %swap3A_596], %mul3A_594 {strides = array<i32>} : memref<128x128xf32, #tpu.memory_space<vmem>>, vector<16xf32>,
        %get3A_598 = arith.index_cast %scan3A_574 : i32 to index
        %get3A_599 = arith.constant 48 : index
        %get3A_600 = tpu.vector_load %arg18[%get3A_598, %get3A_599] {strides = array<i32>} : memref<128x128xf32, #tpu.memory_space<vmem>>, vector<16xf32>,
        %mul3A_601 = arith.mulf %get3A_600, %gather3A : vector<16xf32>
        %swap3A_602 = arith.index_cast %scan3A_574 : i32 to index
        %swap3A_603 = arith.constant 48 : index
        %swap3A_604 = tpu.vector_load %arg18[%swap3A_602, %swap3A_603] {strides = array<i32>} : memref<128x128xf32, #tpu.memory_space<vmem>>, vector<16xf32>,
        tpu.vector_store %arg18[%swap3A_602, %swap3A_603], %mul3A_601 {strides = array<i32>} : memref<128x128xf32, #tpu.memory_space<vmem>>, vector<16xf32>,
        %get3A_605 = arith.index_cast %scan3A_574 : i32 to index
        %get3A_606 = arith.constant 64 : index
        %get3A_607 = tpu.vector_load %arg18[%get3A_605, %get3A_606] {strides = array<i32>} : memref<128x128xf32, #tpu.memory_space<vmem>>, vector<16xf32>,
        %mul3A_608 = arith.mulf %get3A_607, %gather3A : vector<16xf32>
        %swap3A_609 = arith.index_cast %scan3A_574 : i32 to index
        %swap3A_610 = arith.constant 64 : index
        %swap3A_611 = tpu.vector_load %arg18[%swap3A_609, %swap3A_610] {strides = array<i32>} : memref<128x128xf32, #tpu.memory_space<vmem>>, vector<16xf32>,
        tpu.vector_store %arg18[%swap3A_609, %swap3A_610], %mul3A_608 {strides = array<i32>} : memref<128x128xf32, #tpu.memory_space<vmem>>, vector<16xf32>,
        %get3A_612 = arith.index_cast %scan3A_574 : i32 to index
        %get3A_613 = arith.constant 80 : index
        %get3A_614 = tpu.vector_load %arg18[%get3A_612, %get3A_613] {strides = array<i32>} : memref<128x128xf32, #tpu.memory_space<vmem>>, vector<16xf32>,
        %mul3A_615 = arith.mulf %get3A_614, %gather3A : vector<16xf32>
        %swap3A_616 = arith.index_cast %scan3A_574 : i32 to index
        %swap3A_617 = arith.constant 80 : index
        %swap3A_618 = tpu.vector_load %arg18[%swap3A_616, %swap3A_617] {strides = array<i32>} : memref<128x128xf32, #tpu.memory_space<vmem>>, vector<16xf32>,
        tpu.vector_store %arg18[%swap3A_616, %swap3A_617], %mul3A_615 {strides = array<i32>} : memref<128x128xf32, #tpu.memory_space<vmem>>, vector<16xf32>,
        %get3A_619 = arith.index_cast %scan3A_574 : i32 to index
        %get3A_620 = arith.constant 96 : index
        %get3A_621 = tpu.vector_load %arg18[%get3A_619, %get3A_620] {strides = array<i32>} : memref<128x128xf32, #tpu.memory_space<vmem>>, vector<16xf32>,
        %mul3A_622 = arith.mulf %get3A_621, %gather3A : vector<16xf32>
        %swap3A_623 = arith.index_cast %scan3A_574 : i32 to index
        %swap3A_624 = arith.constant 96 : index
        %swap3A_625 = tpu.vector_load %arg18[%swap3A_623, %swap3A_624] {strides = array<i32>} : memref<128x128xf32, #tpu.memory_space<vmem>>, vector<16xf32>,
        tpu.vector_store %arg18[%swap3A_623, %swap3A_624], %mul3A_622 {strides = array<i32>} : memref<128x128xf32, #tpu.memory_space<vmem>>, vector<16xf32>,
        %get3A_626 = arith.index_cast %scan3A_574 : i32 to index
        %get3A_627 = arith.constant 112 : index
        %get3A_628 = tpu.vector_load %arg18[%get3A_626, %get3A_627] {strides = array<i32>} : memref<128x128xf32, #tpu.memory_space<vmem>>, vector<16xf32>,
        %mul3A_629 = arith.mulf %get3A_628, %gather3A : vector<16xf32>
        %swap3A_630 = arith.index_cast %scan3A_574 : i32 to index
        %swap3A_631 = arith.constant 112 : index
        %swap3A_632 = tpu.vector_load %arg18[%swap3A_630, %swap3A_631] {strides = array<i32>} : memref<128x128xf32, #tpu.memory_space<vmem>>, vector<16xf32>,
        tpu.vector_store %arg18[%swap3A_630, %swap3A_631], %mul3A_629 {strides = array<i32>} : memref<128x128xf32, #tpu.memory_space<vmem>>, vector<16xf32>,
      }
      %scan3A_511 = arith.constant 128 : i32
      %mul3A_512 = arith.constant 128 : i32
      %mul3A_513 = arith.muli %add3A_497, %mul3A_512 : i32
      %add3A_514 = arith.addi %mul3A_2, %mul3A_513 : i32
      %dma_wait3A_515 = tpu.memref_slice %arg4[%add3A_514] : memref<344064xi32, #tpu.memory_space<hbm>> -> memref<128xi32, #tpu.memory_space<hbm>>
      %dma_wait3A_516 = tpu.memref_slice %arg4[%add3A_514] : memref<344064xi32, #tpu.memory_space<hbm>> -> memref<128xi32, #tpu.memory_space<hbm>>
      tpu.wait_dma2 semaphore(%arg26 : memref<!tpu.dma_semaphore, #tpu.memory_space<semaphore_mem>>) src(%dma_wait3A_516 : memref<128xi32, #tpu.memory_space<hbm>>) dst(%arg12 : memref<128xi32, #tpu.memory_space<vmem>>)
      %dma_start3A_517 = arith.constant 0 : i32
      %dma_start3A_518 = arith.constant 0 : i32
      %dma_start3A_519 = tpu.memref_slice %arg20[%dma_start3A_517, %dma_start3A_518] : memref<10000x128xf32, #tpu.memory_space<vmem_shared>> -> memref<10000x128xf32, #tpu.memory_space<vmem_shared>>
      tpu.enqueue_indirect_dma source(%arg18 : memref<128x128xf32, #tpu.memory_space<vmem>>) target(%dma_start3A_519 : memref<10000x128xf32, #tpu.memory_space<vmem_shared>>) offsets(%arg12 : memref<128xi32, #tpu.memory_space<vmem>>) semaphore(%arg31 : memref<!tpu.dma_semaphore, #tpu.memory_space<semaphore_mem>>) {add = true}
      %add3A_520 = arith.constant 3 : i32
      %add3A_521 = arith.addi %add3A_497, %add3A_520 : i32
      %lt3A_522 = arith.constant 84 : i32
      %lt3A_523 = arith.cmpi slt, %add3A_521, %lt3A_522 : i32
      %convert_element_type3A_524 = arith.extui %lt3A_523 : i1 to i32
      %cond3A_525 = arith.constant 0 : i32
      %cond3A_526 = arith.cmpi ne, %convert_element_type3A_524, %cond3A_525 : i32
      scf.if %cond3A_526 {
        %add3A_574 = arith.constant 3 : i32
        %add3A_575 = arith.addi %add3A_497, %add3A_574 : i32
        %mul3A_576 = arith.constant 128 : i32
        %mul3A_577 = arith.muli %add3A_575, %mul3A_576 : i32
        %add3A_578 = arith.addi %mul3A_2, %mul3A_577 : i32
        %dma_start3A_579 = tpu.memref_slice %arg3[%add3A_578] : memref<344064xi32, #tpu.memory_space<hbm>> -> memref<128xi32, #tpu.memory_space<hbm>>
        %dma_start3A_580 = tpu.memref_slice %arg3[%add3A_578] : memref<344064xi32, #tpu.memory_space<hbm>> -> memref<128xi32, #tpu.memory_space<hbm>>
        tpu.enqueue_dma source(%dma_start3A_580 : memref<128xi32, #tpu.memory_space<hbm>>) target(%arg8 : memref<128xi32, #tpu.memory_space<vmem>>) target_semaphore(%arg22 : memref<!tpu.dma_semaphore, #tpu.memory_space<semaphore_mem>>)
        %mul3A_581 = arith.constant 128 : i32
        %mul3A_582 = arith.muli %add3A_575, %mul3A_581 : i32
        %add3A_583 = arith.addi %mul3A_2, %mul3A_582 : i32
        %dma_start3A_584 = tpu.memref_slice %arg5[%add3A_583] : memref<344064xf32, #tpu.memory_space<hbm>> -> memref<128xf32, #tpu.memory_space<hbm>>
        %dma_start3A_585 = tpu.memref_slice %arg5[%add3A_583] : memref<344064xf32, #tpu.memory_space<hbm>> -> memref<128xf32, #tpu.memory_space<hbm>>
        tpu.enqueue_dma source(%dma_start3A_585 : memref<128xf32, #tpu.memory_space<hbm>>) target(%arg15 : memref<128xf32, #tpu.memory_space<vmem>>) target_semaphore(%arg22 : memref<!tpu.dma_semaphore, #tpu.memory_space<semaphore_mem>>)
        %mul3A_586 = arith.constant 128 : i32
        %mul3A_587 = arith.muli %add3A_575, %mul3A_586 : i32
        %add3A_588 = arith.addi %mul3A_2, %mul3A_587 : i32
        %dma_start3A_589 = tpu.memref_slice %arg4[%add3A_588] : memref<344064xi32, #tpu.memory_space<hbm>> -> memref<128xi32, #tpu.memory_space<hbm>>
        %dma_start3A_590 = tpu.memref_slice %arg4[%add3A_588] : memref<344064xi32, #tpu.memory_space<hbm>> -> memref<128xi32, #tpu.memory_space<hbm>>
        tpu.enqueue_dma source(%dma_start3A_590 : memref<128xi32, #tpu.memory_space<hbm>>) target(%arg11 : memref<128xi32, #tpu.memory_space<vmem>>) target_semaphore(%arg25 : memref<!tpu.dma_semaphore, #tpu.memory_space<semaphore_mem>>)
      } else {
      }
      %add3A_527 = arith.constant 2 : i32
      %add3A_528 = arith.addi %add3A_497, %add3A_527 : i32
      %lt3A_529 = arith.constant 84 : i32
      %lt3A_530 = arith.cmpi slt, %add3A_528, %lt3A_529 : i32
      %convert_element_type3A_531 = arith.extui %lt3A_530 : i1 to i32
      %cond3A_532 = arith.constant 0 : i32
      %cond3A_533 = arith.cmpi ne, %convert_element_type3A_531, %cond3A_532 : i32
      scf.if %cond3A_533 {
        %add3A_574 = arith.constant 2 : i32
        %add3A_575 = arith.addi %add3A_497, %add3A_574 : i32
        %mul3A_576 = arith.constant 128 : i32
        %mul3A_577 = arith.muli %add3A_575, %mul3A_576 : i32
        %add3A_578 = arith.addi %mul3A_2, %mul3A_577 : i32
        %dma_wait3A_579 = tpu.memref_slice %arg3[%add3A_578] : memref<344064xi32, #tpu.memory_space<hbm>> -> memref<128xi32, #tpu.memory_space<hbm>>
        %dma_wait3A_580 = tpu.memref_slice %arg3[%add3A_578] : memref<344064xi32, #tpu.memory_space<hbm>> -> memref<128xi32, #tpu.memory_space<hbm>>
        tpu.wait_dma2 semaphore(%arg21 : memref<!tpu.dma_semaphore, #tpu.memory_space<semaphore_mem>>) src(%dma_wait3A_580 : memref<128xi32, #tpu.memory_space<hbm>>) dst(%arg7 : memref<128xi32, #tpu.memory_space<vmem>>)
        %mul3A_581 = arith.constant 128 : i32
        %mul3A_582 = arith.muli %add3A_575, %mul3A_581 : i32
        %add3A_583 = arith.addi %mul3A_2, %mul3A_582 : i32
        %dma_wait3A_584 = tpu.memref_slice %arg5[%add3A_583] : memref<344064xf32, #tpu.memory_space<hbm>> -> memref<128xf32, #tpu.memory_space<hbm>>
        %dma_wait3A_585 = tpu.memref_slice %arg5[%add3A_583] : memref<344064xf32, #tpu.memory_space<hbm>> -> memref<128xf32, #tpu.memory_space<hbm>>
        tpu.wait_dma2 semaphore(%arg21 : memref<!tpu.dma_semaphore, #tpu.memory_space<semaphore_mem>>) src(%dma_wait3A_585 : memref<128xf32, #tpu.memory_space<hbm>>) dst(%arg14 : memref<128xf32, #tpu.memory_space<vmem>>)
        %dma_start3A_586 = arith.constant 0 : i32
        %dma_start3A_587 = arith.constant 0 : i32
        %dma_start3A_588 = tpu.memref_slice %arg2[%dma_start3A_586, %dma_start3A_587] : memref<10000x128xf32, #tpu.memory_space<hbm>> -> memref<10000x128xf32, #tpu.memory_space<hbm>>
        tpu.enqueue_indirect_dma source(%dma_start3A_588 : memref<10000x128xf32, #tpu.memory_space<hbm>>) target(%arg17 : memref<128x128xf32, #tpu.memory_space<vmem>>) offsets(%arg7 : memref<128xi32, #tpu.memory_space<vmem>>) semaphore(%arg28 : memref<!tpu.dma_semaphore, #tpu.memory_space<semaphore_mem>>)
      } else {
      }
      %mul3A_534 = arith.constant 12 : i32
      %mul3A_535 = arith.muli %scan3A_95, %mul3A_534 : i32
      %add3A_536 = arith.constant 11 : i32
      %add3A_537 = arith.addi %mul3A_535, %add3A_536 : i32
      %ge3A_538 = arith.constant 1 : i32
      %ge3A_539 = arith.cmpi sge, %add3A_537, %ge3A_538 : i32
      %convert_element_type3A_540 = arith.extui %ge3A_539 : i1 to i32
      %cond3A_541 = arith.constant 0 : i32
      %cond3A_542 = arith.cmpi ne, %convert_element_type3A_540, %cond3A_541 : i32
      scf.if %cond3A_542 {
        %dma_wait3A_574 = arith.constant 0 : i32
        %dma_wait3A_575 = arith.constant 0 : i32
        %dma_wait3A_576 = tpu.memref_slice %arg20[%dma_wait3A_574, %dma_wait3A_575] : memref<10000x128xf32, #tpu.memory_space<vmem_shared>> -> memref<10000x128xf32, #tpu.memory_space<vmem_shared>>
        tpu.wait_indirect_dma semaphore(%arg31 : memref<!tpu.dma_semaphore, #tpu.memory_space<semaphore_mem>>) src(%arg18 : memref<128x128xf32, #tpu.memory_space<vmem>>) dst(%dma_wait3A_576 : memref<10000x128xf32, #tpu.memory_space<vmem_shared>>)
      } else {
      }
      %dma_wait3A_543 = arith.constant 0 : i32
      %dma_wait3A_544 = arith.constant 0 : i32
      %dma_wait3A_545 = tpu.memref_slice %arg2[%dma_wait3A_543, %dma_wait3A_544] : memref<10000x128xf32, #tpu.memory_space<hbm>> -> memref<10000x128xf32, #tpu.memory_space<hbm>>
      tpu.wait_indirect_dma semaphore(%arg30 : memref<!tpu.dma_semaphore, #tpu.memory_space<semaphore_mem>>) src(%dma_wait3A_545 : memref<10000x128xf32, #tpu.memory_space<hbm>>) dst(%arg19 : memref<128x128xf32, #tpu.memory_space<vmem>>)
      %scan3A_546 = arith.constant 0 : i32
      %scan3A_547 = arith.constant 0 : i32
      %scan3A_548 = arith.constant 128 : i32
      %scan3A_549 = arith.addi %scan3A_547, %scan3A_548 : i32
      %scan3A_550 = arith.constant 1 : i32
      scf.for %scan3A_574 = %scan3A_547 to %scan3A_549 step %scan3A_550  : i32 {
        %broadcast_in_dim3A_575 = arith.constant 0 : i32
        %broadcast_in_dim3A_576 = vector.broadcast %broadcast_in_dim3A_575 : i32 to vector<16xi32>
        %add3A_577 = vector.broadcast %scan3A_574 : i32 to vector<16xi32>
        %add3A_578 = arith.addi %broadcast_in_dim3A_576, %add3A_577 : vector<16xi32>
        %gather3A = tpu.vector_load_idx %arg16[%add3A_578] : memref<128xf32, #tpu.memory_space<vmem>>[vector<16xi32>], vector<16xf32>,
        %get3A = arith.index_cast %scan3A_574 : i32 to index
        %get3A_579 = arith.constant 0 : index
        %get3A_580 = tpu.vector_load %arg19[%get3A, %get3A_579] {strides = array<i32>} : memref<128x128xf32, #tpu.memory_space<vmem>>, vector<16xf32>,
        %mul3A_581 = arith.mulf %get3A_580, %gather3A : vector<16xf32>
        %swap3A = arith.index_cast %scan3A_574 : i32 to index
        %swap3A_582 = arith.constant 0 : index
        %swap3A_583 = tpu.vector_load %arg19[%swap3A, %swap3A_582] {strides = array<i32>} : memref<128x128xf32, #tpu.memory_space<vmem>>, vector<16xf32>,
        tpu.vector_store %arg19[%swap3A, %swap3A_582], %mul3A_581 {strides = array<i32>} : memref<128x128xf32, #tpu.memory_space<vmem>>, vector<16xf32>,
        %get3A_584 = arith.index_cast %scan3A_574 : i32 to index
        %get3A_585 = arith.constant 16 : index
        %get3A_586 = tpu.vector_load %arg19[%get3A_584, %get3A_585] {strides = array<i32>} : memref<128x128xf32, #tpu.memory_space<vmem>>, vector<16xf32>,
        %mul3A_587 = arith.mulf %get3A_586, %gather3A : vector<16xf32>
        %swap3A_588 = arith.index_cast %scan3A_574 : i32 to index
        %swap3A_589 = arith.constant 16 : index
        %swap3A_590 = tpu.vector_load %arg19[%swap3A_588, %swap3A_589] {strides = array<i32>} : memref<128x128xf32, #tpu.memory_space<vmem>>, vector<16xf32>,
        tpu.vector_store %arg19[%swap3A_588, %swap3A_589], %mul3A_587 {strides = array<i32>} : memref<128x128xf32, #tpu.memory_space<vmem>>, vector<16xf32>,
        %get3A_591 = arith.index_cast %scan3A_574 : i32 to index
        %get3A_592 = arith.constant 32 : index
        %get3A_593 = tpu.vector_load %arg19[%get3A_591, %get3A_592] {strides = array<i32>} : memref<128x128xf32, #tpu.memory_space<vmem>>, vector<16xf32>,
        %mul3A_594 = arith.mulf %get3A_593, %gather3A : vector<16xf32>
        %swap3A_595 = arith.index_cast %scan3A_574 : i32 to index
        %swap3A_596 = arith.constant 32 : index
        %swap3A_597 = tpu.vector_load %arg19[%swap3A_595, %swap3A_596] {strides = array<i32>} : memref<128x128xf32, #tpu.memory_space<vmem>>, vector<16xf32>,
        tpu.vector_store %arg19[%swap3A_595, %swap3A_596], %mul3A_594 {strides = array<i32>} : memref<128x128xf32, #tpu.memory_space<vmem>>, vector<16xf32>,
        %get3A_598 = arith.index_cast %scan3A_574 : i32 to index
        %get3A_599 = arith.constant 48 : index
        %get3A_600 = tpu.vector_load %arg19[%get3A_598, %get3A_599] {strides = array<i32>} : memref<128x128xf32, #tpu.memory_space<vmem>>, vector<16xf32>,
        %mul3A_601 = arith.mulf %get3A_600, %gather3A : vector<16xf32>
        %swap3A_602 = arith.index_cast %scan3A_574 : i32 to index
        %swap3A_603 = arith.constant 48 : index
        %swap3A_604 = tpu.vector_load %arg19[%swap3A_602, %swap3A_603] {strides = array<i32>} : memref<128x128xf32, #tpu.memory_space<vmem>>, vector<16xf32>,
        tpu.vector_store %arg19[%swap3A_602, %swap3A_603], %mul3A_601 {strides = array<i32>} : memref<128x128xf32, #tpu.memory_space<vmem>>, vector<16xf32>,
        %get3A_605 = arith.index_cast %scan3A_574 : i32 to index
        %get3A_606 = arith.constant 64 : index
        %get3A_607 = tpu.vector_load %arg19[%get3A_605, %get3A_606] {strides = array<i32>} : memref<128x128xf32, #tpu.memory_space<vmem>>, vector<16xf32>,
        %mul3A_608 = arith.mulf %get3A_607, %gather3A : vector<16xf32>
        %swap3A_609 = arith.index_cast %scan3A_574 : i32 to index
        %swap3A_610 = arith.constant 64 : index
        %swap3A_611 = tpu.vector_load %arg19[%swap3A_609, %swap3A_610] {strides = array<i32>} : memref<128x128xf32, #tpu.memory_space<vmem>>, vector<16xf32>,
        tpu.vector_store %arg19[%swap3A_609, %swap3A_610], %mul3A_608 {strides = array<i32>} : memref<128x128xf32, #tpu.memory_space<vmem>>, vector<16xf32>,
        %get3A_612 = arith.index_cast %scan3A_574 : i32 to index
        %get3A_613 = arith.constant 80 : index
        %get3A_614 = tpu.vector_load %arg19[%get3A_612, %get3A_613] {strides = array<i32>} : memref<128x128xf32, #tpu.memory_space<vmem>>, vector<16xf32>,
        %mul3A_615 = arith.mulf %get3A_614, %gather3A : vector<16xf32>
        %swap3A_616 = arith.index_cast %scan3A_574 : i32 to index
        %swap3A_617 = arith.constant 80 : index
        %swap3A_618 = tpu.vector_load %arg19[%swap3A_616, %swap3A_617] {strides = array<i32>} : memref<128x128xf32, #tpu.memory_space<vmem>>, vector<16xf32>,
        tpu.vector_store %arg19[%swap3A_616, %swap3A_617], %mul3A_615 {strides = array<i32>} : memref<128x128xf32, #tpu.memory_space<vmem>>, vector<16xf32>,
        %get3A_619 = arith.index_cast %scan3A_574 : i32 to index
        %get3A_620 = arith.constant 96 : index
        %get3A_621 = tpu.vector_load %arg19[%get3A_619, %get3A_620] {strides = array<i32>} : memref<128x128xf32, #tpu.memory_space<vmem>>, vector<16xf32>,
        %mul3A_622 = arith.mulf %get3A_621, %gather3A : vector<16xf32>
        %swap3A_623 = arith.index_cast %scan3A_574 : i32 to index
        %swap3A_624 = arith.constant 96 : index
        %swap3A_625 = tpu.vector_load %arg19[%swap3A_623, %swap3A_624] {strides = array<i32>} : memref<128x128xf32, #tpu.memory_space<vmem>>, vector<16xf32>,
        tpu.vector_store %arg19[%swap3A_623, %swap3A_624], %mul3A_622 {strides = array<i32>} : memref<128x128xf32, #tpu.memory_space<vmem>>, vector<16xf32>,
        %get3A_626 = arith.index_cast %scan3A_574 : i32 to index
        %get3A_627 = arith.constant 112 : index
        %get3A_628 = tpu.vector_load %arg19[%get3A_626, %get3A_627] {strides = array<i32>} : memref<128x128xf32, #tpu.memory_space<vmem>>, vector<16xf32>,
        %mul3A_629 = arith.mulf %get3A_628, %gather3A : vector<16xf32>
        %swap3A_630 = arith.index_cast %scan3A_574 : i32 to index
        %swap3A_631 = arith.constant 112 : index
        %swap3A_632 = tpu.vector_load %arg19[%swap3A_630, %swap3A_631] {strides = array<i32>} : memref<128x128xf32, #tpu.memory_space<vmem>>, vector<16xf32>,
        tpu.vector_store %arg19[%swap3A_630, %swap3A_631], %mul3A_629 {strides = array<i32>} : memref<128x128xf32, #tpu.memory_space<vmem>>, vector<16xf32>,
      }
      %scan3A_551 = arith.constant 128 : i32
      %mul3A_552 = arith.constant 128 : i32
      %mul3A_553 = arith.muli %add3A_537, %mul3A_552 : i32
      %add3A_554 = arith.addi %mul3A_2, %mul3A_553 : i32
      %dma_wait3A_555 = tpu.memref_slice %arg4[%add3A_554] : memref<344064xi32, #tpu.memory_space<hbm>> -> memref<128xi32, #tpu.memory_space<hbm>>
      %dma_wait3A_556 = tpu.memref_slice %arg4[%add3A_554] : memref<344064xi32, #tpu.memory_space<hbm>> -> memref<128xi32, #tpu.memory_space<hbm>>
      tpu.wait_dma2 semaphore(%arg27 : memref<!tpu.dma_semaphore, #tpu.memory_space<semaphore_mem>>) src(%dma_wait3A_556 : memref<128xi32, #tpu.memory_space<hbm>>) dst(%arg13 : memref<128xi32, #tpu.memory_space<vmem>>)
      %dma_start3A_557 = arith.constant 0 : i32
      %dma_start3A_558 = arith.constant 0 : i32
      %dma_start3A_559 = tpu.memref_slice %arg20[%dma_start3A_557, %dma_start3A_558] : memref<10000x128xf32, #tpu.memory_space<vmem_shared>> -> memref<10000x128xf32, #tpu.memory_space<vmem_shared>>
      tpu.enqueue_indirect_dma source(%arg19 : memref<128x128xf32, #tpu.memory_space<vmem>>) target(%dma_start3A_559 : memref<10000x128xf32, #tpu.memory_space<vmem_shared>>) offsets(%arg13 : memref<128xi32, #tpu.memory_space<vmem>>) semaphore(%arg32 : memref<!tpu.dma_semaphore, #tpu.memory_space<semaphore_mem>>) {add = true}
      %add3A_560 = arith.constant 3 : i32
      %add3A_561 = arith.addi %add3A_537, %add3A_560 : i32
      %lt3A_562 = arith.constant 84 : i32
      %lt3A_563 = arith.cmpi slt, %add3A_561, %lt3A_562 : i32
      %convert_element_type3A_564 = arith.extui %lt3A_563 : i1 to i32
      %cond3A_565 = arith.constant 0 : i32
      %cond3A_566 = arith.cmpi ne, %convert_element_type3A_564, %cond3A_565 : i32
      scf.if %cond3A_566 {
        %add3A_574 = arith.constant 3 : i32
        %add3A_575 = arith.addi %add3A_537, %add3A_574 : i32
        %mul3A_576 = arith.constant 128 : i32
        %mul3A_577 = arith.muli %add3A_575, %mul3A_576 : i32
        %add3A_578 = arith.addi %mul3A_2, %mul3A_577 : i32
        %dma_start3A_579 = tpu.memref_slice %arg3[%add3A_578] : memref<344064xi32, #tpu.memory_space<hbm>> -> memref<128xi32, #tpu.memory_space<hbm>>
        %dma_start3A_580 = tpu.memref_slice %arg3[%add3A_578] : memref<344064xi32, #tpu.memory_space<hbm>> -> memref<128xi32, #tpu.memory_space<hbm>>
        tpu.enqueue_dma source(%dma_start3A_580 : memref<128xi32, #tpu.memory_space<hbm>>) target(%arg9 : memref<128xi32, #tpu.memory_space<vmem>>) target_semaphore(%arg23 : memref<!tpu.dma_semaphore, #tpu.memory_space<semaphore_mem>>)
        %mul3A_581 = arith.constant 128 : i32
        %mul3A_582 = arith.muli %add3A_575, %mul3A_581 : i32
        %add3A_583 = arith.addi %mul3A_2, %mul3A_582 : i32
        %dma_start3A_584 = tpu.memref_slice %arg5[%add3A_583] : memref<344064xf32, #tpu.memory_space<hbm>> -> memref<128xf32, #tpu.memory_space<hbm>>
        %dma_start3A_585 = tpu.memref_slice %arg5[%add3A_583] : memref<344064xf32, #tpu.memory_space<hbm>> -> memref<128xf32, #tpu.memory_space<hbm>>
        tpu.enqueue_dma source(%dma_start3A_585 : memref<128xf32, #tpu.memory_space<hbm>>) target(%arg16 : memref<128xf32, #tpu.memory_space<vmem>>) target_semaphore(%arg23 : memref<!tpu.dma_semaphore, #tpu.memory_space<semaphore_mem>>)
        %mul3A_586 = arith.constant 128 : i32
        %mul3A_587 = arith.muli %add3A_575, %mul3A_586 : i32
        %add3A_588 = arith.addi %mul3A_2, %mul3A_587 : i32
        %dma_start3A_589 = tpu.memref_slice %arg4[%add3A_588] : memref<344064xi32, #tpu.memory_space<hbm>> -> memref<128xi32, #tpu.memory_space<hbm>>
        %dma_start3A_590 = tpu.memref_slice %arg4[%add3A_588] : memref<344064xi32, #tpu.memory_space<hbm>> -> memref<128xi32, #tpu.memory_space<hbm>>
        tpu.enqueue_dma source(%dma_start3A_590 : memref<128xi32, #tpu.memory_space<hbm>>) target(%arg12 : memref<128xi32, #tpu.memory_space<vmem>>) target_semaphore(%arg26 : memref<!tpu.dma_semaphore, #tpu.memory_space<semaphore_mem>>)
      } else {
      }
      %add3A_567 = arith.constant 2 : i32
      %add3A_568 = arith.addi %add3A_537, %add3A_567 : i32
      %lt3A_569 = arith.constant 84 : i32
      %lt3A_570 = arith.cmpi slt, %add3A_568, %lt3A_569 : i32
      %convert_element_type3A_571 = arith.extui %lt3A_570 : i1 to i32
      %cond3A_572 = arith.constant 0 : i32
      %cond3A_573 = arith.cmpi ne, %convert_element_type3A_571, %cond3A_572 : i32
      scf.if %cond3A_573 {
        %add3A_574 = arith.constant 2 : i32
        %add3A_575 = arith.addi %add3A_537, %add3A_574 : i32
        %mul3A_576 = arith.constant 128 : i32
        %mul3A_577 = arith.muli %add3A_575, %mul3A_576 : i32
        %add3A_578 = arith.addi %mul3A_2, %mul3A_577 : i32
        %dma_wait3A_579 = tpu.memref_slice %arg3[%add3A_578] : memref<344064xi32, #tpu.memory_space<hbm>> -> memref<128xi32, #tpu.memory_space<hbm>>
        %dma_wait3A_580 = tpu.memref_slice %arg3[%add3A_578] : memref<344064xi32, #tpu.memory_space<hbm>> -> memref<128xi32, #tpu.memory_space<hbm>>
        tpu.wait_dma2 semaphore(%arg22 : memref<!tpu.dma_semaphore, #tpu.memory_space<semaphore_mem>>) src(%dma_wait3A_580 : memref<128xi32, #tpu.memory_space<hbm>>) dst(%arg8 : memref<128xi32, #tpu.memory_space<vmem>>)
        %mul3A_581 = arith.constant 128 : i32
        %mul3A_582 = arith.muli %add3A_575, %mul3A_581 : i32
        %add3A_583 = arith.addi %mul3A_2, %mul3A_582 : i32
        %dma_wait3A_584 = tpu.memref_slice %arg5[%add3A_583] : memref<344064xf32, #tpu.memory_space<hbm>> -> memref<128xf32, #tpu.memory_space<hbm>>
        %dma_wait3A_585 = tpu.memref_slice %arg5[%add3A_583] : memref<344064xf32, #tpu.memory_space<hbm>> -> memref<128xf32, #tpu.memory_space<hbm>>
        tpu.wait_dma2 semaphore(%arg22 : memref<!tpu.dma_semaphore, #tpu.memory_space<semaphore_mem>>) src(%dma_wait3A_585 : memref<128xf32, #tpu.memory_space<hbm>>) dst(%arg15 : memref<128xf32, #tpu.memory_space<vmem>>)
        %dma_start3A_586 = arith.constant 0 : i32
        %dma_start3A_587 = arith.constant 0 : i32
        %dma_start3A_588 = tpu.memref_slice %arg2[%dma_start3A_586, %dma_start3A_587] : memref<10000x128xf32, #tpu.memory_space<hbm>> -> memref<10000x128xf32, #tpu.memory_space<hbm>>
        tpu.enqueue_indirect_dma source(%dma_start3A_588 : memref<10000x128xf32, #tpu.memory_space<hbm>>) target(%arg18 : memref<128x128xf32, #tpu.memory_space<vmem>>) offsets(%arg8 : memref<128xi32, #tpu.memory_space<vmem>>) semaphore(%arg29 : memref<!tpu.dma_semaphore, #tpu.memory_space<semaphore_mem>>)
      } else {
      }
    }
    %scan3A_85 = arith.constant 7 : i32
    %dma_wait3A_86 = arith.constant 0 : i32
    %dma_wait3A_87 = arith.constant 0 : i32
    %dma_wait3A_88 = tpu.memref_slice %arg20[%dma_wait3A_86, %dma_wait3A_87] : memref<10000x128xf32, #tpu.memory_space<vmem_shared>> -> memref<10000x128xf32, #tpu.memory_space<vmem_shared>>
    tpu.wait_indirect_dma semaphore(%arg32 : memref<!tpu.dma_semaphore, #tpu.memory_space<semaphore_mem>>) src(%arg19 : memref<128x128xf32, #tpu.memory_space<vmem>>) dst(%dma_wait3A_88 : memref<10000x128xf32, #tpu.memory_space<vmem_shared>>)
    %barrier3A_89 = arith.constant 0 : index
    tpu.barrier barrier_id(%barrier3A_89)
    "tpu.region"() ({
      %run_scoped3A = tpu.sem_alloc : memref<!tpu.dma_semaphore, #tpu.memory_space<semaphore_mem>>
      %dma_start3A_95 = arith.constant 0 : i32
      %dma_start3A_96 = tpu.memref_slice %arg6[%arg0, %mul3A_10, %dma_start3A_95] : memref<2x10000x128xf32, #tpu.memory_space<hbm>> -> memref<1x624x128xf32, #tpu.memory_space<hbm>>
      %dma_start3A_97 = tpu.memref_squeeze %dma_start3A_96 : memref<1x624x128xf32, #tpu.memory_space<hbm>> -> memref<624x128xf32, #tpu.memory_space<hbm>>
      %dma_start3A_98 = arith.constant 0 : i32
      %dma_start3A_99 = tpu.memref_slice %arg20[%mul3A_10, %dma_start3A_98] : memref<10000x128xf32, #tpu.memory_space<vmem_shared>> -> memref<624x128xf32, #tpu.memory_space<vmem_shared>>
      tpu.enqueue_dma source(%dma_start3A_99 : memref<624x128xf32, #tpu.memory_space<vmem_shared>>) target(%dma_start3A_97 : memref<624x128xf32, #tpu.memory_space<hbm>>) target_semaphore(%run_scoped3A : memref<!tpu.dma_semaphore, #tpu.memory_space<semaphore_mem>>)
      %dma_wait3A_100 = arith.constant 0 : i32
      %dma_wait3A_101 = tpu.memref_slice %arg6[%arg0, %mul3A_10, %dma_wait3A_100] : memref<2x10000x128xf32, #tpu.memory_space<hbm>> -> memref<1x624x128xf32, #tpu.memory_space<hbm>>
      %dma_wait3A_102 = tpu.memref_squeeze %dma_wait3A_101 : memref<1x624x128xf32, #tpu.memory_space<hbm>> -> memref<624x128xf32, #tpu.memory_space<hbm>>
      %dma_wait3A_103 = arith.constant 0 : i32
      %dma_wait3A_104 = tpu.memref_slice %arg20[%mul3A_10, %dma_wait3A_103] : memref<10000x128xf32, #tpu.memory_space<vmem_shared>> -> memref<624x128xf32, #tpu.memory_space<vmem_shared>>
      tpu.wait_dma2 semaphore(%run_scoped3A : memref<!tpu.dma_semaphore, #tpu.memory_space<semaphore_mem>>) src(%dma_wait3A_104 : memref<624x128xf32, #tpu.memory_space<vmem_shared>>) dst(%dma_wait3A_102 : memref<624x128xf32, #tpu.memory_space<hbm>>)
      tpu.yield
    }) : () -> ()
    %eq3A_90 = arith.constant 15 : i32
    %eq3A_91 = arith.cmpi eq, %arg1, %eq3A_90 : i32
    %convert_element_type3A_92 = arith.extui %eq3A_91 : i1 to i32
    %cond3A_93 = arith.constant 0 : i32
    %cond3A_94 = arith.cmpi ne, %convert_element_type3A_92, %cond3A_93 : i32
    scf.if %cond3A_94 {
      "tpu.region"() ({
        %run_scoped3A = tpu.sem_alloc : memref<!tpu.dma_semaphore, #tpu.memory_space<semaphore_mem>>
        %dma_start3A_95 = arith.constant 9984 : i32
        %dma_start3A_96 = arith.constant 0 : i32
        %dma_start3A_97 = tpu.memref_slice %arg6[%arg0, %dma_start3A_95, %dma_start3A_96] : memref<2x10000x128xf32, #tpu.memory_space<hbm>> -> memref<1x16x128xf32, #tpu.memory_space<hbm>>
        %dma_start3A_98 = tpu.memref_squeeze %dma_start3A_97 : memref<1x16x128xf32, #tpu.memory_space<hbm>> -> memref<16x128xf32, #tpu.memory_space<hbm>>
        %dma_start3A_99 = arith.constant 9984 : i32
        %dma_start3A_100 = arith.constant 0 : i32
        %dma_start3A_101 = tpu.memref_slice %arg20[%dma_start3A_99, %dma_start3A_100] : memref<10000x128xf32, #tpu.memory_space<vmem_shared>> -> memref<16x128xf32, #tpu.memory_space<vmem_shared>>
        tpu.enqueue_dma source(%dma_start3A_101 : memref<16x128xf32, #tpu.memory_space<vmem_shared>>) target(%dma_start3A_98 : memref<16x128xf32, #tpu.memory_space<hbm>>) target_semaphore(%run_scoped3A : memref<!tpu.dma_semaphore, #tpu.memory_space<semaphore_mem>>)
        %dma_wait3A_102 = arith.constant 9984 : i32
        %dma_wait3A_103 = arith.constant 0 : i32
        %dma_wait3A_104 = tpu.memref_slice %arg6[%arg0, %dma_wait3A_102, %dma_wait3A_103] : memref<2x10000x128xf32, #tpu.memory_space<hbm>> -> memref<1x16x128xf32, #tpu.memory_space<hbm>>
        %dma_wait3A_105 = tpu.memref_squeeze %dma_wait3A_104 : memref<1x16x128xf32, #tpu.memory_space<hbm>> -> memref<16x128xf32, #tpu.memory_space<hbm>>
        %dma_wait3A_106 = arith.constant 9984 : i32
        %dma_wait3A_107 = arith.constant 0 : i32
        %dma_wait3A_108 = tpu.memref_slice %arg20[%dma_wait3A_106, %dma_wait3A_107] : memref<10000x128xf32, #tpu.memory_space<vmem_shared>> -> memref<16x128xf32, #tpu.memory_space<vmem_shared>>
        tpu.wait_dma2 semaphore(%run_scoped3A : memref<!tpu.dma_semaphore, #tpu.memory_space<semaphore_mem>>) src(%dma_wait3A_108 : memref<16x128xf32, #tpu.memory_space<vmem_shared>>) dst(%dma_wait3A_105 : memref<16x128xf32, #tpu.memory_space<hbm>>)
        tpu.yield
      }) : () -> ()
    } else {
    }
    return
  }
}

module attributes {stable_mosaic.version = 14 : i64} {
  func.func @_scale_body(%arg0: i32, %arg1: memref<1000x128xf32, #tpu.memory_space<vmem>>, %arg2: memref<128x128xf32, #tpu.memory_space<vmem>>, %arg3: memref<1000x1xf32, #tpu.memory_space<vmem>>, %arg4: memref<1000x1xf32, #tpu.memory_space<vmem>>, %arg5: memref<1000x128xf32, #tpu.memory_space<vmem>>, %arg6: memref<1000x1xf32, #tpu.memory_space<vmem>>) attributes {dimension_semantics = [#tpu.dimension_semantics<arbitrary>], iteration_bounds = array<i64: 10>, scalar_prefetch = 0 : i64, scratch_operands = 0 : i64, tpu.core_type = #tpu.core_type<tc>, window_params = [{transform_indices = @transform_0, window_bounds = array<i64: 1000, 128>}, {pipeline_mode = #tpu.pipeline_mode<synchronous>, transform_indices = @transform_1, window_bounds = array<i64: 128, 128>}, {transform_indices = @transform_2, window_bounds = array<i64: 1000, 1>}, {transform_indices = @transform_3, window_bounds = array<i64: 1000, 1>}, {transform_indices = @transform_4, window_bounds = array<i64: 1000, 128>}, {transform_indices = @transform_5, window_bounds = array<i64: 1000, 1>}]} {
    %get3A = arith.constant 0 : index
    %get3A_0 = arith.constant 0 : index
    %get3A_1 = vector.load %arg3[%get3A, %get3A_0] : memref<1000x1xf32, #tpu.memory_space<vmem>>, vector<1000x1xf32>
    %get3A_2 = arith.constant 0 : index
    %get3A_3 = arith.constant 0 : index
    %get3A_4 = vector.load %arg4[%get3A_2, %get3A_3] : memref<1000x1xf32, #tpu.memory_space<vmem>>, vector<1000x1xf32>
    %add3A = arith.addf %get3A_1, %get3A_4 : vector<1000x1xf32>
    %add3A_5 = arith.constant 1.000000e+00 : f32
    %add3A_6 = vector.broadcast %add3A_5 : f32 to vector<1000x1xf32>
    %add3A_7 = arith.addf %add3A, %add3A_6 : vector<1000x1xf32>
    %gt3A = arith.constant 0.000000e+00 : f32
    %gt3A_8 = vector.broadcast %gt3A : f32 to vector<1000x1xf32>
    %gt3A_9 = arith.cmpf ogt, %add3A_7, %gt3A_8 : vector<1000x1xf32>
    %max3A = arith.constant 9.99999996E-13 : f32
    %max3A_10 = vector.broadcast %max3A : f32 to vector<1000x1xf32>
    %max3A_11 = arith.maximumf %add3A_7, %max3A_10 : vector<1000x1xf32>
    %rsqrt3A = math.rsqrt %max3A_11 : vector<1000x1xf32>
    %jit3A = arith.constant 0.000000e+00 : f32
    %broadcast_in_dim3A = vector.broadcast %jit3A : f32 to vector<1000x1xf32>
    %select_n3A = arith.select %gt3A_9, %rsqrt3A, %broadcast_in_dim3A : vector<1000x1xi1>, vector<1000x1xf32>
    %get3A_12 = arith.constant 0 : index
    %get3A_13 = arith.constant 0 : index
    %get3A_14 = vector.load %arg1[%get3A_12, %get3A_13] : memref<1000x128xf32, #tpu.memory_space<vmem>>, vector<1000x128xf32>
    %get3A_15 = arith.constant 0 : index
    %get3A_16 = arith.constant 0 : index
    %get3A_17 = vector.load %arg2[%get3A_15, %get3A_16] : memref<128x128xf32, #tpu.memory_space<vmem>>, vector<128x128xf32>
    %dot_general3A = arith.constant dense<0.000000e+00> : vector<1000x128xf32>
    %dot_general3A_18 = tpu.matmul %get3A_14, %get3A_17, %dot_general3A {dimension_numbers = #tpu.dot_dimension_numbers<[1], [1], [0], [0], [0, 0, 1, 0], [], []>, transpose_lhs_hint = false} : vector<1000x128xf32>, vector<128x128xf32>, vector<1000x128xf32> -> vector<1000x128xf32>
    %mul3A = vector.broadcast %select_n3A : vector<1000x1xf32> to vector<1000x128xf32>
    %mul3A_19 = arith.mulf %dot_general3A_18, %mul3A : vector<1000x128xf32>
    %swap3A = arith.constant 0 : index
    %swap3A_20 = arith.constant 0 : index
    %swap3A_21 = vector.load %arg5[%swap3A, %swap3A_20] : memref<1000x128xf32, #tpu.memory_space<vmem>>, vector<1000x128xf32>
    tpu.vector_store %arg5[%swap3A, %swap3A_20], %mul3A_19 {strides = array<i32>} : memref<1000x128xf32, #tpu.memory_space<vmem>>, vector<1000x128xf32>,
    %swap3A_22 = arith.constant 0 : index
    %swap3A_23 = arith.constant 0 : index
    %swap3A_24 = vector.load %arg6[%swap3A_22, %swap3A_23] : memref<1000x1xf32, #tpu.memory_space<vmem>>, vector<1000x1xf32>
    tpu.vector_store %arg6[%swap3A_22, %swap3A_23], %select_n3A {strides = array<i32>} : memref<1000x1xf32, #tpu.memory_space<vmem>>, vector<1000x1xf32>,
    return
  }
  func.func @transform_0(%arg0: i32) -> (i32, i32) {
    %c0_i32 = arith.constant 0 : i32
    %c0_i32_0 = arith.constant 0 : i32
    return %arg0, %c0_i32 : i32, i32
  }
  func.func @transform_1(%arg0: i32) -> (i32, i32) {
    %c0_i32 = arith.constant 0 : i32
    %c0_i32_0 = arith.constant 0 : i32
    %c0_i32_1 = arith.constant 0 : i32
    return %c0_i32, %c0_i32_0 : i32, i32
  }
  func.func @transform_2(%arg0: i32) -> (i32, i32) {
    %c0_i32 = arith.constant 0 : i32
    %c0_i32_0 = arith.constant 0 : i32
    return %arg0, %c0_i32 : i32, i32
  }
  func.func @transform_3(%arg0: i32) -> (i32, i32) {
    %c0_i32 = arith.constant 0 : i32
    %c0_i32_0 = arith.constant 0 : i32
    return %arg0, %c0_i32 : i32, i32
  }
  func.func @transform_4(%arg0: i32) -> (i32, i32) {
    %c0_i32 = arith.constant 0 : i32
    %c0_i32_0 = arith.constant 0 : i32
    return %arg0, %c0_i32 : i32, i32
  }
  func.func @transform_5(%arg0: i32) -> (i32, i32) {
    %c0_i32 = arith.constant 0 : i32
    %c0_i32_0 = arith.constant 0 : i32
    return %arg0, %c0_i32 : i32, i32
  }
}

module attributes {stable_mosaic.version = 14 : i64} {
  func.func @_epi_body(%arg0: i32, %arg1: memref<1x1000x128xf32, #tpu.memory_space<vmem>>, %arg2: memref<1x1000x128xf32, #tpu.memory_space<vmem>>, %arg3: memref<1000x128xf32, #tpu.memory_space<vmem>>, %arg4: memref<1000x1xf32, #tpu.memory_space<vmem>>, %arg5: memref<1x128xf32, #tpu.memory_space<vmem>>, %arg6: memref<1x128xf32, #tpu.memory_space<vmem>>, %arg7: memref<1x128xf32, #tpu.memory_space<vmem>>, %arg8: memref<1x128xf32, #tpu.memory_space<vmem>>, %arg9: memref<1x128xf32, #tpu.memory_space<vmem>>, %arg10: memref<1000x128xf32, #tpu.memory_space<vmem>>) attributes {dimension_semantics = [#tpu.dimension_semantics<arbitrary>], iteration_bounds = array<i64: 10>, scalar_prefetch = 0 : i64, scratch_operands = 0 : i64, tpu.core_type = #tpu.core_type<tc>, window_params = [{transform_indices = @transform_0, window_bounds = array<i64: 1, 1000, 128>}, {transform_indices = @transform_1, window_bounds = array<i64: 1, 1000, 128>}, {transform_indices = @transform_2, window_bounds = array<i64: 1000, 128>}, {transform_indices = @transform_3, window_bounds = array<i64: 1000, 1>}, {pipeline_mode = #tpu.pipeline_mode<synchronous>, transform_indices = @transform_4, window_bounds = array<i64: 1, 128>}, {pipeline_mode = #tpu.pipeline_mode<synchronous>, transform_indices = @transform_5, window_bounds = array<i64: 1, 128>}, {pipeline_mode = #tpu.pipeline_mode<synchronous>, transform_indices = @transform_6, window_bounds = array<i64: 1, 128>}, {pipeline_mode = #tpu.pipeline_mode<synchronous>, transform_indices = @transform_7, window_bounds = array<i64: 1, 128>}, {pipeline_mode = #tpu.pipeline_mode<synchronous>, transform_indices = @transform_8, window_bounds = array<i64: 1, 128>}, {transform_indices = @transform_9, window_bounds = array<i64: 1000, 128>}]} {
    %get3A = arith.constant 0 : index
    %get3A_0 = arith.constant 0 : index
    %get3A_1 = arith.constant 0 : index
    %get3A_2 = vector.load %arg1[%get3A, %get3A_0, %get3A_1] : memref<1x1000x128xf32, #tpu.memory_space<vmem>>, vector<1x1000x128xf32>
    %get3A_3 = vector.shape_cast %get3A_2 : vector<1x1000x128xf32> to vector<1000x128xf32>
    %get3A_4 = arith.constant 0 : index
    %get3A_5 = arith.constant 0 : index
    %get3A_6 = arith.constant 0 : index
    %get3A_7 = vector.load %arg2[%get3A_4, %get3A_5, %get3A_6] : memref<1x1000x128xf32, #tpu.memory_space<vmem>>, vector<1x1000x128xf32>
    %get3A_8 = vector.shape_cast %get3A_7 : vector<1x1000x128xf32> to vector<1000x128xf32>
    %add3A = arith.addf %get3A_3, %get3A_8 : vector<1000x128xf32>
    %get3A_9 = arith.constant 0 : index
    %get3A_10 = arith.constant 0 : index
    %get3A_11 = vector.load %arg3[%get3A_9, %get3A_10] : memref<1000x128xf32, #tpu.memory_space<vmem>>, vector<1000x128xf32>
    %add3A_12 = arith.addf %add3A, %get3A_11 : vector<1000x128xf32>
    %get3A_13 = arith.constant 0 : index
    %get3A_14 = arith.constant 0 : index
    %get3A_15 = vector.load %arg4[%get3A_13, %get3A_14] : memref<1000x1xf32, #tpu.memory_space<vmem>>, vector<1000x1xf32>
    %mul3A = vector.broadcast %get3A_15 : vector<1000x1xf32> to vector<1000x128xf32>
    %mul3A_16 = arith.mulf %mul3A, %add3A_12 : vector<1000x128xf32>
    %get3A_17 = arith.constant 0 : index
    %get3A_18 = arith.constant 0 : index
    %get3A_19 = vector.load %arg6[%get3A_17, %get3A_18] : memref<1x128xf32, #tpu.memory_space<vmem>>, vector<1x128xf32>
    %get3A_20 = arith.constant 0 : index
    %get3A_21 = arith.constant 0 : index
    %get3A_22 = vector.load %arg9[%get3A_20, %get3A_21] : memref<1x128xf32, #tpu.memory_space<vmem>>, vector<1x128xf32>
    %add3A_23 = arith.constant 9.99999974E-6 : f32
    %add3A_24 = vector.broadcast %add3A_23 : f32 to vector<1x128xf32>
    %add3A_25 = arith.addf %get3A_22, %add3A_24 : vector<1x128xf32>
    %rsqrt3A = math.rsqrt %add3A_25 : vector<1x128xf32>
    %mul3A_26 = arith.mulf %get3A_19, %rsqrt3A : vector<1x128xf32>
    %get3A_27 = arith.constant 0 : index
    %get3A_28 = arith.constant 0 : index
    %get3A_29 = vector.load %arg5[%get3A_27, %get3A_28] : memref<1x128xf32, #tpu.memory_space<vmem>>, vector<1x128xf32>
    %add3A_30 = vector.broadcast %get3A_29 : vector<1x128xf32> to vector<1000x128xf32>
    %add3A_31 = arith.addf %mul3A_16, %add3A_30 : vector<1000x128xf32>
    %get3A_32 = arith.constant 0 : index
    %get3A_33 = arith.constant 0 : index
    %get3A_34 = vector.load %arg8[%get3A_32, %get3A_33] : memref<1x128xf32, #tpu.memory_space<vmem>>, vector<1x128xf32>
    %sub3A = vector.broadcast %get3A_34 : vector<1x128xf32> to vector<1000x128xf32>
    %sub3A_35 = arith.subf %add3A_31, %sub3A : vector<1000x128xf32>
    %mul3A_36 = vector.broadcast %mul3A_26 : vector<1x128xf32> to vector<1000x128xf32>
    %mul3A_37 = arith.mulf %sub3A_35, %mul3A_36 : vector<1000x128xf32>
    %get3A_38 = arith.constant 0 : index
    %get3A_39 = arith.constant 0 : index
    %get3A_40 = vector.load %arg7[%get3A_38, %get3A_39] : memref<1x128xf32, #tpu.memory_space<vmem>>, vector<1x128xf32>
    %add3A_41 = vector.broadcast %get3A_40 : vector<1x128xf32> to vector<1000x128xf32>
    %add3A_42 = arith.addf %mul3A_37, %add3A_41 : vector<1000x128xf32>
    %max3A = arith.constant 0.000000e+00 : f32
    %max3A_43 = vector.broadcast %max3A : f32 to vector<1000x128xf32>
    %max3A_44 = arith.maximumf %add3A_42, %max3A_43 : vector<1000x128xf32>
    %swap3A = arith.constant 0 : index
    %swap3A_45 = arith.constant 0 : index
    %swap3A_46 = vector.load %arg10[%swap3A, %swap3A_45] : memref<1000x128xf32, #tpu.memory_space<vmem>>, vector<1000x128xf32>
    tpu.vector_store %arg10[%swap3A, %swap3A_45], %max3A_44 {strides = array<i32>} : memref<1000x128xf32, #tpu.memory_space<vmem>>, vector<1000x128xf32>,
    return
  }
  func.func @transform_0(%arg0: i32) -> (i32, i32, i32) {
    %c0_i32 = arith.constant 0 : i32
    %c0_i32_0 = arith.constant 0 : i32
    %c0_i32_1 = arith.constant 0 : i32
    return %c0_i32, %arg0, %c0_i32_0 : i32, i32, i32
  }
  func.func @transform_1(%arg0: i32) -> (i32, i32, i32) {
    %c1_i32 = arith.constant 1 : i32
    %c0_i32 = arith.constant 0 : i32
    %c0_i32_0 = arith.constant 0 : i32
    return %c1_i32, %arg0, %c0_i32 : i32, i32, i32
  }
  func.func @transform_2(%arg0: i32) -> (i32, i32) {
    %c0_i32 = arith.constant 0 : i32
    %c0_i32_0 = arith.constant 0 : i32
    return %arg0, %c0_i32 : i32, i32
  }
  func.func @transform_3(%arg0: i32) -> (i32, i32) {
    %c0_i32 = arith.constant 0 : i32
    %c0_i32_0 = arith.constant 0 : i32
    return %arg0, %c0_i32 : i32, i32
  }
  func.func @transform_4(%arg0: i32) -> (i32, i32) {
    %c0_i32 = arith.constant 0 : i32
    %c0_i32_0 = arith.constant 0 : i32
    %c0_i32_1 = arith.constant 0 : i32
    return %c0_i32, %c0_i32_0 : i32, i32
  }
  func.func @transform_5(%arg0: i32) -> (i32, i32) {
    %c0_i32 = arith.constant 0 : i32
    %c0_i32_0 = arith.constant 0 : i32
    %c0_i32_1 = arith.constant 0 : i32
    return %c0_i32, %c0_i32_0 : i32, i32
  }
  func.func @transform_6(%arg0: i32) -> (i32, i32) {
    %c0_i32 = arith.constant 0 : i32
    %c0_i32_0 = arith.constant 0 : i32
    %c0_i32_1 = arith.constant 0 : i32
    return %c0_i32, %c0_i32_0 : i32, i32
  }
  func.func @transform_7(%arg0: i32) -> (i32, i32) {
    %c0_i32 = arith.constant 0 : i32
    %c0_i32_0 = arith.constant 0 : i32
    %c0_i32_1 = arith.constant 0 : i32
    return %c0_i32, %c0_i32_0 : i32, i32
  }
  func.func @transform_8(%arg0: i32) -> (i32, i32) {
    %c0_i32 = arith.constant 0 : i32
    %c0_i32_0 = arith.constant 0 : i32
    %c0_i32_1 = arith.constant 0 : i32
    return %c0_i32, %c0_i32_0 : i32, i32
  }
  func.func @transform_9(%arg0: i32) -> (i32, i32) {
    %c0_i32 = arith.constant 0 : i32
    %c0_i32_0 = arith.constant 0 : i32
    return %arg0, %c0_i32 : i32, i32
  }
}

</mosaic_0001>

<sc_bundles>
// kernel: kernel.6.cloned.1.call-start
scs
__scs_entry_jumppad:
0x0: {  	(pc) =	sbr.rel $0x88, $3  }
0x1: {  	(tag) =	ssettag $0x0;
	lr =	simm.s32 $0x1  }
0x2: {  	[smem:$0x3F98] =	sst lr;
	_ =	strace $0xD0000000  }
0x3: {  	_ = 	snop  }
0x4: {  	_ = 	snop  }
0x5: {  	_ = 	snop  }
0x6: {  	_ = 	snop  }
0x7: {  	_ = 	snop  }
__scs_overlays_trampoline_lowered:
0x8: {  	[smem:$0x3FA7] =	sst s0  }
0x9: {  	[smem:$0x3FA8] =	sst s1  }
0xa: {  	[smem:$0x3FA9] =	sst s2  }
0xb: {  	[smem:$0x3FAA] =	sst s3  }
0xc: {  	[smem:$0x3FAB] =	sst s4  }
0xd: {  	[smem:$0x3FAC] =	sst s5  }
0xe: {  	[smem:$0x3FAD] =	sst s6  }
0xf: {  	[smem:$0x3FAE] =	sst s7  }
0x10: {  	[smem:$0x3FAF] =	sst s8  }
0x11: {  	[smem:$0x3FB0] =	sst s9;
	s0 =	simm.s32 @!p0 $0x0  }
0x12: {  	s1 =	sld [smem:$0x3F96];
	s0 =	simm.s32 @p0 $0x1  }
0x13: {  	[smem:$0x3FB1] =	sst s0;
	s0 =	simm.s32 @!p1 $0x0  }
0x14: {  	s2 =	sld [smem:$0x3F95];
	s0 =	simm.s32 @p1 $0x1  }
0x15: {  	[smem:$0x3FB2] =	sst s0;
	s0 =	simm.s32 @!p2 $0x0  }
0x16: {  	s3 =	sld [smem:$0x3FDB];
	s0 =	simm.s32 @p2 $0x1  }
0x17: {  	s4 =	simm.s32 $0x1BF5;
	[smem:$0x3FB4] =	sst s0  }
0x18: {  	s0 =	sld [smem:$0x3F97];
	_ =	swait.ge [sflag:s4], $0x0  }
0x19: {  	s7 =	sld [smem:$0x3F98]  }
0x1a: {  	s8 =	sadd.s32 $0xFFFFE003, lr  }
0x1b: {  	s9 =	sadd.s32 $0xFFFFFEF7, lr;
	s5 =	simm.s32 $0xFFFFFFFF;
	p2 =	slt.u32 s8, $0xFFFFF086  }
0x1c: {  	p1 =	slt.u32 s9, $0xF7A;
	s5 =	simm.s32 @!p2 $0x0  }
0x1d: {  	s5 =	simm.s32 @p1 $0x1;
	p0 =	seq.s32 s7, s2  }
0x1e: {  	s7 =	smul.u32 @!p0 $0xF7A, s2;
	p2 =	seq.s32 @!p0 s5, $0x0  }
0x1f: {  	s9 =	smul.u32 $0xF7A, s1;
	s8 =	simm.s32 @!p0 $0x1BF5;
	p2 =	por !p2, p0  }
0x20: {  	[sflag:s8] =	ssyncset.s32 @!p0 $0xFFFFF086;
	s6 =	sadd.s32 @!p0 s3, s7;
	s7 =	simm.s32 @!p0 $0x108  }
0x21: {  	s3 =	sadd.s32 s3, s9;
	s6 =	sadd.s32 @!p0 $0x88, s6;
	s7 =	simm.s32 @p2 $0x1082  }
0x22: {  	[simem:s7], [sflag:s8] =	dma.local @!p0 [hbm:s6], $0xF7A  }
0x23: {  	s9 =	sor.u32 $0xD0000000, s2;
	s6 =	simm.s32 $0x108;
	_ =	swait.ge @!p0 [sflag:s8], $0x0  }
0x24: {  	s3 =	sadd.s32 $0x88, s3;
	s6 =	simm.s32 @!p1 $0x1082;
	[sflag:s4] =	ssyncset.s32 $0xFFFFF086  }
0x25: {  	[simem:s6], [sflag:s4] =	dma.local [hbm:s3], $0xF7A  }
0x26: {  	[smem:$0x3F98] =	sst s1;
	(tag) =	ssettag s2;
	_ =	strace s9  }
0x27: {  	s1 =	sld [smem:$0x3FA8]  }
0x28: {  	s2 =	sld [smem:$0x3FA9]  }
0x29: {  	s4 =	sld [smem:$0x3FAB]  }
0x2a: {  	p0 =	seq.s32 s5, $0x0;
	s5 =	sld [smem:$0x3FAC]  }
0x2b: {  	s6 =	sld [smem:$0x3FAD]  }
0x2c: {  	s7 =	sld [smem:$0x3FAE]  }
0x2d: {  	s3 =	simm.s32 $0x108;
	s8 =	sld [smem:$0x3FAF]  }
0x2e: {  	s3 =	simm.s32 @!p0 $0x1082;
	s9 =	sld [smem:$0x3FB0]  }
0x2f: {  	lr =	sadd.s32 s0, s3;
	s0 =	sld [smem:$0x3FA7]  }
0x30: {  	s3 =	sld [smem:$0x3FAA]  }
0x31: {  	[smem:$0x3FB3] =	sst s10  }
0x32: {  	s10 =	sld [smem:$0x3FB1];
	_ =	sdelay $0x3  }
0x33: {  	p0 =	seq.s32 s10, $0x1;
	s10 =	sld [smem:$0x3FB3];
	_ =	sdelay $0x3  }
0x34: {  	[smem:$0x3FB3] =	sst s10  }
0x35: {  	s10 =	sld [smem:$0x3FB2];
	_ =	sdelay $0x3  }
0x36: {  	p1 =	seq.s32 s10, $0x1;
	s10 =	sld [smem:$0x3FB3];
	_ =	sdelay $0x3  }
0x37: {  	[smem:$0x3FB3] =	sst s10  }
0x38: {  	s10 =	sld [smem:$0x3FB4]  }
0x39: {  	_ = 	snop;
	(pc) =	sbr.ind lr, $3  }
0x3a: {  	_ = 	snop  }
0x3b: {  	_ = 	snop  }
0x3c: {  	p2 =	seq.s32 s10, $0x1;
	s10 =	sld [smem:$0x3FB3]  }
0x3d: {  	_ =	shalt  }
0x3e: {  	_ =	shalt  }
0x3f: {  	_ =	shalt  }
0x40: {  	_ =	shalt  }
0x41: {  	_ =	shalt  }
0x42: {  	_ =	shalt  }
0x43: {  	_ =	shalt  }
0x44: {  	_ =	shalt  }
0x45: {  	_ =	shalt  }
0x46: {  	_ =	shalt  }
0x47: {  	_ =	shalt  }
0x48: {  	_ =	shalt  }
0x49: {  	_ =	shalt  }
0x4a: {  	_ =	shalt  }
0x4b: {  	_ =	shalt  }
0x4c: {  	_ =	shalt  }
0x4d: {  	_ =	shalt  }
0x4e: {  	_ =	shalt  }
0x4f: {  	_ =	shalt  }
0x50: {  	_ =	shalt  }
0x51: {  	_ =	shalt  }
0x52: {  	_ =	shalt  }
0x53: {  	_ =	shalt  }
0x54: {  	_ =	shalt  }
0x55: {  	_ =	shalt  }
0x56: {  	_ =	shalt  }
0x57: {  	_ =	shalt  }
0x58: {  	_ =	shalt  }
0x59: {  	_ =	shalt  }
0x5a: {  	_ =	shalt  }
0x5b: {  	_ =	shalt  }
0x5c: {  	_ =	shalt  }
0x5d: {  	_ =	shalt  }
0x5e: {  	_ =	shalt  }
0x5f: {  	_ =	shalt  }
0x60: {  	_ =	shalt  }
0x61: {  	_ =	shalt  }
0x62: {  	_ =	shalt  }
0x63: {  	_ =	shalt  }
0x64: {  	_ =	shalt  }
0x65: {  	_ =	shalt  }
0x66: {  	_ =	shalt  }
0x67: {  	_ =	shalt  }
0x68: {  	_ =	shalt  }
0x69: {  	_ =	shalt  }
0x6a: {  	_ =	shalt  }
0x6b: {  	_ =	shalt  }
0x6c: {  	_ =	shalt  }
0x6d: {  	_ =	shalt  }
0x6e: {  	_ =	shalt  }
0x6f: {  	_ =	shalt  }
0x70: {  	_ =	shalt  }
0x71: {  	_ =	shalt  }
0x72: {  	_ =	shalt  }
0x73: {  	_ =	shalt  }
0x74: {  	_ =	shalt  }
0x75: {  	_ =	shalt  }
0x76: {  	_ =	shalt  }
0x77: {  	_ =	shalt  }
0x78: {  	_ =	shalt  }
0x79: {  	_ =	shalt  }
0x7a: {  	_ =	shalt  }
0x7b: {  	_ =	shalt  }
0x7c: {  	_ =	shalt  }
0x7d: {  	_ =	shalt  }
0x7e: {  	_ =	shalt  }
0x7f: {  	_ =	shalt  }
0x80: {  	_ =	shalt  }
0x81: {  	_ =	shalt  }
0x82: {  	_ =	shalt  }
0x83: {  	_ =	shalt  }
0x84: {  	_ =	shalt  }
0x85: {  	_ =	shalt  }
0x86: {  	_ =	shalt  }
0x87: {  	_ =	shalt  }
.Lfunc_end0:
.L_simem_size_0:
called_computation_lowered:
.L_overlay_start_0:
0x88: {  	s2 =	sld [smem:$0x3FD9]  }
0x89: {  	s3 =	sld [smem:$0x3FFE];
	_ =	sdelay $0x1  }
0x8a: {  	s1 =	srdreg.scid  }
0x8b: {  	s0 =	sand.u32 $0x1, s1  }
0x8c: {  	s17 =	sshll.u32 s0, $0xA;
	s2 =	sadd.s32 s3, s2  }
0x8d: {  	s2 =	sadd.s32 s2, s17  }
0x8e: {  	[smem:$0x3FBF] =	sst s2  }
0x8f: {  	_ = 	snop  }
0x90: {  	s2 =	sld [smem:$0x3FD0];
	(tm) =	ssettm $0x1  }
0x91: {  	s18 =	sld [smem:$0x3FFB];
	_ =	sdelay $0x3  }
0x92: {  	_ =	strace s18  }
0x93: {  	s3 =	sld [smem:$0x3FFC];
	_ =	sdelay $0x3  }
0x94: {  	_ =	strace s3  }
0x95: {  	s3 =	sld [smem:$0x3FFD];
	_ =	sdelay $0x3  }
0x96: {  	_ =	strace s3  }
0x97: {  	_ =	strace $0x8FFFFFFF  }
0x98: {  	s19 =	sld [smem:$0x3FDB];
	_ =	sdelay $0x1  }
0x99: {  	s4 =	simm.s32 $_scs_section_size  }
0x9a: {  	s5 =	simm.s32 $_size__tile_overlayer_lowered;
	s6 =	simm.s32 $_tile_overlayer_lowered  }
0x9b: {  	s22 =	simm.s32 $0x1BFF;
	s21 =	sshll.u32 s6, $0x1;
	s3 =	sadd.s32 s4, s19  }
0x9c: {  	s7 =	simm.s32 $0x0;
	s20 =	sshll.u32 s5, $0x1;
	s5 =	sadd.s32 s21, s3  }
0x9d: {  	[timem:s7], [sflag:s22] =	dma.local [hbm:s5], s20  }
0x9e: {  	_ =	swait.ge [sflag:s22], s20  }
0x9f: {  	s4 =	ssub.s32 $0x0, s20;
	[sflag:s22] =	ssyncset.done $0x0  }
0xa0: {  	[sflag:s22] =	ssyncadd.s32 s4;
	_ =	sdelay $0x1  }
0xa1: {  	s23 =	simm.s32 $0x1B8B  }
0xa2: {  	_ =	swait.ge [sflag:s23], $0x1  }
0xa3: {  	[sflag:s23] =	ssyncset.done $0x0  }
0xa4: {  	s25 =	simm.s32 $0x1B8E;
	s24 =	sld [smem:$0x3FFE];
	[sflag:s23] =	ssyncadd.s32 $0xFFFFFFFF  }
0xa5: {  	s26 =	simm.s32 $execute0_lowered;
	[smem:$0x3FD2] =	sst s25  }
0xa6: {  	s5 =	sshll.u32 s26, $0x1;
	_ =	strace $0x80000046;
	[dreg:$0x1] =	wrdreg $0xFFFFFFFF  }
0xa7: {  	s28 =	simm.s32 $_size_execute0_lowered;
	s3 =	sadd.s32 s3, s5;
	[dreg:$0x0] =	wrdreg $0x0  }
0xa8: {  	s5 =	sshll.u32 s28, $0x1;
	[dreg:$0x2] =	wrdreg s3  }
0xa9: {  	[dreg:$0x3] =	wrdreg s5  }
0xaa: {  	[dreg:$0x4] =	wrdreg $0xC0  }
0xab: {  	_ =	task [dreg:s7], $0x5FFFF  }
0xac: {  	[dreg:$0x1] =	wrdreg $0xFFFFFFFF  }
0xad: {  	[dreg:$0x0] =	wrdreg $0x60  }
0xae: {  	[dreg:$0x2] =	wrdreg s24  }
0xaf: {  	[dreg:$0x3] =	wrdreg s2  }
0xb0: {  	[dreg:$0x4] =	wrdreg $0x2E800  }
0xb1: {  	[dreg:$0x5] =	wrdreg $0x9  }
0xb2: {  	_ =	task.clear_ibuf [dreg:s7], $0x6FFFF;
	_ =	strace $0x90000046  }
0xb3: {  	s29 =	simm.s32 $0x9;
	_ =	strace $0x80000048  }
0xb4: {  	_ =	swait.ge [sflag:s29], $0x1  }
0xb5: {  	[sflag:s29] =	ssyncadd.s32 $0xFFFFFFFF  }
0xb6: {  	_ =	strace $0x90000048  }
0xb7: {  	_ =	sfence  }
0xb8: {  	s30 =	sld [smem:$0x0];
	_ =	sdelay $0x2  }
0xb9: {  	s31 =	sshll.u32 s1, $0xD;
	s1 =	sshrl.u32 s1, $0x2  }
0xba: {  	s3 =	sand.u32 $0x4000, s31;
	s1 =	sadd.s32 s1, s30  }
0xbb: {  	s0 =	sor.u32 s3, s0;
	s1 =	sshll.u32 s1, $0x11  }
0xbc: {  	s0 =	sor.u32 s1, s0  }
0xbd: {  	s0 =	sadd.s32 $0x8F2B, s0  }
0xbe: {  	[sflag:s0] =	ssyncadd.remote.s32 $0x1  }
0xbf: {  	_ =	sfence.sel $0xFFFF  }
0xc0: {  	[dreg:$0x0] =	wrdreg $0xFFFFFFFF;
	(pc) =	sbr.abs _section_cstart, $3  }
0xc1: {  	[dreg:$0x1] =	wrdreg $0xFFFFFFFF  }
0xc2: {  	_ =	task.clear_ibuf [dreg:s7], $0x2FFFF;
	_ =	strace $0x9FFFFFFF  }
0xc3: {  	(tm) =	ssettm $0x7FFFFFFF  }
tec
execute0_lowered:
.L_overlay_start_1:
0x0: {  	(tag) =	ssettag $0x1  }
0x1: {  	s0 =	rddreg [dreg:$0x0]  }
0x2: {  	s1 =	srdreg.scid;
	s9 =	rddreg [dreg:$0x1]  }
0x3: {  	s2 =	rddreg [dreg:$0x2];
	s12 =	stileid.u32  }
0x4: {  	s3 =	simm.s32 $0x0;
	s15 =	simm.s32 $0x7;
	s17 =	simm.s32 $0x2A00  }
0x5: {  	s18 =	simm.s32 $0x2A80;
	s31 =	simm.s32 $0x2B00;
	s19 =	simm.s32 $0x1  }
0x6: {  	s20 =	simm.s32 $0x80;
	s21 =	simm.s32 $0x2B80;
	s22 =	simm.s32 $0x2  }
0x7: {  	s1 =	sand.u32 $0x1, s1;
	[smem:$0x7FF] =	sst s3;
	s7 =	smul.u32 $0x280, s12  }
0x8: {  	s4 =	sshll.u32 s1, $0x4;
	_ =	strace $0x80000047;
	s8 =	smul.u32 $0x2800, s1  }
0x9: {  	s6 =	ssub.s32 $0x2, s1;
	s1 =	smul.u32 $0x2A000, s1;
	[dreg:$0x4] =	wrdreg s31  }
0xa: {  	s4 =	sor.u32 s12, s4;
	s23 =	sshrl.u32 s6, $0x1;
	s12 =	smul.u32 $0x2A00, s12  }
0xb: {  	s5 =	smul.u32 $0x2A00, s4;
	s4 =	sadd.s32 $0xCE00, s0;
	s11 =	ssub.s32 s6, s23  }
0xc: {  	s6 =	sadd.s32 s7, s2;
	s24 =	sadd.s32 s7, s8;
	s23 =	simm.s32 $0x5  }
0xd: {  	s1 =	sadd.s32 s12, s1;
	s28 =	smax.u32 s11, $0x1;
	s10 =	sshrl.u32 s5, $0x3  }
0xe: {  	s26 =	sadd.s32 $0x280, s1;
	[dreg:$0x9] =	wrdreg s28;
	s12 =	sor.u32 $0x180, s1  }
0xf: {  	s14 =	sor.u32 $0x100, s1;
	s0 =	sadd.s32 s10, s0;
	s25 =	sadd.s32 s4, s10  }
0x10: {  	s29 =	sshrl.u32 s12, $0x3;
	s12 =	sadd.s32 $0x200, s1;
	s30 =	sshrl.u32 s14, $0x3  }
0x11: {  	s0 =	sadd.s32 $0x2600, s0;
	[dreg:$0x6] =	wrdreg s25;
	s5 =	sadd.s32 $0x10, s25  }
0x12: {  	s13 =	sadd.s32 s29, s4;
	[dreg:$0x5] =	wrdreg s0;
	s0 =	sshrl.u32 s24, $0x3  }
0x13: {  	s14 =	sadd.s32 s30, s4;
	[dreg:$0x7] =	wrdreg s5;
	s0 =	sadd.s32 s9, s0  }
0x14: {  	s25 =	simm.s32 $0x6;
	[dreg:$0x8] =	wrdreg s0;
	s0 =	sshrl.u32 s26, $0x3  }
0x15: {  	v0 =	vimm.f32 $0.0e+00;
	s24 =	simm.s32 $0x4;
	s26 =	simm.s32 $0x0;
	s11 =	sadd.s32 s0, s4  }
.LBB2_1:
0x16: {  	s0 =	rddreg [dreg:$0x5]  }
0x17: {  	[tilespmem:s3], [sflag:$0x7] =	stream.linear.gather [hbm4b:s0+s3], $0x2A00, $0x38;
	[tilespmem:$0x3100] =	vst v63  }
0x18: {  	_ =	swait.ge [sflag:s15], $0x2A00  }
0x19: {  	[sflag:s15] =	ssyncset.done $0x0  }
0x1a: {  	[sflag:s15] =	ssyncadd.s32 $0xFFFFD600  }
0x1b: {  	[tilespmem:$0x2C00] =	vst v0  }
0x1c: {  	[tilespmem:$0x2C10] =	vst v0  }
0x1d: {  	[tilespmem:$0x2C20] =	vst v0  }
0x1e: {  	[tilespmem:$0x2C30] =	vst v0  }
0x1f: {  	[tilespmem:$0x2C40] =	vst v0  }
0x20: {  	[tilespmem:$0x2C50] =	vst v0  }
0x21: {  	[tilespmem:$0x2C60] =	vst v0  }
0x22: {  	[tilespmem:$0x2C70] =	vst v0  }
0x23: {  	[tilespmem:$0x2C80] =	vst v0  }
0x24: {  	[tilespmem:$0x2C90] =	vst v0  }
0x25: {  	[tilespmem:$0x2CA0] =	vst v0  }
0x26: {  	[tilespmem:$0x2CB0] =	vst v0  }
0x27: {  	[tilespmem:$0x2CC0] =	vst v0  }
0x28: {  	[tilespmem:$0x2CD0] =	vst v0  }
0x29: {  	[tilespmem:$0x2CE0] =	vst v0  }
0x2a: {  	[tilespmem:$0x2CF0] =	vst v0  }
0x2b: {  	[tilespmem:$0x2D00] =	vst v0  }
0x2c: {  	[tilespmem:$0x2D10] =	vst v0  }
0x2d: {  	[tilespmem:$0x2D20] =	vst v0  }
0x2e: {  	[tilespmem:$0x2D30] =	vst v0  }
0x2f: {  	[tilespmem:$0x2D40] =	vst v0  }
0x30: {  	[tilespmem:$0x2D50] =	vst v0  }
0x31: {  	[tilespmem:$0x2D60] =	vst v0  }
0x32: {  	[tilespmem:$0x2D70] =	vst v0  }
0x33: {  	[tilespmem:$0x2D80] =	vst v0  }
0x34: {  	[tilespmem:$0x2D90] =	vst v0  }
0x35: {  	[tilespmem:$0x2DA0] =	vst v0  }
0x36: {  	[tilespmem:$0x2DB0] =	vst v0  }
0x37: {  	[tilespmem:$0x2DC0] =	vst v0  }
0x38: {  	[tilespmem:$0x2DD0] =	vst v0  }
0x39: {  	[tilespmem:$0x2DE0] =	vst v0  }
0x3a: {  	[tilespmem:$0x2DF0] =	vst v0  }
0x3b: {  	[tilespmem:$0x2E00] =	vst v0  }
0x3c: {  	[tilespmem:$0x2E10] =	vst v0  }
0x3d: {  	[tilespmem:$0x2E20] =	vst v0  }
0x3e: {  	[tilespmem:$0x2E30] =	vst v0  }
0x3f: {  	[tilespmem:$0x2E40] =	vst v0  }
0x40: {  	[tilespmem:$0x2E50] =	vst v0  }
0x41: {  	[tilespmem:$0x2E60] =	vst v0  }
0x42: {  	s7 =	simm.s32 $0x2C00;
	[tilespmem:$0x2E70] =	vst v0  }
0x43: {  	[spmem:s6] =	stream.linear.scatter [tilespmem:s7], [sflag:$0x7], $0x280, $0x38;
	[tilespmem:$0x3100] =	vst v63  }
0x44: {  	_ =	swait.ge [sflag:s15], $0x280  }
0x45: {  	[sflag:s15] =	ssyncset.done $0x0  }
0x46: {  	[sflag:s15] =	ssyncadd.s32 $0xFFFFFD80  }
0x47: {  	[bflag:$0x0] =	sbarrier.arrive $0xFFFF  }
0x48: {  	p0 =	por $0x1, $0x1;
	s8 =	rddreg [dreg:$0x6]  }
0x49: {  	[tilespmem:s17], [sflag:$0x1] =	stream.linear.gather [hbm4b:s8+s3], $0x80, $0x38;
	[tilespmem:$0x3100] =	vst v63  }
0x4a: {  	s0 =	simm.s32 @!p0 $0x5;
	s9 =	rddreg [dreg:$0x7]  }
0x4b: {  	[tilespmem:s18], [sflag:$0x2] =	stream.linear.gather [hbm4b:s9+s3], $0x80, $0x38;
	[tilespmem:$0x3100] =	vst v63  }
0x4c: {  	_ =	swait.ge @!p0 [sflag:s0], $0x80  }
0x4d: {  	[sflag:s0] =	ssyncset.done @!p0 $0x0  }
0x4e: {  	s1 =	rddreg [dreg:$0x4];
	[sflag:s0] =	ssyncadd.s32 @!p0 $0xFFFFFF80  }
0x4f: {  	[tilespmem:s1], [sflag:$0x3] =	stream.linear.gather [hbm4b:s14+s3], $0x80, $0x38;
	[tilespmem:$0x3100] =	vst v63  }
0x50: {  	_ =	swait.ge [sflag:s19], $0x80  }
0x51: {  	[sflag:s19] =	ssyncset.done $0x0  }
0x52: {  	s10 =	simm.s32 $0x0;
	s1 =	simm.s32 @!p0 $0x6;
	[sflag:s19] =	ssyncadd.s32 $0xFFFFFF80  }
0x53: {  	[spmem:s2] =	stream.indirect.scatter.add.f32 [tilespmem:s10], [sflag:$0x5], $0x1, s17, s20, $0xb8;
	[tilespmem:$0x3100] =	vst v63  }
0x54: {  	_ =	swait.ge @!p0 [sflag:s1], $0x80  }
0x55: {  	[sflag:s1] =	ssyncset.done @!p0 $0x0  }
0x56: {  	[sflag:s1] =	ssyncadd.s32 @!p0 $0xFFFFFF80  }
0x57: {  	[tilespmem:s21], [sflag:$0x4] =	stream.linear.gather [hbm4b:s13+s3], $0x80, $0x38;
	[tilespmem:$0x3100] =	vst v63  }
0x58: {  	_ =	swait.ge [sflag:s22], $0x80  }
0x59: {  	[sflag:s22] =	ssyncset.done $0x0  }
0x5a: {  	s16 =	simm.s32 $0x80;
	[sflag:s22] =	ssyncadd.s32 $0xFFFFFF80  }
0x5b: {  	[spmem:s2] =	stream.indirect.scatter.add.f32 [tilespmem:s16], [sflag:$0x6], $0x1, s18, s20, $0xb8;
	[tilespmem:$0x3100] =	vst v63  }
0x5c: {  	_ =	swait.ge [sflag:s23], $0x80  }
0x5d: {  	p0 =	por $0x0, $0x0;
	[sflag:s23] =	ssyncset.done $0x0  }
0x5e: {  	s0 =	simm.s32 @p0 $0x3;
	[sflag:s23] =	ssyncadd.s32 $0xFFFFFF80  }
0x5f: {  	_ =	swait.ge @p0 [sflag:s0], $0x80  }
0x60: {  	s1 =	simm.s32 @p0 $0x2900;
	s28 =	simm.s32 @p0 $0x2B00;
	[sflag:s0] =	ssyncset.done @p0 $0x0  }
0x61: {  	s16 =	simm.s32 @p0 $0x6;
	[sflag:s0] =	ssyncadd.s32 @p0 $0xFFFFFF80;
	s0 =	simm.s32 @p0 $0x80  }
0x62: {  	[spmem:s2] =	stream.indirect.scatter.add.f32 @p0 [tilespmem:s1], [sflag:$0x5], $0x1, s28, s0, $0xb8;
	[tilespmem:$0x3100] =	vst v63  }
0x63: {  	s30 =	simm.s32 @!p0 $0x0;
	_ =	swait.ge @p0 [sflag:s16], $0x80  }
0x64: {  	s0 =	sshrl.u32 @!p0 s12, $0x3;
	s1 =	simm.s32 @!p0 $0x2A00;
	[sflag:s16] =	ssyncset.done @p0 $0x0  }
0x65: {  	s28 =	simm.s32 @!p0 $0x3;
	s0 =	sadd.s32 @!p0 s4, s0;
	[sflag:s16] =	ssyncadd.s32 @p0 $0xFFFFFF80  }
0x66: {  	[tilespmem:s1], [sflag:$0x1] =	stream.linear.gather @!p0 [hbm4b:s0+s30], $0x80, $0x38;
	[tilespmem:$0x3100] =	vst v63  }
0x67: {  	_ =	swait.ge @!p0 [sflag:s28], $0x80  }
0x68: {  	s16 =	simm.s32 @!p0 $0x80;
	s0 =	simm.s32 @!p0 $0x100;
	[sflag:s28] =	ssyncset.done @!p0 $0x0  }
0x69: {  	s1 =	simm.s32 @!p0 $0x6;
	[sflag:s28] =	ssyncadd.s32 @!p0 $0xFFFFFF80;
	s28 =	simm.s32 @!p0 $0x2B00  }
0x6a: {  	[spmem:s2] =	stream.indirect.scatter.add.f32 @!p0 [tilespmem:s0], [sflag:$0x5], $0x1, s28, s16, $0xb8;
	[tilespmem:$0x3100] =	vst v63  }
0x6b: {  	s29 =	simm.s32 $0x800;
	_ =	swait.ge @!p0 [sflag:s1], $0x80  }
0x6c: {  	s31 =	sadd.s32 $0x40, s13;
	p1 =	por $0x0, $0x0;
	[sflag:s1] =	ssyncset.done @!p0 $0x0  }
0x6d: {  	s16 =	simm.s32 $0x1000;
	[sflag:s1] =	ssyncadd.s32 @!p0 $0xFFFFFF80;
	s1 =	simm.s32 @!p0 $0x2A80  }
0x6e: {  	[tilespmem:s1], [sflag:$0x2] =	stream.linear.gather @!p0 [hbm4b:s11+s30], $0x80, $0x38;
	[tilespmem:$0x3100] =	vst v63  }
0x6f: {  	s0 =	sadd.s32 $0x40, s14;
	s28 =	sadd.s32 $0x40, s11;
	_ =	swait.ge [sflag:s24], $0x80  }
0x70: {  	s30 =	sadd.s32 $0x200, s12;
	s1 =	simm.s32 $0x180;
	[sflag:s24] =	ssyncset.done $0x0  }
.LBB2_2:
0x71: {  	s5 =	simm.s32 @!p1 $0x5;
	[sflag:s24] =	ssyncadd.s32 $0xFFFFFF80  }
0x72: {  	[spmem:s2] =	stream.indirect.scatter.add.f32 [tilespmem:s1], [sflag:$0x6], $0x1, s21, s20, $0xb8;
	[tilespmem:$0x3100] =	vst v63  }
0x73: {  	_ =	swait.ge @!p1 [sflag:s5], $0x80  }
0x74: {  	[sflag:s5] =	ssyncset.done @!p1 $0x0  }
0x75: {  	s9 =	rddreg [dreg:$0x4];
	[sflag:s5] =	ssyncadd.s32 @!p1 $0xFFFFFF80  }
0x76: {  	[tilespmem:s9], [sflag:$0x3] =	stream.linear.gather [hbm4b:s0+s3], $0x80, $0x38;
	[tilespmem:$0x3100] =	vst v63  }
0x77: {  	_ =	swait.ge [sflag:s19], $0x80  }
0x78: {  	[sflag:s19] =	ssyncset.done $0x0  }
0x79: {  	s1 =	sshra.s32 s29, $0x2;
	s5 =	simm.s32 @!p1 $0x6;
	[sflag:s19] =	ssyncadd.s32 $0xFFFFFF80  }
0x7a: {  	[spmem:s2] =	stream.indirect.scatter.add.f32 [tilespmem:s1], [sflag:$0x5], $0x1, s17, s20, $0xb8;
	[tilespmem:$0x3100] =	vst v63  }
0x7b: {  	_ =	swait.ge @!p1 [sflag:s5], $0x80  }
0x7c: {  	[sflag:s5] =	ssyncset.done @!p1 $0x0  }
0x7d: {  	[sflag:s5] =	ssyncadd.s32 @!p1 $0xFFFFFF80  }
0x7e: {  	[tilespmem:s21], [sflag:$0x4] =	stream.linear.gather [hbm4b:s31+s3], $0x80, $0x38;
	[tilespmem:$0x3100] =	vst v63  }
0x7f: {  	_ =	swait.ge [sflag:s22], $0x80  }
0x80: {  	[sflag:s22] =	ssyncset.done $0x0  }
0x81: {  	s10 =	sadd.s32 $0x80, s1;
	[sflag:s22] =	ssyncadd.s32 $0xFFFFFF80  }
0x82: {  	[spmem:s2] =	stream.indirect.scatter.add.f32 [tilespmem:s10], [sflag:$0x6], $0x1, s18, s20, $0xb8;
	[tilespmem:$0x3100] =	vst v63  }
0x83: {  	_ =	swait.ge [sflag:s23], $0x80  }
0x84: {  	s8 =	smov.u32 s16;
	p1 =	seq.s32 s29, $0xA000;
	[sflag:s23] =	ssyncset.done $0x0  }
0x85: {  	s5 =	simm.s32 @p1 $0x3;
	s29 =	sshra.s32 @!p1 s29, $0x2;
	[sflag:s23] =	ssyncadd.s32 $0xFFFFFF80  }
0x86: {  	s7 =	simm.s32 @p1 $0x2B00;
	s9 =	sadd.s32 @!p1 $0x100, s29;
	_ =	swait.ge @p1 [sflag:s5], $0x80  }
0x87: {  	s29 =	smov.u32 s8;
	s8 =	simm.s32 @p1 $0x2900;
	[sflag:s5] =	ssyncset.done @p1 $0x0  }
0x88: {  	s10 =	simm.s32 @p1 $0x6;
	[sflag:s5] =	ssyncadd.s32 @p1 $0xFFFFFF80;
	s5 =	simm.s32 @p1 $0x80  }
0x89: {  	[spmem:s2] =	stream.indirect.scatter.add.f32 @p1 [tilespmem:s8], [sflag:$0x5], $0x1, s7, s5, $0xb8;
	[tilespmem:$0x3100] =	vst v63  }
0x8a: {  	s5 =	sshrl.u32 @!p1 s30, $0x3;
	_ =	swait.ge @p1 [sflag:s10], $0x80  }
0x8b: {  	s7 =	simm.s32 @!p1 $0x2A00;
	s8 =	simm.s32 @!p1 $0x3;
	[sflag:s10] =	ssyncset.done @p1 $0x0  }
0x8c: {  	s5 =	sadd.s32 @!p1 s4, s5;
	[sflag:s10] =	ssyncadd.s32 @p1 $0xFFFFFF80;
	s10 =	simm.s32 @!p1 $0x0  }
0x8d: {  	[tilespmem:s7], [sflag:$0x1] =	stream.linear.gather @!p1 [hbm4b:s5+s10], $0x80, $0x38;
	[tilespmem:$0x3100] =	vst v63  }
0x8e: {  	_ =	swait.ge @!p1 [sflag:s8], $0x80  }
0x8f: {  	s16 =	sadd.s32 $0x800, s16;
	s5 =	simm.s32 @!p1 $0x6;
	[sflag:s8] =	ssyncset.done @!p1 $0x0  }
0x90: {  	s7 =	simm.s32 @!p1 $0x80;
	[sflag:s8] =	ssyncadd.s32 @!p1 $0xFFFFFF80;
	s8 =	simm.s32 @!p1 $0x2B00  }
0x91: {  	[spmem:s2] =	stream.indirect.scatter.add.f32 @!p1 [tilespmem:s9], [sflag:$0x5], $0x1, s8, s7, $0xb8;
	[tilespmem:$0x3100] =	vst v63  }
0x92: {  	p0 =	sne.s32 s16, $0xA800;
	_ =	swait.ge @!p1 [sflag:s5], $0x80  }
.Ltmp0:
0x93: {  	s0 =	sadd.s32 $0x40, s0;
	[sflag:s5] =	ssyncset.done @!p1 $0x0;
	(pc) =	sbr.rel @p0 .LBB2_2-.Ltmp0, $4  }
0x94: {  	s1 =	sadd.s32 $0x180, s1;
	[sflag:s5] =	ssyncadd.s32 @!p1 $0xFFFFFF80;
	s5 =	simm.s32 @!p1 $0x2A80  }
0x95: {  	[tilespmem:s5], [sflag:$0x2] =	stream.linear.gather @!p1 [hbm4b:s28+s10], $0x80, $0x38;
	[tilespmem:$0x3100] =	vst v63  }
0x96: {  	s31 =	sadd.s32 $0x40, s31;
	s30 =	sadd.s32 $0x200, s30;
	_ =	swait.ge [sflag:s24], $0x80  }
0x97: {  	s28 =	sadd.s32 $0x40, s28;
	p1 =	seq.s32 s29, $0x0;
	[sflag:s24] =	ssyncset.done $0x0  }
0x98: {  	s5 =	simm.s32 @!p1 $0x5;
	[sflag:s24] =	ssyncadd.s32 $0xFFFFFF80  }
0x99: {  	[spmem:s2] =	stream.indirect.scatter.add.f32 [tilespmem:s1], [sflag:$0x6], $0x1, s21, s20, $0xb8;
	[tilespmem:$0x3100] =	vst v63  }
0x9a: {  	_ =	swait.ge @!p1 [sflag:s5], $0x80  }
0x9b: {  	[sflag:s5] =	ssyncset.done @!p1 $0x0  }
0x9c: {  	s9 =	rddreg [dreg:$0x4];
	[sflag:s5] =	ssyncadd.s32 @!p1 $0xFFFFFF80  }
0x9d: {  	[tilespmem:s9], [sflag:$0x3] =	stream.linear.gather [hbm4b:s0+s3], $0x80, $0x38;
	[tilespmem:$0x3100] =	vst v63  }
0x9e: {  	_ =	swait.ge [sflag:s19], $0x80  }
0x9f: {  	[sflag:s19] =	ssyncset.done $0x0  }
0xa0: {  	s10 =	sshra.s32 s29, $0x2;
	s1 =	simm.s32 @!p1 $0x6;
	[sflag:s19] =	ssyncadd.s32 $0xFFFFFF80  }
0xa1: {  	[spmem:s2] =	stream.indirect.scatter.add.f32 [tilespmem:s10], [sflag:$0x5], $0x1, s17, s20, $0xb8;
	[tilespmem:$0x3100] =	vst v63  }
0xa2: {  	_ =	swait.ge @!p1 [sflag:s1], $0x80  }
0xa3: {  	[sflag:s1] =	ssyncset.done @!p1 $0x0  }
0xa4: {  	[sflag:s1] =	ssyncadd.s32 @!p1 $0xFFFFFF80  }
0xa5: {  	[tilespmem:s21], [sflag:$0x4] =	stream.linear.gather [hbm4b:s31+s3], $0x80, $0x38;
	[tilespmem:$0x3100] =	vst v63  }
0xa6: {  	_ =	swait.ge [sflag:s22], $0x80  }
0xa7: {  	[sflag:s22] =	ssyncset.done $0x0  }
0xa8: {  	s16 =	sadd.s32 $0x80, s10;
	[sflag:s22] =	ssyncadd.s32 $0xFFFFFF80  }
0xa9: {  	[spmem:s2] =	stream.indirect.scatter.add.f32 [tilespmem:s16], [sflag:$0x6], $0x1, s18, s20, $0xb8;
	[tilespmem:$0x3100] =	vst v63  }
0xaa: {  	_ =	swait.ge [sflag:s23], $0x80  }
0xab: {  	p0 =	seq.s32 s29, $0xA000;
	[sflag:s23] =	ssyncset.done $0x0  }
0xac: {  	s1 =	simm.s32 @p0 $0x3;
	[sflag:s23] =	ssyncadd.s32 $0xFFFFFF80  }
0xad: {  	_ =	swait.ge @p0 [sflag:s1], $0x80  }
0xae: {  	s7 =	simm.s32 @p0 $0x6;
	s8 =	simm.s32 @p0 $0x2B00;
	[sflag:s1] =	ssyncset.done @p0 $0x0  }
0xaf: {  	s5 =	simm.s32 @p0 $0x2900;
	[sflag:s1] =	ssyncadd.s32 @p0 $0xFFFFFF80;
	s1 =	simm.s32 @p0 $0x80  }
0xb0: {  	[spmem:s2] =	stream.indirect.scatter.add.f32 @p0 [tilespmem:s5], [sflag:$0x5], $0x1, s8, s1, $0xb8;
	[tilespmem:$0x3100] =	vst v63  }
0xb1: {  	s1 =	sshrl.u32 @!p0 s30, $0x3;
	_ =	swait.ge @p0 [sflag:s7], $0x80  }
0xb2: {  	s5 =	simm.s32 @!p0 $0x2A00;
	s8 =	simm.s32 @!p0 $0x3;
	[sflag:s7] =	ssyncset.done @p0 $0x0  }
0xb3: {  	s1 =	sadd.s32 @!p0 s4, s1;
	[sflag:s7] =	ssyncadd.s32 @p0 $0xFFFFFF80;
	s7 =	simm.s32 @!p0 $0x0  }
0xb4: {  	[tilespmem:s5], [sflag:$0x1] =	stream.linear.gather @!p0 [hbm4b:s1+s7], $0x80, $0x38;
	[tilespmem:$0x3100] =	vst v63  }
0xb5: {  	s9 =	simm.s32 @!p0 $0x2B00;
	_ =	swait.ge @!p0 [sflag:s8], $0x80  }
0xb6: {  	s1 =	sshra.s32 @!p0 s29, $0x2;
	s5 =	simm.s32 @!p0 $0x6;
	[sflag:s8] =	ssyncset.done @!p0 $0x0  }
0xb7: {  	s1 =	sadd.s32 @!p0 $0x100, s1;
	[sflag:s8] =	ssyncadd.s32 @!p0 $0xFFFFFF80;
	s8 =	simm.s32 @!p0 $0x80  }
0xb8: {  	[spmem:s2] =	stream.indirect.scatter.add.f32 @!p0 [tilespmem:s1], [sflag:$0x5], $0x1, s9, s8, $0xb8;
	[tilespmem:$0x3100] =	vst v63  }
0xb9: {  	_ =	swait.ge @!p0 [sflag:s5], $0x80  }
0xba: {  	[sflag:s5] =	ssyncset.done @!p0 $0x0  }
0xbb: {  	s1 =	simm.s32 @!p0 $0x2A80;
	[sflag:s5] =	ssyncadd.s32 @!p0 $0xFFFFFF80  }
0xbc: {  	[tilespmem:s1], [sflag:$0x2] =	stream.linear.gather @!p0 [hbm4b:s28+s7], $0x80, $0x38;
	[tilespmem:$0x3100] =	vst v63  }
0xbd: {  	_ =	swait.ge [sflag:s24], $0x80  }
0xbe: {  	[sflag:s24] =	ssyncset.done $0x0  }
0xbf: {  	s0 =	sadd.s32 $0x180, s10;
	[sflag:s24] =	ssyncadd.s32 $0xFFFFFF80  }
0xc0: {  	[spmem:s2] =	stream.indirect.scatter.add.f32 [tilespmem:s0], [sflag:$0x6], $0x1, s21, s20, $0xb8;
	[tilespmem:$0x3100] =	vst v63  }
0xc1: {  	_ =	swait.ge [sflag:s23], $0x80  }
0xc2: {  	[sflag:s23] =	ssyncset.done $0x0  }
0xc3: {  	[sflag:s23] =	ssyncadd.s32 $0xFFFFFF80  }
0xc4: {  	_ =	swait.ge [sflag:s25], $0x80  }
0xc5: {  	[sflag:s25] =	ssyncset.done $0x0  }
0xc6: {  	s28 =	stileid.u32;
	[sflag:s25] =	ssyncadd.s32 $0xFFFFFF80  }
0xc7: {  	s0 =	sshll.u32 s28, $0x6;
	[bflag:$0x0] =	sbarrier.arrive $0xFFFF  }
0xc8: {  	s29 =	sshrl.u32 s6, $0x3;
	s0 =	sor.u32 $0x1C07, s0;
	s30 =	rddreg [dreg:$0x8]  }
0xc9: {  	[hbm:s30], [sflag:s0] =	dma.local [spmem:s29], $0x50  }
0xca: {  	_ =	swait.ge [sflag:s15], $0x50  }
0xcb: {  	s26 =	sadd.s32 $0x1, s26;
	s31 =	rddreg [dreg:$0x9]  }
0xcc: {  	p0 =	sne.s32 s26, s31  }
.Ltmp1:
0xcd: {  	_ = 	snop;
	(pc) =	sbr.rel @p0 .LBB2_1-.Ltmp1, $3  }
0xce: {  	_ =	sdelay $0x1  }
0xcf: {  	[sflag:s15] =	ssyncset.done $0x0  }
0xd0: {  	[sflag:s15] =	ssyncadd.s32 $0xFFFFFFB0  }
0xd1: {  	_ =	sfence.sel $0x180000  }
0xd2: {  	[bflag:$0x0] =	sbarrier.arrive $0xFFFF  }
0xd3: {  	_ =	strace $0x90000047  }
0xd4: {  	s0 =	stileid.u32;
	[bflag:$0x2] =	sbarrier.arrive $0xFFFF  }
0xd5: {  	p0 =	sne.s32 s0, $0x0;
	s0 =	rddreg [dreg:$0x3]  }
0xd6: {  	s0 =	sadd.s32 @!p0 $0x100000, s0  }
0xd7: {  	[sflag:s0] =	ssyncadd.tile.s32 @!p0 $0x1;
	_ =	shalt  }
.Lfunc_end2:
_tile_overlayer_lowered:
.L_overlay_start_2:
0xd8: {  	(tag) =	ssettag $0x2  }
0xd9: {  	s0 =	rddreg [dreg:$0x0];
	s2 =	stileid.u32  }
0xda: {  	s1 =	rddreg [dreg:$0x1];
	p0 =	sne.s32 s2, $0x0  }
0xdb: {  	s3 =	rddreg [dreg:$0x2];
	[bflag:$0x3] =	sbarrier.arrive $0xFFFF;
	s2 =	simm.s32 @!p0 $0x1C07  }
0xdc: {  	[timem:s3], [sflag:s2] =	dma.local @!p0 [hbm:s0], s1  }
0xdd: {  	s0 =	simm.s32 @!p0 $0x7  }
0xde: {  	_ =	swait.ge @!p0 [sflag:s0], s1  }
0xdf: {  	s1 =	ssub.s32 @!p0 $0x0, s1;
	[sflag:s0] =	ssyncset.done @!p0 $0x0  }
0xe0: {  	[sflag:s0] =	ssyncadd.s32 @!p0 s1  }
0xe1: {  	[bflag:$0x3] =	sbarrier.arrive $0xFFFF  }
0xe2: {  	_ =	shalt  }

// kernel: kernel.9.cloned.1.call-start
scs
__scs_entry_jumppad:
0x0: {  	(pc) =	sbr.rel $0x88, $3  }
0x1: {  	(tag) =	ssettag $0x0;
	lr =	simm.s32 $0x1  }
0x2: {  	[smem:$0x3F98] =	sst lr;
	_ =	strace $0xD0000000  }
0x3: {  	_ = 	snop  }
0x4: {  	_ = 	snop  }
0x5: {  	_ = 	snop  }
0x6: {  	_ = 	snop  }
0x7: {  	_ = 	snop  }
__scs_overlays_trampoline_lowered:
0x8: {  	[smem:$0x3FA7] =	sst s0  }
0x9: {  	[smem:$0x3FA8] =	sst s1  }
0xa: {  	[smem:$0x3FA9] =	sst s2  }
0xb: {  	[smem:$0x3FAA] =	sst s3  }
0xc: {  	[smem:$0x3FAB] =	sst s4  }
0xd: {  	[smem:$0x3FAC] =	sst s5  }
0xe: {  	[smem:$0x3FAD] =	sst s6  }
0xf: {  	[smem:$0x3FAE] =	sst s7  }
0x10: {  	[smem:$0x3FAF] =	sst s8  }
0x11: {  	[smem:$0x3FB0] =	sst s9;
	s0 =	simm.s32 @!p0 $0x0  }
0x12: {  	s1 =	sld [smem:$0x3F96];
	s0 =	simm.s32 @p0 $0x1  }
0x13: {  	[smem:$0x3FB1] =	sst s0;
	s0 =	simm.s32 @!p1 $0x0  }
0x14: {  	s2 =	sld [smem:$0x3F95];
	s0 =	simm.s32 @p1 $0x1  }
0x15: {  	[smem:$0x3FB2] =	sst s0;
	s0 =	simm.s32 @!p2 $0x0  }
0x16: {  	s3 =	sld [smem:$0x3FDB];
	s0 =	simm.s32 @p2 $0x1  }
0x17: {  	s4 =	simm.s32 $0x1BF5;
	[smem:$0x3FB4] =	sst s0  }
0x18: {  	s0 =	sld [smem:$0x3F97];
	_ =	swait.ge [sflag:s4], $0x0  }
0x19: {  	s7 =	sld [smem:$0x3F98]  }
0x1a: {  	s8 =	sadd.s32 $0xFFFFE003, lr  }
0x1b: {  	s9 =	sadd.s32 $0xFFFFFEF7, lr;
	s5 =	simm.s32 $0xFFFFFFFF;
	p2 =	slt.u32 s8, $0xFFFFF086  }
0x1c: {  	p1 =	slt.u32 s9, $0xF7A;
	s5 =	simm.s32 @!p2 $0x0  }
0x1d: {  	s5 =	simm.s32 @p1 $0x1;
	p0 =	seq.s32 s7, s2  }
0x1e: {  	s7 =	smul.u32 @!p0 $0xF7A, s2;
	p2 =	seq.s32 @!p0 s5, $0x0  }
0x1f: {  	s9 =	smul.u32 $0xF7A, s1;
	s8 =	simm.s32 @!p0 $0x1BF5;
	p2 =	por !p2, p0  }
0x20: {  	[sflag:s8] =	ssyncset.s32 @!p0 $0xFFFFF086;
	s6 =	sadd.s32 @!p0 s3, s7;
	s7 =	simm.s32 @!p0 $0x108  }
0x21: {  	s3 =	sadd.s32 s3, s9;
	s6 =	sadd.s32 @!p0 $0x88, s6;
	s7 =	simm.s32 @p2 $0x1082  }
0x22: {  	[simem:s7], [sflag:s8] =	dma.local @!p0 [hbm:s6], $0xF7A  }
0x23: {  	s9 =	sor.u32 $0xD0000000, s2;
	s6 =	simm.s32 $0x108;
	_ =	swait.ge @!p0 [sflag:s8], $0x0  }
0x24: {  	s3 =	sadd.s32 $0x88, s3;
	s6 =	simm.s32 @!p1 $0x1082;
	[sflag:s4] =	ssyncset.s32 $0xFFFFF086  }
0x25: {  	[simem:s6], [sflag:s4] =	dma.local [hbm:s3], $0xF7A  }
0x26: {  	[smem:$0x3F98] =	sst s1;
	(tag) =	ssettag s2;
	_ =	strace s9  }
0x27: {  	s1 =	sld [smem:$0x3FA8]  }
0x28: {  	s2 =	sld [smem:$0x3FA9]  }
0x29: {  	s4 =	sld [smem:$0x3FAB]  }
0x2a: {  	p0 =	seq.s32 s5, $0x0;
	s5 =	sld [smem:$0x3FAC]  }
0x2b: {  	s6 =	sld [smem:$0x3FAD]  }
0x2c: {  	s7 =	sld [smem:$0x3FAE]  }
0x2d: {  	s3 =	simm.s32 $0x108;
	s8 =	sld [smem:$0x3FAF]  }
0x2e: {  	s3 =	simm.s32 @!p0 $0x1082;
	s9 =	sld [smem:$0x3FB0]  }
0x2f: {  	lr =	sadd.s32 s0, s3;
	s0 =	sld [smem:$0x3FA7]  }
0x30: {  	s3 =	sld [smem:$0x3FAA]  }
0x31: {  	[smem:$0x3FB3] =	sst s10  }
0x32: {  	s10 =	sld [smem:$0x3FB1];
	_ =	sdelay $0x3  }
0x33: {  	p0 =	seq.s32 s10, $0x1;
	s10 =	sld [smem:$0x3FB3];
	_ =	sdelay $0x3  }
0x34: {  	[smem:$0x3FB3] =	sst s10  }
0x35: {  	s10 =	sld [smem:$0x3FB2];
	_ =	sdelay $0x3  }
0x36: {  	p1 =	seq.s32 s10, $0x1;
	s10 =	sld [smem:$0x3FB3];
	_ =	sdelay $0x3  }
0x37: {  	[smem:$0x3FB3] =	sst s10  }
0x38: {  	s10 =	sld [smem:$0x3FB4]  }
0x39: {  	_ = 	snop;
	(pc) =	sbr.ind lr, $3  }
0x3a: {  	_ = 	snop  }
0x3b: {  	_ = 	snop  }
0x3c: {  	p2 =	seq.s32 s10, $0x1;
	s10 =	sld [smem:$0x3FB3]  }
0x3d: {  	_ =	shalt  }
0x3e: {  	_ =	shalt  }
0x3f: {  	_ =	shalt  }
0x40: {  	_ =	shalt  }
0x41: {  	_ =	shalt  }
0x42: {  	_ =	shalt  }
0x43: {  	_ =	shalt  }
0x44: {  	_ =	shalt  }
0x45: {  	_ =	shalt  }
0x46: {  	_ =	shalt  }
0x47: {  	_ =	shalt  }
0x48: {  	_ =	shalt  }
0x49: {  	_ =	shalt  }
0x4a: {  	_ =	shalt  }
0x4b: {  	_ =	shalt  }
0x4c: {  	_ =	shalt  }
0x4d: {  	_ =	shalt  }
0x4e: {  	_ =	shalt  }
0x4f: {  	_ =	shalt  }
0x50: {  	_ =	shalt  }
0x51: {  	_ =	shalt  }
0x52: {  	_ =	shalt  }
0x53: {  	_ =	shalt  }
0x54: {  	_ =	shalt  }
0x55: {  	_ =	shalt  }
0x56: {  	_ =	shalt  }
0x57: {  	_ =	shalt  }
0x58: {  	_ =	shalt  }
0x59: {  	_ =	shalt  }
0x5a: {  	_ =	shalt  }
0x5b: {  	_ =	shalt  }
0x5c: {  	_ =	shalt  }
0x5d: {  	_ =	shalt  }
0x5e: {  	_ =	shalt  }
0x5f: {  	_ =	shalt  }
0x60: {  	_ =	shalt  }
0x61: {  	_ =	shalt  }
0x62: {  	_ =	shalt  }
0x63: {  	_ =	shalt  }
0x64: {  	_ =	shalt  }
0x65: {  	_ =	shalt  }
0x66: {  	_ =	shalt  }
0x67: {  	_ =	shalt  }
0x68: {  	_ =	shalt  }
0x69: {  	_ =	shalt  }
0x6a: {  	_ =	shalt  }
0x6b: {  	_ =	shalt  }
0x6c: {  	_ =	shalt  }
0x6d: {  	_ =	shalt  }
0x6e: {  	_ =	shalt  }
0x6f: {  	_ =	shalt  }
0x70: {  	_ =	shalt  }
0x71: {  	_ =	shalt  }
0x72: {  	_ =	shalt  }
0x73: {  	_ =	shalt  }
0x74: {  	_ =	shalt  }
0x75: {  	_ =	shalt  }
0x76: {  	_ =	shalt  }
0x77: {  	_ =	shalt  }
0x78: {  	_ =	shalt  }
0x79: {  	_ =	shalt  }
0x7a: {  	_ =	shalt  }
0x7b: {  	_ =	shalt  }
0x7c: {  	_ =	shalt  }
0x7d: {  	_ =	shalt  }
0x7e: {  	_ =	shalt  }
0x7f: {  	_ =	shalt  }
0x80: {  	_ =	shalt  }
0x81: {  	_ =	shalt  }
0x82: {  	_ =	shalt  }
0x83: {  	_ =	shalt  }
0x84: {  	_ =	shalt  }
0x85: {  	_ =	shalt  }
0x86: {  	_ =	shalt  }
0x87: {  	_ =	shalt  }
.Lfunc_end0:
.L_simem_size_0:
called_computation.1_lowered:
.L_overlay_start_0:
0x88: {  	s2 =	sld [smem:$0x3FD9]  }
0x89: {  	s3 =	sld [smem:$0x3FFE];
	_ =	sdelay $0x1  }
0x8a: {  	s1 =	srdreg.scid  }
0x8b: {  	s0 =	sand.u32 $0x1, s1  }
0x8c: {  	s17 =	sshll.u32 s0, $0xA;
	s2 =	sadd.s32 s3, s2  }
0x8d: {  	s2 =	sadd.s32 s2, s17  }
0x8e: {  	[smem:$0x3FBF] =	sst s2  }
0x8f: {  	_ = 	snop  }
0x90: {  	s2 =	sld [smem:$0x3FD0];
	(tm) =	ssettm $0x1  }
0x91: {  	s18 =	sld [smem:$0x3FFB];
	_ =	sdelay $0x3  }
0x92: {  	_ =	strace s18  }
0x93: {  	s3 =	sld [smem:$0x3FFC];
	_ =	sdelay $0x3  }
0x94: {  	_ =	strace s3  }
0x95: {  	s3 =	sld [smem:$0x3FFD];
	_ =	sdelay $0x3  }
0x96: {  	_ =	strace s3  }
0x97: {  	_ =	strace $0x8FFFFFFF  }
0x98: {  	s19 =	sld [smem:$0x3FDB];
	_ =	sdelay $0x1  }
0x99: {  	s4 =	simm.s32 $_scs_section_size  }
0x9a: {  	s5 =	simm.s32 $_size__tile_overlayer_lowered;
	s6 =	simm.s32 $_tile_overlayer_lowered  }
0x9b: {  	s22 =	simm.s32 $0x1BFF;
	s21 =	sshll.u32 s6, $0x1;
	s3 =	sadd.s32 s4, s19  }
0x9c: {  	s7 =	simm.s32 $0x0;
	s20 =	sshll.u32 s5, $0x1;
	s5 =	sadd.s32 s21, s3  }
0x9d: {  	[timem:s7], [sflag:s22] =	dma.local [hbm:s5], s20  }
0x9e: {  	_ =	swait.ge [sflag:s22], s20  }
0x9f: {  	s4 =	ssub.s32 $0x0, s20;
	[sflag:s22] =	ssyncset.done $0x0  }
0xa0: {  	[sflag:s22] =	ssyncadd.s32 s4;
	_ =	sdelay $0x1  }
0xa1: {  	s23 =	simm.s32 $0x1B8B  }
0xa2: {  	_ =	swait.ge [sflag:s23], $0x1  }
0xa3: {  	[sflag:s23] =	ssyncset.done $0x0  }
0xa4: {  	s25 =	simm.s32 $0x1B8E;
	s24 =	sld [smem:$0x3FFE];
	[sflag:s23] =	ssyncadd.s32 $0xFFFFFFFF  }
0xa5: {  	s26 =	simm.s32 $execute0_lowered;
	[smem:$0x3FD2] =	sst s25  }
0xa6: {  	s5 =	sshll.u32 s26, $0x1;
	_ =	strace $0x80000049;
	[dreg:$0x1] =	wrdreg $0xFFFFFFFF  }
0xa7: {  	s28 =	simm.s32 $_size_execute0_lowered;
	s3 =	sadd.s32 s3, s5;
	[dreg:$0x0] =	wrdreg $0x0  }
0xa8: {  	s5 =	sshll.u32 s28, $0x1;
	[dreg:$0x2] =	wrdreg s3  }
0xa9: {  	[dreg:$0x3] =	wrdreg s5  }
0xaa: {  	[dreg:$0x4] =	wrdreg $0xC0  }
0xab: {  	_ =	task [dreg:s7], $0x5FFFF  }
0xac: {  	[dreg:$0x1] =	wrdreg $0xFFFFFFFF  }
0xad: {  	[dreg:$0x0] =	wrdreg $0x60  }
0xae: {  	[dreg:$0x2] =	wrdreg s2  }
0xaf: {  	[dreg:$0x3] =	wrdreg s24  }
0xb0: {  	[dreg:$0x4] =	wrdreg $0xC5000  }
0xb1: {  	[dreg:$0x5] =	wrdreg $0x9  }
0xb2: {  	_ =	task.clear_ibuf [dreg:s7], $0x6FFFF;
	_ =	strace $0x90000049  }
0xb3: {  	s29 =	simm.s32 $0x9;
	_ =	strace $0x8000004B  }
0xb4: {  	_ =	swait.ge [sflag:s29], $0x1  }
0xb5: {  	[sflag:s29] =	ssyncadd.s32 $0xFFFFFFFF  }
0xb6: {  	_ =	strace $0x9000004B  }
0xb7: {  	_ =	sfence  }
0xb8: {  	s30 =	sld [smem:$0x0];
	_ =	sdelay $0x2  }
0xb9: {  	s31 =	sshll.u32 s1, $0xD;
	s1 =	sshrl.u32 s1, $0x2  }
0xba: {  	s3 =	sand.u32 $0x4000, s31;
	s1 =	sadd.s32 s1, s30  }
0xbb: {  	s0 =	sor.u32 s3, s0;
	s1 =	sshll.u32 s1, $0x11  }
0xbc: {  	s0 =	sor.u32 s1, s0  }
0xbd: {  	s0 =	sadd.s32 $0x8F2B, s0  }
0xbe: {  	[sflag:s0] =	ssyncadd.remote.s32 $0x1  }
0xbf: {  	_ =	sfence.sel $0xFFFF  }
0xc0: {  	[dreg:$0x0] =	wrdreg $0xFFFFFFFF;
	(pc) =	sbr.abs _section_cstart, $3  }
0xc1: {  	[dreg:$0x1] =	wrdreg $0xFFFFFFFF  }
0xc2: {  	_ =	task.clear_ibuf [dreg:s7], $0x2FFFF;
	_ =	strace $0x9FFFFFFF  }
0xc3: {  	(tm) =	ssettm $0x7FFFFFFF  }
tec
execute0_lowered:
.L_overlay_start_1:
0x0: {  	(tag) =	ssettag $0x1  }
0x1: {  	s1 =	rddreg [dreg:$0x0]  }
0x2: {  	s0 =	rddreg [dreg:$0x1]  }
0x3: {  	s2 =	rddreg [dreg:$0x2]  }
0x4: {  	s3 =	srdreg.scid;
	s12 =	stileid.u32  }
0x5: {  	s5 =	simm.s32 $0x0;
	s3 =	sand.u32 $0x1, s3;
	s8 =	smul.u32 $0x4E000, s12  }
0x6: {  	[smem:$0x7FF] =	sst s5;
	s23 =	smul.u32 $0x13800, s12;
	s4 =	sshll.u32 s3, $0x4  }
0x7: {  	_ =	strace $0x8000004A;
	s9 =	ssub.s32 $0x2, s3;
	s3 =	smul.u32 $0x138800, s3  }
0x8: {  	s4 =	sor.u32 s12, s4;
	s10 =	sshrl.u32 s9, $0x1;
	s8 =	sshrl.u32 s8, $0x2  }
0x9: {  	s4 =	smul.u32 $0x2A00, s4;
	s9 =	ssub.s32 s9, s10;
	s14 =	sadd.s32 s8, s2  }
0xa: {  	s30 =	sadd.s32 s23, s3;
	s23 =	smax.u32 s9, $0x1;
	[dreg:$0x4] =	wrdreg s14  }
0xb: {  	s31 =	simm.s32 $0x4;
	s25 =	sor.u32 $0x180, s4;
	[dreg:$0x1c] =	wrdreg s23  }
0xc: {  	s28 =	simm.s32 $0x6;
	s26 =	sadd.s32 $0x200, s4;
	[dreg:$0xe] =	wrdreg s25  }
0xd: {  	s5 =	sadd.s32 $0x17600, s0;
	s13 =	sadd.s32 $0x300, s4;
	[dreg:$0xf] =	wrdreg s26  }
0xe: {  	s11 =	sshrl.u32 s4, $0x3;
	s15 =	sadd.s32 $0x380, s4;
	[dreg:$0x12] =	wrdreg s13  }
0xf: {  	s7 =	sadd.s32 $0x2600, s0;
	s16 =	sadd.s32 s5, s11;
	[dreg:$0x13] =	wrdreg s15  }
0x10: {  	s6 =	sadd.s32 $0xCE00, s0;
	s17 =	sadd.s32 s7, s11;
	[dreg:$0x5] =	wrdreg s16  }
0x11: {  	s29 =	simm.s32 $0x7;
	s18 =	sadd.s32 s6, s11;
	[dreg:$0x6] =	wrdreg s17  }
0x12: {  	s0 =	sadd.s32 $0x21E00, s0;
	s25 =	sadd.s32 $0x8000, s14;
	[dreg:$0x7] =	wrdreg s18  }
0x13: {  	s19 =	sor.u32 $0x10, s11;
	s26 =	sadd.s32 $0xC000, s14;
	[dreg:$0x1e] =	wrdreg s25  }
0x14: {  	p0 =	sne.s32 s12, $0xF;
	s20 =	sadd.s32 s5, s19;
	[dreg:$0x1f] =	wrdreg s26  }
0x15: {  	s12 =	simm.s32 $0x1;
	s21 =	sadd.s32 s7, s19;
	[dreg:$0x8] =	wrdreg s20  }
0x16: {  	s22 =	sor.u32 $0x20, s11;
	s8 =	sadd.s32 s6, s19;
	[dreg:$0x9] =	wrdreg s21  }
0x17: {  	s3 =	sshrl.u32 s3, $0x3;
	s11 =	sadd.s32 s5, s22;
	[dreg:$0xa] =	wrdreg s8  }
0x18: {  	s10 =	simm.s32 $0x480;
	s24 =	sadd.s32 s7, s22;
	[dreg:$0xb] =	wrdreg s11  }
0x19: {  	s9 =	simm.s32 $0x100;
	s16 =	sadd.s32 $0x400, s4;
	[dreg:$0xc] =	wrdreg s24  }
0x1a: {  	s23 =	simm.s32 $0x9;
	s17 =	sadd.s32 $0x480, s4;
	[dreg:$0x14] =	wrdreg s16  }
0x1b: {  	s13 =	simm.s32 $0x2;
	s18 =	sadd.s32 $0x500, s4;
	[dreg:$0x15] =	wrdreg s17  }
0x1c: {  	s15 =	simm.s32 $0x8;
	s19 =	sadd.s32 $0x580, s4;
	[dreg:$0x16] =	wrdreg s18  }
0x1d: {  	s25 =	simm.s32 $0xC;
	s8 =	sadd.s32 s6, s22;
	[dreg:$0x17] =	wrdreg s19  }
0x1e: {  	s26 =	simm.s32 $0xA;
	s11 =	sadd.s32 $0x280, s4;
	[dreg:$0xd] =	wrdreg s8  }
0x1f: {  	s20 =	sadd.s32 $0x600, s4;
	s21 =	sadd.s32 $0x680, s4;
	[dreg:$0x10] =	wrdreg s11  }
0x20: {  	s22 =	sadd.s32 $0x700, s4;
	s24 =	sadd.s32 $0x4000, s14;
	[dreg:$0x18] =	wrdreg s20  }
0x21: {  	s17 =	sadd.s32 $0x138000, s2;
	s18 =	simm.s32 $0xD;
	[dreg:$0x19] =	wrdreg s21  }
0x22: {  	s16 =	simm.s32 $0x380;
	s19 =	simm.s32 $0x3;
	[dreg:$0x1a] =	wrdreg s22  }
0x23: {  	s8 =	sshrl.u32 s30, $0x3;
	[dreg:$0x1d] =	wrdreg s24;
	s30 =	sadd.s32 $0x10000, s14  }
.Ltmp0:
0x24: {  	s21 =	simm.s32 $0x80;
	s20 =	simm.s32 $0x8500;
	(pc) =	sbr.rel .LBB2_1-.Ltmp0, $4  }
0x25: {  	s22 =	simm.s32 $0xB;
	s24 =	simm.s32 $0x5;
	[smem:$0x7FD] =	sst s17  }
0x26: {  	s8 =	sadd.s32 s0, s8;
	s0 =	sadd.s32 s0, s3;
	[smem:$0x7FC] =	sst s30  }
0x27: {  	s11 =	simm.s32 $0x0;
	[dreg:$0x11] =	wrdreg s8;
	s0 =	sadd.s32 $0x27000, s0  }
0x28: {  	v0 =	vimm.f32 $0.0e+00;
	s8 =	simm.s32 $0x4500;
	[dreg:$0x1b] =	wrdreg s0;
	s0 =	simm.s32 $0x400  }
.LBB2_30:
0x29: {  	_ =	swait.ge [sflag:s25], $0x4000  }
0x2a: {  	[sflag:s25] =	ssyncset.done $0x0  }
0x2b: {  	[sflag:s25] =	ssyncadd.s32 $0xFFFFC000  }
0x2c: {  	s3 =	stileid.u32;
	[bflag:$0x0] =	sbarrier.arrive $0xFFFF  }
0x2d: {  	s18 =	simm.s32 $0xD;
	s3 =	sshll.u32 s3, $0x6;
	s14 =	rddreg [dreg:$0x4]  }
0x2e: {  	s3 =	sor.u32 $0x1C0D, s3;
	s11 =	rddreg [dreg:$0x11];
	s4 =	sshrl.u32 s14, $0x3  }
0x2f: {  	[hbm:s11], [sflag:s3] =	dma.local [spmem:s4], $0x2700  }
0x30: {  	_ =	swait.ge [sflag:s18], $0x2700  }
0x31: {  	s17 =	sld [smem:$0x7FD];
	_ =	sdelay $0x1  }
0x32: {  	[sflag:s18] =	ssyncset.done $0x0  }
0x33: {  	s11 =	rddreg [dreg:$0x1b];
	[sflag:s18] =	ssyncadd.s32 $0xFFFFD900;
	s4 =	sshrl.u32 @!p0 s17, $0x3  }
0x34: {  	[hbm:s11], [sflag:s3] =	dma.local @!p0 [spmem:s4], $0x100  }
0x35: {  	s3 =	simm.s32 @!p0 $0xD  }
0x36: {  	_ =	swait.ge @!p0 [sflag:s3], $0x100  }
0x37: {  	s4 =	sld [smem:$0x7FB];
	_ =	sdelay $0x2  }
0x38: {  	s30 =	rddreg [dreg:$0x1c];
	s11 =	sadd.s32 $0x1, s4  }
0x39: {  	p1 =	sne.s32 s11, s30  }
.Ltmp1:
0x3a: {  	_ = 	snop;
	(pc) =	sbr.rel @!p1 .LBB2_31-.Ltmp1, $3  }
0x3b: {  	_ =	sdelay $0x1  }
0x3c: {  	[sflag:s3] =	ssyncset.done @!p0 $0x0  }
0x3d: {  	[sflag:s3] =	ssyncadd.s32 @!p0 $0xFFFFFF00  }
.LBB2_1:
0x3e: {  	[smem:$0x7FB] =	sst s11;
	s3 =	simm.s32 $0x0;
	s4 =	simm.s32 $0x200  }
.LBB2_2:
0x3f: {  	p1 =	sne.s32 s4, $0xFE00;
	[tilespmem:s3+$0x570] =	vst v0  }
0x40: {  	[tilespmem:s3+$0x500] =	vst v0  }
0x41: {  	[tilespmem:s3+$0x510] =	vst v0  }
.Ltmp2:
0x42: {  	[tilespmem:s3+$0x520] =	vst v0;
	(pc) =	sbr.rel @p1 .LBB2_2-.Ltmp2, $4  }
0x43: {  	[tilespmem:s3+$0x530] =	vst v0  }
0x44: {  	[tilespmem:s3+$0x540] =	vst v0  }
0x45: {  	[tilespmem:s3+$0x550] =	vst v0  }
0x46: {  	[tilespmem:s3+$0x560] =	vst v0;
	s3 =	sshra.s32 s4, $0x2;
	s4 =	sadd.s32 $0x200, s4  }
0x47: {  	[tilespmem:s3+$0x570] =	vst v0  }
0x48: {  	[tilespmem:s3+$0x500] =	vst v0  }
0x49: {  	[tilespmem:s3+$0x510] =	vst v0  }
0x4a: {  	[tilespmem:s3+$0x520] =	vst v0  }
0x4b: {  	[tilespmem:s3+$0x530] =	vst v0  }
0x4c: {  	[tilespmem:s3+$0x540] =	vst v0  }
0x4d: {  	[tilespmem:s3+$0x550] =	vst v0  }
0x4e: {  	[tilespmem:s3+$0x560] =	vst v0;
	s11 =	simm.s32 $0x500  }
0x4f: {  	[spmem:s14] =	stream.linear.scatter [tilespmem:s11], [sflag:$0xD], $0x4000, $0x38;
	[tilespmem:$0x1FD80] =	vst v63  }
0x50: {  	_ =	swait.ge [sflag:s18], $0x4000  }
0x51: {  	[sflag:s18] =	ssyncset.done $0x0  }
0x52: {  	s14 =	simm.s32 $0x500;
	s4 =	rddreg [dreg:$0x1d];
	[sflag:s18] =	ssyncadd.s32 $0xFFFFC000  }
0x53: {  	[spmem:s4] =	stream.linear.scatter [tilespmem:s14], [sflag:$0xD], $0x4000, $0x38;
	[tilespmem:$0x1FD80] =	vst v63  }
0x54: {  	_ =	swait.ge [sflag:s18], $0x4000  }
0x55: {  	[sflag:s18] =	ssyncset.done $0x0  }
0x56: {  	s11 =	rddreg [dreg:$0x1e];
	[sflag:s18] =	ssyncadd.s32 $0xFFFFC000  }
0x57: {  	[spmem:s11] =	stream.linear.scatter [tilespmem:s14], [sflag:$0xD], $0x4000, $0x38;
	[tilespmem:$0x1FD80] =	vst v63  }
0x58: {  	_ =	swait.ge [sflag:s18], $0x4000  }
0x59: {  	[sflag:s18] =	ssyncset.done $0x0  }
0x5a: {  	s4 =	rddreg [dreg:$0x1f];
	[sflag:s18] =	ssyncadd.s32 $0xFFFFC000  }
0x5b: {  	[spmem:s4] =	stream.linear.scatter [tilespmem:s14], [sflag:$0xD], $0x4000, $0x38;
	[tilespmem:$0x1FD80] =	vst v63  }
0x5c: {  	_ =	swait.ge [sflag:s18], $0x4000  }
0x5d: {  	s11 =	sld [smem:$0x7FC]  }
0x5e: {  	[sflag:s18] =	ssyncset.done $0x0  }
0x5f: {  	[sflag:s18] =	ssyncadd.s32 $0xFFFFC000  }
0x60: {  	[spmem:s11] =	stream.linear.scatter [tilespmem:s14], [sflag:$0xD], $0x3800, $0x38;
	[tilespmem:$0x1FD80] =	vst v63  }
0x61: {  	_ =	swait.ge [sflag:s18], $0x3800  }
0x62: {  	[sflag:s18] =	ssyncset.done $0x0  }
0x63: {  	s3 =	simm.s32 @!p0 $0x500;
	[sflag:s18] =	ssyncadd.s32 $0xFFFFC800  }
0x64: {  	[spmem:s17] =	stream.linear.scatter @!p0 [tilespmem:s3], [sflag:$0xD], $0x800, $0x38;
	[tilespmem:$0x1FD80] =	vst v63  }
0x65: {  	s3 =	simm.s32 @!p0 $0xD  }
0x66: {  	_ =	swait.ge @!p0 [sflag:s3], $0x800  }
0x67: {  	[sflag:s3] =	ssyncset.done @!p0 $0x0  }
0x68: {  	[sflag:s3] =	ssyncadd.s32 @!p0 $0xFFFFF800  }
0x69: {  	[bflag:$0x0] =	sbarrier.arrive $0xFFFF  }
0x6a: {  	s11 =	simm.s32 $0x0;
	s4 =	rddreg [dreg:$0x5]  }
0x6b: {  	[tilespmem:s11], [sflag:$0x1] =	stream.linear.gather [hbm4b:s4+s11], $0x80, $0x38;
	[tilespmem:$0x1FD80] =	vst v63  }
0x6c: {  	s17 =	rddreg [dreg:$0x6]  }
0x6d: {  	[tilespmem:s16], [sflag:$0x1] =	stream.linear.gather [hbm4b:s17+s11], $0x80, $0x38;
	[tilespmem:$0x1FD80] =	vst v63  }
0x6e: {  	s18 =	rddreg [dreg:$0x7];
	s4 =	simm.s32 $0x180  }
0x6f: {  	[tilespmem:s4], [sflag:$0x4] =	stream.linear.gather [hbm4b:s18+s11], $0x80, $0x38;
	[tilespmem:$0x1FD80] =	vst v63  }
0x70: {  	s17 =	rddreg [dreg:$0x8]  }
0x71: {  	[tilespmem:s21], [sflag:$0x2] =	stream.linear.gather [hbm4b:s17+s11], $0x80, $0x38;
	[tilespmem:$0x1FD80] =	vst v63  }
0x72: {  	s18 =	rddreg [dreg:$0x9]  }
0x73: {  	[tilespmem:s0], [sflag:$0x2] =	stream.linear.gather [hbm4b:s18+s11], $0x80, $0x38;
	[tilespmem:$0x1FD80] =	vst v63  }
0x74: {  	s4 =	rddreg [dreg:$0xa];
	s17 =	simm.s32 $0x200  }
0x75: {  	[tilespmem:s17], [sflag:$0x5] =	stream.linear.gather [hbm4b:s4+s11], $0x80, $0x38;
	[tilespmem:$0x1FD80] =	vst v63  }
0x76: {  	s18 =	rddreg [dreg:$0xb]  }
0x77: {  	[tilespmem:s9], [sflag:$0x3] =	stream.linear.gather [hbm4b:s18+s11], $0x80, $0x38;
	[tilespmem:$0x1FD80] =	vst v63  }
0x78: {  	s4 =	rddreg [dreg:$0xc]  }
0x79: {  	[tilespmem:s10], [sflag:$0x3] =	stream.linear.gather [hbm4b:s4+s11], $0x80, $0x38;
	[tilespmem:$0x1FD80] =	vst v63  }
0x7a: {  	s17 =	rddreg [dreg:$0xd];
	s18 =	simm.s32 $0x280  }
0x7b: {  	[tilespmem:s18], [sflag:$0x6] =	stream.linear.gather [hbm4b:s17+s11], $0x80, $0x38;
	[tilespmem:$0x1FD80] =	vst v63  }
0x7c: {  	_ =	swait.ge [sflag:s12], $0x80  }
0x7d: {  	[sflag:s12] =	ssyncset.done $0x0  }
0x7e: {  	[sflag:s12] =	ssyncadd.s32 $0xFFFFFF80  }
0x7f: {  	_ =	swait.ge [sflag:s12], $0x80  }
0x80: {  	[sflag:s12] =	ssyncset.done $0x0  }
0x81: {  	[sflag:s12] =	ssyncadd.s32 $0xFFFFFF80  }
0x82: {  	[tilespmem:s14], [sflag:$0x8] =	stream.indirect.gather [hbm4b:s1+s21], $0x80, s11, s21, $0xb8;
	[tilespmem:$0x1FD80] =	vst v63  }
0x83: {  	_ =	swait.ge [sflag:s13], $0x80  }
0x84: {  	[sflag:s13] =	ssyncset.done $0x0  }
0x85: {  	[sflag:s13] =	ssyncadd.s32 $0xFFFFFF80  }
0x86: {  	_ =	swait.ge [sflag:s13], $0x80  }
0x87: {  	[sflag:s13] =	ssyncset.done $0x0  }
0x88: {  	s30 =	simm.s32 $0x0;
	[sflag:s13] =	ssyncadd.s32 $0xFFFFFF80  }
0x89: {  	[tilespmem:s8], [sflag:$0x9] =	stream.indirect.gather [hbm4b:s1+s21], $0x80, s21, s21, $0xb8;
	[tilespmem:$0x1FD80] =	vst v63  }
.LBB2_4:
0x8a: {  	p1 =	seq.s32 s30, $0x0  }
0x8b: {  	s3 =	simm.s32 @!p1 $0xC  }
0x8c: {  	_ =	swait.ge @!p1 [sflag:s3], $0x4000  }
0x8d: {  	[sflag:s3] =	ssyncset.done @!p1 $0x0  }
0x8e: {  	[sflag:s3] =	ssyncadd.s32 @!p1 $0xFFFFC000  }
0x8f: {  	s18 =	simm.s32 $0x0;
	_ =	swait.ge [sflag:s15], $0x4000  }
0x90: {  	v1 =	vmov s18;
	[sflag:s15] =	ssyncset.done $0x0  }
0x91: {  	s4 =	simm.s32 $0x540;
	[sflag:s15] =	ssyncadd.s32 $0xFFFFC000  }
0x92: {  	v5 =	vld [tilespmem:s4+$0x30]  }
0x93: {  	v8 =	vld [tilespmem:s4+$0x10]  }
0x94: {  	v6 =	vld [tilespmem:s4+$0xFFFFFFC0]  }
0x95: {  	v2 =	vld.idx.msk [tilespmem:v1+s16+$0x0], $0xffff  }
0x96: {  	v10 =	vld [tilespmem:s4+$0xFFFFFFE0]  }
0x97: {  	v1 =	vld [tilespmem:s4+$0xFFFFFFF0]  }
0x98: {  	v3 =	vld [tilespmem:s4+$0x20]  }
0x99: {  	v4 =	vld [tilespmem:s4+$0xFFFFFFD0]  }
0x9a: {  	v9 =	vmul.f32 v5, v2;
	v5 =	vld [tilespmem:s4+$0x0]  }
0x9b: {  	v7 =	vmul.f32 v6, v2  }
0x9c: {  	s17 =	simm.s32 $0x1;
	s3 =	simm.s32 $0x540;
	v6 =	vmul.f32 v10, v2;
	v8 =	vmul.f32 v8, v2  }
.LBB2_5:
0x9d: {  	p1 =	sne.s32 s17, $0x7F  }
0x9e: {  	v4 =	vmul.f32 v4, v2;
	v3 =	vmul.f32 v3, v2;
	[tilespmem:s4+$0x30] =	vst v9;
	s3 =	sadd.s32 $0x80, s3;
	s11 =	smov.u32 s17;
	s17 =	sadd.s32 $0x1, s17  }
0x9f: {  	[tilespmem:s4+$0xFFFFFFC0] =	vst v7;
	v7 =	vmul.f32 v1, v2;
	v2 =	vmul.f32 v5, v2  }
0xa0: {  	[tilespmem:s4+$0x10] =	vst v8  }
0xa1: {  	v5 =	vmov s11;
	[tilespmem:s4+$0xFFFFFFE0] =	vst v6  }
0xa2: {  	v1 =	vld [tilespmem:s3+$0xFFFFFFF0];
	[tilespmem:s4+$0xFFFFFFF0] =	vst v7  }
0xa3: {  	v6 =	vld [tilespmem:s3+$0x30];
	[tilespmem:s4+$0x0] =	vst v2  }
0xa4: {  	v8 =	vld [tilespmem:s3+$0x10];
	[tilespmem:s4+$0x20] =	vst v3  }
0xa5: {  	v7 =	vld [tilespmem:s3+$0xFFFFFFC0];
	[tilespmem:s4+$0xFFFFFFD0] =	vst v4;
	s4 =	smov.u32 s3  }
0xa6: {  	v2 =	vld.idx.msk [tilespmem:v5+s16+$0x0], $0xffff  }
0xa7: {  	v10 =	vld [tilespmem:s3+$0xFFFFFFE0]  }
0xa8: {  	v3 =	vld [tilespmem:s3+$0x20]  }
.Ltmp3:
0xa9: {  	v4 =	vld [tilespmem:s3+$0xFFFFFFD0];
	(pc) =	sbr.rel @p1 .LBB2_5-.Ltmp3, $3  }
0xaa: {  	v5 =	vld [tilespmem:s3+$0x0];
	_ =	sdelay $0x1  }
0xab: {  	v7 =	vmul.f32 v7, v2;
	v9 =	vmul.f32 v6, v2  }
0xac: {  	v8 =	vmul.f32 v8, v2;
	v6 =	vmul.f32 v10, v2  }
0xad: {  	[tilespmem:s4+$0x30] =	vst v9  }
0xae: {  	[tilespmem:s4+$0xFFFFFFC0] =	vst v7  }
0xaf: {  	v1 =	vmul.f32 v1, v2;
	[tilespmem:s4+$0x10] =	vst v8  }
0xb0: {  	v3 =	vmul.f32 v3, v2;
	[tilespmem:s4+$0xFFFFFFE0] =	vst v6  }
0xb1: {  	v5 =	vmul.f32 v5, v2;
	[tilespmem:s4+$0xFFFFFFF0] =	vst v1  }
0xb2: {  	v1 =	vmul.f32 v4, v2;
	[tilespmem:s4+$0x20] =	vst v3  }
0xb3: {  	[tilespmem:s4+$0x0] =	vst v5  }
0xb4: {  	[tilespmem:s4+$0xFFFFFFD0] =	vst v1  }
0xb5: {  	_ =	swait.ge [sflag:s31], $0x80  }
0xb6: {  	s3 =	simm.s32 $0x180;
	[sflag:s31] =	ssyncset.done $0x0  }
0xb7: {  	s4 =	smul.u32 $0x600, s30;
	s17 =	rddreg [dreg:$0xe];
	[sflag:s31] =	ssyncadd.s32 $0xFFFFFF80  }
0xb8: {  	[spmem:s2] =	stream.indirect.scatter.add.f32 [tilespmem:s14], [sflag:$0xB], $0x80, s3, s21, $0xb8;
	[tilespmem:$0x1FD80] =	vst v63  }
0xb9: {  	s3 =	sadd.s32 s4, s17  }
0xba: {  	s3 =	sshrl.u32 s3, $0x3  }
0xbb: {  	s17 =	simm.s32 $0x0;
	s11 =	sadd.s32 s5, s3  }
0xbc: {  	[tilespmem:s17], [sflag:$0x1] =	stream.linear.gather [hbm4b:s11+s17], $0x80, $0x38;
	[tilespmem:$0x1FD80] =	vst v63  }
0xbd: {  	s18 =	sadd.s32 s7, s3  }
0xbe: {  	[tilespmem:s16], [sflag:$0x1] =	stream.linear.gather [hbm4b:s18+s17], $0x80, $0x38;
	[tilespmem:$0x1FD80] =	vst v63  }
0xbf: {  	s3 =	sadd.s32 s6, s3;
	s18 =	simm.s32 $0x300  }
0xc0: {  	[tilespmem:s18], [sflag:$0x7] =	stream.linear.gather [hbm4b:s3+s17], $0x80, $0x38;
	[tilespmem:$0x1FD80] =	vst v63  }
0xc1: {  	_ =	swait.ge [sflag:s19], $0x80  }
0xc2: {  	[sflag:s19] =	ssyncset.done $0x0  }
0xc3: {  	[sflag:s19] =	ssyncadd.s32 $0xFFFFFF80  }
0xc4: {  	_ =	swait.ge [sflag:s19], $0x80  }
0xc5: {  	[sflag:s19] =	ssyncset.done $0x0  }
0xc6: {  	[sflag:s19] =	ssyncadd.s32 $0xFFFFFF80  }
0xc7: {  	[tilespmem:s20], [sflag:$0xA] =	stream.indirect.gather [hbm4b:s1+s21], $0x80, s9, s21, $0xb8;
	[tilespmem:$0x1FD80] =	vst v63  }
0xc8: {  	_ =	swait.ge [sflag:s22], $0x4000  }
0xc9: {  	[sflag:s22] =	ssyncset.done $0x0  }
0xca: {  	[sflag:s22] =	ssyncadd.s32 $0xFFFFC000  }
0xcb: {  	_ =	swait.ge [sflag:s23], $0x4000  }
0xcc: {  	v1 =	vmov s17;
	[sflag:s23] =	ssyncset.done $0x0  }
0xcd: {  	s17 =	simm.s32 $0x4540;
	[sflag:s23] =	ssyncadd.s32 $0xFFFFC000  }
0xce: {  	v5 =	vld [tilespmem:s17+$0x30]  }
0xcf: {  	v8 =	vld [tilespmem:s17+$0x10]  }
0xd0: {  	v6 =	vld [tilespmem:s17+$0xFFFFFFC0]  }
0xd1: {  	v2 =	vld.idx.msk [tilespmem:v1+s0+$0x0], $0xffff  }
0xd2: {  	v10 =	vld [tilespmem:s17+$0xFFFFFFE0]  }
0xd3: {  	v1 =	vld [tilespmem:s17+$0xFFFFFFF0]  }
0xd4: {  	v3 =	vld [tilespmem:s17+$0x20]  }
0xd5: {  	v4 =	vld [tilespmem:s17+$0xFFFFFFD0]  }
0xd6: {  	v9 =	vmul.f32 v5, v2;
	v5 =	vld [tilespmem:s17+$0x0]  }
0xd7: {  	v7 =	vmul.f32 v6, v2  }
0xd8: {  	s11 =	simm.s32 $0x4540;
	s3 =	simm.s32 $0x1;
	v6 =	vmul.f32 v10, v2;
	v8 =	vmul.f32 v8, v2  }
.LBB2_7:
0xd9: {  	p1 =	sne.s32 s3, $0x7F  }
0xda: {  	v4 =	vmul.f32 v4, v2;
	v3 =	vmul.f32 v3, v2;
	[tilespmem:s17+$0x30] =	vst v9;
	s11 =	sadd.s32 $0x80, s11;
	s18 =	smov.u32 s3;
	s3 =	sadd.s32 $0x1, s3  }
0xdb: {  	[tilespmem:s17+$0xFFFFFFC0] =	vst v7;
	v7 =	vmul.f32 v1, v2;
	v2 =	vmul.f32 v5, v2  }
0xdc: {  	[tilespmem:s17+$0x10] =	vst v8  }
0xdd: {  	v5 =	vmov s18;
	[tilespmem:s17+$0xFFFFFFE0] =	vst v6  }
0xde: {  	v1 =	vld [tilespmem:s11+$0xFFFFFFF0];
	[tilespmem:s17+$0xFFFFFFF0] =	vst v7  }
0xdf: {  	v6 =	vld [tilespmem:s11+$0x30];
	[tilespmem:s17+$0x0] =	vst v2  }
0xe0: {  	v8 =	vld [tilespmem:s11+$0x10];
	[tilespmem:s17+$0x20] =	vst v3  }
0xe1: {  	v7 =	vld [tilespmem:s11+$0xFFFFFFC0];
	[tilespmem:s17+$0xFFFFFFD0] =	vst v4;
	s17 =	smov.u32 s11  }
0xe2: {  	v2 =	vld.idx.msk [tilespmem:v5+s0+$0x0], $0xffff  }
0xe3: {  	v10 =	vld [tilespmem:s11+$0xFFFFFFE0]  }
0xe4: {  	v3 =	vld [tilespmem:s11+$0x20]  }
.Ltmp4:
0xe5: {  	v4 =	vld [tilespmem:s11+$0xFFFFFFD0];
	(pc) =	sbr.rel @p1 .LBB2_7-.Ltmp4, $3  }
0xe6: {  	v5 =	vld [tilespmem:s11+$0x0];
	_ =	sdelay $0x1  }
0xe7: {  	v7 =	vmul.f32 v7, v2;
	v9 =	vmul.f32 v6, v2  }
0xe8: {  	v8 =	vmul.f32 v8, v2;
	v6 =	vmul.f32 v10, v2  }
0xe9: {  	[tilespmem:s17+$0x30] =	vst v9  }
0xea: {  	[tilespmem:s17+$0xFFFFFFC0] =	vst v7  }
0xeb: {  	v1 =	vmul.f32 v1, v2;
	[tilespmem:s17+$0x10] =	vst v8  }
0xec: {  	v3 =	vmul.f32 v3, v2;
	[tilespmem:s17+$0xFFFFFFE0] =	vst v6  }
0xed: {  	v5 =	vmul.f32 v5, v2;
	[tilespmem:s17+$0xFFFFFFF0] =	vst v1  }
0xee: {  	v1 =	vmul.f32 v4, v2;
	[tilespmem:s17+$0x20] =	vst v3  }
0xef: {  	[tilespmem:s17+$0x0] =	vst v5  }
0xf0: {  	[tilespmem:s17+$0xFFFFFFD0] =	vst v1  }
0xf1: {  	_ =	swait.ge [sflag:s24], $0x80  }
0xf2: {  	[sflag:s24] =	ssyncset.done $0x0  }
0xf3: {  	s3 =	simm.s32 $0x200;
	s17 =	rddreg [dreg:$0xf];
	[sflag:s24] =	ssyncadd.s32 $0xFFFFFF80  }
0xf4: {  	[spmem:s2] =	stream.indirect.scatter.add.f32 [tilespmem:s8], [sflag:$0xC], $0x80, s3, s21, $0xb8;
	[tilespmem:$0x1FD80] =	vst v63  }
0xf5: {  	s3 =	sadd.s32 s4, s17  }
0xf6: {  	s3 =	sshrl.u32 s3, $0x3  }
0xf7: {  	s17 =	simm.s32 $0x0;
	s11 =	sadd.s32 s5, s3  }
0xf8: {  	[tilespmem:s21], [sflag:$0x2] =	stream.linear.gather [hbm4b:s11+s17], $0x80, $0x38;
	[tilespmem:$0x1FD80] =	vst v63  }
0xf9: {  	s18 =	sadd.s32 s7, s3  }
0xfa: {  	[tilespmem:s0], [sflag:$0x2] =	stream.linear.gather [hbm4b:s18+s17], $0x80, $0x38;
	[tilespmem:$0x1FD80] =	vst v63  }
0xfb: {  	s3 =	sadd.s32 s6, s3;
	s18 =	simm.s32 $0x180  }
0xfc: {  	[tilespmem:s18], [sflag:$0x4] =	stream.linear.gather [hbm4b:s3+s17], $0x80, $0x38;
	[tilespmem:$0x1FD80] =	vst v63  }
0xfd: {  	_ =	swait.ge [sflag:s12], $0x80  }
0xfe: {  	[sflag:s12] =	ssyncset.done $0x0  }
0xff: {  	[sflag:s12] =	ssyncadd.s32 $0xFFFFFF80  }
0x100: {  	_ =	swait.ge [sflag:s12], $0x80  }
0x101: {  	[sflag:s12] =	ssyncset.done $0x0  }
0x102: {  	[sflag:s12] =	ssyncadd.s32 $0xFFFFFF80  }
0x103: {  	[tilespmem:s14], [sflag:$0x8] =	stream.indirect.gather [hbm4b:s1+s21], $0x80, s17, s21, $0xb8;
	[tilespmem:$0x1FD80] =	vst v63  }
0x104: {  	_ =	swait.ge [sflag:s25], $0x4000  }
0x105: {  	[sflag:s25] =	ssyncset.done $0x0  }
0x106: {  	[sflag:s25] =	ssyncadd.s32 $0xFFFFC000  }
0x107: {  	_ =	swait.ge [sflag:s26], $0x4000  }
0x108: {  	v1 =	vmov s17;
	[sflag:s26] =	ssyncset.done $0x0  }
0x109: {  	s17 =	simm.s32 $0x8540;
	[sflag:s26] =	ssyncadd.s32 $0xFFFFC000  }
0x10a: {  	v5 =	vld [tilespmem:s17+$0x30]  }
0x10b: {  	v8 =	vld [tilespmem:s17+$0x10]  }
0x10c: {  	v6 =	vld [tilespmem:s17+$0xFFFFFFC0]  }
0x10d: {  	v2 =	vld.idx.msk [tilespmem:v1+s10+$0x0], $0xffff  }
0x10e: {  	v10 =	vld [tilespmem:s17+$0xFFFFFFE0]  }
0x10f: {  	v1 =	vld [tilespmem:s17+$0xFFFFFFF0]  }
0x110: {  	v3 =	vld [tilespmem:s17+$0x20]  }
0x111: {  	v4 =	vld [tilespmem:s17+$0xFFFFFFD0]  }
0x112: {  	v9 =	vmul.f32 v5, v2;
	v5 =	vld [tilespmem:s17+$0x0]  }
0x113: {  	v7 =	vmul.f32 v6, v2  }
0x114: {  	s11 =	simm.s32 $0x8540;
	s3 =	simm.s32 $0x1;
	v6 =	vmul.f32 v10, v2;
	v8 =	vmul.f32 v8, v2  }
.LBB2_9:
0x115: {  	p1 =	sne.s32 s3, $0x7F  }
0x116: {  	v4 =	vmul.f32 v4, v2;
	v3 =	vmul.f32 v3, v2;
	[tilespmem:s17+$0x30] =	vst v9;
	s11 =	sadd.s32 $0x80, s11;
	s18 =	smov.u32 s3;
	s3 =	sadd.s32 $0x1, s3  }
0x117: {  	[tilespmem:s17+$0xFFFFFFC0] =	vst v7;
	v7 =	vmul.f32 v1, v2;
	v2 =	vmul.f32 v5, v2  }
0x118: {  	[tilespmem:s17+$0x10] =	vst v8  }
0x119: {  	v5 =	vmov s18;
	[tilespmem:s17+$0xFFFFFFE0] =	vst v6  }
0x11a: {  	v1 =	vld [tilespmem:s11+$0xFFFFFFF0];
	[tilespmem:s17+$0xFFFFFFF0] =	vst v7  }
0x11b: {  	v6 =	vld [tilespmem:s11+$0x30];
	[tilespmem:s17+$0x0] =	vst v2  }
0x11c: {  	v8 =	vld [tilespmem:s11+$0x10];
	[tilespmem:s17+$0x20] =	vst v3  }
0x11d: {  	v7 =	vld [tilespmem:s11+$0xFFFFFFC0];
	[tilespmem:s17+$0xFFFFFFD0] =	vst v4;
	s17 =	smov.u32 s11  }
0x11e: {  	v2 =	vld.idx.msk [tilespmem:v5+s10+$0x0], $0xffff  }
0x11f: {  	v10 =	vld [tilespmem:s11+$0xFFFFFFE0]  }
0x120: {  	v3 =	vld [tilespmem:s11+$0x20]  }
.Ltmp5:
0x121: {  	v4 =	vld [tilespmem:s11+$0xFFFFFFD0];
	(pc) =	sbr.rel @p1 .LBB2_9-.Ltmp5, $3  }
0x122: {  	v5 =	vld [tilespmem:s11+$0x0];
	_ =	sdelay $0x1  }
0x123: {  	v7 =	vmul.f32 v7, v2;
	v9 =	vmul.f32 v6, v2  }
0x124: {  	v8 =	vmul.f32 v8, v2;
	v6 =	vmul.f32 v10, v2  }
0x125: {  	[tilespmem:s17+$0x30] =	vst v9  }
0x126: {  	[tilespmem:s17+$0xFFFFFFC0] =	vst v7  }
0x127: {  	v1 =	vmul.f32 v1, v2;
	[tilespmem:s17+$0x10] =	vst v8  }
0x128: {  	v3 =	vmul.f32 v3, v2;
	[tilespmem:s17+$0xFFFFFFE0] =	vst v6  }
0x129: {  	v5 =	vmul.f32 v5, v2;
	[tilespmem:s17+$0xFFFFFFF0] =	vst v1  }
0x12a: {  	v1 =	vmul.f32 v4, v2;
	[tilespmem:s17+$0x20] =	vst v3  }
0x12b: {  	[tilespmem:s17+$0x0] =	vst v5  }
0x12c: {  	[tilespmem:s17+$0xFFFFFFD0] =	vst v1  }
0x12d: {  	_ =	swait.ge [sflag:s28], $0x80  }
0x12e: {  	[sflag:s28] =	ssyncset.done $0x0  }
0x12f: {  	s3 =	simm.s32 $0x280;
	s17 =	rddreg [dreg:$0x10];
	[sflag:s28] =	ssyncadd.s32 $0xFFFFFF80  }
0x130: {  	[spmem:s2] =	stream.indirect.scatter.add.f32 [tilespmem:s20], [sflag:$0xB], $0x80, s3, s21, $0xb8;
	[tilespmem:$0x1FD80] =	vst v63  }
0x131: {  	s3 =	sadd.s32 s4, s17  }
0x132: {  	s3 =	sshrl.u32 s3, $0x3  }
0x133: {  	s17 =	simm.s32 $0x0;
	s11 =	sadd.s32 s5, s3  }
0x134: {  	[tilespmem:s9], [sflag:$0x3] =	stream.linear.gather [hbm4b:s11+s17], $0x80, $0x38;
	[tilespmem:$0x1FD80] =	vst v63  }
0x135: {  	s18 =	sadd.s32 s7, s3  }
0x136: {  	[tilespmem:s10], [sflag:$0x3] =	stream.linear.gather [hbm4b:s18+s17], $0x80, $0x38;
	[tilespmem:$0x1FD80] =	vst v63  }
0x137: {  	s3 =	sadd.s32 s6, s3;
	s18 =	simm.s32 $0x200  }
0x138: {  	[tilespmem:s18], [sflag:$0x5] =	stream.linear.gather [hbm4b:s3+s17], $0x80, $0x38;
	[tilespmem:$0x1FD80] =	vst v63  }
0x139: {  	_ =	swait.ge [sflag:s13], $0x80  }
0x13a: {  	[sflag:s13] =	ssyncset.done $0x0  }
0x13b: {  	[sflag:s13] =	ssyncadd.s32 $0xFFFFFF80  }
0x13c: {  	_ =	swait.ge [sflag:s13], $0x80  }
0x13d: {  	[sflag:s13] =	ssyncset.done $0x0  }
0x13e: {  	[sflag:s13] =	ssyncadd.s32 $0xFFFFFF80  }
0x13f: {  	[tilespmem:s8], [sflag:$0x9] =	stream.indirect.gather [hbm4b:s1+s21], $0x80, s21, s21, $0xb8;
	[tilespmem:$0x1FD80] =	vst v63  }
0x140: {  	_ =	swait.ge [sflag:s22], $0x4000  }
0x141: {  	[sflag:s22] =	ssyncset.done $0x0  }
0x142: {  	[sflag:s22] =	ssyncadd.s32 $0xFFFFC000  }
0x143: {  	_ =	swait.ge [sflag:s15], $0x4000  }
0x144: {  	v1 =	vmov s17;
	[sflag:s15] =	ssyncset.done $0x0  }
0x145: {  	s17 =	simm.s32 $0x540;
	[sflag:s15] =	ssyncadd.s32 $0xFFFFC000  }
0x146: {  	v5 =	vld [tilespmem:s17+$0x30]  }
0x147: {  	v8 =	vld [tilespmem:s17+$0x10]  }
0x148: {  	v6 =	vld [tilespmem:s17+$0xFFFFFFC0]  }
0x149: {  	v2 =	vld.idx.msk [tilespmem:v1+s16+$0x0], $0xffff  }
0x14a: {  	v10 =	vld [tilespmem:s17+$0xFFFFFFE0]  }
0x14b: {  	v1 =	vld [tilespmem:s17+$0xFFFFFFF0]  }
0x14c: {  	v3 =	vld [tilespmem:s17+$0x20]  }
0x14d: {  	v4 =	vld [tilespmem:s17+$0xFFFFFFD0]  }
0x14e: {  	v9 =	vmul.f32 v5, v2;
	v5 =	vld [tilespmem:s17+$0x0]  }
0x14f: {  	v7 =	vmul.f32 v6, v2  }
0x150: {  	s11 =	simm.s32 $0x540;
	s3 =	simm.s32 $0x1;
	v6 =	vmul.f32 v10, v2;
	v8 =	vmul.f32 v8, v2  }
.LBB2_11:
0x151: {  	p1 =	sne.s32 s3, $0x7F  }
0x152: {  	v4 =	vmul.f32 v4, v2;
	v3 =	vmul.f32 v3, v2;
	[tilespmem:s17+$0x30] =	vst v9;
	s11 =	sadd.s32 $0x80, s11;
	s18 =	smov.u32 s3;
	s3 =	sadd.s32 $0x1, s3  }
0x153: {  	[tilespmem:s17+$0xFFFFFFC0] =	vst v7;
	v7 =	vmul.f32 v1, v2;
	v2 =	vmul.f32 v5, v2  }
0x154: {  	[tilespmem:s17+$0x10] =	vst v8  }
0x155: {  	v5 =	vmov s18;
	[tilespmem:s17+$0xFFFFFFE0] =	vst v6  }
0x156: {  	v1 =	vld [tilespmem:s11+$0xFFFFFFF0];
	[tilespmem:s17+$0xFFFFFFF0] =	vst v7  }
0x157: {  	v6 =	vld [tilespmem:s11+$0x30];
	[tilespmem:s17+$0x0] =	vst v2  }
0x158: {  	v8 =	vld [tilespmem:s11+$0x10];
	[tilespmem:s17+$0x20] =	vst v3  }
0x159: {  	v7 =	vld [tilespmem:s11+$0xFFFFFFC0];
	[tilespmem:s17+$0xFFFFFFD0] =	vst v4;
	s17 =	smov.u32 s11  }
0x15a: {  	v2 =	vld.idx.msk [tilespmem:v5+s16+$0x0], $0xffff  }
0x15b: {  	v10 =	vld [tilespmem:s11+$0xFFFFFFE0]  }
0x15c: {  	v3 =	vld [tilespmem:s11+$0x20]  }
.Ltmp6:
0x15d: {  	v4 =	vld [tilespmem:s11+$0xFFFFFFD0];
	(pc) =	sbr.rel @p1 .LBB2_11-.Ltmp6, $3  }
0x15e: {  	v5 =	vld [tilespmem:s11+$0x0];
	_ =	sdelay $0x1  }
0x15f: {  	v7 =	vmul.f32 v7, v2;
	v9 =	vmul.f32 v6, v2  }
0x160: {  	v8 =	vmul.f32 v8, v2;
	v6 =	vmul.f32 v10, v2  }
0x161: {  	[tilespmem:s17+$0x30] =	vst v9  }
0x162: {  	[tilespmem:s17+$0xFFFFFFC0] =	vst v7  }
0x163: {  	v1 =	vmul.f32 v1, v2;
	[tilespmem:s17+$0x10] =	vst v8  }
0x164: {  	v3 =	vmul.f32 v3, v2;
	[tilespmem:s17+$0xFFFFFFE0] =	vst v6  }
0x165: {  	v5 =	vmul.f32 v5, v2;
	[tilespmem:s17+$0xFFFFFFF0] =	vst v1  }
0x166: {  	v1 =	vmul.f32 v4, v2;
	[tilespmem:s17+$0x20] =	vst v3  }
0x167: {  	[tilespmem:s17+$0x0] =	vst v5  }
0x168: {  	[tilespmem:s17+$0xFFFFFFD0] =	vst v1  }
0x169: {  	_ =	swait.ge [sflag:s29], $0x80  }
0x16a: {  	[sflag:s29] =	ssyncset.done $0x0  }
0x16b: {  	s3 =	simm.s32 $0x300;
	s17 =	rddreg [dreg:$0x12];
	[sflag:s29] =	ssyncadd.s32 $0xFFFFFF80  }
0x16c: {  	[spmem:s2] =	stream.indirect.scatter.add.f32 [tilespmem:s14], [sflag:$0xC], $0x80, s3, s21, $0xb8;
	[tilespmem:$0x1FD80] =	vst v63  }
0x16d: {  	s3 =	sadd.s32 s4, s17  }
0x16e: {  	s3 =	sshrl.u32 s3, $0x3  }
0x16f: {  	s17 =	simm.s32 $0x0;
	s11 =	sadd.s32 s5, s3  }
0x170: {  	[tilespmem:s17], [sflag:$0x1] =	stream.linear.gather [hbm4b:s11+s17], $0x80, $0x38;
	[tilespmem:$0x1FD80] =	vst v63  }
0x171: {  	s18 =	sadd.s32 s7, s3  }
0x172: {  	[tilespmem:s16], [sflag:$0x1] =	stream.linear.gather [hbm4b:s18+s17], $0x80, $0x38;
	[tilespmem:$0x1FD80] =	vst v63  }
0x173: {  	s3 =	sadd.s32 s6, s3;
	s18 =	simm.s32 $0x280  }
0x174: {  	[tilespmem:s18], [sflag:$0x6] =	stream.linear.gather [hbm4b:s3+s17], $0x80, $0x38;
	[tilespmem:$0x1FD80] =	vst v63  }
0x175: {  	_ =	swait.ge [sflag:s19], $0x80  }
0x176: {  	[sflag:s19] =	ssyncset.done $0x0  }
0x177: {  	[sflag:s19] =	ssyncadd.s32 $0xFFFFFF80  }
0x178: {  	_ =	swait.ge [sflag:s19], $0x80  }
0x179: {  	[sflag:s19] =	ssyncset.done $0x0  }
0x17a: {  	[sflag:s19] =	ssyncadd.s32 $0xFFFFFF80  }
0x17b: {  	[tilespmem:s20], [sflag:$0xA] =	stream.indirect.gather [hbm4b:s1+s21], $0x80, s9, s21, $0xb8;
	[tilespmem:$0x1FD80] =	vst v63  }
0x17c: {  	_ =	swait.ge [sflag:s25], $0x4000  }
0x17d: {  	[sflag:s25] =	ssyncset.done $0x0  }
0x17e: {  	[sflag:s25] =	ssyncadd.s32 $0xFFFFC000  }
0x17f: {  	_ =	swait.ge [sflag:s23], $0x4000  }
0x180: {  	v1 =	vmov s17;
	[sflag:s23] =	ssyncset.done $0x0  }
0x181: {  	s17 =	simm.s32 $0x4540;
	[sflag:s23] =	ssyncadd.s32 $0xFFFFC000  }
0x182: {  	v5 =	vld [tilespmem:s17+$0x30]  }
0x183: {  	v8 =	vld [tilespmem:s17+$0x10]  }
0x184: {  	v6 =	vld [tilespmem:s17+$0xFFFFFFC0]  }
0x185: {  	v2 =	vld.idx.msk [tilespmem:v1+s0+$0x0], $0xffff  }
0x186: {  	v10 =	vld [tilespmem:s17+$0xFFFFFFE0]  }
0x187: {  	v1 =	vld [tilespmem:s17+$0xFFFFFFF0]  }
0x188: {  	v3 =	vld [tilespmem:s17+$0x20]  }
0x189: {  	v4 =	vld [tilespmem:s17+$0xFFFFFFD0]  }
0x18a: {  	v9 =	vmul.f32 v5, v2;
	v5 =	vld [tilespmem:s17+$0x0]  }
0x18b: {  	v7 =	vmul.f32 v6, v2  }
0x18c: {  	s11 =	simm.s32 $0x4540;
	s3 =	simm.s32 $0x1;
	v6 =	vmul.f32 v10, v2;
	v8 =	vmul.f32 v8, v2  }
.LBB2_13:
0x18d: {  	p1 =	sne.s32 s3, $0x7F  }
0x18e: {  	v4 =	vmul.f32 v4, v2;
	v3 =	vmul.f32 v3, v2;
	[tilespmem:s17+$0x30] =	vst v9;
	s11 =	sadd.s32 $0x80, s11;
	s18 =	smov.u32 s3;
	s3 =	sadd.s32 $0x1, s3  }
0x18f: {  	[tilespmem:s17+$0xFFFFFFC0] =	vst v7;
	v7 =	vmul.f32 v1, v2;
	v2 =	vmul.f32 v5, v2  }
0x190: {  	[tilespmem:s17+$0x10] =	vst v8  }
0x191: {  	v5 =	vmov s18;
	[tilespmem:s17+$0xFFFFFFE0] =	vst v6  }
0x192: {  	v1 =	vld [tilespmem:s11+$0xFFFFFFF0];
	[tilespmem:s17+$0xFFFFFFF0] =	vst v7  }
0x193: {  	v6 =	vld [tilespmem:s11+$0x30];
	[tilespmem:s17+$0x0] =	vst v2  }
0x194: {  	v8 =	vld [tilespmem:s11+$0x10];
	[tilespmem:s17+$0x20] =	vst v3  }
0x195: {  	v7 =	vld [tilespmem:s11+$0xFFFFFFC0];
	[tilespmem:s17+$0xFFFFFFD0] =	vst v4;
	s17 =	smov.u32 s11  }
0x196: {  	v2 =	vld.idx.msk [tilespmem:v5+s0+$0x0], $0xffff  }
0x197: {  	v10 =	vld [tilespmem:s11+$0xFFFFFFE0]  }
0x198: {  	v3 =	vld [tilespmem:s11+$0x20]  }
.Ltmp7:
0x199: {  	v4 =	vld [tilespmem:s11+$0xFFFFFFD0];
	(pc) =	sbr.rel @p1 .LBB2_13-.Ltmp7, $3  }
0x19a: {  	v5 =	vld [tilespmem:s11+$0x0];
	_ =	sdelay $0x1  }
0x19b: {  	v7 =	vmul.f32 v7, v2;
	v9 =	vmul.f32 v6, v2  }
0x19c: {  	v8 =	vmul.f32 v8, v2;
	v6 =	vmul.f32 v10, v2  }
0x19d: {  	[tilespmem:s17+$0x30] =	vst v9  }
0x19e: {  	[tilespmem:s17+$0xFFFFFFC0] =	vst v7  }
0x19f: {  	v1 =	vmul.f32 v1, v2;
	[tilespmem:s17+$0x10] =	vst v8  }
0x1a0: {  	v3 =	vmul.f32 v3, v2;
	[tilespmem:s17+$0xFFFFFFE0] =	vst v6  }
0x1a1: {  	v5 =	vmul.f32 v5, v2;
	[tilespmem:s17+$0xFFFFFFF0] =	vst v1  }
0x1a2: {  	v1 =	vmul.f32 v4, v2;
	[tilespmem:s17+$0x20] =	vst v3  }
0x1a3: {  	[tilespmem:s17+$0x0] =	vst v5  }
0x1a4: {  	[tilespmem:s17+$0xFFFFFFD0] =	vst v1  }
0x1a5: {  	_ =	swait.ge [sflag:s31], $0x80  }
0x1a6: {  	[sflag:s31] =	ssyncset.done $0x0  }
0x1a7: {  	s3 =	simm.s32 $0x180;
	s17 =	rddreg [dreg:$0x13];
	[sflag:s31] =	ssyncadd.s32 $0xFFFFFF80  }
0x1a8: {  	[spmem:s2] =	stream.indirect.scatter.add.f32 [tilespmem:s8], [sflag:$0xB], $0x80, s3, s21, $0xb8;
	[tilespmem:$0x1FD80] =	vst v63  }
0x1a9: {  	s3 =	sadd.s32 s4, s17  }
0x1aa: {  	s3 =	sshrl.u32 s3, $0x3  }
0x1ab: {  	s17 =	simm.s32 $0x0;
	s11 =	sadd.s32 s5, s3  }
0x1ac: {  	[tilespmem:s21], [sflag:$0x2] =	stream.linear.gather [hbm4b:s11+s17], $0x80, $0x38;
	[tilespmem:$0x1FD80] =	vst v63  }
0x1ad: {  	s18 =	sadd.s32 s7, s3  }
0x1ae: {  	[tilespmem:s0], [sflag:$0x2] =	stream.linear.gather [hbm4b:s18+s17], $0x80, $0x38;
	[tilespmem:$0x1FD80] =	vst v63  }
0x1af: {  	s3 =	sadd.s32 s6, s3;
	s18 =	simm.s32 $0x300  }
0x1b0: {  	[tilespmem:s18], [sflag:$0x7] =	stream.linear.gather [hbm4b:s3+s17], $0x80, $0x38;
	[tilespmem:$0x1FD80] =	vst v63  }
0x1b1: {  	_ =	swait.ge [sflag:s12], $0x80  }
0x1b2: {  	[sflag:s12] =	ssyncset.done $0x0  }
0x1b3: {  	[sflag:s12] =	ssyncadd.s32 $0xFFFFFF80  }
0x1b4: {  	_ =	swait.ge [sflag:s12], $0x80  }
0x1b5: {  	[sflag:s12] =	ssyncset.done $0x0  }
0x1b6: {  	[sflag:s12] =	ssyncadd.s32 $0xFFFFFF80  }
0x1b7: {  	[tilespmem:s14], [sflag:$0x8] =	stream.indirect.gather [hbm4b:s1+s21], $0x80, s17, s21, $0xb8;
	[tilespmem:$0x1FD80] =	vst v63  }
0x1b8: {  	_ =	swait.ge [sflag:s22], $0x4000  }
0x1b9: {  	[sflag:s22] =	ssyncset.done $0x0  }
0x1ba: {  	[sflag:s22] =	ssyncadd.s32 $0xFFFFC000  }
0x1bb: {  	_ =	swait.ge [sflag:s26], $0x4000  }
0x1bc: {  	v1 =	vmov s17;
	[sflag:s26] =	ssyncset.done $0x0  }
0x1bd: {  	s17 =	simm.s32 $0x8540;
	[sflag:s26] =	ssyncadd.s32 $0xFFFFC000  }
0x1be: {  	v5 =	vld [tilespmem:s17+$0x30]  }
0x1bf: {  	v8 =	vld [tilespmem:s17+$0x10]  }
0x1c0: {  	v6 =	vld [tilespmem:s17+$0xFFFFFFC0]  }
0x1c1: {  	v2 =	vld.idx.msk [tilespmem:v1+s10+$0x0], $0xffff  }
0x1c2: {  	v10 =	vld [tilespmem:s17+$0xFFFFFFE0]  }
0x1c3: {  	v1 =	vld [tilespmem:s17+$0xFFFFFFF0]  }
0x1c4: {  	v3 =	vld [tilespmem:s17+$0x20]  }
0x1c5: {  	v4 =	vld [tilespmem:s17+$0xFFFFFFD0]  }
0x1c6: {  	v9 =	vmul.f32 v5, v2;
	v5 =	vld [tilespmem:s17+$0x0]  }
0x1c7: {  	v7 =	vmul.f32 v6, v2  }
0x1c8: {  	s11 =	simm.s32 $0x8540;
	s3 =	simm.s32 $0x1;
	v6 =	vmul.f32 v10, v2;
	v8 =	vmul.f32 v8, v2  }
.LBB2_15:
0x1c9: {  	p1 =	sne.s32 s3, $0x7F  }
0x1ca: {  	v4 =	vmul.f32 v4, v2;
	v3 =	vmul.f32 v3, v2;
	[tilespmem:s17+$0x30] =	vst v9;
	s11 =	sadd.s32 $0x80, s11;
	s18 =	smov.u32 s3;
	s3 =	sadd.s32 $0x1, s3  }
0x1cb: {  	[tilespmem:s17+$0xFFFFFFC0] =	vst v7;
	v7 =	vmul.f32 v1, v2;
	v2 =	vmul.f32 v5, v2  }
0x1cc: {  	[tilespmem:s17+$0x10] =	vst v8  }
0x1cd: {  	v5 =	vmov s18;
	[tilespmem:s17+$0xFFFFFFE0] =	vst v6  }
0x1ce: {  	v1 =	vld [tilespmem:s11+$0xFFFFFFF0];
	[tilespmem:s17+$0xFFFFFFF0] =	vst v7  }
0x1cf: {  	v6 =	vld [tilespmem:s11+$0x30];
	[tilespmem:s17+$0x0] =	vst v2  }
0x1d0: {  	v8 =	vld [tilespmem:s11+$0x10];
	[tilespmem:s17+$0x20] =	vst v3  }
0x1d1: {  	v7 =	vld [tilespmem:s11+$0xFFFFFFC0];
	[tilespmem:s17+$0xFFFFFFD0] =	vst v4;
	s17 =	smov.u32 s11  }
0x1d2: {  	v2 =	vld.idx.msk [tilespmem:v5+s10+$0x0], $0xffff  }
0x1d3: {  	v10 =	vld [tilespmem:s11+$0xFFFFFFE0]  }
0x1d4: {  	v3 =	vld [tilespmem:s11+$0x20]  }
.Ltmp8:
0x1d5: {  	v4 =	vld [tilespmem:s11+$0xFFFFFFD0];
	(pc) =	sbr.rel @p1 .LBB2_15-.Ltmp8, $3  }
0x1d6: {  	v5 =	vld [tilespmem:s11+$0x0];
	_ =	sdelay $0x1  }
0x1d7: {  	v7 =	vmul.f32 v7, v2;
	v9 =	vmul.f32 v6, v2  }
0x1d8: {  	v8 =	vmul.f32 v8, v2;
	v6 =	vmul.f32 v10, v2  }
0x1d9: {  	[tilespmem:s17+$0x30] =	vst v9  }
0x1da: {  	[tilespmem:s17+$0xFFFFFFC0] =	vst v7  }
0x1db: {  	v1 =	vmul.f32 v1, v2;
	[tilespmem:s17+$0x10] =	vst v8  }
0x1dc: {  	v3 =	vmul.f32 v3, v2;
	[tilespmem:s17+$0xFFFFFFE0] =	vst v6  }
0x1dd: {  	v5 =	vmul.f32 v5, v2;
	[tilespmem:s17+$0xFFFFFFF0] =	vst v1  }
0x1de: {  	v1 =	vmul.f32 v4, v2;
	[tilespmem:s17+$0x20] =	vst v3  }
0x1df: {  	[tilespmem:s17+$0x0] =	vst v5  }
0x1e0: {  	[tilespmem:s17+$0xFFFFFFD0] =	vst v1  }
0x1e1: {  	_ =	swait.ge [sflag:s24], $0x80  }
0x1e2: {  	[sflag:s24] =	ssyncset.done $0x0  }
0x1e3: {  	s3 =	simm.s32 $0x200;
	s17 =	rddreg [dreg:$0x14];
	[sflag:s24] =	ssyncadd.s32 $0xFFFFFF80  }
0x1e4: {  	[spmem:s2] =	stream.indirect.scatter.add.f32 [tilespmem:s20], [sflag:$0xC], $0x80, s3, s21, $0xb8;
	[tilespmem:$0x1FD80] =	vst v63  }
0x1e5: {  	s3 =	sadd.s32 s4, s17  }
0x1e6: {  	s3 =	sshrl.u32 s3, $0x3  }
0x1e7: {  	s17 =	simm.s32 $0x0;
	s11 =	sadd.s32 s5, s3  }
0x1e8: {  	[tilespmem:s9], [sflag:$0x3] =	stream.linear.gather [hbm4b:s11+s17], $0x80, $0x38;
	[tilespmem:$0x1FD80] =	vst v63  }
0x1e9: {  	s18 =	sadd.s32 s7, s3  }
0x1ea: {  	[tilespmem:s10], [sflag:$0x3] =	stream.linear.gather [hbm4b:s18+s17], $0x80, $0x38;
	[tilespmem:$0x1FD80] =	vst v63  }
0x1eb: {  	s3 =	sadd.s32 s6, s3;
	s18 =	simm.s32 $0x180  }
0x1ec: {  	[tilespmem:s18], [sflag:$0x4] =	stream.linear.gather [hbm4b:s3+s17], $0x80, $0x38;
	[tilespmem:$0x1FD80] =	vst v63  }
0x1ed: {  	_ =	swait.ge [sflag:s13], $0x80  }
0x1ee: {  	[sflag:s13] =	ssyncset.done $0x0  }
0x1ef: {  	[sflag:s13] =	ssyncadd.s32 $0xFFFFFF80  }
0x1f0: {  	_ =	swait.ge [sflag:s13], $0x80  }
0x1f1: {  	[sflag:s13] =	ssyncset.done $0x0  }
0x1f2: {  	[sflag:s13] =	ssyncadd.s32 $0xFFFFFF80  }
0x1f3: {  	[tilespmem:s8], [sflag:$0x9] =	stream.indirect.gather [hbm4b:s1+s21], $0x80, s21, s21, $0xb8;
	[tilespmem:$0x1FD80] =	vst v63  }
0x1f4: {  	_ =	swait.ge [sflag:s25], $0x4000  }
0x1f5: {  	[sflag:s25] =	ssyncset.done $0x0  }
0x1f6: {  	[sflag:s25] =	ssyncadd.s32 $0xFFFFC000  }
0x1f7: {  	_ =	swait.ge [sflag:s15], $0x4000  }
0x1f8: {  	v1 =	vmov s17;
	[sflag:s15] =	ssyncset.done $0x0  }
0x1f9: {  	s17 =	simm.s32 $0x540;
	[sflag:s15] =	ssyncadd.s32 $0xFFFFC000  }
0x1fa: {  	v5 =	vld [tilespmem:s17+$0x30]  }
0x1fb: {  	v8 =	vld [tilespmem:s17+$0x10]  }
0x1fc: {  	v6 =	vld [tilespmem:s17+$0xFFFFFFC0]  }
0x1fd: {  	v2 =	vld.idx.msk [tilespmem:v1+s16+$0x0], $0xffff  }
0x1fe: {  	v10 =	vld [tilespmem:s17+$0xFFFFFFE0]  }
0x1ff: {  	v1 =	vld [tilespmem:s17+$0xFFFFFFF0]  }
0x200: {  	v3 =	vld [tilespmem:s17+$0x20]  }
0x201: {  	v4 =	vld [tilespmem:s17+$0xFFFFFFD0]  }
0x202: {  	v9 =	vmul.f32 v5, v2;
	v5 =	vld [tilespmem:s17+$0x0]  }
0x203: {  	v7 =	vmul.f32 v6, v2  }
0x204: {  	s11 =	simm.s32 $0x540;
	s3 =	simm.s32 $0x1;
	v6 =	vmul.f32 v10, v2;
	v8 =	vmul.f32 v8, v2  }
.LBB2_17:
0x205: {  	p1 =	sne.s32 s3, $0x7F  }
0x206: {  	v4 =	vmul.f32 v4, v2;
	v3 =	vmul.f32 v3, v2;
	[tilespmem:s17+$0x30] =	vst v9;
	s11 =	sadd.s32 $0x80, s11;
	s18 =	smov.u32 s3;
	s3 =	sadd.s32 $0x1, s3  }
0x207: {  	[tilespmem:s17+$0xFFFFFFC0] =	vst v7;
	v7 =	vmul.f32 v1, v2;
	v2 =	vmul.f32 v5, v2  }
0x208: {  	[tilespmem:s17+$0x10] =	vst v8  }
0x209: {  	v5 =	vmov s18;
	[tilespmem:s17+$0xFFFFFFE0] =	vst v6  }
0x20a: {  	v1 =	vld [tilespmem:s11+$0xFFFFFFF0];
	[tilespmem:s17+$0xFFFFFFF0] =	vst v7  }
0x20b: {  	v6 =	vld [tilespmem:s11+$0x30];
	[tilespmem:s17+$0x0] =	vst v2  }
0x20c: {  	v8 =	vld [tilespmem:s11+$0x10];
	[tilespmem:s17+$0x20] =	vst v3  }
0x20d: {  	v7 =	vld [tilespmem:s11+$0xFFFFFFC0];
	[tilespmem:s17+$0xFFFFFFD0] =	vst v4;
	s17 =	smov.u32 s11  }
0x20e: {  	v2 =	vld.idx.msk [tilespmem:v5+s16+$0x0], $0xffff  }
0x20f: {  	v10 =	vld [tilespmem:s11+$0xFFFFFFE0]  }
0x210: {  	v3 =	vld [tilespmem:s11+$0x20]  }
.Ltmp9:
0x211: {  	v4 =	vld [tilespmem:s11+$0xFFFFFFD0];
	(pc) =	sbr.rel @p1 .LBB2_17-.Ltmp9, $3  }
0x212: {  	v5 =	vld [tilespmem:s11+$0x0];
	_ =	sdelay $0x1  }
0x213: {  	v7 =	vmul.f32 v7, v2;
	v9 =	vmul.f32 v6, v2  }
0x214: {  	v8 =	vmul.f32 v8, v2;
	v6 =	vmul.f32 v10, v2  }
0x215: {  	[tilespmem:s17+$0x30] =	vst v9  }
0x216: {  	[tilespmem:s17+$0xFFFFFFC0] =	vst v7  }
0x217: {  	v1 =	vmul.f32 v1, v2;
	[tilespmem:s17+$0x10] =	vst v8  }
0x218: {  	v3 =	vmul.f32 v3, v2;
	[tilespmem:s17+$0xFFFFFFE0] =	vst v6  }
0x219: {  	v5 =	vmul.f32 v5, v2;
	[tilespmem:s17+$0xFFFFFFF0] =	vst v1  }
0x21a: {  	v1 =	vmul.f32 v4, v2;
	[tilespmem:s17+$0x20] =	vst v3  }
0x21b: {  	[tilespmem:s17+$0x0] =	vst v5  }
0x21c: {  	[tilespmem:s17+$0xFFFFFFD0] =	vst v1  }
0x21d: {  	_ =	swait.ge [sflag:s28], $0x80  }
0x21e: {  	[sflag:s28] =	ssyncset.done $0x0  }
0x21f: {  	s3 =	simm.s32 $0x280;
	s17 =	rddreg [dreg:$0x15];
	[sflag:s28] =	ssyncadd.s32 $0xFFFFFF80  }
0x220: {  	[spmem:s2] =	stream.indirect.scatter.add.f32 [tilespmem:s14], [sflag:$0xB], $0x80, s3, s21, $0xb8;
	[tilespmem:$0x1FD80] =	vst v63  }
0x221: {  	s3 =	sadd.s32 s4, s17  }
0x222: {  	s3 =	sshrl.u32 s3, $0x3  }
0x223: {  	s17 =	simm.s32 $0x0;
	s11 =	sadd.s32 s5, s3  }
0x224: {  	[tilespmem:s17], [sflag:$0x1] =	stream.linear.gather [hbm4b:s11+s17], $0x80, $0x38;
	[tilespmem:$0x1FD80] =	vst v63  }
0x225: {  	s18 =	sadd.s32 s7, s3  }
0x226: {  	[tilespmem:s16], [sflag:$0x1] =	stream.linear.gather [hbm4b:s18+s17], $0x80, $0x38;
	[tilespmem:$0x1FD80] =	vst v63  }
0x227: {  	s3 =	sadd.s32 s6, s3;
	s18 =	simm.s32 $0x200  }
0x228: {  	[tilespmem:s18], [sflag:$0x5] =	stream.linear.gather [hbm4b:s3+s17], $0x80, $0x38;
	[tilespmem:$0x1FD80] =	vst v63  }
0x229: {  	_ =	swait.ge [sflag:s19], $0x80  }
0x22a: {  	[sflag:s19] =	ssyncset.done $0x0  }
0x22b: {  	[sflag:s19] =	ssyncadd.s32 $0xFFFFFF80  }
0x22c: {  	_ =	swait.ge [sflag:s19], $0x80  }
0x22d: {  	[sflag:s19] =	ssyncset.done $0x0  }
0x22e: {  	[sflag:s19] =	ssyncadd.s32 $0xFFFFFF80  }
0x22f: {  	[tilespmem:s20], [sflag:$0xA] =	stream.indirect.gather [hbm4b:s1+s21], $0x80, s9, s21, $0xb8;
	[tilespmem:$0x1FD80] =	vst v63  }
0x230: {  	_ =	swait.ge [sflag:s22], $0x4000  }
0x231: {  	[sflag:s22] =	ssyncset.done $0x0  }
0x232: {  	[sflag:s22] =	ssyncadd.s32 $0xFFFFC000  }
0x233: {  	_ =	swait.ge [sflag:s23], $0x4000  }
0x234: {  	v1 =	vmov s17;
	[sflag:s23] =	ssyncset.done $0x0  }
0x235: {  	s17 =	simm.s32 $0x4540;
	[sflag:s23] =	ssyncadd.s32 $0xFFFFC000  }
0x236: {  	v5 =	vld [tilespmem:s17+$0x30]  }
0x237: {  	v8 =	vld [tilespmem:s17+$0x10]  }
0x238: {  	v6 =	vld [tilespmem:s17+$0xFFFFFFC0]  }
0x239: {  	v2 =	vld.idx.msk [tilespmem:v1+s0+$0x0], $0xffff  }
0x23a: {  	v10 =	vld [tilespmem:s17+$0xFFFFFFE0]  }
0x23b: {  	v1 =	vld [tilespmem:s17+$0xFFFFFFF0]  }
0x23c: {  	v3 =	vld [tilespmem:s17+$0x20]  }
0x23d: {  	v4 =	vld [tilespmem:s17+$0xFFFFFFD0]  }
0x23e: {  	v9 =	vmul.f32 v5, v2;
	v5 =	vld [tilespmem:s17+$0x0]  }
0x23f: {  	v7 =	vmul.f32 v6, v2  }
0x240: {  	s11 =	simm.s32 $0x4540;
	s3 =	simm.s32 $0x1;
	v6 =	vmul.f32 v10, v2;
	v8 =	vmul.f32 v8, v2  }
.LBB2_19:
0x241: {  	p1 =	sne.s32 s3, $0x7F  }
0x242: {  	v4 =	vmul.f32 v4, v2;
	v3 =	vmul.f32 v3, v2;
	[tilespmem:s17+$0x30] =	vst v9;
	s11 =	sadd.s32 $0x80, s11;
	s18 =	smov.u32 s3;
	s3 =	sadd.s32 $0x1, s3  }
0x243: {  	[tilespmem:s17+$0xFFFFFFC0] =	vst v7;
	v7 =	vmul.f32 v1, v2;
	v2 =	vmul.f32 v5, v2  }
0x244: {  	[tilespmem:s17+$0x10] =	vst v8  }
0x245: {  	v5 =	vmov s18;
	[tilespmem:s17+$0xFFFFFFE0] =	vst v6  }
0x246: {  	v1 =	vld [tilespmem:s11+$0xFFFFFFF0];
	[tilespmem:s17+$0xFFFFFFF0] =	vst v7  }
0x247: {  	v6 =	vld [tilespmem:s11+$0x30];
	[tilespmem:s17+$0x0] =	vst v2  }
0x248: {  	v8 =	vld [tilespmem:s11+$0x10];
	[tilespmem:s17+$0x20] =	vst v3  }
0x249: {  	v7 =	vld [tilespmem:s11+$0xFFFFFFC0];
	[tilespmem:s17+$0xFFFFFFD0] =	vst v4;
	s17 =	smov.u32 s11  }
0x24a: {  	v2 =	vld.idx.msk [tilespmem:v5+s0+$0x0], $0xffff  }
0x24b: {  	v10 =	vld [tilespmem:s11+$0xFFFFFFE0]  }
0x24c: {  	v3 =	vld [tilespmem:s11+$0x20]  }
.Ltmp10:
0x24d: {  	v4 =	vld [tilespmem:s11+$0xFFFFFFD0];
	(pc) =	sbr.rel @p1 .LBB2_19-.Ltmp10, $3  }
0x24e: {  	v5 =	vld [tilespmem:s11+$0x0];
	_ =	sdelay $0x1  }
0x24f: {  	v7 =	vmul.f32 v7, v2;
	v9 =	vmul.f32 v6, v2  }
0x250: {  	v8 =	vmul.f32 v8, v2;
	v6 =	vmul.f32 v10, v2  }
0x251: {  	[tilespmem:s17+$0x30] =	vst v9  }
0x252: {  	[tilespmem:s17+$0xFFFFFFC0] =	vst v7  }
0x253: {  	v1 =	vmul.f32 v1, v2;
	[tilespmem:s17+$0x10] =	vst v8  }
0x254: {  	v3 =	vmul.f32 v3, v2;
	[tilespmem:s17+$0xFFFFFFE0] =	vst v6  }
0x255: {  	v5 =	vmul.f32 v5, v2;
	[tilespmem:s17+$0xFFFFFFF0] =	vst v1  }
0x256: {  	v1 =	vmul.f32 v4, v2;
	[tilespmem:s17+$0x20] =	vst v3  }
0x257: {  	[tilespmem:s17+$0x0] =	vst v5  }
0x258: {  	[tilespmem:s17+$0xFFFFFFD0] =	vst v1  }
0x259: {  	_ =	swait.ge [sflag:s29], $0x80  }
0x25a: {  	[sflag:s29] =	ssyncset.done $0x0  }
0x25b: {  	s3 =	simm.s32 $0x300;
	s17 =	rddreg [dreg:$0x16];
	[sflag:s29] =	ssyncadd.s32 $0xFFFFFF80  }
0x25c: {  	[spmem:s2] =	stream.indirect.scatter.add.f32 [tilespmem:s8], [sflag:$0xC], $0x80, s3, s21, $0xb8;
	[tilespmem:$0x1FD80] =	vst v63  }
0x25d: {  	s3 =	sadd.s32 s4, s17  }
0x25e: {  	s3 =	sshrl.u32 s3, $0x3  }
0x25f: {  	s17 =	simm.s32 $0x0;
	s11 =	sadd.s32 s5, s3  }
0x260: {  	[tilespmem:s21], [sflag:$0x2] =	stream.linear.gather [hbm4b:s11+s17], $0x80, $0x38;
	[tilespmem:$0x1FD80] =	vst v63  }
0x261: {  	s18 =	sadd.s32 s7, s3  }
0x262: {  	[tilespmem:s0], [sflag:$0x2] =	stream.linear.gather [hbm4b:s18+s17], $0x80, $0x38;
	[tilespmem:$0x1FD80] =	vst v63  }
0x263: {  	s3 =	sadd.s32 s6, s3;
	s18 =	simm.s32 $0x280  }
0x264: {  	[tilespmem:s18], [sflag:$0x6] =	stream.linear.gather [hbm4b:s3+s17], $0x80, $0x38;
	[tilespmem:$0x1FD80] =	vst v63  }
0x265: {  	_ =	swait.ge [sflag:s12], $0x80  }
0x266: {  	[sflag:s12] =	ssyncset.done $0x0  }
0x267: {  	[sflag:s12] =	ssyncadd.s32 $0xFFFFFF80  }
0x268: {  	_ =	swait.ge [sflag:s12], $0x80  }
0x269: {  	[sflag:s12] =	ssyncset.done $0x0  }
0x26a: {  	[sflag:s12] =	ssyncadd.s32 $0xFFFFFF80  }
0x26b: {  	[tilespmem:s14], [sflag:$0x8] =	stream.indirect.gather [hbm4b:s1+s21], $0x80, s17, s21, $0xb8;
	[tilespmem:$0x1FD80] =	vst v63  }
0x26c: {  	_ =	swait.ge [sflag:s25], $0x4000  }
0x26d: {  	[sflag:s25] =	ssyncset.done $0x0  }
0x26e: {  	[sflag:s25] =	ssyncadd.s32 $0xFFFFC000  }
0x26f: {  	_ =	swait.ge [sflag:s26], $0x4000  }
0x270: {  	v1 =	vmov s17;
	[sflag:s26] =	ssyncset.done $0x0  }
0x271: {  	s17 =	simm.s32 $0x8540;
	[sflag:s26] =	ssyncadd.s32 $0xFFFFC000  }
0x272: {  	v5 =	vld [tilespmem:s17+$0x30]  }
0x273: {  	v8 =	vld [tilespmem:s17+$0x10]  }
0x274: {  	v6 =	vld [tilespmem:s17+$0xFFFFFFC0]  }
0x275: {  	v2 =	vld.idx.msk [tilespmem:v1+s10+$0x0], $0xffff  }
0x276: {  	v10 =	vld [tilespmem:s17+$0xFFFFFFE0]  }
0x277: {  	v1 =	vld [tilespmem:s17+$0xFFFFFFF0]  }
0x278: {  	v3 =	vld [tilespmem:s17+$0x20]  }
0x279: {  	v4 =	vld [tilespmem:s17+$0xFFFFFFD0]  }
0x27a: {  	v9 =	vmul.f32 v5, v2;
	v5 =	vld [tilespmem:s17+$0x0]  }
0x27b: {  	v7 =	vmul.f32 v6, v2  }
0x27c: {  	s11 =	simm.s32 $0x8540;
	s3 =	simm.s32 $0x1;
	v6 =	vmul.f32 v10, v2;
	v8 =	vmul.f32 v8, v2  }
.LBB2_21:
0x27d: {  	p1 =	sne.s32 s3, $0x7F  }
0x27e: {  	v4 =	vmul.f32 v4, v2;
	v3 =	vmul.f32 v3, v2;
	[tilespmem:s17+$0x30] =	vst v9;
	s11 =	sadd.s32 $0x80, s11;
	s18 =	smov.u32 s3;
	s3 =	sadd.s32 $0x1, s3  }
0x27f: {  	[tilespmem:s17+$0xFFFFFFC0] =	vst v7;
	v7 =	vmul.f32 v1, v2;
	v2 =	vmul.f32 v5, v2  }
0x280: {  	[tilespmem:s17+$0x10] =	vst v8  }
0x281: {  	v5 =	vmov s18;
	[tilespmem:s17+$0xFFFFFFE0] =	vst v6  }
0x282: {  	v1 =	vld [tilespmem:s11+$0xFFFFFFF0];
	[tilespmem:s17+$0xFFFFFFF0] =	vst v7  }
0x283: {  	v6 =	vld [tilespmem:s11+$0x30];
	[tilespmem:s17+$0x0] =	vst v2  }
0x284: {  	v8 =	vld [tilespmem:s11+$0x10];
	[tilespmem:s17+$0x20] =	vst v3  }
0x285: {  	v7 =	vld [tilespmem:s11+$0xFFFFFFC0];
	[tilespmem:s17+$0xFFFFFFD0] =	vst v4;
	s17 =	smov.u32 s11  }
0x286: {  	v2 =	vld.idx.msk [tilespmem:v5+s10+$0x0], $0xffff  }
0x287: {  	v10 =	vld [tilespmem:s11+$0xFFFFFFE0]  }
0x288: {  	v3 =	vld [tilespmem:s11+$0x20]  }
.Ltmp11:
0x289: {  	v4 =	vld [tilespmem:s11+$0xFFFFFFD0];
	(pc) =	sbr.rel @p1 .LBB2_21-.Ltmp11, $3  }
0x28a: {  	v5 =	vld [tilespmem:s11+$0x0];
	_ =	sdelay $0x1  }
0x28b: {  	v7 =	vmul.f32 v7, v2;
	v9 =	vmul.f32 v6, v2  }
0x28c: {  	v8 =	vmul.f32 v8, v2;
	v6 =	vmul.f32 v10, v2  }
0x28d: {  	[tilespmem:s17+$0x30] =	vst v9  }
0x28e: {  	[tilespmem:s17+$0xFFFFFFC0] =	vst v7  }
0x28f: {  	v1 =	vmul.f32 v1, v2;
	[tilespmem:s17+$0x10] =	vst v8  }
0x290: {  	v3 =	vmul.f32 v3, v2;
	[tilespmem:s17+$0xFFFFFFE0] =	vst v6  }
0x291: {  	v5 =	vmul.f32 v5, v2;
	[tilespmem:s17+$0xFFFFFFF0] =	vst v1  }
0x292: {  	v1 =	vmul.f32 v4, v2;
	[tilespmem:s17+$0x20] =	vst v3  }
0x293: {  	[tilespmem:s17+$0x0] =	vst v5  }
0x294: {  	[tilespmem:s17+$0xFFFFFFD0] =	vst v1  }
0x295: {  	_ =	swait.ge [sflag:s31], $0x80  }
0x296: {  	[sflag:s31] =	ssyncset.done $0x0  }
0x297: {  	s3 =	simm.s32 $0x180;
	s17 =	rddreg [dreg:$0x17];
	[sflag:s31] =	ssyncadd.s32 $0xFFFFFF80  }
0x298: {  	[spmem:s2] =	stream.indirect.scatter.add.f32 [tilespmem:s20], [sflag:$0xB], $0x80, s3, s21, $0xb8;
	[tilespmem:$0x1FD80] =	vst v63  }
0x299: {  	s3 =	sadd.s32 s4, s17  }
0x29a: {  	s3 =	sshrl.u32 s3, $0x3  }
0x29b: {  	s17 =	simm.s32 $0x0;
	s11 =	sadd.s32 s5, s3  }
0x29c: {  	[tilespmem:s9], [sflag:$0x3] =	stream.linear.gather [hbm4b:s11+s17], $0x80, $0x38;
	[tilespmem:$0x1FD80] =	vst v63  }
0x29d: {  	s18 =	sadd.s32 s7, s3  }
0x29e: {  	[tilespmem:s10], [sflag:$0x3] =	stream.linear.gather [hbm4b:s18+s17], $0x80, $0x38;
	[tilespmem:$0x1FD80] =	vst v63  }
0x29f: {  	s3 =	sadd.s32 s6, s3;
	s18 =	simm.s32 $0x300  }
0x2a0: {  	[tilespmem:s18], [sflag:$0x7] =	stream.linear.gather [hbm4b:s3+s17], $0x80, $0x38;
	[tilespmem:$0x1FD80] =	vst v63  }
0x2a1: {  	_ =	swait.ge [sflag:s13], $0x80  }
0x2a2: {  	[sflag:s13] =	ssyncset.done $0x0  }
0x2a3: {  	[sflag:s13] =	ssyncadd.s32 $0xFFFFFF80  }
0x2a4: {  	_ =	swait.ge [sflag:s13], $0x80  }
0x2a5: {  	[sflag:s13] =	ssyncset.done $0x0  }
0x2a6: {  	[sflag:s13] =	ssyncadd.s32 $0xFFFFFF80  }
0x2a7: {  	[tilespmem:s8], [sflag:$0x9] =	stream.indirect.gather [hbm4b:s1+s21], $0x80, s21, s21, $0xb8;
	[tilespmem:$0x1FD80] =	vst v63  }
0x2a8: {  	_ =	swait.ge [sflag:s22], $0x4000  }
0x2a9: {  	[sflag:s22] =	ssyncset.done $0x0  }
0x2aa: {  	[sflag:s22] =	ssyncadd.s32 $0xFFFFC000  }
0x2ab: {  	_ =	swait.ge [sflag:s15], $0x4000  }
0x2ac: {  	v1 =	vmov s17;
	[sflag:s15] =	ssyncset.done $0x0  }
0x2ad: {  	s17 =	simm.s32 $0x540;
	[sflag:s15] =	ssyncadd.s32 $0xFFFFC000  }
0x2ae: {  	v5 =	vld [tilespmem:s17+$0x30]  }
0x2af: {  	v8 =	vld [tilespmem:s17+$0x10]  }
0x2b0: {  	v6 =	vld [tilespmem:s17+$0xFFFFFFC0]  }
0x2b1: {  	v2 =	vld.idx.msk [tilespmem:v1+s16+$0x0], $0xffff  }
0x2b2: {  	v10 =	vld [tilespmem:s17+$0xFFFFFFE0]  }
0x2b3: {  	v1 =	vld [tilespmem:s17+$0xFFFFFFF0]  }
0x2b4: {  	v3 =	vld [tilespmem:s17+$0x20]  }
0x2b5: {  	v4 =	vld [tilespmem:s17+$0xFFFFFFD0]  }
0x2b6: {  	v9 =	vmul.f32 v5, v2;
	v5 =	vld [tilespmem:s17+$0x0]  }
0x2b7: {  	v7 =	vmul.f32 v6, v2  }
0x2b8: {  	s11 =	simm.s32 $0x540;
	s3 =	simm.s32 $0x1;
	v6 =	vmul.f32 v10, v2;
	v8 =	vmul.f32 v8, v2  }
.LBB2_23:
0x2b9: {  	p1 =	sne.s32 s3, $0x7F  }
0x2ba: {  	v4 =	vmul.f32 v4, v2;
	v3 =	vmul.f32 v3, v2;
	[tilespmem:s17+$0x30] =	vst v9;
	s11 =	sadd.s32 $0x80, s11;
	s18 =	smov.u32 s3;
	s3 =	sadd.s32 $0x1, s3  }
0x2bb: {  	[tilespmem:s17+$0xFFFFFFC0] =	vst v7;
	v7 =	vmul.f32 v1, v2;
	v2 =	vmul.f32 v5, v2  }
0x2bc: {  	[tilespmem:s17+$0x10] =	vst v8  }
0x2bd: {  	v5 =	vmov s18;
	[tilespmem:s17+$0xFFFFFFE0] =	vst v6  }
0x2be: {  	v1 =	vld [tilespmem:s11+$0xFFFFFFF0];
	[tilespmem:s17+$0xFFFFFFF0] =	vst v7  }
0x2bf: {  	v6 =	vld [tilespmem:s11+$0x30];
	[tilespmem:s17+$0x0] =	vst v2  }
0x2c0: {  	v8 =	vld [tilespmem:s11+$0x10];
	[tilespmem:s17+$0x20] =	vst v3  }
0x2c1: {  	v7 =	vld [tilespmem:s11+$0xFFFFFFC0];
	[tilespmem:s17+$0xFFFFFFD0] =	vst v4;
	s17 =	smov.u32 s11  }
0x2c2: {  	v2 =	vld.idx.msk [tilespmem:v5+s16+$0x0], $0xffff  }
0x2c3: {  	v10 =	vld [tilespmem:s11+$0xFFFFFFE0]  }
0x2c4: {  	v3 =	vld [tilespmem:s11+$0x20]  }
.Ltmp12:
0x2c5: {  	v4 =	vld [tilespmem:s11+$0xFFFFFFD0];
	(pc) =	sbr.rel @p1 .LBB2_23-.Ltmp12, $3  }
0x2c6: {  	v5 =	vld [tilespmem:s11+$0x0];
	_ =	sdelay $0x1  }
0x2c7: {  	v7 =	vmul.f32 v7, v2;
	v9 =	vmul.f32 v6, v2  }
0x2c8: {  	v8 =	vmul.f32 v8, v2;
	v6 =	vmul.f32 v10, v2  }
0x2c9: {  	[tilespmem:s17+$0x30] =	vst v9  }
0x2ca: {  	[tilespmem:s17+$0xFFFFFFC0] =	vst v7  }
0x2cb: {  	v1 =	vmul.f32 v1, v2;
	[tilespmem:s17+$0x10] =	vst v8  }
0x2cc: {  	v3 =	vmul.f32 v3, v2;
	[tilespmem:s17+$0xFFFFFFE0] =	vst v6  }
0x2cd: {  	v5 =	vmul.f32 v5, v2;
	[tilespmem:s17+$0xFFFFFFF0] =	vst v1  }
0x2ce: {  	v1 =	vmul.f32 v4, v2;
	[tilespmem:s17+$0x20] =	vst v3  }
0x2cf: {  	[tilespmem:s17+$0x0] =	vst v5  }
0x2d0: {  	[tilespmem:s17+$0xFFFFFFD0] =	vst v1  }
0x2d1: {  	_ =	swait.ge [sflag:s24], $0x80  }
0x2d2: {  	[sflag:s24] =	ssyncset.done $0x0  }
0x2d3: {  	s3 =	simm.s32 $0x200;
	[sflag:s24] =	ssyncadd.s32 $0xFFFFFF80  }
0x2d4: {  	[spmem:s2] =	stream.indirect.scatter.add.f32 [tilespmem:s14], [sflag:$0xC], $0x80, s3, s21, $0xb8;
	[tilespmem:$0x1FD80] =	vst v63  }
0x2d5: {  	p1 =	seq.s32 s30, $0x6;
	s3 =	rddreg [dreg:$0x18]  }
0x2d6: {  	s3 =	sadd.s32 @!p1 s4, s3  }
0x2d7: {  	s3 =	sshrl.u32 @!p1 s3, $0x3  }
0x2d8: {  	s17 =	simm.s32 @!p1 $0x0;
	s11 =	sadd.s32 @!p1 s5, s3  }
0x2d9: {  	[tilespmem:s17], [sflag:$0x1] =	stream.linear.gather @!p1 [hbm4b:s11+s17], $0x80, $0x38;
	[tilespmem:$0x1FD80] =	vst v63  }
0x2da: {  	s18 =	simm.s32 @!p1 $0x380;
	s11 =	sadd.s32 @!p1 s7, s3  }
0x2db: {  	[tilespmem:s18], [sflag:$0x1] =	stream.linear.gather @!p1 [hbm4b:s11+s17], $0x80, $0x38;
	[tilespmem:$0x1FD80] =	vst v63  }
0x2dc: {  	s3 =	sadd.s32 @!p1 s6, s3;
	s11 =	simm.s32 @!p1 $0x180  }
0x2dd: {  	[tilespmem:s11], [sflag:$0x4] =	stream.linear.gather @!p1 [hbm4b:s3+s17], $0x80, $0x38;
	[tilespmem:$0x1FD80] =	vst v63  }
0x2de: {  	_ =	swait.ge [sflag:s19], $0x80  }
0x2df: {  	[sflag:s19] =	ssyncset.done $0x0  }
0x2e0: {  	[sflag:s19] =	ssyncadd.s32 $0xFFFFFF80  }
0x2e1: {  	_ =	swait.ge [sflag:s19], $0x80  }
0x2e2: {  	[sflag:s19] =	ssyncset.done $0x0  }
0x2e3: {  	[sflag:s19] =	ssyncadd.s32 $0xFFFFFF80  }
0x2e4: {  	[tilespmem:s20], [sflag:$0xA] =	stream.indirect.gather [hbm4b:s1+s21], $0x80, s9, s21, $0xb8;
	[tilespmem:$0x1FD80] =	vst v63  }
0x2e5: {  	_ =	swait.ge [sflag:s25], $0x4000  }
0x2e6: {  	[sflag:s25] =	ssyncset.done $0x0  }
0x2e7: {  	[sflag:s25] =	ssyncadd.s32 $0xFFFFC000  }
0x2e8: {  	s18 =	simm.s32 $0x0;
	_ =	swait.ge [sflag:s23], $0x4000  }
0x2e9: {  	v1 =	vmov s18;
	[sflag:s23] =	ssyncset.done $0x0  }
0x2ea: {  	s17 =	simm.s32 $0x4540;
	[sflag:s23] =	ssyncadd.s32 $0xFFFFC000  }
0x2eb: {  	v5 =	vld [tilespmem:s17+$0x30]  }
0x2ec: {  	v8 =	vld [tilespmem:s17+$0x10]  }
0x2ed: {  	v6 =	vld [tilespmem:s17+$0xFFFFFFC0]  }
0x2ee: {  	v2 =	vld.idx.msk [tilespmem:v1+s0+$0x0], $0xffff  }
0x2ef: {  	v10 =	vld [tilespmem:s17+$0xFFFFFFE0]  }
0x2f0: {  	v1 =	vld [tilespmem:s17+$0xFFFFFFF0]  }
0x2f1: {  	v3 =	vld [tilespmem:s17+$0x20]  }
0x2f2: {  	v4 =	vld [tilespmem:s17+$0xFFFFFFD0]  }
0x2f3: {  	v9 =	vmul.f32 v5, v2;
	v5 =	vld [tilespmem:s17+$0x0]  }
0x2f4: {  	v7 =	vmul.f32 v6, v2  }
0x2f5: {  	s3 =	simm.s32 $0x1;
	s11 =	simm.s32 $0x4540;
	v6 =	vmul.f32 v10, v2;
	v8 =	vmul.f32 v8, v2  }
.LBB2_25:
0x2f6: {  	p2 =	sne.s32 s3, $0x7F  }
0x2f7: {  	v4 =	vmul.f32 v4, v2;
	v3 =	vmul.f32 v3, v2;
	[tilespmem:s17+$0x30] =	vst v9;
	s11 =	sadd.s32 $0x80, s11;
	s18 =	smov.u32 s3;
	s3 =	sadd.s32 $0x1, s3  }
0x2f8: {  	[tilespmem:s17+$0xFFFFFFC0] =	vst v7;
	v7 =	vmul.f32 v1, v2;
	v2 =	vmul.f32 v5, v2  }
0x2f9: {  	[tilespmem:s17+$0x10] =	vst v8  }
0x2fa: {  	v5 =	vmov s18;
	[tilespmem:s17+$0xFFFFFFE0] =	vst v6  }
0x2fb: {  	v1 =	vld [tilespmem:s11+$0xFFFFFFF0];
	[tilespmem:s17+$0xFFFFFFF0] =	vst v7  }
0x2fc: {  	v6 =	vld [tilespmem:s11+$0x30];
	[tilespmem:s17+$0x0] =	vst v2  }
0x2fd: {  	v8 =	vld [tilespmem:s11+$0x10];
	[tilespmem:s17+$0x20] =	vst v3  }
0x2fe: {  	v7 =	vld [tilespmem:s11+$0xFFFFFFC0];
	[tilespmem:s17+$0xFFFFFFD0] =	vst v4;
	s17 =	smov.u32 s11  }
0x2ff: {  	v2 =	vld.idx.msk [tilespmem:v5+s0+$0x0], $0xffff  }
0x300: {  	v10 =	vld [tilespmem:s11+$0xFFFFFFE0]  }
0x301: {  	v3 =	vld [tilespmem:s11+$0x20]  }
.Ltmp13:
0x302: {  	v4 =	vld [tilespmem:s11+$0xFFFFFFD0];
	(pc) =	sbr.rel @p2 .LBB2_25-.Ltmp13, $3  }
0x303: {  	v5 =	vld [tilespmem:s11+$0x0];
	_ =	sdelay $0x1  }
0x304: {  	v7 =	vmul.f32 v7, v2;
	v9 =	vmul.f32 v6, v2  }
0x305: {  	v8 =	vmul.f32 v8, v2;
	v6 =	vmul.f32 v10, v2  }
0x306: {  	[tilespmem:s17+$0x30] =	vst v9  }
0x307: {  	[tilespmem:s17+$0xFFFFFFC0] =	vst v7  }
0x308: {  	v1 =	vmul.f32 v1, v2;
	[tilespmem:s17+$0x10] =	vst v8  }
0x309: {  	v3 =	vmul.f32 v3, v2;
	[tilespmem:s17+$0xFFFFFFE0] =	vst v6  }
0x30a: {  	v5 =	vmul.f32 v5, v2;
	[tilespmem:s17+$0xFFFFFFF0] =	vst v1  }
0x30b: {  	v1 =	vmul.f32 v4, v2;
	[tilespmem:s17+$0x20] =	vst v3  }
0x30c: {  	[tilespmem:s17+$0x0] =	vst v5  }
0x30d: {  	[tilespmem:s17+$0xFFFFFFD0] =	vst v1  }
0x30e: {  	_ =	swait.ge [sflag:s28], $0x80  }
0x30f: {  	[sflag:s28] =	ssyncset.done $0x0  }
0x310: {  	s3 =	simm.s32 $0x280;
	[sflag:s28] =	ssyncadd.s32 $0xFFFFFF80  }
0x311: {  	[spmem:s2] =	stream.indirect.scatter.add.f32 [tilespmem:s8], [sflag:$0xB], $0x80, s3, s21, $0xb8;
	[tilespmem:$0x1FD80] =	vst v63  }
0x312: {  	s3 =	rddreg [dreg:$0x19]  }
0x313: {  	s3 =	sadd.s32 @!p1 s4, s3  }
0x314: {  	s3 =	sshrl.u32 @!p1 s3, $0x3  }
0x315: {  	s18 =	simm.s32 @!p1 $0x80;
	s17 =	simm.s32 @!p1 $0x0;
	s11 =	sadd.s32 @!p1 s5, s3  }
0x316: {  	[tilespmem:s18], [sflag:$0x2] =	stream.linear.gather @!p1 [hbm4b:s11+s17], $0x80, $0x38;
	[tilespmem:$0x1FD80] =	vst v63  }
0x317: {  	s14 =	simm.s32 @!p1 $0x400;
	s11 =	sadd.s32 @!p1 s7, s3  }
0x318: {  	[tilespmem:s14], [sflag:$0x2] =	stream.linear.gather @!p1 [hbm4b:s11+s17], $0x80, $0x38;
	[tilespmem:$0x1FD80] =	vst v63  }
0x319: {  	s3 =	sadd.s32 @!p1 s6, s3;
	s11 =	simm.s32 @!p1 $0x200  }
0x31a: {  	[tilespmem:s11], [sflag:$0x5] =	stream.linear.gather @!p1 [hbm4b:s3+s17], $0x80, $0x38;
	[tilespmem:$0x1FD80] =	vst v63  }
0x31b: {  	s3 =	simm.s32 @!p1 $0x1  }
0x31c: {  	_ =	swait.ge @!p1 [sflag:s3], $0x80  }
0x31d: {  	[sflag:s3] =	ssyncset.done @!p1 $0x0  }
0x31e: {  	[sflag:s3] =	ssyncadd.s32 @!p1 $0xFFFFFF80  }
0x31f: {  	_ =	swait.ge @!p1 [sflag:s3], $0x80  }
0x320: {  	[sflag:s3] =	ssyncset.done @!p1 $0x0  }
0x321: {  	[sflag:s3] =	ssyncadd.s32 @!p1 $0xFFFFFF80;
	s3 =	simm.s32 @!p1 $0x500  }
0x322: {  	[tilespmem:s3], [sflag:$0x8] =	stream.indirect.gather @!p1 [hbm4b:s1+s18], $0x80, s17, s18, $0xb8;
	[tilespmem:$0x1FD80] =	vst v63  }
0x323: {  	_ =	swait.ge [sflag:s22], $0x4000  }
0x324: {  	[sflag:s22] =	ssyncset.done $0x0  }
0x325: {  	[sflag:s22] =	ssyncadd.s32 $0xFFFFC000  }
0x326: {  	s18 =	simm.s32 $0x0;
	_ =	swait.ge [sflag:s26], $0x4000  }
0x327: {  	v1 =	vmov s18;
	[sflag:s26] =	ssyncset.done $0x0  }
0x328: {  	s17 =	simm.s32 $0x8540;
	[sflag:s26] =	ssyncadd.s32 $0xFFFFC000  }
0x329: {  	v5 =	vld [tilespmem:s17+$0x30]  }
0x32a: {  	v8 =	vld [tilespmem:s17+$0x10]  }
0x32b: {  	v6 =	vld [tilespmem:s17+$0xFFFFFFC0]  }
0x32c: {  	v2 =	vld.idx.msk [tilespmem:v1+s10+$0x0], $0xffff  }
0x32d: {  	v10 =	vld [tilespmem:s17+$0xFFFFFFE0]  }
0x32e: {  	v1 =	vld [tilespmem:s17+$0xFFFFFFF0]  }
0x32f: {  	v3 =	vld [tilespmem:s17+$0x20]  }
0x330: {  	v4 =	vld [tilespmem:s17+$0xFFFFFFD0]  }
0x331: {  	v9 =	vmul.f32 v5, v2;
	v5 =	vld [tilespmem:s17+$0x0]  }
0x332: {  	v7 =	vmul.f32 v6, v2  }
0x333: {  	s11 =	simm.s32 $0x8540;
	s3 =	simm.s32 $0x1;
	v6 =	vmul.f32 v10, v2;
	v8 =	vmul.f32 v8, v2  }
.LBB2_27:
0x334: {  	p2 =	sne.s32 s3, $0x7F  }
0x335: {  	v4 =	vmul.f32 v4, v2;
	v3 =	vmul.f32 v3, v2;
	[tilespmem:s17+$0x30] =	vst v9;
	s11 =	sadd.s32 $0x80, s11;
	s14 =	smov.u32 s3;
	s3 =	sadd.s32 $0x1, s3  }
0x336: {  	[tilespmem:s17+$0xFFFFFFC0] =	vst v7;
	v7 =	vmul.f32 v1, v2;
	v2 =	vmul.f32 v5, v2  }
0x337: {  	[tilespmem:s17+$0x10] =	vst v8  }
0x338: {  	v5 =	vmov s14;
	[tilespmem:s17+$0xFFFFFFE0] =	vst v6  }
0x339: {  	v1 =	vld [tilespmem:s11+$0xFFFFFFF0];
	[tilespmem:s17+$0xFFFFFFF0] =	vst v7  }
0x33a: {  	v6 =	vld [tilespmem:s11+$0x30];
	[tilespmem:s17+$0x0] =	vst v2  }
0x33b: {  	v8 =	vld [tilespmem:s11+$0x10];
	[tilespmem:s17+$0x20] =	vst v3  }
0x33c: {  	v7 =	vld [tilespmem:s11+$0xFFFFFFC0];
	[tilespmem:s17+$0xFFFFFFD0] =	vst v4;
	s17 =	smov.u32 s11  }
0x33d: {  	v2 =	vld.idx.msk [tilespmem:v5+s10+$0x0], $0xffff  }
0x33e: {  	v10 =	vld [tilespmem:s11+$0xFFFFFFE0]  }
0x33f: {  	v3 =	vld [tilespmem:s11+$0x20]  }
.Ltmp14:
0x340: {  	v4 =	vld [tilespmem:s11+$0xFFFFFFD0];
	(pc) =	sbr.rel @p2 .LBB2_27-.Ltmp14, $3  }
0x341: {  	v5 =	vld [tilespmem:s11+$0x0];
	_ =	sdelay $0x1  }
0x342: {  	v7 =	vmul.f32 v7, v2;
	v9 =	vmul.f32 v6, v2  }
0x343: {  	v8 =	vmul.f32 v8, v2;
	v6 =	vmul.f32 v10, v2  }
0x344: {  	[tilespmem:s17+$0x30] =	vst v9  }
0x345: {  	[tilespmem:s17+$0xFFFFFFC0] =	vst v7  }
0x346: {  	v1 =	vmul.f32 v1, v2;
	[tilespmem:s17+$0x10] =	vst v8  }
0x347: {  	v3 =	vmul.f32 v3, v2;
	[tilespmem:s17+$0xFFFFFFE0] =	vst v6  }
0x348: {  	v5 =	vmul.f32 v5, v2;
	[tilespmem:s17+$0xFFFFFFF0] =	vst v1  }
0x349: {  	v1 =	vmul.f32 v4, v2;
	[tilespmem:s17+$0x20] =	vst v3  }
0x34a: {  	[tilespmem:s17+$0x0] =	vst v5  }
.Ltmp15:
0x34b: {  	[tilespmem:s17+$0xFFFFFFD0] =	vst v1;
	(pc) =	sbr.rel @p1 .LBB2_30-.Ltmp15, $4  }
0x34c: {  	_ =	swait.ge [sflag:s29], $0x80  }
0x34d: {  	[sflag:s29] =	ssyncset.done $0x0  }
0x34e: {  	s3 =	simm.s32 $0x300;
	s14 =	simm.s32 $0x500;
	[sflag:s29] =	ssyncadd.s32 $0xFFFFFF80  }
0x34f: {  	[spmem:s2] =	stream.indirect.scatter.add.f32 [tilespmem:s20], [sflag:$0xC], $0x80, s3, s21, $0xb8;
	[tilespmem:$0x1FD80] =	vst v63  }
0x350: {  	s3 =	rddreg [dreg:$0x1a]  }
0x351: {  	s3 =	sadd.s32 s4, s3  }
0x352: {  	s3 =	sshrl.u32 s3, $0x3  }
0x353: {  	s11 =	simm.s32 $0x0;
	s18 =	sadd.s32 s5, s3  }
0x354: {  	[tilespmem:s9], [sflag:$0x3] =	stream.linear.gather [hbm4b:s18+s11], $0x80, $0x38;
	[tilespmem:$0x1FD80] =	vst v63  }
0x355: {  	s17 =	sadd.s32 s7, s3  }
0x356: {  	[tilespmem:s10], [sflag:$0x3] =	stream.linear.gather [hbm4b:s17+s11], $0x80, $0x38;
	[tilespmem:$0x1FD80] =	vst v63  }
0x357: {  	s3 =	sadd.s32 s6, s3;
	s18 =	simm.s32 $0x280  }
0x358: {  	[tilespmem:s18], [sflag:$0x6] =	stream.linear.gather [hbm4b:s3+s11], $0x80, $0x38;
	[tilespmem:$0x1FD80] =	vst v63  }
0x359: {  	_ =	swait.ge [sflag:s13], $0x80  }
0x35a: {  	[sflag:s13] =	ssyncset.done $0x0  }
.Ltmp16:
0x35b: {  	[sflag:s13] =	ssyncadd.s32 $0xFFFFFF80;
	(pc) =	sbr.rel .LBB2_4-.Ltmp16, $4  }
0x35c: {  	_ =	swait.ge [sflag:s13], $0x80  }
0x35d: {  	[sflag:s13] =	ssyncset.done $0x0  }
0x35e: {  	s30 =	sadd.s32 $0x1, s30;
	[sflag:s13] =	ssyncadd.s32 $0xFFFFFF80  }
0x35f: {  	[tilespmem:s8], [sflag:$0x9] =	stream.indirect.gather [hbm4b:s1+s21], $0x80, s21, s21, $0xb8;
	[tilespmem:$0x1FD80] =	vst v63  }
.LBB2_31:
0x360: {  	_ =	sfence.sel $0x180000  }
0x361: {  	[bflag:$0x0] =	sbarrier.arrive $0xFFFF  }
0x362: {  	_ =	strace $0x9000004A  }
0x363: {  	s0 =	stileid.u32;
	[bflag:$0x2] =	sbarrier.arrive $0xFFFF  }
0x364: {  	p0 =	sne.s32 s0, $0x0;
	s0 =	rddreg [dreg:$0x3]  }
0x365: {  	s0 =	sadd.s32 @!p0 $0x100000, s0  }
0x366: {  	[sflag:s0] =	ssyncadd.tile.s32 @!p0 $0x1;
	_ =	shalt  }
.Lfunc_end2:
_tile_overlayer_lowered:
.L_overlay_start_2:
0x367: {  	(tag) =	ssettag $0x2  }
0x368: {  	s0 =	rddreg [dreg:$0x0];
	s2 =	stileid.u32  }
0x369: {  	s1 =	rddreg [dreg:$0x1];
	p0 =	sne.s32 s2, $0x0  }
0x36a: {  	s3 =	rddreg [dreg:$0x2];
	[bflag:$0x3] =	sbarrier.arrive $0xFFFF;
	s2 =	simm.s32 @!p0 $0x1C0D  }
0x36b: {  	[timem:s3], [sflag:s2] =	dma.local @!p0 [hbm:s0], s1  }
0x36c: {  	s0 =	simm.s32 @!p0 $0xD  }
0x36d: {  	_ =	swait.ge @!p0 [sflag:s0], s1  }
0x36e: {  	s1 =	ssub.s32 @!p0 $0x0, s1;
	[sflag:s0] =	ssyncset.done @!p0 $0x0  }
0x36f: {  	[sflag:s0] =	ssyncadd.s32 @!p0 s1  }
0x370: {  	[bflag:$0x3] =	sbarrier.arrive $0xFFFF  }
0x371: {  	_ =	shalt  }

</sc_bundles>
